<compile_context>
chip_gen: v7x
topology: tpu7x:2x2x1
jax: 0.10.2.dev20260603
libtpu: 0.0.44.dev20260713+nightly
codegen_flags: <defaults>
</compile_context>

<pallas_src>
import functools

import jax
import jax.numpy as jnp
from jax import lax
from jax.experimental import pallas as pl
from jax.experimental.pallas import tpu as pltpu
from jax.experimental.pallas import tpu_sc as plsc

LEVELS = 16
NLUT = 9
BASE_RESO = 16
TABLE_SIZE = 524288
ROWS8 = TABLE_SIZE // 4
MASK = 524287
PRIME32 = -1640531535
B = 4
N = 65536
BN = B * N
NW = 32
PER_W = BN // NW
C = 1024
NSUB = PER_W // C
JROWS = C // 128
G16 = C // 16
NHL = LEVELS - NLUT

LUT_SIZES = [BASE_RESO * (1 << l) for l in range(NLUT)]
LUT_PSIZES = [(sz + C - 1) // C * C for sz in LUT_SIZES]
LUT_OFFS = [sum(LUT_PSIZES[:l]) for l in range(NLUT)]
LUT_PAD = sum(LUT_PSIZES)


def _body(px_hbm, table_hbm, out_hbm, pxbuf, idx_v, sub_v, gb,
          obuf, lutA, lutB, bidx, bsub, gsem, psem):
    wid = lax.axis_index("s") * jnp.int32(2) + lax.axis_index("c")
    wbase = wid * jnp.int32(PER_W)
    roff8 = (wbase // jnp.int32(N)) * jnp.int32(ROWS8)

    scales = [jnp.float32(BASE_RESO * (1 << l) - 1) for l in range(LEVELS)]
    iota = lax.iota(jnp.int32, 16)

    def hash16(c0):
        return (c0 ^ (c0 * jnp.int32(PRIME32))) & jnp.int32(MASK)

    zero16 = iota * jnp.int32(0)
    for l in range(NLUT):
        size = LUT_SIZES[l]
        off = LUT_OFFS[l]
        nch = LUT_PSIZES[l] // C

        def build_chunk(ck, _, size=size, off=off):
            eb = ck * jnp.int32(C)

            def mk(g, _):
                c = jnp.minimum(eb + g * jnp.int32(16) + iota,
                                jnp.int32(size - 1))
                h = hash16(c)
                bidx[g >> jnp.int32(3),
                     pl.ds((g & jnp.int32(7)) * jnp.int32(16), 16)] = (
                    (h >> jnp.int32(2)) + roff8)
                bsub[pl.ds(g * jnp.int32(16), 16)] = (
                    (h & jnp.int32(3)) << jnp.int32(1))
                return 0

            lax.fori_loop(0, G16, mk, 0)

            def fg(j, _):
                pltpu.make_async_copy(
                    table_hbm.at[bidx.at[j]],
                    gb.at[0, pl.ds(j * jnp.int32(128), 128)],
                    gsem,
                ).start()
                return 0

            lax.fori_loop(0, JROWS, fg, 0)

            def dg(j, _):
                pltpu.make_async_copy(
                    table_hbm.at[bidx.at[j]],
                    gb.at[0, pl.ds(j * jnp.int32(128), 128)],
                    gsem,
                ).wait()
                return 0

            lax.fori_loop(0, JROWS, dg, 0)

            def ex(g, _):
                gbase = g * jnp.int32(16)
                sub = bsub[pl.ds(gbase, 16)]
                rows = gbase + iota
                v0 = plsc.load_gather(gb, [zero16, rows, sub])
                v1 = plsc.load_gather(gb, [zero16, rows, sub + jnp.int32(1)])
                dst = jnp.int32(off) + eb + gbase
                lutA[pl.ds(dst, 16)] = v0
                lutB[pl.ds(dst, 16)] = v1
                return 0

            lax.fori_loop(0, G16, ex, 0)
            return 0

        lax.fori_loop(0, jnp.int32(nch), build_chunk, 0)

    def px_copy(s):
        return pltpu.make_async_copy(
            px_hbm.at[pl.ds(wbase + s * jnp.int32(C), C)],
            pxbuf.at[s & jnp.int32(1)],
            psem,
        )

    px_copy(jnp.int32(0)).start()

    def sub_chunk(s, _):
        base = wbase + s * jnp.int32(C)
        sel = s & jnp.int32(1)
        px_copy(s).wait()

        @pl.when(s < jnp.int32(NSUB - 1))
        def _():
            px_copy(s + jnp.int32(1)).start()

        def idx_g(g, _):
            j = g >> jnp.int32(3)
            k = (g & jnp.int32(7)) * jnp.int32(16)
            x = pxbuf[sel, pl.ds(g * jnp.int32(16), 16)]
            for li in range(NHL):
                h = hash16((x * scales[NLUT + li]).astype(jnp.int32))
                idx_v[li, j, pl.ds(k, 16)] = (h >> jnp.int32(2)) + roff8
                sub_v[li, pl.ds(g * jnp.int32(16), 16)] = (
                    (h & jnp.int32(3)) << jnp.int32(1))
            return 0

        lax.fori_loop(0, G16, idx_g, 0)

        def fire(li):
            def go(j, _):
                pltpu.make_async_copy(
                    table_hbm.at[idx_v.at[li, j]],
                    gb.at[li % 2, pl.ds(j * jnp.int32(128), 128)],
                    gsem,
                ).start()
                return 0
            lax.fori_loop(0, JROWS, go, 0)

        def drain(li):
            def dr(j, _):
                pltpu.make_async_copy(
                    table_hbm.at[idx_v.at[li, j]],
                    gb.at[li % 2, pl.ds(j * jnp.int32(128), 128)],
                    gsem,
                ).wait()
                return 0
            lax.fori_loop(0, JROWS, dr, 0)

        def extract(li):
            l = NLUT + li
            lsel = iota * jnp.int32(0) + jnp.int32(li % 2)

            def ex(g, _):
                gbase = g * jnp.int32(16)
                sub = sub_v[li, pl.ds(gbase, 16)]
                rows = gbase + iota
                v0 = plsc.load_gather(gb, [lsel, rows, sub])
                v1 = plsc.load_gather(gb, [lsel, rows, sub + jnp.int32(1)])
                obuf[l, 0, pl.ds(gbase, 16)] = v0
                obuf[l, 1, pl.ds(gbase, 16)] = v1
                return 0

            lax.fori_loop(0, G16, ex, 0)

        def lut_levels():
            def ex(g, _):
                gbase = g * jnp.int32(16)
                x = pxbuf[sel, pl.ds(gbase, 16)]
                for l in range(NLUT):
                    c0 = (x * scales[l]).astype(jnp.int32)
                    e = c0 + jnp.int32(LUT_OFFS[l])
                    v0 = plsc.load_gather(lutA, [e])
                    v1 = plsc.load_gather(lutB, [e])
                    obuf[l, 0, pl.ds(gbase, 16)] = v0
                    obuf[l, 1, pl.ds(gbase, 16)] = v1
                return 0

            lax.fori_loop(0, G16, ex, 0)

        fire(0)
        fire(1)
        lut_levels()
        drain(0)
        extract(0)
        for li in range(2, NHL):
            fire(li)
            drain(li - 1)
            extract(li - 1)
        drain(NHL - 1)
        extract(NHL - 1)

        pltpu.sync_copy(obuf, out_hbm.at[:, :, pl.ds(base, C)])
        return 0

    lax.fori_loop(0, NSUB, sub_chunk, 0)


@jax.jit
def _run(p, enc):
    px = p[..., 0].reshape(BN)
    table = enc.reshape(B * ROWS8, 8)
    mesh = plsc.VectorSubcoreMesh(core_axis_name="c", subcore_axis_name="s")
    run = functools.partial(
        pl.kernel,
        mesh=mesh,
        out_type=jax.ShapeDtypeStruct((LEVELS, 2, BN), jnp.float32),
        scratch_types=[
            pltpu.VMEM((2, C), jnp.float32),
            pltpu.VMEM((NHL, JROWS, 128), jnp.int32),
            pltpu.VMEM((NHL, C), jnp.int32),
            pltpu.VMEM((2, C, 8), jnp.float32),
            pltpu.VMEM((LEVELS, 2, C), jnp.float32),
            pltpu.VMEM((LUT_PAD,), jnp.float32),
            pltpu.VMEM((LUT_PAD,), jnp.float32),
            pltpu.VMEM((JROWS, 128), jnp.int32),
            pltpu.VMEM((C,), jnp.int32),
            pltpu.SemaphoreType.DMA,
            pltpu.SemaphoreType.DMA,
        ],
        compiler_params=pltpu.CompilerParams(
            use_tc_tiling_on_sc=False, needs_layout_passes=False),
    )(_body)
    out = run(px, table)
    return out.transpose(2, 0, 1).reshape(B, N, LEVELS * 2)


def kernel(p, enc):
    with jax.enable_x64(False):
        return _run(p, enc)

# --- scband reference (transcript-rebuilt; emitter-appended) ---
"""Pipeline reference for scband-hash-encoder-49185965474455 (READ-ONLY COPY).

The authoritative reference and input builder live on the scoring server;
editing this copy changes nothing except your own understanding.
"""

import jax, jax.numpy as jnp
import numpy as np
jax.config.update("jax_enable_x64", True)

LEVELS = 16
BASE_RESO = 16
VALUES_PER_ENTRY = 2
PRIME = np.int64(2654435761)


def setup_inputs(seed: int = 0) -> dict:
    key = jax.random.key(seed)
    k1, k2 = jax.random.split(key)
    # points in [0, 1), shape [B, N, input_dims=2]
    p = jax.random.uniform(k1, (4, 65536, 2), dtype=jnp.float32)
    # per-batch hash table: table_size 2**19 = 524288 entries, 2 values per entry, flattened
    enc = jax.random.normal(k2, (4, 524288 * VALUES_PER_ENTRY), dtype=jnp.float32)
    return {"p": p, "enc": enc}


def spatial_hash(v):
    # faithful to torch: result = v[...,0]; result ^= v[...,0] * primes[0]
    result = v[..., 0]
    result = result ^ (v[..., 0] * PRIME)
    return result


def get_vals(p, level, enc_r):
    reso = BASE_RESO * (1 << level)
    coord = jnp.floor(jax.lax.stop_gradient(p) * (reso - 1)).astype(jnp.int64)
    sz = enc_r.shape[1]
    h = spatial_hash(coord) % sz  # [B, N]
    B = enc_r.shape[0]
    # enc[arange(B)[:,None], h.flatten(1), :] -> [B, N, values_per_entry]
    return enc_r[jnp.arange(B)[:, None], h, :]


def reference(p, enc):
    enc_r = enc.reshape(enc.shape[0], -1, VALUES_PER_ENTRY)
    outs = [get_vals(p, l, enc_r) for l in range(LEVELS)]
    return jnp.concatenate(outs, axis=-1)

if __name__ == "__main__":
    import jax
    _d = setup_inputs()
    print(jax.jit(kernel)(*tuple(_d.values())))

</pallas_src>

<mosaic_0001>
#map = affine_map<(d0, d1) -> (0)>
#map1 = affine_map<(d0, d1) -> (0, 0)>
#map2 = affine_map<(d0, d1) -> (0, 0, 0)>
module attributes {stable_mosaic.version = 14 : i64} {
  func.func @_body(%arg0: i32, %arg1: i32, %arg2: memref<262144xf32, #tpu.memory_space<hbm>>, %arg3: memref<524288x8xf32, #tpu.memory_space<hbm>>, %arg4: memref<16x2x262144xf32, #tpu.memory_space<hbm>>, %arg5: memref<2x1024xf32, #tpu.memory_space<vmem>>, %arg6: memref<7x8x128xi32, #tpu.memory_space<vmem>>, %arg7: memref<7x1024xi32, #tpu.memory_space<vmem>>, %arg8: memref<2x1024x8xf32, #tpu.memory_space<vmem>>, %arg9: memref<16x2x1024xf32, #tpu.memory_space<vmem>>, %arg10: memref<13312xf32, #tpu.memory_space<vmem>>, %arg11: memref<13312xf32, #tpu.memory_space<vmem>>, %arg12: memref<8x128xi32, #tpu.memory_space<vmem>>, %arg13: memref<1024xi32, #tpu.memory_space<vmem>>, %arg14: memref<!tpu.dma_semaphore, #tpu.memory_space<semaphore_mem>>, %arg15: memref<!tpu.dma_semaphore, #tpu.memory_space<semaphore_mem>>) attributes {dimension_semantics = [#tpu.dimension_semantics<core_parallel>, #tpu.dimension_semantics<subcore_parallel>], iteration_bounds = array<i64: 2, 16>, scalar_prefetch = 0 : i64, scratch_operands = 11 : i64, tpu.core_type = #tpu.core_type<sc_vector_subcore>, window_params = [{transform_indices = #map}, {transform_indices = #map1}, {transform_indices = #map2}]} {
    %mul3A = arith.constant 2 : i32
    %mul3A_0 = arith.muli %arg1, %mul3A : i32
    %add3A = arith.addi %mul3A_0, %arg0 : i32
    %mul3A_1 = arith.constant 8192 : i32
    %mul3A_2 = arith.muli %add3A, %mul3A_1 : i32
    %jit3A = arith.constant 65536 : i32
    %div3A = arith.divsi %mul3A_2, %jit3A : i32
    %sign3A = arith.constant 0 : i32
    %sign3A_3 = arith.cmpi sgt, %mul3A_2, %sign3A : i32
    %sign3A_4 = arith.extui %sign3A_3 : i1 to i32
    %sign3A_5 = arith.constant 0 : i32
    %sign3A_6 = arith.cmpi slt, %mul3A_2, %sign3A_5 : i32
    %sign3A_7 = arith.extui %sign3A_6 : i1 to i32
    %sign3A_8 = arith.subi %sign3A_4, %sign3A_7 : i32
    %sign3A_9 = arith.constant 0 : i32
    %sign3A_10 = arith.cmpi sgt, %jit3A, %sign3A_9 : i32
    %sign3A_11 = arith.extui %sign3A_10 : i1 to i32
    %sign3A_12 = arith.constant 0 : i32
    %sign3A_13 = arith.cmpi slt, %jit3A, %sign3A_12 : i32
    %sign3A_14 = arith.extui %sign3A_13 : i1 to i32
    %sign3A_15 = arith.subi %sign3A_11, %sign3A_14 : i32
    %ne3A = arith.cmpi ne, %sign3A_8, %sign3A_15 : i32
    %rem3A = arith.remsi %mul3A_2, %jit3A : i32
    %ne3A_16 = arith.constant 0 : i32
    %ne3A_17 = arith.cmpi ne, %rem3A, %ne3A_16 : i32
    %and3A = arith.andi %ne3A, %ne3A_17 : i1
    %sub3A = arith.constant 1 : i32
    %sub3A_18 = arith.subi %div3A, %sub3A : i32
    %select_n3A = arith.select %and3A, %sub3A_18, %div3A : i32
    %mul3A_19 = arith.constant 131072 : i32
    %mul3A_20 = arith.muli %select_n3A, %mul3A_19 : i32
    %iota3A = tpu.iota {dimensions = array<i32: 0>} : vector<16xi32>
    %mul3A_21 = arith.constant 0 : i32
    %mul3A_22 = vector.broadcast %mul3A_21 : i32 to vector<16xi32>
    %mul3A_23 = arith.muli %iota3A, %mul3A_22 : vector<16xi32>
    %while3A = arith.constant 0 : i32
    %while3A_24 = arith.constant 1 : i32
    %while3A_25 = arith.constant 0 : i32
    %while3A_26 = arith.subi %while3A_24, %while3A : i32
    %while3A_27 = arith.addi %while3A, %while3A_26 : i32
    %while3A_28 = arith.constant 1 : i32
    %while3A_29 = arith.divsi %while3A_26, %while3A_28 : i32
    %while3A_30 = arith.muli %while3A_29, %while3A_28 : i32
    %while3A_31 = arith.addi %while3A, %while3A_30 : i32
    %while3A_32 = arith.constant 1 : i32
    %while3A_33 = scf.for %while3A_176 = %while3A to %while3A_31 step %while3A_32 iter_args(%while3A_177 = %while3A_25) -> (i32)  : i32 {
      %mul3A_178 = arith.constant 1024 : i32
      %mul3A_179 = arith.muli %while3A_176, %mul3A_178 : i32
      %scan3A_180 = arith.constant 0 : i32
      %scan3A_181 = arith.constant 0 : i32
      %scan3A_182 = arith.constant 64 : i32
      %scan3A_183 = arith.addi %scan3A_181, %scan3A_182 : i32
      %scan3A_184 = arith.constant 1 : i32
      %scan3A_185 = scf.for %scan3A_209 = %scan3A_181 to %scan3A_183 step %scan3A_184 iter_args(%scan3A_210 = %scan3A_180) -> (i32)  : i32 {
        %mul3A_211 = arith.constant 16 : i32
        %mul3A_212 = arith.muli %scan3A_209, %mul3A_211 : i32
        %add3A_213 = arith.addi %mul3A_179, %mul3A_212 : i32
        %add3A_214 = vector.broadcast %add3A_213 : i32 to vector<16xi32>
        %add3A_215 = arith.addi %add3A_214, %iota3A : vector<16xi32>
        %min3A = arith.constant 15 : i32
        %min3A_216 = vector.broadcast %min3A : i32 to vector<16xi32>
        %min3A_217 = arith.minsi %add3A_215, %min3A_216 : vector<16xi32>
        %mul3A_218 = arith.constant -1640531535 : i32
        %mul3A_219 = vector.broadcast %mul3A_218 : i32 to vector<16xi32>
        %mul3A_220 = arith.muli %min3A_217, %mul3A_219 : vector<16xi32>
        %xor3A = arith.xori %min3A_217, %mul3A_220 : vector<16xi32>
        %and3A_221 = arith.constant 524287 : i32
        %and3A_222 = vector.broadcast %and3A_221 : i32 to vector<16xi32>
        %and3A_223 = arith.andi %xor3A, %and3A_222 : vector<16xi32>
        %shift_right_arithmetic3A = arith.constant 2 : i32
        %shift_right_arithmetic3A_224 = vector.broadcast %shift_right_arithmetic3A : i32 to vector<16xi32>
        %shift_right_arithmetic3A_225 = arith.shrsi %and3A_223, %shift_right_arithmetic3A_224 : vector<16xi32>
        %add3A_226 = vector.broadcast %mul3A_20 : i32 to vector<16xi32>
        %add3A_227 = arith.addi %shift_right_arithmetic3A_225, %add3A_226 : vector<16xi32>
        %shift_right_arithmetic3A_228 = arith.constant 3 : i32
        %shift_right_arithmetic3A_229 = arith.shrsi %scan3A_209, %shift_right_arithmetic3A_228 : i32
        %and3A_230 = arith.constant 7 : i32
        %and3A_231 = arith.andi %scan3A_209, %and3A_230 : i32
        %mul3A_232 = arith.constant 16 : i32
        %mul3A_233 = arith.muli %and3A_231, %mul3A_232 : i32
        %swap3A = arith.index_cast %shift_right_arithmetic3A_229 : i32 to index
        %swap3A_234 = arith.index_cast %mul3A_233 : i32 to index
        %swap3A_235 = tpu.vector_load %arg12[%swap3A, %swap3A_234] {strides = array<i32>} : memref<8x128xi32, #tpu.memory_space<vmem>>, vector<16xi32>,
        tpu.vector_store %arg12[%swap3A, %swap3A_234], %add3A_227 {strides = array<i32>} : memref<8x128xi32, #tpu.memory_space<vmem>>, vector<16xi32>,
        %and3A_236 = arith.constant 3 : i32
        %and3A_237 = vector.broadcast %and3A_236 : i32 to vector<16xi32>
        %and3A_238 = arith.andi %and3A_223, %and3A_237 : vector<16xi32>
        %shift_left3A = arith.constant 1 : i32
        %shift_left3A_239 = vector.broadcast %shift_left3A : i32 to vector<16xi32>
        %shift_left3A_240 = arith.shli %and3A_238, %shift_left3A_239 : vector<16xi32>
        %mul3A_241 = arith.constant 16 : i32
        %mul3A_242 = arith.muli %scan3A_209, %mul3A_241 : i32
        %swap3A_243 = arith.index_cast %mul3A_242 : i32 to index
        %swap3A_244 = tpu.vector_load %arg13[%swap3A_243] {strides = array<i32>} : memref<1024xi32, #tpu.memory_space<vmem>>, vector<16xi32>,
        tpu.vector_store %arg13[%swap3A_243], %shift_left3A_240 {strides = array<i32>} : memref<1024xi32, #tpu.memory_space<vmem>>, vector<16xi32>,
        %scan3A_245 = arith.constant 0 : i32
        scf.yield %scan3A_245 : i32
      }
      %scan3A_186 = arith.constant 64 : i32
      %scan3A_187 = arith.constant 0 : i32
      %scan3A_188 = arith.constant 0 : i32
      %scan3A_189 = arith.constant 8 : i32
      %scan3A_190 = arith.addi %scan3A_188, %scan3A_189 : i32
      %scan3A_191 = arith.constant 1 : i32
      %scan3A_192 = scf.for %scan3A_209 = %scan3A_188 to %scan3A_190 step %scan3A_191 iter_args(%scan3A_210 = %scan3A_187) -> (i32)  : i32 {
        %mul3A_211 = arith.constant 128 : i32
        %mul3A_212 = arith.muli %scan3A_209, %mul3A_211 : i32
        %dma_start3A_213 = arith.constant 0 : i32
        %dma_start3A_214 = arith.constant 0 : i32
        %dma_start3A_215 = tpu.memref_slice %arg8[%dma_start3A_213, %mul3A_212, %dma_start3A_214] : memref<2x1024x8xf32, #tpu.memory_space<vmem>> -> memref<1x128x8xf32, #tpu.memory_space<vmem>>
        %dma_start3A_216 = tpu.memref_squeeze %dma_start3A_215 : memref<1x128x8xf32, #tpu.memory_space<vmem>> -> memref<128x8xf32, #tpu.memory_space<vmem>>
        %dma_start3A_217 = arith.constant 0 : i32
        %dma_start3A_218 = tpu.memref_slice %arg12[%scan3A_209, %dma_start3A_217] : memref<8x128xi32, #tpu.memory_space<vmem>> -> memref<1x128xi32, #tpu.memory_space<vmem>>
        %dma_start3A_219 = tpu.memref_squeeze %dma_start3A_218 : memref<1x128xi32, #tpu.memory_space<vmem>> -> memref<128xi32, #tpu.memory_space<vmem>>
        %dma_start3A_220 = arith.constant 0 : i32
        %dma_start3A_221 = arith.constant 0 : i32
        %dma_start3A_222 = tpu.memref_slice %arg3[%dma_start3A_220, %dma_start3A_221] : memref<524288x8xf32, #tpu.memory_space<hbm>> -> memref<524288x8xf32, #tpu.memory_space<hbm>>
        tpu.enqueue_indirect_dma source(%dma_start3A_222 : memref<524288x8xf32, #tpu.memory_space<hbm>>) target(%dma_start3A_216 : memref<128x8xf32, #tpu.memory_space<vmem>>) offsets(%dma_start3A_219 : memref<128xi32, #tpu.memory_space<vmem>>) semaphore(%arg14 : memref<!tpu.dma_semaphore, #tpu.memory_space<semaphore_mem>>)
        %scan3A_223 = arith.constant 0 : i32
        scf.yield %scan3A_223 : i32
      }
      %scan3A_193 = arith.constant 8 : i32
      %scan3A_194 = arith.constant 0 : i32
      %scan3A_195 = arith.constant 0 : i32
      %scan3A_196 = arith.constant 8 : i32
      %scan3A_197 = arith.addi %scan3A_195, %scan3A_196 : i32
      %scan3A_198 = arith.constant 1 : i32
      %scan3A_199 = scf.for %scan3A_209 = %scan3A_195 to %scan3A_197 step %scan3A_198 iter_args(%scan3A_210 = %scan3A_194) -> (i32)  : i32 {
        %mul3A_211 = arith.constant 128 : i32
        %mul3A_212 = arith.muli %scan3A_209, %mul3A_211 : i32
        %dma_wait3A = arith.constant 0 : i32
        %dma_wait3A_213 = arith.constant 0 : i32
        %dma_wait3A_214 = tpu.memref_slice %arg8[%dma_wait3A, %mul3A_212, %dma_wait3A_213] : memref<2x1024x8xf32, #tpu.memory_space<vmem>> -> memref<1x128x8xf32, #tpu.memory_space<vmem>>
        %dma_wait3A_215 = tpu.memref_squeeze %dma_wait3A_214 : memref<1x128x8xf32, #tpu.memory_space<vmem>> -> memref<128x8xf32, #tpu.memory_space<vmem>>
        %dma_wait3A_216 = arith.constant 0 : i32
        %dma_wait3A_217 = tpu.memref_slice %arg12[%scan3A_209, %dma_wait3A_216] : memref<8x128xi32, #tpu.memory_space<vmem>> -> memref<1x128xi32, #tpu.memory_space<vmem>>
        %dma_wait3A_218 = tpu.memref_squeeze %dma_wait3A_217 : memref<1x128xi32, #tpu.memory_space<vmem>> -> memref<128xi32, #tpu.memory_space<vmem>>
        %dma_wait3A_219 = arith.constant 0 : i32
        %dma_wait3A_220 = arith.constant 0 : i32
        %dma_wait3A_221 = tpu.memref_slice %arg3[%dma_wait3A_219, %dma_wait3A_220] : memref<524288x8xf32, #tpu.memory_space<hbm>> -> memref<524288x8xf32, #tpu.memory_space<hbm>>
        tpu.wait_indirect_dma semaphore(%arg14 : memref<!tpu.dma_semaphore, #tpu.memory_space<semaphore_mem>>) src(%dma_wait3A_221 : memref<524288x8xf32, #tpu.memory_space<hbm>>) dst(%dma_wait3A_215 : memref<128x8xf32, #tpu.memory_space<vmem>>)
        %scan3A_222 = arith.constant 0 : i32
        scf.yield %scan3A_222 : i32
      }
      %scan3A_200 = arith.constant 8 : i32
      %scan3A_201 = arith.constant 0 : i32
      %scan3A_202 = arith.constant 0 : i32
      %scan3A_203 = arith.constant 64 : i32
      %scan3A_204 = arith.addi %scan3A_202, %scan3A_203 : i32
      %scan3A_205 = arith.constant 1 : i32
      %scan3A_206 = scf.for %scan3A_209 = %scan3A_202 to %scan3A_204 step %scan3A_205 iter_args(%scan3A_210 = %scan3A_201) -> (i32)  : i32 {
        %mul3A_211 = arith.constant 16 : i32
        %mul3A_212 = arith.muli %scan3A_209, %mul3A_211 : i32
        %get3A = arith.index_cast %mul3A_212 : i32 to index
        %get3A_213 = tpu.vector_load %arg13[%get3A] {strides = array<i32>} : memref<1024xi32, #tpu.memory_space<vmem>>, vector<16xi32>,
        %add3A_214 = vector.broadcast %mul3A_212 : i32 to vector<16xi32>
        %add3A_215 = arith.addi %add3A_214, %iota3A : vector<16xi32>
        %gather3A = tpu.vector_load_idx %arg8[%mul3A_23, %add3A_215, %get3A_213] : memref<2x1024x8xf32, #tpu.memory_space<vmem>>[vector<16xi32>, vector<16xi32>, vector<16xi32>], vector<16xf32>,
        %add3A_216 = arith.constant 1 : i32
        %add3A_217 = vector.broadcast %add3A_216 : i32 to vector<16xi32>
        %add3A_218 = arith.addi %get3A_213, %add3A_217 : vector<16xi32>
        %gather3A_219 = tpu.vector_load_idx %arg8[%mul3A_23, %add3A_215, %add3A_218] : memref<2x1024x8xf32, #tpu.memory_space<vmem>>[vector<16xi32>, vector<16xi32>, vector<16xi32>], vector<16xf32>,
        %add3A_220 = arith.constant 0 : i32
        %add3A_221 = arith.addi %add3A_220, %mul3A_179 : i32
        %add3A_222 = arith.addi %add3A_221, %mul3A_212 : i32
        %swap3A = arith.index_cast %add3A_222 : i32 to index
        %swap3A_223 = tpu.vector_load %arg10[%swap3A] {strides = array<i32>} : memref<13312xf32, #tpu.memory_space<vmem>>, vector<16xf32>,
        tpu.vector_store %arg10[%swap3A], %gather3A {strides = array<i32>} : memref<13312xf32, #tpu.memory_space<vmem>>, vector<16xf32>,
        %swap3A_224 = arith.index_cast %add3A_222 : i32 to index
        %swap3A_225 = tpu.vector_load %arg11[%swap3A_224] {strides = array<i32>} : memref<13312xf32, #tpu.memory_space<vmem>>, vector<16xf32>,
        tpu.vector_store %arg11[%swap3A_224], %gather3A_219 {strides = array<i32>} : memref<13312xf32, #tpu.memory_space<vmem>>, vector<16xf32>,
        %scan3A_226 = arith.constant 0 : i32
        scf.yield %scan3A_226 : i32
      }
      %scan3A_207 = arith.constant 64 : i32
      %while3A_208 = arith.constant 0 : i32
      scf.yield %while3A_208 : i32
    }
    %while3A_34 = arith.constant 1 : i32
    %while3A_35 = scf.for %while3A_176 = %while3A_31 to %while3A_27 step %while3A_34 iter_args(%while3A_177 = %while3A_33) -> (i32)  : i32 {
      %mul3A_178 = arith.constant 1024 : i32
      %mul3A_179 = arith.muli %while3A_176, %mul3A_178 : i32
      %scan3A_180 = arith.constant 0 : i32
      %scan3A_181 = arith.constant 0 : i32
      %scan3A_182 = arith.constant 64 : i32
      %scan3A_183 = arith.addi %scan3A_181, %scan3A_182 : i32
      %scan3A_184 = arith.constant 1 : i32
      %scan3A_185 = scf.for %scan3A_209 = %scan3A_181 to %scan3A_183 step %scan3A_184 iter_args(%scan3A_210 = %scan3A_180) -> (i32)  : i32 {
        %mul3A_211 = arith.constant 16 : i32
        %mul3A_212 = arith.muli %scan3A_209, %mul3A_211 : i32
        %add3A_213 = arith.addi %mul3A_179, %mul3A_212 : i32
        %add3A_214 = vector.broadcast %add3A_213 : i32 to vector<16xi32>
        %add3A_215 = arith.addi %add3A_214, %iota3A : vector<16xi32>
        %min3A = arith.constant 15 : i32
        %min3A_216 = vector.broadcast %min3A : i32 to vector<16xi32>
        %min3A_217 = arith.minsi %add3A_215, %min3A_216 : vector<16xi32>
        %mul3A_218 = arith.constant -1640531535 : i32
        %mul3A_219 = vector.broadcast %mul3A_218 : i32 to vector<16xi32>
        %mul3A_220 = arith.muli %min3A_217, %mul3A_219 : vector<16xi32>
        %xor3A = arith.xori %min3A_217, %mul3A_220 : vector<16xi32>
        %and3A_221 = arith.constant 524287 : i32
        %and3A_222 = vector.broadcast %and3A_221 : i32 to vector<16xi32>
        %and3A_223 = arith.andi %xor3A, %and3A_222 : vector<16xi32>
        %shift_right_arithmetic3A = arith.constant 2 : i32
        %shift_right_arithmetic3A_224 = vector.broadcast %shift_right_arithmetic3A : i32 to vector<16xi32>
        %shift_right_arithmetic3A_225 = arith.shrsi %and3A_223, %shift_right_arithmetic3A_224 : vector<16xi32>
        %add3A_226 = vector.broadcast %mul3A_20 : i32 to vector<16xi32>
        %add3A_227 = arith.addi %shift_right_arithmetic3A_225, %add3A_226 : vector<16xi32>
        %shift_right_arithmetic3A_228 = arith.constant 3 : i32
        %shift_right_arithmetic3A_229 = arith.shrsi %scan3A_209, %shift_right_arithmetic3A_228 : i32
        %and3A_230 = arith.constant 7 : i32
        %and3A_231 = arith.andi %scan3A_209, %and3A_230 : i32
        %mul3A_232 = arith.constant 16 : i32
        %mul3A_233 = arith.muli %and3A_231, %mul3A_232 : i32
        %swap3A = arith.index_cast %shift_right_arithmetic3A_229 : i32 to index
        %swap3A_234 = arith.index_cast %mul3A_233 : i32 to index
        %swap3A_235 = tpu.vector_load %arg12[%swap3A, %swap3A_234] {strides = array<i32>} : memref<8x128xi32, #tpu.memory_space<vmem>>, vector<16xi32>,
        tpu.vector_store %arg12[%swap3A, %swap3A_234], %add3A_227 {strides = array<i32>} : memref<8x128xi32, #tpu.memory_space<vmem>>, vector<16xi32>,
        %and3A_236 = arith.constant 3 : i32
        %and3A_237 = vector.broadcast %and3A_236 : i32 to vector<16xi32>
        %and3A_238 = arith.andi %and3A_223, %and3A_237 : vector<16xi32>
        %shift_left3A = arith.constant 1 : i32
        %shift_left3A_239 = vector.broadcast %shift_left3A : i32 to vector<16xi32>
        %shift_left3A_240 = arith.shli %and3A_238, %shift_left3A_239 : vector<16xi32>
        %mul3A_241 = arith.constant 16 : i32
        %mul3A_242 = arith.muli %scan3A_209, %mul3A_241 : i32
        %swap3A_243 = arith.index_cast %mul3A_242 : i32 to index
        %swap3A_244 = tpu.vector_load %arg13[%swap3A_243] {strides = array<i32>} : memref<1024xi32, #tpu.memory_space<vmem>>, vector<16xi32>,
        tpu.vector_store %arg13[%swap3A_243], %shift_left3A_240 {strides = array<i32>} : memref<1024xi32, #tpu.memory_space<vmem>>, vector<16xi32>,
        %scan3A_245 = arith.constant 0 : i32
        scf.yield %scan3A_245 : i32
      }
      %scan3A_186 = arith.constant 64 : i32
      %scan3A_187 = arith.constant 0 : i32
      %scan3A_188 = arith.constant 0 : i32
      %scan3A_189 = arith.constant 8 : i32
      %scan3A_190 = arith.addi %scan3A_188, %scan3A_189 : i32
      %scan3A_191 = arith.constant 1 : i32
      %scan3A_192 = scf.for %scan3A_209 = %scan3A_188 to %scan3A_190 step %scan3A_191 iter_args(%scan3A_210 = %scan3A_187) -> (i32)  : i32 {
        %mul3A_211 = arith.constant 128 : i32
        %mul3A_212 = arith.muli %scan3A_209, %mul3A_211 : i32
        %dma_start3A_213 = arith.constant 0 : i32
        %dma_start3A_214 = arith.constant 0 : i32
        %dma_start3A_215 = tpu.memref_slice %arg8[%dma_start3A_213, %mul3A_212, %dma_start3A_214] : memref<2x1024x8xf32, #tpu.memory_space<vmem>> -> memref<1x128x8xf32, #tpu.memory_space<vmem>>
        %dma_start3A_216 = tpu.memref_squeeze %dma_start3A_215 : memref<1x128x8xf32, #tpu.memory_space<vmem>> -> memref<128x8xf32, #tpu.memory_space<vmem>>
        %dma_start3A_217 = arith.constant 0 : i32
        %dma_start3A_218 = tpu.memref_slice %arg12[%scan3A_209, %dma_start3A_217] : memref<8x128xi32, #tpu.memory_space<vmem>> -> memref<1x128xi32, #tpu.memory_space<vmem>>
        %dma_start3A_219 = tpu.memref_squeeze %dma_start3A_218 : memref<1x128xi32, #tpu.memory_space<vmem>> -> memref<128xi32, #tpu.memory_space<vmem>>
        %dma_start3A_220 = arith.constant 0 : i32
        %dma_start3A_221 = arith.constant 0 : i32
        %dma_start3A_222 = tpu.memref_slice %arg3[%dma_start3A_220, %dma_start3A_221] : memref<524288x8xf32, #tpu.memory_space<hbm>> -> memref<524288x8xf32, #tpu.memory_space<hbm>>
        tpu.enqueue_indirect_dma source(%dma_start3A_222 : memref<524288x8xf32, #tpu.memory_space<hbm>>) target(%dma_start3A_216 : memref<128x8xf32, #tpu.memory_space<vmem>>) offsets(%dma_start3A_219 : memref<128xi32, #tpu.memory_space<vmem>>) semaphore(%arg14 : memref<!tpu.dma_semaphore, #tpu.memory_space<semaphore_mem>>)
        %scan3A_223 = arith.constant 0 : i32
        scf.yield %scan3A_223 : i32
      }
      %scan3A_193 = arith.constant 8 : i32
      %scan3A_194 = arith.constant 0 : i32
      %scan3A_195 = arith.constant 0 : i32
      %scan3A_196 = arith.constant 8 : i32
      %scan3A_197 = arith.addi %scan3A_195, %scan3A_196 : i32
      %scan3A_198 = arith.constant 1 : i32
      %scan3A_199 = scf.for %scan3A_209 = %scan3A_195 to %scan3A_197 step %scan3A_198 iter_args(%scan3A_210 = %scan3A_194) -> (i32)  : i32 {
        %mul3A_211 = arith.constant 128 : i32
        %mul3A_212 = arith.muli %scan3A_209, %mul3A_211 : i32
        %dma_wait3A = arith.constant 0 : i32
        %dma_wait3A_213 = arith.constant 0 : i32
        %dma_wait3A_214 = tpu.memref_slice %arg8[%dma_wait3A, %mul3A_212, %dma_wait3A_213] : memref<2x1024x8xf32, #tpu.memory_space<vmem>> -> memref<1x128x8xf32, #tpu.memory_space<vmem>>
        %dma_wait3A_215 = tpu.memref_squeeze %dma_wait3A_214 : memref<1x128x8xf32, #tpu.memory_space<vmem>> -> memref<128x8xf32, #tpu.memory_space<vmem>>
        %dma_wait3A_216 = arith.constant 0 : i32
        %dma_wait3A_217 = tpu.memref_slice %arg12[%scan3A_209, %dma_wait3A_216] : memref<8x128xi32, #tpu.memory_space<vmem>> -> memref<1x128xi32, #tpu.memory_space<vmem>>
        %dma_wait3A_218 = tpu.memref_squeeze %dma_wait3A_217 : memref<1x128xi32, #tpu.memory_space<vmem>> -> memref<128xi32, #tpu.memory_space<vmem>>
        %dma_wait3A_219 = arith.constant 0 : i32
        %dma_wait3A_220 = arith.constant 0 : i32
        %dma_wait3A_221 = tpu.memref_slice %arg3[%dma_wait3A_219, %dma_wait3A_220] : memref<524288x8xf32, #tpu.memory_space<hbm>> -> memref<524288x8xf32, #tpu.memory_space<hbm>>
        tpu.wait_indirect_dma semaphore(%arg14 : memref<!tpu.dma_semaphore, #tpu.memory_space<semaphore_mem>>) src(%dma_wait3A_221 : memref<524288x8xf32, #tpu.memory_space<hbm>>) dst(%dma_wait3A_215 : memref<128x8xf32, #tpu.memory_space<vmem>>)
        %scan3A_222 = arith.constant 0 : i32
        scf.yield %scan3A_222 : i32
      }
      %scan3A_200 = arith.constant 8 : i32
      %scan3A_201 = arith.constant 0 : i32
      %scan3A_202 = arith.constant 0 : i32
      %scan3A_203 = arith.constant 64 : i32
      %scan3A_204 = arith.addi %scan3A_202, %scan3A_203 : i32
      %scan3A_205 = arith.constant 1 : i32
      %scan3A_206 = scf.for %scan3A_209 = %scan3A_202 to %scan3A_204 step %scan3A_205 iter_args(%scan3A_210 = %scan3A_201) -> (i32)  : i32 {
        %mul3A_211 = arith.constant 16 : i32
        %mul3A_212 = arith.muli %scan3A_209, %mul3A_211 : i32
        %get3A = arith.index_cast %mul3A_212 : i32 to index
        %get3A_213 = tpu.vector_load %arg13[%get3A] {strides = array<i32>} : memref<1024xi32, #tpu.memory_space<vmem>>, vector<16xi32>,
        %add3A_214 = vector.broadcast %mul3A_212 : i32 to vector<16xi32>
        %add3A_215 = arith.addi %add3A_214, %iota3A : vector<16xi32>
        %gather3A = tpu.vector_load_idx %arg8[%mul3A_23, %add3A_215, %get3A_213] : memref<2x1024x8xf32, #tpu.memory_space<vmem>>[vector<16xi32>, vector<16xi32>, vector<16xi32>], vector<16xf32>,
        %add3A_216 = arith.constant 1 : i32
        %add3A_217 = vector.broadcast %add3A_216 : i32 to vector<16xi32>
        %add3A_218 = arith.addi %get3A_213, %add3A_217 : vector<16xi32>
        %gather3A_219 = tpu.vector_load_idx %arg8[%mul3A_23, %add3A_215, %add3A_218] : memref<2x1024x8xf32, #tpu.memory_space<vmem>>[vector<16xi32>, vector<16xi32>, vector<16xi32>], vector<16xf32>,
        %add3A_220 = arith.constant 0 : i32
        %add3A_221 = arith.addi %add3A_220, %mul3A_179 : i32
        %add3A_222 = arith.addi %add3A_221, %mul3A_212 : i32
        %swap3A = arith.index_cast %add3A_222 : i32 to index
        %swap3A_223 = tpu.vector_load %arg10[%swap3A] {strides = array<i32>} : memref<13312xf32, #tpu.memory_space<vmem>>, vector<16xf32>,
        tpu.vector_store %arg10[%swap3A], %gather3A {strides = array<i32>} : memref<13312xf32, #tpu.memory_space<vmem>>, vector<16xf32>,
        %swap3A_224 = arith.index_cast %add3A_222 : i32 to index
        %swap3A_225 = tpu.vector_load %arg11[%swap3A_224] {strides = array<i32>} : memref<13312xf32, #tpu.memory_space<vmem>>, vector<16xf32>,
        tpu.vector_store %arg11[%swap3A_224], %gather3A_219 {strides = array<i32>} : memref<13312xf32, #tpu.memory_space<vmem>>, vector<16xf32>,
        %scan3A_226 = arith.constant 0 : i32
        scf.yield %scan3A_226 : i32
      }
      %scan3A_207 = arith.constant 64 : i32
      %while3A_208 = arith.constant 0 : i32
      scf.yield %while3A_208 : i32
    }
    %while3A_36 = arith.constant 0 : i32
    %while3A_37 = arith.constant 1 : i32
    %while3A_38 = arith.constant 0 : i32
    %while3A_39 = arith.subi %while3A_37, %while3A_36 : i32
    %while3A_40 = arith.addi %while3A_36, %while3A_39 : i32
    %while3A_41 = arith.constant 1 : i32
    %while3A_42 = arith.divsi %while3A_39, %while3A_41 : i32
    %while3A_43 = arith.muli %while3A_42, %while3A_41 : i32
    %while3A_44 = arith.addi %while3A_36, %while3A_43 : i32
    %while3A_45 = arith.constant 1 : i32
    %while3A_46 = scf.for %while3A_176 = %while3A_36 to %while3A_44 step %while3A_45 iter_args(%while3A_177 = %while3A_38) -> (i32)  : i32 {
      %mul3A_178 = arith.constant 1024 : i32
      %mul3A_179 = arith.muli %while3A_176, %mul3A_178 : i32
      %scan3A_180 = arith.constant 0 : i32
      %scan3A_181 = arith.constant 0 : i32
      %scan3A_182 = arith.constant 64 : i32
      %scan3A_183 = arith.addi %scan3A_181, %scan3A_182 : i32
      %scan3A_184 = arith.constant 1 : i32
      %scan3A_185 = scf.for %scan3A_209 = %scan3A_181 to %scan3A_183 step %scan3A_184 iter_args(%scan3A_210 = %scan3A_180) -> (i32)  : i32 {
        %mul3A_211 = arith.constant 16 : i32
        %mul3A_212 = arith.muli %scan3A_209, %mul3A_211 : i32
        %add3A_213 = arith.addi %mul3A_179, %mul3A_212 : i32
        %add3A_214 = vector.broadcast %add3A_213 : i32 to vector<16xi32>
        %add3A_215 = arith.addi %add3A_214, %iota3A : vector<16xi32>
        %min3A = arith.constant 31 : i32
        %min3A_216 = vector.broadcast %min3A : i32 to vector<16xi32>
        %min3A_217 = arith.minsi %add3A_215, %min3A_216 : vector<16xi32>
        %mul3A_218 = arith.constant -1640531535 : i32
        %mul3A_219 = vector.broadcast %mul3A_218 : i32 to vector<16xi32>
        %mul3A_220 = arith.muli %min3A_217, %mul3A_219 : vector<16xi32>
        %xor3A = arith.xori %min3A_217, %mul3A_220 : vector<16xi32>
        %and3A_221 = arith.constant 524287 : i32
        %and3A_222 = vector.broadcast %and3A_221 : i32 to vector<16xi32>
        %and3A_223 = arith.andi %xor3A, %and3A_222 : vector<16xi32>
        %shift_right_arithmetic3A = arith.constant 2 : i32
        %shift_right_arithmetic3A_224 = vector.broadcast %shift_right_arithmetic3A : i32 to vector<16xi32>
        %shift_right_arithmetic3A_225 = arith.shrsi %and3A_223, %shift_right_arithmetic3A_224 : vector<16xi32>
        %add3A_226 = vector.broadcast %mul3A_20 : i32 to vector<16xi32>
        %add3A_227 = arith.addi %shift_right_arithmetic3A_225, %add3A_226 : vector<16xi32>
        %shift_right_arithmetic3A_228 = arith.constant 3 : i32
        %shift_right_arithmetic3A_229 = arith.shrsi %scan3A_209, %shift_right_arithmetic3A_228 : i32
        %and3A_230 = arith.constant 7 : i32
        %and3A_231 = arith.andi %scan3A_209, %and3A_230 : i32
        %mul3A_232 = arith.constant 16 : i32
        %mul3A_233 = arith.muli %and3A_231, %mul3A_232 : i32
        %swap3A = arith.index_cast %shift_right_arithmetic3A_229 : i32 to index
        %swap3A_234 = arith.index_cast %mul3A_233 : i32 to index
        %swap3A_235 = tpu.vector_load %arg12[%swap3A, %swap3A_234] {strides = array<i32>} : memref<8x128xi32, #tpu.memory_space<vmem>>, vector<16xi32>,
        tpu.vector_store %arg12[%swap3A, %swap3A_234], %add3A_227 {strides = array<i32>} : memref<8x128xi32, #tpu.memory_space<vmem>>, vector<16xi32>,
        %and3A_236 = arith.constant 3 : i32
        %and3A_237 = vector.broadcast %and3A_236 : i32 to vector<16xi32>
        %and3A_238 = arith.andi %and3A_223, %and3A_237 : vector<16xi32>
        %shift_left3A = arith.constant 1 : i32
        %shift_left3A_239 = vector.broadcast %shift_left3A : i32 to vector<16xi32>
        %shift_left3A_240 = arith.shli %and3A_238, %shift_left3A_239 : vector<16xi32>
        %mul3A_241 = arith.constant 16 : i32
        %mul3A_242 = arith.muli %scan3A_209, %mul3A_241 : i32
        %swap3A_243 = arith.index_cast %mul3A_242 : i32 to index
        %swap3A_244 = tpu.vector_load %arg13[%swap3A_243] {strides = array<i32>} : memref<1024xi32, #tpu.memory_space<vmem>>, vector<16xi32>,
        tpu.vector_store %arg13[%swap3A_243], %shift_left3A_240 {strides = array<i32>} : memref<1024xi32, #tpu.memory_space<vmem>>, vector<16xi32>,
        %scan3A_245 = arith.constant 0 : i32
        scf.yield %scan3A_245 : i32
      }
      %scan3A_186 = arith.constant 64 : i32
      %scan3A_187 = arith.constant 0 : i32
      %scan3A_188 = arith.constant 0 : i32
      %scan3A_189 = arith.constant 8 : i32
      %scan3A_190 = arith.addi %scan3A_188, %scan3A_189 : i32
      %scan3A_191 = arith.constant 1 : i32
      %scan3A_192 = scf.for %scan3A_209 = %scan3A_188 to %scan3A_190 step %scan3A_191 iter_args(%scan3A_210 = %scan3A_187) -> (i32)  : i32 {
        %mul3A_211 = arith.constant 128 : i32
        %mul3A_212 = arith.muli %scan3A_209, %mul3A_211 : i32
        %dma_start3A_213 = arith.constant 0 : i32
        %dma_start3A_214 = arith.constant 0 : i32
        %dma_start3A_215 = tpu.memref_slice %arg8[%dma_start3A_213, %mul3A_212, %dma_start3A_214] : memref<2x1024x8xf32, #tpu.memory_space<vmem>> -> memref<1x128x8xf32, #tpu.memory_space<vmem>>
        %dma_start3A_216 = tpu.memref_squeeze %dma_start3A_215 : memref<1x128x8xf32, #tpu.memory_space<vmem>> -> memref<128x8xf32, #tpu.memory_space<vmem>>
        %dma_start3A_217 = arith.constant 0 : i32
        %dma_start3A_218 = tpu.memref_slice %arg12[%scan3A_209, %dma_start3A_217] : memref<8x128xi32, #tpu.memory_space<vmem>> -> memref<1x128xi32, #tpu.memory_space<vmem>>
        %dma_start3A_219 = tpu.memref_squeeze %dma_start3A_218 : memref<1x128xi32, #tpu.memory_space<vmem>> -> memref<128xi32, #tpu.memory_space<vmem>>
        %dma_start3A_220 = arith.constant 0 : i32
        %dma_start3A_221 = arith.constant 0 : i32
        %dma_start3A_222 = tpu.memref_slice %arg3[%dma_start3A_220, %dma_start3A_221] : memref<524288x8xf32, #tpu.memory_space<hbm>> -> memref<524288x8xf32, #tpu.memory_space<hbm>>
        tpu.enqueue_indirect_dma source(%dma_start3A_222 : memref<524288x8xf32, #tpu.memory_space<hbm>>) target(%dma_start3A_216 : memref<128x8xf32, #tpu.memory_space<vmem>>) offsets(%dma_start3A_219 : memref<128xi32, #tpu.memory_space<vmem>>) semaphore(%arg14 : memref<!tpu.dma_semaphore, #tpu.memory_space<semaphore_mem>>)
        %scan3A_223 = arith.constant 0 : i32
        scf.yield %scan3A_223 : i32
      }
      %scan3A_193 = arith.constant 8 : i32
      %scan3A_194 = arith.constant 0 : i32
      %scan3A_195 = arith.constant 0 : i32
      %scan3A_196 = arith.constant 8 : i32
      %scan3A_197 = arith.addi %scan3A_195, %scan3A_196 : i32
      %scan3A_198 = arith.constant 1 : i32
      %scan3A_199 = scf.for %scan3A_209 = %scan3A_195 to %scan3A_197 step %scan3A_198 iter_args(%scan3A_210 = %scan3A_194) -> (i32)  : i32 {
        %mul3A_211 = arith.constant 128 : i32
        %mul3A_212 = arith.muli %scan3A_209, %mul3A_211 : i32
        %dma_wait3A = arith.constant 0 : i32
        %dma_wait3A_213 = arith.constant 0 : i32
        %dma_wait3A_214 = tpu.memref_slice %arg8[%dma_wait3A, %mul3A_212, %dma_wait3A_213] : memref<2x1024x8xf32, #tpu.memory_space<vmem>> -> memref<1x128x8xf32, #tpu.memory_space<vmem>>
        %dma_wait3A_215 = tpu.memref_squeeze %dma_wait3A_214 : memref<1x128x8xf32, #tpu.memory_space<vmem>> -> memref<128x8xf32, #tpu.memory_space<vmem>>
        %dma_wait3A_216 = arith.constant 0 : i32
        %dma_wait3A_217 = tpu.memref_slice %arg12[%scan3A_209, %dma_wait3A_216] : memref<8x128xi32, #tpu.memory_space<vmem>> -> memref<1x128xi32, #tpu.memory_space<vmem>>
        %dma_wait3A_218 = tpu.memref_squeeze %dma_wait3A_217 : memref<1x128xi32, #tpu.memory_space<vmem>> -> memref<128xi32, #tpu.memory_space<vmem>>
        %dma_wait3A_219 = arith.constant 0 : i32
        %dma_wait3A_220 = arith.constant 0 : i32
        %dma_wait3A_221 = tpu.memref_slice %arg3[%dma_wait3A_219, %dma_wait3A_220] : memref<524288x8xf32, #tpu.memory_space<hbm>> -> memref<524288x8xf32, #tpu.memory_space<hbm>>
        tpu.wait_indirect_dma semaphore(%arg14 : memref<!tpu.dma_semaphore, #tpu.memory_space<semaphore_mem>>) src(%dma_wait3A_221 : memref<524288x8xf32, #tpu.memory_space<hbm>>) dst(%dma_wait3A_215 : memref<128x8xf32, #tpu.memory_space<vmem>>)
        %scan3A_222 = arith.constant 0 : i32
        scf.yield %scan3A_222 : i32
      }
      %scan3A_200 = arith.constant 8 : i32
      %scan3A_201 = arith.constant 0 : i32
      %scan3A_202 = arith.constant 0 : i32
      %scan3A_203 = arith.constant 64 : i32
      %scan3A_204 = arith.addi %scan3A_202, %scan3A_203 : i32
      %scan3A_205 = arith.constant 1 : i32
      %scan3A_206 = scf.for %scan3A_209 = %scan3A_202 to %scan3A_204 step %scan3A_205 iter_args(%scan3A_210 = %scan3A_201) -> (i32)  : i32 {
        %mul3A_211 = arith.constant 16 : i32
        %mul3A_212 = arith.muli %scan3A_209, %mul3A_211 : i32
        %get3A = arith.index_cast %mul3A_212 : i32 to index
        %get3A_213 = tpu.vector_load %arg13[%get3A] {strides = array<i32>} : memref<1024xi32, #tpu.memory_space<vmem>>, vector<16xi32>,
        %add3A_214 = vector.broadcast %mul3A_212 : i32 to vector<16xi32>
        %add3A_215 = arith.addi %add3A_214, %iota3A : vector<16xi32>
        %gather3A = tpu.vector_load_idx %arg8[%mul3A_23, %add3A_215, %get3A_213] : memref<2x1024x8xf32, #tpu.memory_space<vmem>>[vector<16xi32>, vector<16xi32>, vector<16xi32>], vector<16xf32>,
        %add3A_216 = arith.constant 1 : i32
        %add3A_217 = vector.broadcast %add3A_216 : i32 to vector<16xi32>
        %add3A_218 = arith.addi %get3A_213, %add3A_217 : vector<16xi32>
        %gather3A_219 = tpu.vector_load_idx %arg8[%mul3A_23, %add3A_215, %add3A_218] : memref<2x1024x8xf32, #tpu.memory_space<vmem>>[vector<16xi32>, vector<16xi32>, vector<16xi32>], vector<16xf32>,
        %add3A_220 = arith.constant 1024 : i32
        %add3A_221 = arith.addi %add3A_220, %mul3A_179 : i32
        %add3A_222 = arith.addi %add3A_221, %mul3A_212 : i32
        %swap3A = arith.index_cast %add3A_222 : i32 to index
        %swap3A_223 = tpu.vector_load %arg10[%swap3A] {strides = array<i32>} : memref<13312xf32, #tpu.memory_space<vmem>>, vector<16xf32>,
        tpu.vector_store %arg10[%swap3A], %gather3A {strides = array<i32>} : memref<13312xf32, #tpu.memory_space<vmem>>, vector<16xf32>,
        %swap3A_224 = arith.index_cast %add3A_222 : i32 to index
        %swap3A_225 = tpu.vector_load %arg11[%swap3A_224] {strides = array<i32>} : memref<13312xf32, #tpu.memory_space<vmem>>, vector<16xf32>,
        tpu.vector_store %arg11[%swap3A_224], %gather3A_219 {strides = array<i32>} : memref<13312xf32, #tpu.memory_space<vmem>>, vector<16xf32>,
        %scan3A_226 = arith.constant 0 : i32
        scf.yield %scan3A_226 : i32
      }
      %scan3A_207 = arith.constant 64 : i32
      %while3A_208 = arith.constant 0 : i32
      scf.yield %while3A_208 : i32
    }
    %while3A_47 = arith.constant 1 : i32
    %while3A_48 = scf.for %while3A_176 = %while3A_44 to %while3A_40 step %while3A_47 iter_args(%while3A_177 = %while3A_46) -> (i32)  : i32 {
      %mul3A_178 = arith.constant 1024 : i32
      %mul3A_179 = arith.muli %while3A_176, %mul3A_178 : i32
      %scan3A_180 = arith.constant 0 : i32
      %scan3A_181 = arith.constant 0 : i32
      %scan3A_182 = arith.constant 64 : i32
      %scan3A_183 = arith.addi %scan3A_181, %scan3A_182 : i32
      %scan3A_184 = arith.constant 1 : i32
      %scan3A_185 = scf.for %scan3A_209 = %scan3A_181 to %scan3A_183 step %scan3A_184 iter_args(%scan3A_210 = %scan3A_180) -> (i32)  : i32 {
        %mul3A_211 = arith.constant 16 : i32
        %mul3A_212 = arith.muli %scan3A_209, %mul3A_211 : i32
        %add3A_213 = arith.addi %mul3A_179, %mul3A_212 : i32
        %add3A_214 = vector.broadcast %add3A_213 : i32 to vector<16xi32>
        %add3A_215 = arith.addi %add3A_214, %iota3A : vector<16xi32>
        %min3A = arith.constant 31 : i32
        %min3A_216 = vector.broadcast %min3A : i32 to vector<16xi32>
        %min3A_217 = arith.minsi %add3A_215, %min3A_216 : vector<16xi32>
        %mul3A_218 = arith.constant -1640531535 : i32
        %mul3A_219 = vector.broadcast %mul3A_218 : i32 to vector<16xi32>
        %mul3A_220 = arith.muli %min3A_217, %mul3A_219 : vector<16xi32>
        %xor3A = arith.xori %min3A_217, %mul3A_220 : vector<16xi32>
        %and3A_221 = arith.constant 524287 : i32
        %and3A_222 = vector.broadcast %and3A_221 : i32 to vector<16xi32>
        %and3A_223 = arith.andi %xor3A, %and3A_222 : vector<16xi32>
        %shift_right_arithmetic3A = arith.constant 2 : i32
        %shift_right_arithmetic3A_224 = vector.broadcast %shift_right_arithmetic3A : i32 to vector<16xi32>
        %shift_right_arithmetic3A_225 = arith.shrsi %and3A_223, %shift_right_arithmetic3A_224 : vector<16xi32>
        %add3A_226 = vector.broadcast %mul3A_20 : i32 to vector<16xi32>
        %add3A_227 = arith.addi %shift_right_arithmetic3A_225, %add3A_226 : vector<16xi32>
        %shift_right_arithmetic3A_228 = arith.constant 3 : i32
        %shift_right_arithmetic3A_229 = arith.shrsi %scan3A_209, %shift_right_arithmetic3A_228 : i32
        %and3A_230 = arith.constant 7 : i32
        %and3A_231 = arith.andi %scan3A_209, %and3A_230 : i32
        %mul3A_232 = arith.constant 16 : i32
        %mul3A_233 = arith.muli %and3A_231, %mul3A_232 : i32
        %swap3A = arith.index_cast %shift_right_arithmetic3A_229 : i32 to index
        %swap3A_234 = arith.index_cast %mul3A_233 : i32 to index
        %swap3A_235 = tpu.vector_load %arg12[%swap3A, %swap3A_234] {strides = array<i32>} : memref<8x128xi32, #tpu.memory_space<vmem>>, vector<16xi32>,
        tpu.vector_store %arg12[%swap3A, %swap3A_234], %add3A_227 {strides = array<i32>} : memref<8x128xi32, #tpu.memory_space<vmem>>, vector<16xi32>,
        %and3A_236 = arith.constant 3 : i32
        %and3A_237 = vector.broadcast %and3A_236 : i32 to vector<16xi32>
        %and3A_238 = arith.andi %and3A_223, %and3A_237 : vector<16xi32>
        %shift_left3A = arith.constant 1 : i32
        %shift_left3A_239 = vector.broadcast %shift_left3A : i32 to vector<16xi32>
        %shift_left3A_240 = arith.shli %and3A_238, %shift_left3A_239 : vector<16xi32>
        %mul3A_241 = arith.constant 16 : i32
        %mul3A_242 = arith.muli %scan3A_209, %mul3A_241 : i32
        %swap3A_243 = arith.index_cast %mul3A_242 : i32 to index
        %swap3A_244 = tpu.vector_load %arg13[%swap3A_243] {strides = array<i32>} : memref<1024xi32, #tpu.memory_space<vmem>>, vector<16xi32>,
        tpu.vector_store %arg13[%swap3A_243], %shift_left3A_240 {strides = array<i32>} : memref<1024xi32, #tpu.memory_space<vmem>>, vector<16xi32>,
        %scan3A_245 = arith.constant 0 : i32
        scf.yield %scan3A_245 : i32
      }
      %scan3A_186 = arith.constant 64 : i32
      %scan3A_187 = arith.constant 0 : i32
      %scan3A_188 = arith.constant 0 : i32
      %scan3A_189 = arith.constant 8 : i32
      %scan3A_190 = arith.addi %scan3A_188, %scan3A_189 : i32
      %scan3A_191 = arith.constant 1 : i32
      %scan3A_192 = scf.for %scan3A_209 = %scan3A_188 to %scan3A_190 step %scan3A_191 iter_args(%scan3A_210 = %scan3A_187) -> (i32)  : i32 {
        %mul3A_211 = arith.constant 128 : i32
        %mul3A_212 = arith.muli %scan3A_209, %mul3A_211 : i32
        %dma_start3A_213 = arith.constant 0 : i32
        %dma_start3A_214 = arith.constant 0 : i32
        %dma_start3A_215 = tpu.memref_slice %arg8[%dma_start3A_213, %mul3A_212, %dma_start3A_214] : memref<2x1024x8xf32, #tpu.memory_space<vmem>> -> memref<1x128x8xf32, #tpu.memory_space<vmem>>
        %dma_start3A_216 = tpu.memref_squeeze %dma_start3A_215 : memref<1x128x8xf32, #tpu.memory_space<vmem>> -> memref<128x8xf32, #tpu.memory_space<vmem>>
        %dma_start3A_217 = arith.constant 0 : i32
        %dma_start3A_218 = tpu.memref_slice %arg12[%scan3A_209, %dma_start3A_217] : memref<8x128xi32, #tpu.memory_space<vmem>> -> memref<1x128xi32, #tpu.memory_space<vmem>>
        %dma_start3A_219 = tpu.memref_squeeze %dma_start3A_218 : memref<1x128xi32, #tpu.memory_space<vmem>> -> memref<128xi32, #tpu.memory_space<vmem>>
        %dma_start3A_220 = arith.constant 0 : i32
        %dma_start3A_221 = arith.constant 0 : i32
        %dma_start3A_222 = tpu.memref_slice %arg3[%dma_start3A_220, %dma_start3A_221] : memref<524288x8xf32, #tpu.memory_space<hbm>> -> memref<524288x8xf32, #tpu.memory_space<hbm>>
        tpu.enqueue_indirect_dma source(%dma_start3A_222 : memref<524288x8xf32, #tpu.memory_space<hbm>>) target(%dma_start3A_216 : memref<128x8xf32, #tpu.memory_space<vmem>>) offsets(%dma_start3A_219 : memref<128xi32, #tpu.memory_space<vmem>>) semaphore(%arg14 : memref<!tpu.dma_semaphore, #tpu.memory_space<semaphore_mem>>)
        %scan3A_223 = arith.constant 0 : i32
        scf.yield %scan3A_223 : i32
      }
      %scan3A_193 = arith.constant 8 : i32
      %scan3A_194 = arith.constant 0 : i32
      %scan3A_195 = arith.constant 0 : i32
      %scan3A_196 = arith.constant 8 : i32
      %scan3A_197 = arith.addi %scan3A_195, %scan3A_196 : i32
      %scan3A_198 = arith.constant 1 : i32
      %scan3A_199 = scf.for %scan3A_209 = %scan3A_195 to %scan3A_197 step %scan3A_198 iter_args(%scan3A_210 = %scan3A_194) -> (i32)  : i32 {
        %mul3A_211 = arith.constant 128 : i32
        %mul3A_212 = arith.muli %scan3A_209, %mul3A_211 : i32
        %dma_wait3A = arith.constant 0 : i32
        %dma_wait3A_213 = arith.constant 0 : i32
        %dma_wait3A_214 = tpu.memref_slice %arg8[%dma_wait3A, %mul3A_212, %dma_wait3A_213] : memref<2x1024x8xf32, #tpu.memory_space<vmem>> -> memref<1x128x8xf32, #tpu.memory_space<vmem>>
        %dma_wait3A_215 = tpu.memref_squeeze %dma_wait3A_214 : memref<1x128x8xf32, #tpu.memory_space<vmem>> -> memref<128x8xf32, #tpu.memory_space<vmem>>
        %dma_wait3A_216 = arith.constant 0 : i32
        %dma_wait3A_217 = tpu.memref_slice %arg12[%scan3A_209, %dma_wait3A_216] : memref<8x128xi32, #tpu.memory_space<vmem>> -> memref<1x128xi32, #tpu.memory_space<vmem>>
        %dma_wait3A_218 = tpu.memref_squeeze %dma_wait3A_217 : memref<1x128xi32, #tpu.memory_space<vmem>> -> memref<128xi32, #tpu.memory_space<vmem>>
        %dma_wait3A_219 = arith.constant 0 : i32
        %dma_wait3A_220 = arith.constant 0 : i32
        %dma_wait3A_221 = tpu.memref_slice %arg3[%dma_wait3A_219, %dma_wait3A_220] : memref<524288x8xf32, #tpu.memory_space<hbm>> -> memref<524288x8xf32, #tpu.memory_space<hbm>>
        tpu.wait_indirect_dma semaphore(%arg14 : memref<!tpu.dma_semaphore, #tpu.memory_space<semaphore_mem>>) src(%dma_wait3A_221 : memref<524288x8xf32, #tpu.memory_space<hbm>>) dst(%dma_wait3A_215 : memref<128x8xf32, #tpu.memory_space<vmem>>)
        %scan3A_222 = arith.constant 0 : i32
        scf.yield %scan3A_222 : i32
      }
      %scan3A_200 = arith.constant 8 : i32
      %scan3A_201 = arith.constant 0 : i32
      %scan3A_202 = arith.constant 0 : i32
      %scan3A_203 = arith.constant 64 : i32
      %scan3A_204 = arith.addi %scan3A_202, %scan3A_203 : i32
      %scan3A_205 = arith.constant 1 : i32
      %scan3A_206 = scf.for %scan3A_209 = %scan3A_202 to %scan3A_204 step %scan3A_205 iter_args(%scan3A_210 = %scan3A_201) -> (i32)  : i32 {
        %mul3A_211 = arith.constant 16 : i32
        %mul3A_212 = arith.muli %scan3A_209, %mul3A_211 : i32
        %get3A = arith.index_cast %mul3A_212 : i32 to index
        %get3A_213 = tpu.vector_load %arg13[%get3A] {strides = array<i32>} : memref<1024xi32, #tpu.memory_space<vmem>>, vector<16xi32>,
        %add3A_214 = vector.broadcast %mul3A_212 : i32 to vector<16xi32>
        %add3A_215 = arith.addi %add3A_214, %iota3A : vector<16xi32>
        %gather3A = tpu.vector_load_idx %arg8[%mul3A_23, %add3A_215, %get3A_213] : memref<2x1024x8xf32, #tpu.memory_space<vmem>>[vector<16xi32>, vector<16xi32>, vector<16xi32>], vector<16xf32>,
        %add3A_216 = arith.constant 1 : i32
        %add3A_217 = vector.broadcast %add3A_216 : i32 to vector<16xi32>
        %add3A_218 = arith.addi %get3A_213, %add3A_217 : vector<16xi32>
        %gather3A_219 = tpu.vector_load_idx %arg8[%mul3A_23, %add3A_215, %add3A_218] : memref<2x1024x8xf32, #tpu.memory_space<vmem>>[vector<16xi32>, vector<16xi32>, vector<16xi32>], vector<16xf32>,
        %add3A_220 = arith.constant 1024 : i32
        %add3A_221 = arith.addi %add3A_220, %mul3A_179 : i32
        %add3A_222 = arith.addi %add3A_221, %mul3A_212 : i32
        %swap3A = arith.index_cast %add3A_222 : i32 to index
        %swap3A_223 = tpu.vector_load %arg10[%swap3A] {strides = array<i32>} : memref<13312xf32, #tpu.memory_space<vmem>>, vector<16xf32>,
        tpu.vector_store %arg10[%swap3A], %gather3A {strides = array<i32>} : memref<13312xf32, #tpu.memory_space<vmem>>, vector<16xf32>,
        %swap3A_224 = arith.index_cast %add3A_222 : i32 to index
        %swap3A_225 = tpu.vector_load %arg11[%swap3A_224] {strides = array<i32>} : memref<13312xf32, #tpu.memory_space<vmem>>, vector<16xf32>,
        tpu.vector_store %arg11[%swap3A_224], %gather3A_219 {strides = array<i32>} : memref<13312xf32, #tpu.memory_space<vmem>>, vector<16xf32>,
        %scan3A_226 = arith.constant 0 : i32
        scf.yield %scan3A_226 : i32
      }
      %scan3A_207 = arith.constant 64 : i32
      %while3A_208 = arith.constant 0 : i32
      scf.yield %while3A_208 : i32
    }
    %while3A_49 = arith.constant 0 : i32
    %while3A_50 = arith.constant 1 : i32
    %while3A_51 = arith.constant 0 : i32
    %while3A_52 = arith.subi %while3A_50, %while3A_49 : i32
    %while3A_53 = arith.addi %while3A_49, %while3A_52 : i32
    %while3A_54 = arith.constant 1 : i32
    %while3A_55 = arith.divsi %while3A_52, %while3A_54 : i32
    %while3A_56 = arith.muli %while3A_55, %while3A_54 : i32
    %while3A_57 = arith.addi %while3A_49, %while3A_56 : i32
    %while3A_58 = arith.constant 1 : i32
    %while3A_59 = scf.for %while3A_176 = %while3A_49 to %while3A_57 step %while3A_58 iter_args(%while3A_177 = %while3A_51) -> (i32)  : i32 {
      %mul3A_178 = arith.constant 1024 : i32
      %mul3A_179 = arith.muli %while3A_176, %mul3A_178 : i32
      %scan3A_180 = arith.constant 0 : i32
      %scan3A_181 = arith.constant 0 : i32
      %scan3A_182 = arith.constant 64 : i32
      %scan3A_183 = arith.addi %scan3A_181, %scan3A_182 : i32
      %scan3A_184 = arith.constant 1 : i32
      %scan3A_185 = scf.for %scan3A_209 = %scan3A_181 to %scan3A_183 step %scan3A_184 iter_args(%scan3A_210 = %scan3A_180) -> (i32)  : i32 {
        %mul3A_211 = arith.constant 16 : i32
        %mul3A_212 = arith.muli %scan3A_209, %mul3A_211 : i32
        %add3A_213 = arith.addi %mul3A_179, %mul3A_212 : i32
        %add3A_214 = vector.broadcast %add3A_213 : i32 to vector<16xi32>
        %add3A_215 = arith.addi %add3A_214, %iota3A : vector<16xi32>
        %min3A = arith.constant 63 : i32
        %min3A_216 = vector.broadcast %min3A : i32 to vector<16xi32>
        %min3A_217 = arith.minsi %add3A_215, %min3A_216 : vector<16xi32>
        %mul3A_218 = arith.constant -1640531535 : i32
        %mul3A_219 = vector.broadcast %mul3A_218 : i32 to vector<16xi32>
        %mul3A_220 = arith.muli %min3A_217, %mul3A_219 : vector<16xi32>
        %xor3A = arith.xori %min3A_217, %mul3A_220 : vector<16xi32>
        %and3A_221 = arith.constant 524287 : i32
        %and3A_222 = vector.broadcast %and3A_221 : i32 to vector<16xi32>
        %and3A_223 = arith.andi %xor3A, %and3A_222 : vector<16xi32>
        %shift_right_arithmetic3A = arith.constant 2 : i32
        %shift_right_arithmetic3A_224 = vector.broadcast %shift_right_arithmetic3A : i32 to vector<16xi32>
        %shift_right_arithmetic3A_225 = arith.shrsi %and3A_223, %shift_right_arithmetic3A_224 : vector<16xi32>
        %add3A_226 = vector.broadcast %mul3A_20 : i32 to vector<16xi32>
        %add3A_227 = arith.addi %shift_right_arithmetic3A_225, %add3A_226 : vector<16xi32>
        %shift_right_arithmetic3A_228 = arith.constant 3 : i32
        %shift_right_arithmetic3A_229 = arith.shrsi %scan3A_209, %shift_right_arithmetic3A_228 : i32
        %and3A_230 = arith.constant 7 : i32
        %and3A_231 = arith.andi %scan3A_209, %and3A_230 : i32
        %mul3A_232 = arith.constant 16 : i32
        %mul3A_233 = arith.muli %and3A_231, %mul3A_232 : i32
        %swap3A = arith.index_cast %shift_right_arithmetic3A_229 : i32 to index
        %swap3A_234 = arith.index_cast %mul3A_233 : i32 to index
        %swap3A_235 = tpu.vector_load %arg12[%swap3A, %swap3A_234] {strides = array<i32>} : memref<8x128xi32, #tpu.memory_space<vmem>>, vector<16xi32>,
        tpu.vector_store %arg12[%swap3A, %swap3A_234], %add3A_227 {strides = array<i32>} : memref<8x128xi32, #tpu.memory_space<vmem>>, vector<16xi32>,
        %and3A_236 = arith.constant 3 : i32
        %and3A_237 = vector.broadcast %and3A_236 : i32 to vector<16xi32>
        %and3A_238 = arith.andi %and3A_223, %and3A_237 : vector<16xi32>
        %shift_left3A = arith.constant 1 : i32
        %shift_left3A_239 = vector.broadcast %shift_left3A : i32 to vector<16xi32>
        %shift_left3A_240 = arith.shli %and3A_238, %shift_left3A_239 : vector<16xi32>
        %mul3A_241 = arith.constant 16 : i32
        %mul3A_242 = arith.muli %scan3A_209, %mul3A_241 : i32
        %swap3A_243 = arith.index_cast %mul3A_242 : i32 to index
        %swap3A_244 = tpu.vector_load %arg13[%swap3A_243] {strides = array<i32>} : memref<1024xi32, #tpu.memory_space<vmem>>, vector<16xi32>,
        tpu.vector_store %arg13[%swap3A_243], %shift_left3A_240 {strides = array<i32>} : memref<1024xi32, #tpu.memory_space<vmem>>, vector<16xi32>,
        %scan3A_245 = arith.constant 0 : i32
        scf.yield %scan3A_245 : i32
      }
      %scan3A_186 = arith.constant 64 : i32
      %scan3A_187 = arith.constant 0 : i32
      %scan3A_188 = arith.constant 0 : i32
      %scan3A_189 = arith.constant 8 : i32
      %scan3A_190 = arith.addi %scan3A_188, %scan3A_189 : i32
      %scan3A_191 = arith.constant 1 : i32
      %scan3A_192 = scf.for %scan3A_209 = %scan3A_188 to %scan3A_190 step %scan3A_191 iter_args(%scan3A_210 = %scan3A_187) -> (i32)  : i32 {
        %mul3A_211 = arith.constant 128 : i32
        %mul3A_212 = arith.muli %scan3A_209, %mul3A_211 : i32
        %dma_start3A_213 = arith.constant 0 : i32
        %dma_start3A_214 = arith.constant 0 : i32
        %dma_start3A_215 = tpu.memref_slice %arg8[%dma_start3A_213, %mul3A_212, %dma_start3A_214] : memref<2x1024x8xf32, #tpu.memory_space<vmem>> -> memref<1x128x8xf32, #tpu.memory_space<vmem>>
        %dma_start3A_216 = tpu.memref_squeeze %dma_start3A_215 : memref<1x128x8xf32, #tpu.memory_space<vmem>> -> memref<128x8xf32, #tpu.memory_space<vmem>>
        %dma_start3A_217 = arith.constant 0 : i32
        %dma_start3A_218 = tpu.memref_slice %arg12[%scan3A_209, %dma_start3A_217] : memref<8x128xi32, #tpu.memory_space<vmem>> -> memref<1x128xi32, #tpu.memory_space<vmem>>
        %dma_start3A_219 = tpu.memref_squeeze %dma_start3A_218 : memref<1x128xi32, #tpu.memory_space<vmem>> -> memref<128xi32, #tpu.memory_space<vmem>>
        %dma_start3A_220 = arith.constant 0 : i32
        %dma_start3A_221 = arith.constant 0 : i32
        %dma_start3A_222 = tpu.memref_slice %arg3[%dma_start3A_220, %dma_start3A_221] : memref<524288x8xf32, #tpu.memory_space<hbm>> -> memref<524288x8xf32, #tpu.memory_space<hbm>>
        tpu.enqueue_indirect_dma source(%dma_start3A_222 : memref<524288x8xf32, #tpu.memory_space<hbm>>) target(%dma_start3A_216 : memref<128x8xf32, #tpu.memory_space<vmem>>) offsets(%dma_start3A_219 : memref<128xi32, #tpu.memory_space<vmem>>) semaphore(%arg14 : memref<!tpu.dma_semaphore, #tpu.memory_space<semaphore_mem>>)
        %scan3A_223 = arith.constant 0 : i32
        scf.yield %scan3A_223 : i32
      }
      %scan3A_193 = arith.constant 8 : i32
      %scan3A_194 = arith.constant 0 : i32
      %scan3A_195 = arith.constant 0 : i32
      %scan3A_196 = arith.constant 8 : i32
      %scan3A_197 = arith.addi %scan3A_195, %scan3A_196 : i32
      %scan3A_198 = arith.constant 1 : i32
      %scan3A_199 = scf.for %scan3A_209 = %scan3A_195 to %scan3A_197 step %scan3A_198 iter_args(%scan3A_210 = %scan3A_194) -> (i32)  : i32 {
        %mul3A_211 = arith.constant 128 : i32
        %mul3A_212 = arith.muli %scan3A_209, %mul3A_211 : i32
        %dma_wait3A = arith.constant 0 : i32
        %dma_wait3A_213 = arith.constant 0 : i32
        %dma_wait3A_214 = tpu.memref_slice %arg8[%dma_wait3A, %mul3A_212, %dma_wait3A_213] : memref<2x1024x8xf32, #tpu.memory_space<vmem>> -> memref<1x128x8xf32, #tpu.memory_space<vmem>>
        %dma_wait3A_215 = tpu.memref_squeeze %dma_wait3A_214 : memref<1x128x8xf32, #tpu.memory_space<vmem>> -> memref<128x8xf32, #tpu.memory_space<vmem>>
        %dma_wait3A_216 = arith.constant 0 : i32
        %dma_wait3A_217 = tpu.memref_slice %arg12[%scan3A_209, %dma_wait3A_216] : memref<8x128xi32, #tpu.memory_space<vmem>> -> memref<1x128xi32, #tpu.memory_space<vmem>>
        %dma_wait3A_218 = tpu.memref_squeeze %dma_wait3A_217 : memref<1x128xi32, #tpu.memory_space<vmem>> -> memref<128xi32, #tpu.memory_space<vmem>>
        %dma_wait3A_219 = arith.constant 0 : i32
        %dma_wait3A_220 = arith.constant 0 : i32
        %dma_wait3A_221 = tpu.memref_slice %arg3[%dma_wait3A_219, %dma_wait3A_220] : memref<524288x8xf32, #tpu.memory_space<hbm>> -> memref<524288x8xf32, #tpu.memory_space<hbm>>
        tpu.wait_indirect_dma semaphore(%arg14 : memref<!tpu.dma_semaphore, #tpu.memory_space<semaphore_mem>>) src(%dma_wait3A_221 : memref<524288x8xf32, #tpu.memory_space<hbm>>) dst(%dma_wait3A_215 : memref<128x8xf32, #tpu.memory_space<vmem>>)
        %scan3A_222 = arith.constant 0 : i32
        scf.yield %scan3A_222 : i32
      }
      %scan3A_200 = arith.constant 8 : i32
      %scan3A_201 = arith.constant 0 : i32
      %scan3A_202 = arith.constant 0 : i32
      %scan3A_203 = arith.constant 64 : i32
      %scan3A_204 = arith.addi %scan3A_202, %scan3A_203 : i32
      %scan3A_205 = arith.constant 1 : i32
      %scan3A_206 = scf.for %scan3A_209 = %scan3A_202 to %scan3A_204 step %scan3A_205 iter_args(%scan3A_210 = %scan3A_201) -> (i32)  : i32 {
        %mul3A_211 = arith.constant 16 : i32
        %mul3A_212 = arith.muli %scan3A_209, %mul3A_211 : i32
        %get3A = arith.index_cast %mul3A_212 : i32 to index
        %get3A_213 = tpu.vector_load %arg13[%get3A] {strides = array<i32>} : memref<1024xi32, #tpu.memory_space<vmem>>, vector<16xi32>,
        %add3A_214 = vector.broadcast %mul3A_212 : i32 to vector<16xi32>
        %add3A_215 = arith.addi %add3A_214, %iota3A : vector<16xi32>
        %gather3A = tpu.vector_load_idx %arg8[%mul3A_23, %add3A_215, %get3A_213] : memref<2x1024x8xf32, #tpu.memory_space<vmem>>[vector<16xi32>, vector<16xi32>, vector<16xi32>], vector<16xf32>,
        %add3A_216 = arith.constant 1 : i32
        %add3A_217 = vector.broadcast %add3A_216 : i32 to vector<16xi32>
        %add3A_218 = arith.addi %get3A_213, %add3A_217 : vector<16xi32>
        %gather3A_219 = tpu.vector_load_idx %arg8[%mul3A_23, %add3A_215, %add3A_218] : memref<2x1024x8xf32, #tpu.memory_space<vmem>>[vector<16xi32>, vector<16xi32>, vector<16xi32>], vector<16xf32>,
        %add3A_220 = arith.constant 2048 : i32
        %add3A_221 = arith.addi %add3A_220, %mul3A_179 : i32
        %add3A_222 = arith.addi %add3A_221, %mul3A_212 : i32
        %swap3A = arith.index_cast %add3A_222 : i32 to index
        %swap3A_223 = tpu.vector_load %arg10[%swap3A] {strides = array<i32>} : memref<13312xf32, #tpu.memory_space<vmem>>, vector<16xf32>,
        tpu.vector_store %arg10[%swap3A], %gather3A {strides = array<i32>} : memref<13312xf32, #tpu.memory_space<vmem>>, vector<16xf32>,
        %swap3A_224 = arith.index_cast %add3A_222 : i32 to index
        %swap3A_225 = tpu.vector_load %arg11[%swap3A_224] {strides = array<i32>} : memref<13312xf32, #tpu.memory_space<vmem>>, vector<16xf32>,
        tpu.vector_store %arg11[%swap3A_224], %gather3A_219 {strides = array<i32>} : memref<13312xf32, #tpu.memory_space<vmem>>, vector<16xf32>,
        %scan3A_226 = arith.constant 0 : i32
        scf.yield %scan3A_226 : i32
      }
      %scan3A_207 = arith.constant 64 : i32
      %while3A_208 = arith.constant 0 : i32
      scf.yield %while3A_208 : i32
    }
    %while3A_60 = arith.constant 1 : i32
    %while3A_61 = scf.for %while3A_176 = %while3A_57 to %while3A_53 step %while3A_60 iter_args(%while3A_177 = %while3A_59) -> (i32)  : i32 {
      %mul3A_178 = arith.constant 1024 : i32
      %mul3A_179 = arith.muli %while3A_176, %mul3A_178 : i32
      %scan3A_180 = arith.constant 0 : i32
      %scan3A_181 = arith.constant 0 : i32
      %scan3A_182 = arith.constant 64 : i32
      %scan3A_183 = arith.addi %scan3A_181, %scan3A_182 : i32
      %scan3A_184 = arith.constant 1 : i32
      %scan3A_185 = scf.for %scan3A_209 = %scan3A_181 to %scan3A_183 step %scan3A_184 iter_args(%scan3A_210 = %scan3A_180) -> (i32)  : i32 {
        %mul3A_211 = arith.constant 16 : i32
        %mul3A_212 = arith.muli %scan3A_209, %mul3A_211 : i32
        %add3A_213 = arith.addi %mul3A_179, %mul3A_212 : i32
        %add3A_214 = vector.broadcast %add3A_213 : i32 to vector<16xi32>
        %add3A_215 = arith.addi %add3A_214, %iota3A : vector<16xi32>
        %min3A = arith.constant 63 : i32
        %min3A_216 = vector.broadcast %min3A : i32 to vector<16xi32>
        %min3A_217 = arith.minsi %add3A_215, %min3A_216 : vector<16xi32>
        %mul3A_218 = arith.constant -1640531535 : i32
        %mul3A_219 = vector.broadcast %mul3A_218 : i32 to vector<16xi32>
        %mul3A_220 = arith.muli %min3A_217, %mul3A_219 : vector<16xi32>
        %xor3A = arith.xori %min3A_217, %mul3A_220 : vector<16xi32>
        %and3A_221 = arith.constant 524287 : i32
        %and3A_222 = vector.broadcast %and3A_221 : i32 to vector<16xi32>
        %and3A_223 = arith.andi %xor3A, %and3A_222 : vector<16xi32>
        %shift_right_arithmetic3A = arith.constant 2 : i32
        %shift_right_arithmetic3A_224 = vector.broadcast %shift_right_arithmetic3A : i32 to vector<16xi32>
        %shift_right_arithmetic3A_225 = arith.shrsi %and3A_223, %shift_right_arithmetic3A_224 : vector<16xi32>
        %add3A_226 = vector.broadcast %mul3A_20 : i32 to vector<16xi32>
        %add3A_227 = arith.addi %shift_right_arithmetic3A_225, %add3A_226 : vector<16xi32>
        %shift_right_arithmetic3A_228 = arith.constant 3 : i32
        %shift_right_arithmetic3A_229 = arith.shrsi %scan3A_209, %shift_right_arithmetic3A_228 : i32
        %and3A_230 = arith.constant 7 : i32
        %and3A_231 = arith.andi %scan3A_209, %and3A_230 : i32
        %mul3A_232 = arith.constant 16 : i32
        %mul3A_233 = arith.muli %and3A_231, %mul3A_232 : i32
        %swap3A = arith.index_cast %shift_right_arithmetic3A_229 : i32 to index
        %swap3A_234 = arith.index_cast %mul3A_233 : i32 to index
        %swap3A_235 = tpu.vector_load %arg12[%swap3A, %swap3A_234] {strides = array<i32>} : memref<8x128xi32, #tpu.memory_space<vmem>>, vector<16xi32>,
        tpu.vector_store %arg12[%swap3A, %swap3A_234], %add3A_227 {strides = array<i32>} : memref<8x128xi32, #tpu.memory_space<vmem>>, vector<16xi32>,
        %and3A_236 = arith.constant 3 : i32
        %and3A_237 = vector.broadcast %and3A_236 : i32 to vector<16xi32>
        %and3A_238 = arith.andi %and3A_223, %and3A_237 : vector<16xi32>
        %shift_left3A = arith.constant 1 : i32
        %shift_left3A_239 = vector.broadcast %shift_left3A : i32 to vector<16xi32>
        %shift_left3A_240 = arith.shli %and3A_238, %shift_left3A_239 : vector<16xi32>
        %mul3A_241 = arith.constant 16 : i32
        %mul3A_242 = arith.muli %scan3A_209, %mul3A_241 : i32
        %swap3A_243 = arith.index_cast %mul3A_242 : i32 to index
        %swap3A_244 = tpu.vector_load %arg13[%swap3A_243] {strides = array<i32>} : memref<1024xi32, #tpu.memory_space<vmem>>, vector<16xi32>,
        tpu.vector_store %arg13[%swap3A_243], %shift_left3A_240 {strides = array<i32>} : memref<1024xi32, #tpu.memory_space<vmem>>, vector<16xi32>,
        %scan3A_245 = arith.constant 0 : i32
        scf.yield %scan3A_245 : i32
      }
      %scan3A_186 = arith.constant 64 : i32
      %scan3A_187 = arith.constant 0 : i32
      %scan3A_188 = arith.constant 0 : i32
      %scan3A_189 = arith.constant 8 : i32
      %scan3A_190 = arith.addi %scan3A_188, %scan3A_189 : i32
      %scan3A_191 = arith.constant 1 : i32
      %scan3A_192 = scf.for %scan3A_209 = %scan3A_188 to %scan3A_190 step %scan3A_191 iter_args(%scan3A_210 = %scan3A_187) -> (i32)  : i32 {
        %mul3A_211 = arith.constant 128 : i32
        %mul3A_212 = arith.muli %scan3A_209, %mul3A_211 : i32
        %dma_start3A_213 = arith.constant 0 : i32
        %dma_start3A_214 = arith.constant 0 : i32
        %dma_start3A_215 = tpu.memref_slice %arg8[%dma_start3A_213, %mul3A_212, %dma_start3A_214] : memref<2x1024x8xf32, #tpu.memory_space<vmem>> -> memref<1x128x8xf32, #tpu.memory_space<vmem>>
        %dma_start3A_216 = tpu.memref_squeeze %dma_start3A_215 : memref<1x128x8xf32, #tpu.memory_space<vmem>> -> memref<128x8xf32, #tpu.memory_space<vmem>>
        %dma_start3A_217 = arith.constant 0 : i32
        %dma_start3A_218 = tpu.memref_slice %arg12[%scan3A_209, %dma_start3A_217] : memref<8x128xi32, #tpu.memory_space<vmem>> -> memref<1x128xi32, #tpu.memory_space<vmem>>
        %dma_start3A_219 = tpu.memref_squeeze %dma_start3A_218 : memref<1x128xi32, #tpu.memory_space<vmem>> -> memref<128xi32, #tpu.memory_space<vmem>>
        %dma_start3A_220 = arith.constant 0 : i32
        %dma_start3A_221 = arith.constant 0 : i32
        %dma_start3A_222 = tpu.memref_slice %arg3[%dma_start3A_220, %dma_start3A_221] : memref<524288x8xf32, #tpu.memory_space<hbm>> -> memref<524288x8xf32, #tpu.memory_space<hbm>>
        tpu.enqueue_indirect_dma source(%dma_start3A_222 : memref<524288x8xf32, #tpu.memory_space<hbm>>) target(%dma_start3A_216 : memref<128x8xf32, #tpu.memory_space<vmem>>) offsets(%dma_start3A_219 : memref<128xi32, #tpu.memory_space<vmem>>) semaphore(%arg14 : memref<!tpu.dma_semaphore, #tpu.memory_space<semaphore_mem>>)
        %scan3A_223 = arith.constant 0 : i32
        scf.yield %scan3A_223 : i32
      }
      %scan3A_193 = arith.constant 8 : i32
      %scan3A_194 = arith.constant 0 : i32
      %scan3A_195 = arith.constant 0 : i32
      %scan3A_196 = arith.constant 8 : i32
      %scan3A_197 = arith.addi %scan3A_195, %scan3A_196 : i32
      %scan3A_198 = arith.constant 1 : i32
      %scan3A_199 = scf.for %scan3A_209 = %scan3A_195 to %scan3A_197 step %scan3A_198 iter_args(%scan3A_210 = %scan3A_194) -> (i32)  : i32 {
        %mul3A_211 = arith.constant 128 : i32
        %mul3A_212 = arith.muli %scan3A_209, %mul3A_211 : i32
        %dma_wait3A = arith.constant 0 : i32
        %dma_wait3A_213 = arith.constant 0 : i32
        %dma_wait3A_214 = tpu.memref_slice %arg8[%dma_wait3A, %mul3A_212, %dma_wait3A_213] : memref<2x1024x8xf32, #tpu.memory_space<vmem>> -> memref<1x128x8xf32, #tpu.memory_space<vmem>>
        %dma_wait3A_215 = tpu.memref_squeeze %dma_wait3A_214 : memref<1x128x8xf32, #tpu.memory_space<vmem>> -> memref<128x8xf32, #tpu.memory_space<vmem>>
        %dma_wait3A_216 = arith.constant 0 : i32
        %dma_wait3A_217 = tpu.memref_slice %arg12[%scan3A_209, %dma_wait3A_216] : memref<8x128xi32, #tpu.memory_space<vmem>> -> memref<1x128xi32, #tpu.memory_space<vmem>>
        %dma_wait3A_218 = tpu.memref_squeeze %dma_wait3A_217 : memref<1x128xi32, #tpu.memory_space<vmem>> -> memref<128xi32, #tpu.memory_space<vmem>>
        %dma_wait3A_219 = arith.constant 0 : i32
        %dma_wait3A_220 = arith.constant 0 : i32
        %dma_wait3A_221 = tpu.memref_slice %arg3[%dma_wait3A_219, %dma_wait3A_220] : memref<524288x8xf32, #tpu.memory_space<hbm>> -> memref<524288x8xf32, #tpu.memory_space<hbm>>
        tpu.wait_indirect_dma semaphore(%arg14 : memref<!tpu.dma_semaphore, #tpu.memory_space<semaphore_mem>>) src(%dma_wait3A_221 : memref<524288x8xf32, #tpu.memory_space<hbm>>) dst(%dma_wait3A_215 : memref<128x8xf32, #tpu.memory_space<vmem>>)
        %scan3A_222 = arith.constant 0 : i32
        scf.yield %scan3A_222 : i32
      }
      %scan3A_200 = arith.constant 8 : i32
      %scan3A_201 = arith.constant 0 : i32
      %scan3A_202 = arith.constant 0 : i32
      %scan3A_203 = arith.constant 64 : i32
      %scan3A_204 = arith.addi %scan3A_202, %scan3A_203 : i32
      %scan3A_205 = arith.constant 1 : i32
      %scan3A_206 = scf.for %scan3A_209 = %scan3A_202 to %scan3A_204 step %scan3A_205 iter_args(%scan3A_210 = %scan3A_201) -> (i32)  : i32 {
        %mul3A_211 = arith.constant 16 : i32
        %mul3A_212 = arith.muli %scan3A_209, %mul3A_211 : i32
        %get3A = arith.index_cast %mul3A_212 : i32 to index
        %get3A_213 = tpu.vector_load %arg13[%get3A] {strides = array<i32>} : memref<1024xi32, #tpu.memory_space<vmem>>, vector<16xi32>,
        %add3A_214 = vector.broadcast %mul3A_212 : i32 to vector<16xi32>
        %add3A_215 = arith.addi %add3A_214, %iota3A : vector<16xi32>
        %gather3A = tpu.vector_load_idx %arg8[%mul3A_23, %add3A_215, %get3A_213] : memref<2x1024x8xf32, #tpu.memory_space<vmem>>[vector<16xi32>, vector<16xi32>, vector<16xi32>], vector<16xf32>,
        %add3A_216 = arith.constant 1 : i32
        %add3A_217 = vector.broadcast %add3A_216 : i32 to vector<16xi32>
        %add3A_218 = arith.addi %get3A_213, %add3A_217 : vector<16xi32>
        %gather3A_219 = tpu.vector_load_idx %arg8[%mul3A_23, %add3A_215, %add3A_218] : memref<2x1024x8xf32, #tpu.memory_space<vmem>>[vector<16xi32>, vector<16xi32>, vector<16xi32>], vector<16xf32>,
        %add3A_220 = arith.constant 2048 : i32
        %add3A_221 = arith.addi %add3A_220, %mul3A_179 : i32
        %add3A_222 = arith.addi %add3A_221, %mul3A_212 : i32
        %swap3A = arith.index_cast %add3A_222 : i32 to index
        %swap3A_223 = tpu.vector_load %arg10[%swap3A] {strides = array<i32>} : memref<13312xf32, #tpu.memory_space<vmem>>, vector<16xf32>,
        tpu.vector_store %arg10[%swap3A], %gather3A {strides = array<i32>} : memref<13312xf32, #tpu.memory_space<vmem>>, vector<16xf32>,
        %swap3A_224 = arith.index_cast %add3A_222 : i32 to index
        %swap3A_225 = tpu.vector_load %arg11[%swap3A_224] {strides = array<i32>} : memref<13312xf32, #tpu.memory_space<vmem>>, vector<16xf32>,
        tpu.vector_store %arg11[%swap3A_224], %gather3A_219 {strides = array<i32>} : memref<13312xf32, #tpu.memory_space<vmem>>, vector<16xf32>,
        %scan3A_226 = arith.constant 0 : i32
        scf.yield %scan3A_226 : i32
      }
      %scan3A_207 = arith.constant 64 : i32
      %while3A_208 = arith.constant 0 : i32
      scf.yield %while3A_208 : i32
    }
    %while3A_62 = arith.constant 0 : i32
    %while3A_63 = arith.constant 1 : i32
    %while3A_64 = arith.constant 0 : i32
    %while3A_65 = arith.subi %while3A_63, %while3A_62 : i32
    %while3A_66 = arith.addi %while3A_62, %while3A_65 : i32
    %while3A_67 = arith.constant 1 : i32
    %while3A_68 = arith.divsi %while3A_65, %while3A_67 : i32
    %while3A_69 = arith.muli %while3A_68, %while3A_67 : i32
    %while3A_70 = arith.addi %while3A_62, %while3A_69 : i32
    %while3A_71 = arith.constant 1 : i32
    %while3A_72 = scf.for %while3A_176 = %while3A_62 to %while3A_70 step %while3A_71 iter_args(%while3A_177 = %while3A_64) -> (i32)  : i32 {
      %mul3A_178 = arith.constant 1024 : i32
      %mul3A_179 = arith.muli %while3A_176, %mul3A_178 : i32
      %scan3A_180 = arith.constant 0 : i32
      %scan3A_181 = arith.constant 0 : i32
      %scan3A_182 = arith.constant 64 : i32
      %scan3A_183 = arith.addi %scan3A_181, %scan3A_182 : i32
      %scan3A_184 = arith.constant 1 : i32
      %scan3A_185 = scf.for %scan3A_209 = %scan3A_181 to %scan3A_183 step %scan3A_184 iter_args(%scan3A_210 = %scan3A_180) -> (i32)  : i32 {
        %mul3A_211 = arith.constant 16 : i32
        %mul3A_212 = arith.muli %scan3A_209, %mul3A_211 : i32
        %add3A_213 = arith.addi %mul3A_179, %mul3A_212 : i32
        %add3A_214 = vector.broadcast %add3A_213 : i32 to vector<16xi32>
        %add3A_215 = arith.addi %add3A_214, %iota3A : vector<16xi32>
        %min3A = arith.constant 127 : i32
        %min3A_216 = vector.broadcast %min3A : i32 to vector<16xi32>
        %min3A_217 = arith.minsi %add3A_215, %min3A_216 : vector<16xi32>
        %mul3A_218 = arith.constant -1640531535 : i32
        %mul3A_219 = vector.broadcast %mul3A_218 : i32 to vector<16xi32>
        %mul3A_220 = arith.muli %min3A_217, %mul3A_219 : vector<16xi32>
        %xor3A = arith.xori %min3A_217, %mul3A_220 : vector<16xi32>
        %and3A_221 = arith.constant 524287 : i32
        %and3A_222 = vector.broadcast %and3A_221 : i32 to vector<16xi32>
        %and3A_223 = arith.andi %xor3A, %and3A_222 : vector<16xi32>
        %shift_right_arithmetic3A = arith.constant 2 : i32
        %shift_right_arithmetic3A_224 = vector.broadcast %shift_right_arithmetic3A : i32 to vector<16xi32>
        %shift_right_arithmetic3A_225 = arith.shrsi %and3A_223, %shift_right_arithmetic3A_224 : vector<16xi32>
        %add3A_226 = vector.broadcast %mul3A_20 : i32 to vector<16xi32>
        %add3A_227 = arith.addi %shift_right_arithmetic3A_225, %add3A_226 : vector<16xi32>
        %shift_right_arithmetic3A_228 = arith.constant 3 : i32
        %shift_right_arithmetic3A_229 = arith.shrsi %scan3A_209, %shift_right_arithmetic3A_228 : i32
        %and3A_230 = arith.constant 7 : i32
        %and3A_231 = arith.andi %scan3A_209, %and3A_230 : i32
        %mul3A_232 = arith.constant 16 : i32
        %mul3A_233 = arith.muli %and3A_231, %mul3A_232 : i32
        %swap3A = arith.index_cast %shift_right_arithmetic3A_229 : i32 to index
        %swap3A_234 = arith.index_cast %mul3A_233 : i32 to index
        %swap3A_235 = tpu.vector_load %arg12[%swap3A, %swap3A_234] {strides = array<i32>} : memref<8x128xi32, #tpu.memory_space<vmem>>, vector<16xi32>,
        tpu.vector_store %arg12[%swap3A, %swap3A_234], %add3A_227 {strides = array<i32>} : memref<8x128xi32, #tpu.memory_space<vmem>>, vector<16xi32>,
        %and3A_236 = arith.constant 3 : i32
        %and3A_237 = vector.broadcast %and3A_236 : i32 to vector<16xi32>
        %and3A_238 = arith.andi %and3A_223, %and3A_237 : vector<16xi32>
        %shift_left3A = arith.constant 1 : i32
        %shift_left3A_239 = vector.broadcast %shift_left3A : i32 to vector<16xi32>
        %shift_left3A_240 = arith.shli %and3A_238, %shift_left3A_239 : vector<16xi32>
        %mul3A_241 = arith.constant 16 : i32
        %mul3A_242 = arith.muli %scan3A_209, %mul3A_241 : i32
        %swap3A_243 = arith.index_cast %mul3A_242 : i32 to index
        %swap3A_244 = tpu.vector_load %arg13[%swap3A_243] {strides = array<i32>} : memref<1024xi32, #tpu.memory_space<vmem>>, vector<16xi32>,
        tpu.vector_store %arg13[%swap3A_243], %shift_left3A_240 {strides = array<i32>} : memref<1024xi32, #tpu.memory_space<vmem>>, vector<16xi32>,
        %scan3A_245 = arith.constant 0 : i32
        scf.yield %scan3A_245 : i32
      }
      %scan3A_186 = arith.constant 64 : i32
      %scan3A_187 = arith.constant 0 : i32
      %scan3A_188 = arith.constant 0 : i32
      %scan3A_189 = arith.constant 8 : i32
      %scan3A_190 = arith.addi %scan3A_188, %scan3A_189 : i32
      %scan3A_191 = arith.constant 1 : i32
      %scan3A_192 = scf.for %scan3A_209 = %scan3A_188 to %scan3A_190 step %scan3A_191 iter_args(%scan3A_210 = %scan3A_187) -> (i32)  : i32 {
        %mul3A_211 = arith.constant 128 : i32
        %mul3A_212 = arith.muli %scan3A_209, %mul3A_211 : i32
        %dma_start3A_213 = arith.constant 0 : i32
        %dma_start3A_214 = arith.constant 0 : i32
        %dma_start3A_215 = tpu.memref_slice %arg8[%dma_start3A_213, %mul3A_212, %dma_start3A_214] : memref<2x1024x8xf32, #tpu.memory_space<vmem>> -> memref<1x128x8xf32, #tpu.memory_space<vmem>>
        %dma_start3A_216 = tpu.memref_squeeze %dma_start3A_215 : memref<1x128x8xf32, #tpu.memory_space<vmem>> -> memref<128x8xf32, #tpu.memory_space<vmem>>
        %dma_start3A_217 = arith.constant 0 : i32
        %dma_start3A_218 = tpu.memref_slice %arg12[%scan3A_209, %dma_start3A_217] : memref<8x128xi32, #tpu.memory_space<vmem>> -> memref<1x128xi32, #tpu.memory_space<vmem>>
        %dma_start3A_219 = tpu.memref_squeeze %dma_start3A_218 : memref<1x128xi32, #tpu.memory_space<vmem>> -> memref<128xi32, #tpu.memory_space<vmem>>
        %dma_start3A_220 = arith.constant 0 : i32
        %dma_start3A_221 = arith.constant 0 : i32
        %dma_start3A_222 = tpu.memref_slice %arg3[%dma_start3A_220, %dma_start3A_221] : memref<524288x8xf32, #tpu.memory_space<hbm>> -> memref<524288x8xf32, #tpu.memory_space<hbm>>
        tpu.enqueue_indirect_dma source(%dma_start3A_222 : memref<524288x8xf32, #tpu.memory_space<hbm>>) target(%dma_start3A_216 : memref<128x8xf32, #tpu.memory_space<vmem>>) offsets(%dma_start3A_219 : memref<128xi32, #tpu.memory_space<vmem>>) semaphore(%arg14 : memref<!tpu.dma_semaphore, #tpu.memory_space<semaphore_mem>>)
        %scan3A_223 = arith.constant 0 : i32
        scf.yield %scan3A_223 : i32
      }
      %scan3A_193 = arith.constant 8 : i32
      %scan3A_194 = arith.constant 0 : i32
      %scan3A_195 = arith.constant 0 : i32
      %scan3A_196 = arith.constant 8 : i32
      %scan3A_197 = arith.addi %scan3A_195, %scan3A_196 : i32
      %scan3A_198 = arith.constant 1 : i32
      %scan3A_199 = scf.for %scan3A_209 = %scan3A_195 to %scan3A_197 step %scan3A_198 iter_args(%scan3A_210 = %scan3A_194) -> (i32)  : i32 {
        %mul3A_211 = arith.constant 128 : i32
        %mul3A_212 = arith.muli %scan3A_209, %mul3A_211 : i32
        %dma_wait3A = arith.constant 0 : i32
        %dma_wait3A_213 = arith.constant 0 : i32
        %dma_wait3A_214 = tpu.memref_slice %arg8[%dma_wait3A, %mul3A_212, %dma_wait3A_213] : memref<2x1024x8xf32, #tpu.memory_space<vmem>> -> memref<1x128x8xf32, #tpu.memory_space<vmem>>
        %dma_wait3A_215 = tpu.memref_squeeze %dma_wait3A_214 : memref<1x128x8xf32, #tpu.memory_space<vmem>> -> memref<128x8xf32, #tpu.memory_space<vmem>>
        %dma_wait3A_216 = arith.constant 0 : i32
        %dma_wait3A_217 = tpu.memref_slice %arg12[%scan3A_209, %dma_wait3A_216] : memref<8x128xi32, #tpu.memory_space<vmem>> -> memref<1x128xi32, #tpu.memory_space<vmem>>
        %dma_wait3A_218 = tpu.memref_squeeze %dma_wait3A_217 : memref<1x128xi32, #tpu.memory_space<vmem>> -> memref<128xi32, #tpu.memory_space<vmem>>
        %dma_wait3A_219 = arith.constant 0 : i32
        %dma_wait3A_220 = arith.constant 0 : i32
        %dma_wait3A_221 = tpu.memref_slice %arg3[%dma_wait3A_219, %dma_wait3A_220] : memref<524288x8xf32, #tpu.memory_space<hbm>> -> memref<524288x8xf32, #tpu.memory_space<hbm>>
        tpu.wait_indirect_dma semaphore(%arg14 : memref<!tpu.dma_semaphore, #tpu.memory_space<semaphore_mem>>) src(%dma_wait3A_221 : memref<524288x8xf32, #tpu.memory_space<hbm>>) dst(%dma_wait3A_215 : memref<128x8xf32, #tpu.memory_space<vmem>>)
        %scan3A_222 = arith.constant 0 : i32
        scf.yield %scan3A_222 : i32
      }
      %scan3A_200 = arith.constant 8 : i32
      %scan3A_201 = arith.constant 0 : i32
      %scan3A_202 = arith.constant 0 : i32
      %scan3A_203 = arith.constant 64 : i32
      %scan3A_204 = arith.addi %scan3A_202, %scan3A_203 : i32
      %scan3A_205 = arith.constant 1 : i32
      %scan3A_206 = scf.for %scan3A_209 = %scan3A_202 to %scan3A_204 step %scan3A_205 iter_args(%scan3A_210 = %scan3A_201) -> (i32)  : i32 {
        %mul3A_211 = arith.constant 16 : i32
        %mul3A_212 = arith.muli %scan3A_209, %mul3A_211 : i32
        %get3A = arith.index_cast %mul3A_212 : i32 to index
        %get3A_213 = tpu.vector_load %arg13[%get3A] {strides = array<i32>} : memref<1024xi32, #tpu.memory_space<vmem>>, vector<16xi32>,
        %add3A_214 = vector.broadcast %mul3A_212 : i32 to vector<16xi32>
        %add3A_215 = arith.addi %add3A_214, %iota3A : vector<16xi32>
        %gather3A = tpu.vector_load_idx %arg8[%mul3A_23, %add3A_215, %get3A_213] : memref<2x1024x8xf32, #tpu.memory_space<vmem>>[vector<16xi32>, vector<16xi32>, vector<16xi32>], vector<16xf32>,
        %add3A_216 = arith.constant 1 : i32
        %add3A_217 = vector.broadcast %add3A_216 : i32 to vector<16xi32>
        %add3A_218 = arith.addi %get3A_213, %add3A_217 : vector<16xi32>
        %gather3A_219 = tpu.vector_load_idx %arg8[%mul3A_23, %add3A_215, %add3A_218] : memref<2x1024x8xf32, #tpu.memory_space<vmem>>[vector<16xi32>, vector<16xi32>, vector<16xi32>], vector<16xf32>,
        %add3A_220 = arith.constant 3072 : i32
        %add3A_221 = arith.addi %add3A_220, %mul3A_179 : i32
        %add3A_222 = arith.addi %add3A_221, %mul3A_212 : i32
        %swap3A = arith.index_cast %add3A_222 : i32 to index
        %swap3A_223 = tpu.vector_load %arg10[%swap3A] {strides = array<i32>} : memref<13312xf32, #tpu.memory_space<vmem>>, vector<16xf32>,
        tpu.vector_store %arg10[%swap3A], %gather3A {strides = array<i32>} : memref<13312xf32, #tpu.memory_space<vmem>>, vector<16xf32>,
        %swap3A_224 = arith.index_cast %add3A_222 : i32 to index
        %swap3A_225 = tpu.vector_load %arg11[%swap3A_224] {strides = array<i32>} : memref<13312xf32, #tpu.memory_space<vmem>>, vector<16xf32>,
        tpu.vector_store %arg11[%swap3A_224], %gather3A_219 {strides = array<i32>} : memref<13312xf32, #tpu.memory_space<vmem>>, vector<16xf32>,
        %scan3A_226 = arith.constant 0 : i32
        scf.yield %scan3A_226 : i32
      }
      %scan3A_207 = arith.constant 64 : i32
      %while3A_208 = arith.constant 0 : i32
      scf.yield %while3A_208 : i32
    }
    %while3A_73 = arith.constant 1 : i32
    %while3A_74 = scf.for %while3A_176 = %while3A_70 to %while3A_66 step %while3A_73 iter_args(%while3A_177 = %while3A_72) -> (i32)  : i32 {
      %mul3A_178 = arith.constant 1024 : i32
      %mul3A_179 = arith.muli %while3A_176, %mul3A_178 : i32
      %scan3A_180 = arith.constant 0 : i32
      %scan3A_181 = arith.constant 0 : i32
      %scan3A_182 = arith.constant 64 : i32
      %scan3A_183 = arith.addi %scan3A_181, %scan3A_182 : i32
      %scan3A_184 = arith.constant 1 : i32
      %scan3A_185 = scf.for %scan3A_209 = %scan3A_181 to %scan3A_183 step %scan3A_184 iter_args(%scan3A_210 = %scan3A_180) -> (i32)  : i32 {
        %mul3A_211 = arith.constant 16 : i32
        %mul3A_212 = arith.muli %scan3A_209, %mul3A_211 : i32
        %add3A_213 = arith.addi %mul3A_179, %mul3A_212 : i32
        %add3A_214 = vector.broadcast %add3A_213 : i32 to vector<16xi32>
        %add3A_215 = arith.addi %add3A_214, %iota3A : vector<16xi32>
        %min3A = arith.constant 127 : i32
        %min3A_216 = vector.broadcast %min3A : i32 to vector<16xi32>
        %min3A_217 = arith.minsi %add3A_215, %min3A_216 : vector<16xi32>
        %mul3A_218 = arith.constant -1640531535 : i32
        %mul3A_219 = vector.broadcast %mul3A_218 : i32 to vector<16xi32>
        %mul3A_220 = arith.muli %min3A_217, %mul3A_219 : vector<16xi32>
        %xor3A = arith.xori %min3A_217, %mul3A_220 : vector<16xi32>
        %and3A_221 = arith.constant 524287 : i32
        %and3A_222 = vector.broadcast %and3A_221 : i32 to vector<16xi32>
        %and3A_223 = arith.andi %xor3A, %and3A_222 : vector<16xi32>
        %shift_right_arithmetic3A = arith.constant 2 : i32
        %shift_right_arithmetic3A_224 = vector.broadcast %shift_right_arithmetic3A : i32 to vector<16xi32>
        %shift_right_arithmetic3A_225 = arith.shrsi %and3A_223, %shift_right_arithmetic3A_224 : vector<16xi32>
        %add3A_226 = vector.broadcast %mul3A_20 : i32 to vector<16xi32>
        %add3A_227 = arith.addi %shift_right_arithmetic3A_225, %add3A_226 : vector<16xi32>
        %shift_right_arithmetic3A_228 = arith.constant 3 : i32
        %shift_right_arithmetic3A_229 = arith.shrsi %scan3A_209, %shift_right_arithmetic3A_228 : i32
        %and3A_230 = arith.constant 7 : i32
        %and3A_231 = arith.andi %scan3A_209, %and3A_230 : i32
        %mul3A_232 = arith.constant 16 : i32
        %mul3A_233 = arith.muli %and3A_231, %mul3A_232 : i32
        %swap3A = arith.index_cast %shift_right_arithmetic3A_229 : i32 to index
        %swap3A_234 = arith.index_cast %mul3A_233 : i32 to index
        %swap3A_235 = tpu.vector_load %arg12[%swap3A, %swap3A_234] {strides = array<i32>} : memref<8x128xi32, #tpu.memory_space<vmem>>, vector<16xi32>,
        tpu.vector_store %arg12[%swap3A, %swap3A_234], %add3A_227 {strides = array<i32>} : memref<8x128xi32, #tpu.memory_space<vmem>>, vector<16xi32>,
        %and3A_236 = arith.constant 3 : i32
        %and3A_237 = vector.broadcast %and3A_236 : i32 to vector<16xi32>
        %and3A_238 = arith.andi %and3A_223, %and3A_237 : vector<16xi32>
        %shift_left3A = arith.constant 1 : i32
        %shift_left3A_239 = vector.broadcast %shift_left3A : i32 to vector<16xi32>
        %shift_left3A_240 = arith.shli %and3A_238, %shift_left3A_239 : vector<16xi32>
        %mul3A_241 = arith.constant 16 : i32
        %mul3A_242 = arith.muli %scan3A_209, %mul3A_241 : i32
        %swap3A_243 = arith.index_cast %mul3A_242 : i32 to index
        %swap3A_244 = tpu.vector_load %arg13[%swap3A_243] {strides = array<i32>} : memref<1024xi32, #tpu.memory_space<vmem>>, vector<16xi32>,
        tpu.vector_store %arg13[%swap3A_243], %shift_left3A_240 {strides = array<i32>} : memref<1024xi32, #tpu.memory_space<vmem>>, vector<16xi32>,
        %scan3A_245 = arith.constant 0 : i32
        scf.yield %scan3A_245 : i32
      }
      %scan3A_186 = arith.constant 64 : i32
      %scan3A_187 = arith.constant 0 : i32
      %scan3A_188 = arith.constant 0 : i32
      %scan3A_189 = arith.constant 8 : i32
      %scan3A_190 = arith.addi %scan3A_188, %scan3A_189 : i32
      %scan3A_191 = arith.constant 1 : i32
      %scan3A_192 = scf.for %scan3A_209 = %scan3A_188 to %scan3A_190 step %scan3A_191 iter_args(%scan3A_210 = %scan3A_187) -> (i32)  : i32 {
        %mul3A_211 = arith.constant 128 : i32
        %mul3A_212 = arith.muli %scan3A_209, %mul3A_211 : i32
        %dma_start3A_213 = arith.constant 0 : i32
        %dma_start3A_214 = arith.constant 0 : i32
        %dma_start3A_215 = tpu.memref_slice %arg8[%dma_start3A_213, %mul3A_212, %dma_start3A_214] : memref<2x1024x8xf32, #tpu.memory_space<vmem>> -> memref<1x128x8xf32, #tpu.memory_space<vmem>>
        %dma_start3A_216 = tpu.memref_squeeze %dma_start3A_215 : memref<1x128x8xf32, #tpu.memory_space<vmem>> -> memref<128x8xf32, #tpu.memory_space<vmem>>
        %dma_start3A_217 = arith.constant 0 : i32
        %dma_start3A_218 = tpu.memref_slice %arg12[%scan3A_209, %dma_start3A_217] : memref<8x128xi32, #tpu.memory_space<vmem>> -> memref<1x128xi32, #tpu.memory_space<vmem>>
        %dma_start3A_219 = tpu.memref_squeeze %dma_start3A_218 : memref<1x128xi32, #tpu.memory_space<vmem>> -> memref<128xi32, #tpu.memory_space<vmem>>
        %dma_start3A_220 = arith.constant 0 : i32
        %dma_start3A_221 = arith.constant 0 : i32
        %dma_start3A_222 = tpu.memref_slice %arg3[%dma_start3A_220, %dma_start3A_221] : memref<524288x8xf32, #tpu.memory_space<hbm>> -> memref<524288x8xf32, #tpu.memory_space<hbm>>
        tpu.enqueue_indirect_dma source(%dma_start3A_222 : memref<524288x8xf32, #tpu.memory_space<hbm>>) target(%dma_start3A_216 : memref<128x8xf32, #tpu.memory_space<vmem>>) offsets(%dma_start3A_219 : memref<128xi32, #tpu.memory_space<vmem>>) semaphore(%arg14 : memref<!tpu.dma_semaphore, #tpu.memory_space<semaphore_mem>>)
        %scan3A_223 = arith.constant 0 : i32
        scf.yield %scan3A_223 : i32
      }
      %scan3A_193 = arith.constant 8 : i32
      %scan3A_194 = arith.constant 0 : i32
      %scan3A_195 = arith.constant 0 : i32
      %scan3A_196 = arith.constant 8 : i32
      %scan3A_197 = arith.addi %scan3A_195, %scan3A_196 : i32
      %scan3A_198 = arith.constant 1 : i32
      %scan3A_199 = scf.for %scan3A_209 = %scan3A_195 to %scan3A_197 step %scan3A_198 iter_args(%scan3A_210 = %scan3A_194) -> (i32)  : i32 {
        %mul3A_211 = arith.constant 128 : i32
        %mul3A_212 = arith.muli %scan3A_209, %mul3A_211 : i32
        %dma_wait3A = arith.constant 0 : i32
        %dma_wait3A_213 = arith.constant 0 : i32
        %dma_wait3A_214 = tpu.memref_slice %arg8[%dma_wait3A, %mul3A_212, %dma_wait3A_213] : memref<2x1024x8xf32, #tpu.memory_space<vmem>> -> memref<1x128x8xf32, #tpu.memory_space<vmem>>
        %dma_wait3A_215 = tpu.memref_squeeze %dma_wait3A_214 : memref<1x128x8xf32, #tpu.memory_space<vmem>> -> memref<128x8xf32, #tpu.memory_space<vmem>>
        %dma_wait3A_216 = arith.constant 0 : i32
        %dma_wait3A_217 = tpu.memref_slice %arg12[%scan3A_209, %dma_wait3A_216] : memref<8x128xi32, #tpu.memory_space<vmem>> -> memref<1x128xi32, #tpu.memory_space<vmem>>
        %dma_wait3A_218 = tpu.memref_squeeze %dma_wait3A_217 : memref<1x128xi32, #tpu.memory_space<vmem>> -> memref<128xi32, #tpu.memory_space<vmem>>
        %dma_wait3A_219 = arith.constant 0 : i32
        %dma_wait3A_220 = arith.constant 0 : i32
        %dma_wait3A_221 = tpu.memref_slice %arg3[%dma_wait3A_219, %dma_wait3A_220] : memref<524288x8xf32, #tpu.memory_space<hbm>> -> memref<524288x8xf32, #tpu.memory_space<hbm>>
        tpu.wait_indirect_dma semaphore(%arg14 : memref<!tpu.dma_semaphore, #tpu.memory_space<semaphore_mem>>) src(%dma_wait3A_221 : memref<524288x8xf32, #tpu.memory_space<hbm>>) dst(%dma_wait3A_215 : memref<128x8xf32, #tpu.memory_space<vmem>>)
        %scan3A_222 = arith.constant 0 : i32
        scf.yield %scan3A_222 : i32
      }
      %scan3A_200 = arith.constant 8 : i32
      %scan3A_201 = arith.constant 0 : i32
      %scan3A_202 = arith.constant 0 : i32
      %scan3A_203 = arith.constant 64 : i32
      %scan3A_204 = arith.addi %scan3A_202, %scan3A_203 : i32
      %scan3A_205 = arith.constant 1 : i32
      %scan3A_206 = scf.for %scan3A_209 = %scan3A_202 to %scan3A_204 step %scan3A_205 iter_args(%scan3A_210 = %scan3A_201) -> (i32)  : i32 {
        %mul3A_211 = arith.constant 16 : i32
        %mul3A_212 = arith.muli %scan3A_209, %mul3A_211 : i32
        %get3A = arith.index_cast %mul3A_212 : i32 to index
        %get3A_213 = tpu.vector_load %arg13[%get3A] {strides = array<i32>} : memref<1024xi32, #tpu.memory_space<vmem>>, vector<16xi32>,
        %add3A_214 = vector.broadcast %mul3A_212 : i32 to vector<16xi32>
        %add3A_215 = arith.addi %add3A_214, %iota3A : vector<16xi32>
        %gather3A = tpu.vector_load_idx %arg8[%mul3A_23, %add3A_215, %get3A_213] : memref<2x1024x8xf32, #tpu.memory_space<vmem>>[vector<16xi32>, vector<16xi32>, vector<16xi32>], vector<16xf32>,
        %add3A_216 = arith.constant 1 : i32
        %add3A_217 = vector.broadcast %add3A_216 : i32 to vector<16xi32>
        %add3A_218 = arith.addi %get3A_213, %add3A_217 : vector<16xi32>
        %gather3A_219 = tpu.vector_load_idx %arg8[%mul3A_23, %add3A_215, %add3A_218] : memref<2x1024x8xf32, #tpu.memory_space<vmem>>[vector<16xi32>, vector<16xi32>, vector<16xi32>], vector<16xf32>,
        %add3A_220 = arith.constant 3072 : i32
        %add3A_221 = arith.addi %add3A_220, %mul3A_179 : i32
        %add3A_222 = arith.addi %add3A_221, %mul3A_212 : i32
        %swap3A = arith.index_cast %add3A_222 : i32 to index
        %swap3A_223 = tpu.vector_load %arg10[%swap3A] {strides = array<i32>} : memref<13312xf32, #tpu.memory_space<vmem>>, vector<16xf32>,
        tpu.vector_store %arg10[%swap3A], %gather3A {strides = array<i32>} : memref<13312xf32, #tpu.memory_space<vmem>>, vector<16xf32>,
        %swap3A_224 = arith.index_cast %add3A_222 : i32 to index
        %swap3A_225 = tpu.vector_load %arg11[%swap3A_224] {strides = array<i32>} : memref<13312xf32, #tpu.memory_space<vmem>>, vector<16xf32>,
        tpu.vector_store %arg11[%swap3A_224], %gather3A_219 {strides = array<i32>} : memref<13312xf32, #tpu.memory_space<vmem>>, vector<16xf32>,
        %scan3A_226 = arith.constant 0 : i32
        scf.yield %scan3A_226 : i32
      }
      %scan3A_207 = arith.constant 64 : i32
      %while3A_208 = arith.constant 0 : i32
      scf.yield %while3A_208 : i32
    }
    %while3A_75 = arith.constant 0 : i32
    %while3A_76 = arith.constant 1 : i32
    %while3A_77 = arith.constant 0 : i32
    %while3A_78 = arith.subi %while3A_76, %while3A_75 : i32
    %while3A_79 = arith.addi %while3A_75, %while3A_78 : i32
    %while3A_80 = arith.constant 1 : i32
    %while3A_81 = arith.divsi %while3A_78, %while3A_80 : i32
    %while3A_82 = arith.muli %while3A_81, %while3A_80 : i32
    %while3A_83 = arith.addi %while3A_75, %while3A_82 : i32
    %while3A_84 = arith.constant 1 : i32
    %while3A_85 = scf.for %while3A_176 = %while3A_75 to %while3A_83 step %while3A_84 iter_args(%while3A_177 = %while3A_77) -> (i32)  : i32 {
      %mul3A_178 = arith.constant 1024 : i32
      %mul3A_179 = arith.muli %while3A_176, %mul3A_178 : i32
      %scan3A_180 = arith.constant 0 : i32
      %scan3A_181 = arith.constant 0 : i32
      %scan3A_182 = arith.constant 64 : i32
      %scan3A_183 = arith.addi %scan3A_181, %scan3A_182 : i32
      %scan3A_184 = arith.constant 1 : i32
      %scan3A_185 = scf.for %scan3A_209 = %scan3A_181 to %scan3A_183 step %scan3A_184 iter_args(%scan3A_210 = %scan3A_180) -> (i32)  : i32 {
        %mul3A_211 = arith.constant 16 : i32
        %mul3A_212 = arith.muli %scan3A_209, %mul3A_211 : i32
        %add3A_213 = arith.addi %mul3A_179, %mul3A_212 : i32
        %add3A_214 = vector.broadcast %add3A_213 : i32 to vector<16xi32>
        %add3A_215 = arith.addi %add3A_214, %iota3A : vector<16xi32>
        %min3A = arith.constant 255 : i32
        %min3A_216 = vector.broadcast %min3A : i32 to vector<16xi32>
        %min3A_217 = arith.minsi %add3A_215, %min3A_216 : vector<16xi32>
        %mul3A_218 = arith.constant -1640531535 : i32
        %mul3A_219 = vector.broadcast %mul3A_218 : i32 to vector<16xi32>
        %mul3A_220 = arith.muli %min3A_217, %mul3A_219 : vector<16xi32>
        %xor3A = arith.xori %min3A_217, %mul3A_220 : vector<16xi32>
        %and3A_221 = arith.constant 524287 : i32
        %and3A_222 = vector.broadcast %and3A_221 : i32 to vector<16xi32>
        %and3A_223 = arith.andi %xor3A, %and3A_222 : vector<16xi32>
        %shift_right_arithmetic3A = arith.constant 2 : i32
        %shift_right_arithmetic3A_224 = vector.broadcast %shift_right_arithmetic3A : i32 to vector<16xi32>
        %shift_right_arithmetic3A_225 = arith.shrsi %and3A_223, %shift_right_arithmetic3A_224 : vector<16xi32>
        %add3A_226 = vector.broadcast %mul3A_20 : i32 to vector<16xi32>
        %add3A_227 = arith.addi %shift_right_arithmetic3A_225, %add3A_226 : vector<16xi32>
        %shift_right_arithmetic3A_228 = arith.constant 3 : i32
        %shift_right_arithmetic3A_229 = arith.shrsi %scan3A_209, %shift_right_arithmetic3A_228 : i32
        %and3A_230 = arith.constant 7 : i32
        %and3A_231 = arith.andi %scan3A_209, %and3A_230 : i32
        %mul3A_232 = arith.constant 16 : i32
        %mul3A_233 = arith.muli %and3A_231, %mul3A_232 : i32
        %swap3A = arith.index_cast %shift_right_arithmetic3A_229 : i32 to index
        %swap3A_234 = arith.index_cast %mul3A_233 : i32 to index
        %swap3A_235 = tpu.vector_load %arg12[%swap3A, %swap3A_234] {strides = array<i32>} : memref<8x128xi32, #tpu.memory_space<vmem>>, vector<16xi32>,
        tpu.vector_store %arg12[%swap3A, %swap3A_234], %add3A_227 {strides = array<i32>} : memref<8x128xi32, #tpu.memory_space<vmem>>, vector<16xi32>,
        %and3A_236 = arith.constant 3 : i32
        %and3A_237 = vector.broadcast %and3A_236 : i32 to vector<16xi32>
        %and3A_238 = arith.andi %and3A_223, %and3A_237 : vector<16xi32>
        %shift_left3A = arith.constant 1 : i32
        %shift_left3A_239 = vector.broadcast %shift_left3A : i32 to vector<16xi32>
        %shift_left3A_240 = arith.shli %and3A_238, %shift_left3A_239 : vector<16xi32>
        %mul3A_241 = arith.constant 16 : i32
        %mul3A_242 = arith.muli %scan3A_209, %mul3A_241 : i32
        %swap3A_243 = arith.index_cast %mul3A_242 : i32 to index
        %swap3A_244 = tpu.vector_load %arg13[%swap3A_243] {strides = array<i32>} : memref<1024xi32, #tpu.memory_space<vmem>>, vector<16xi32>,
        tpu.vector_store %arg13[%swap3A_243], %shift_left3A_240 {strides = array<i32>} : memref<1024xi32, #tpu.memory_space<vmem>>, vector<16xi32>,
        %scan3A_245 = arith.constant 0 : i32
        scf.yield %scan3A_245 : i32
      }
      %scan3A_186 = arith.constant 64 : i32
      %scan3A_187 = arith.constant 0 : i32
      %scan3A_188 = arith.constant 0 : i32
      %scan3A_189 = arith.constant 8 : i32
      %scan3A_190 = arith.addi %scan3A_188, %scan3A_189 : i32
      %scan3A_191 = arith.constant 1 : i32
      %scan3A_192 = scf.for %scan3A_209 = %scan3A_188 to %scan3A_190 step %scan3A_191 iter_args(%scan3A_210 = %scan3A_187) -> (i32)  : i32 {
        %mul3A_211 = arith.constant 128 : i32
        %mul3A_212 = arith.muli %scan3A_209, %mul3A_211 : i32
        %dma_start3A_213 = arith.constant 0 : i32
        %dma_start3A_214 = arith.constant 0 : i32
        %dma_start3A_215 = tpu.memref_slice %arg8[%dma_start3A_213, %mul3A_212, %dma_start3A_214] : memref<2x1024x8xf32, #tpu.memory_space<vmem>> -> memref<1x128x8xf32, #tpu.memory_space<vmem>>
        %dma_start3A_216 = tpu.memref_squeeze %dma_start3A_215 : memref<1x128x8xf32, #tpu.memory_space<vmem>> -> memref<128x8xf32, #tpu.memory_space<vmem>>
        %dma_start3A_217 = arith.constant 0 : i32
        %dma_start3A_218 = tpu.memref_slice %arg12[%scan3A_209, %dma_start3A_217] : memref<8x128xi32, #tpu.memory_space<vmem>> -> memref<1x128xi32, #tpu.memory_space<vmem>>
        %dma_start3A_219 = tpu.memref_squeeze %dma_start3A_218 : memref<1x128xi32, #tpu.memory_space<vmem>> -> memref<128xi32, #tpu.memory_space<vmem>>
        %dma_start3A_220 = arith.constant 0 : i32
        %dma_start3A_221 = arith.constant 0 : i32
        %dma_start3A_222 = tpu.memref_slice %arg3[%dma_start3A_220, %dma_start3A_221] : memref<524288x8xf32, #tpu.memory_space<hbm>> -> memref<524288x8xf32, #tpu.memory_space<hbm>>
        tpu.enqueue_indirect_dma source(%dma_start3A_222 : memref<524288x8xf32, #tpu.memory_space<hbm>>) target(%dma_start3A_216 : memref<128x8xf32, #tpu.memory_space<vmem>>) offsets(%dma_start3A_219 : memref<128xi32, #tpu.memory_space<vmem>>) semaphore(%arg14 : memref<!tpu.dma_semaphore, #tpu.memory_space<semaphore_mem>>)
        %scan3A_223 = arith.constant 0 : i32
        scf.yield %scan3A_223 : i32
      }
      %scan3A_193 = arith.constant 8 : i32
      %scan3A_194 = arith.constant 0 : i32
      %scan3A_195 = arith.constant 0 : i32
      %scan3A_196 = arith.constant 8 : i32
      %scan3A_197 = arith.addi %scan3A_195, %scan3A_196 : i32
      %scan3A_198 = arith.constant 1 : i32
      %scan3A_199 = scf.for %scan3A_209 = %scan3A_195 to %scan3A_197 step %scan3A_198 iter_args(%scan3A_210 = %scan3A_194) -> (i32)  : i32 {
        %mul3A_211 = arith.constant 128 : i32
        %mul3A_212 = arith.muli %scan3A_209, %mul3A_211 : i32
        %dma_wait3A = arith.constant 0 : i32
        %dma_wait3A_213 = arith.constant 0 : i32
        %dma_wait3A_214 = tpu.memref_slice %arg8[%dma_wait3A, %mul3A_212, %dma_wait3A_213] : memref<2x1024x8xf32, #tpu.memory_space<vmem>> -> memref<1x128x8xf32, #tpu.memory_space<vmem>>
        %dma_wait3A_215 = tpu.memref_squeeze %dma_wait3A_214 : memref<1x128x8xf32, #tpu.memory_space<vmem>> -> memref<128x8xf32, #tpu.memory_space<vmem>>
        %dma_wait3A_216 = arith.constant 0 : i32
        %dma_wait3A_217 = tpu.memref_slice %arg12[%scan3A_209, %dma_wait3A_216] : memref<8x128xi32, #tpu.memory_space<vmem>> -> memref<1x128xi32, #tpu.memory_space<vmem>>
        %dma_wait3A_218 = tpu.memref_squeeze %dma_wait3A_217 : memref<1x128xi32, #tpu.memory_space<vmem>> -> memref<128xi32, #tpu.memory_space<vmem>>
        %dma_wait3A_219 = arith.constant 0 : i32
        %dma_wait3A_220 = arith.constant 0 : i32
        %dma_wait3A_221 = tpu.memref_slice %arg3[%dma_wait3A_219, %dma_wait3A_220] : memref<524288x8xf32, #tpu.memory_space<hbm>> -> memref<524288x8xf32, #tpu.memory_space<hbm>>
        tpu.wait_indirect_dma semaphore(%arg14 : memref<!tpu.dma_semaphore, #tpu.memory_space<semaphore_mem>>) src(%dma_wait3A_221 : memref<524288x8xf32, #tpu.memory_space<hbm>>) dst(%dma_wait3A_215 : memref<128x8xf32, #tpu.memory_space<vmem>>)
        %scan3A_222 = arith.constant 0 : i32
        scf.yield %scan3A_222 : i32
      }
      %scan3A_200 = arith.constant 8 : i32
      %scan3A_201 = arith.constant 0 : i32
      %scan3A_202 = arith.constant 0 : i32
      %scan3A_203 = arith.constant 64 : i32
      %scan3A_204 = arith.addi %scan3A_202, %scan3A_203 : i32
      %scan3A_205 = arith.constant 1 : i32
      %scan3A_206 = scf.for %scan3A_209 = %scan3A_202 to %scan3A_204 step %scan3A_205 iter_args(%scan3A_210 = %scan3A_201) -> (i32)  : i32 {
        %mul3A_211 = arith.constant 16 : i32
        %mul3A_212 = arith.muli %scan3A_209, %mul3A_211 : i32
        %get3A = arith.index_cast %mul3A_212 : i32 to index
        %get3A_213 = tpu.vector_load %arg13[%get3A] {strides = array<i32>} : memref<1024xi32, #tpu.memory_space<vmem>>, vector<16xi32>,
        %add3A_214 = vector.broadcast %mul3A_212 : i32 to vector<16xi32>
        %add3A_215 = arith.addi %add3A_214, %iota3A : vector<16xi32>
        %gather3A = tpu.vector_load_idx %arg8[%mul3A_23, %add3A_215, %get3A_213] : memref<2x1024x8xf32, #tpu.memory_space<vmem>>[vector<16xi32>, vector<16xi32>, vector<16xi32>], vector<16xf32>,
        %add3A_216 = arith.constant 1 : i32
        %add3A_217 = vector.broadcast %add3A_216 : i32 to vector<16xi32>
        %add3A_218 = arith.addi %get3A_213, %add3A_217 : vector<16xi32>
        %gather3A_219 = tpu.vector_load_idx %arg8[%mul3A_23, %add3A_215, %add3A_218] : memref<2x1024x8xf32, #tpu.memory_space<vmem>>[vector<16xi32>, vector<16xi32>, vector<16xi32>], vector<16xf32>,
        %add3A_220 = arith.constant 4096 : i32
        %add3A_221 = arith.addi %add3A_220, %mul3A_179 : i32
        %add3A_222 = arith.addi %add3A_221, %mul3A_212 : i32
        %swap3A = arith.index_cast %add3A_222 : i32 to index
        %swap3A_223 = tpu.vector_load %arg10[%swap3A] {strides = array<i32>} : memref<13312xf32, #tpu.memory_space<vmem>>, vector<16xf32>,
        tpu.vector_store %arg10[%swap3A], %gather3A {strides = array<i32>} : memref<13312xf32, #tpu.memory_space<vmem>>, vector<16xf32>,
        %swap3A_224 = arith.index_cast %add3A_222 : i32 to index
        %swap3A_225 = tpu.vector_load %arg11[%swap3A_224] {strides = array<i32>} : memref<13312xf32, #tpu.memory_space<vmem>>, vector<16xf32>,
        tpu.vector_store %arg11[%swap3A_224], %gather3A_219 {strides = array<i32>} : memref<13312xf32, #tpu.memory_space<vmem>>, vector<16xf32>,
        %scan3A_226 = arith.constant 0 : i32
        scf.yield %scan3A_226 : i32
      }
      %scan3A_207 = arith.constant 64 : i32
      %while3A_208 = arith.constant 0 : i32
      scf.yield %while3A_208 : i32
    }
    %while3A_86 = arith.constant 1 : i32
    %while3A_87 = scf.for %while3A_176 = %while3A_83 to %while3A_79 step %while3A_86 iter_args(%while3A_177 = %while3A_85) -> (i32)  : i32 {
      %mul3A_178 = arith.constant 1024 : i32
      %mul3A_179 = arith.muli %while3A_176, %mul3A_178 : i32
      %scan3A_180 = arith.constant 0 : i32
      %scan3A_181 = arith.constant 0 : i32
      %scan3A_182 = arith.constant 64 : i32
      %scan3A_183 = arith.addi %scan3A_181, %scan3A_182 : i32
      %scan3A_184 = arith.constant 1 : i32
      %scan3A_185 = scf.for %scan3A_209 = %scan3A_181 to %scan3A_183 step %scan3A_184 iter_args(%scan3A_210 = %scan3A_180) -> (i32)  : i32 {
        %mul3A_211 = arith.constant 16 : i32
        %mul3A_212 = arith.muli %scan3A_209, %mul3A_211 : i32
        %add3A_213 = arith.addi %mul3A_179, %mul3A_212 : i32
        %add3A_214 = vector.broadcast %add3A_213 : i32 to vector<16xi32>
        %add3A_215 = arith.addi %add3A_214, %iota3A : vector<16xi32>
        %min3A = arith.constant 255 : i32
        %min3A_216 = vector.broadcast %min3A : i32 to vector<16xi32>
        %min3A_217 = arith.minsi %add3A_215, %min3A_216 : vector<16xi32>
        %mul3A_218 = arith.constant -1640531535 : i32
        %mul3A_219 = vector.broadcast %mul3A_218 : i32 to vector<16xi32>
        %mul3A_220 = arith.muli %min3A_217, %mul3A_219 : vector<16xi32>
        %xor3A = arith.xori %min3A_217, %mul3A_220 : vector<16xi32>
        %and3A_221 = arith.constant 524287 : i32
        %and3A_222 = vector.broadcast %and3A_221 : i32 to vector<16xi32>
        %and3A_223 = arith.andi %xor3A, %and3A_222 : vector<16xi32>
        %shift_right_arithmetic3A = arith.constant 2 : i32
        %shift_right_arithmetic3A_224 = vector.broadcast %shift_right_arithmetic3A : i32 to vector<16xi32>
        %shift_right_arithmetic3A_225 = arith.shrsi %and3A_223, %shift_right_arithmetic3A_224 : vector<16xi32>
        %add3A_226 = vector.broadcast %mul3A_20 : i32 to vector<16xi32>
        %add3A_227 = arith.addi %shift_right_arithmetic3A_225, %add3A_226 : vector<16xi32>
        %shift_right_arithmetic3A_228 = arith.constant 3 : i32
        %shift_right_arithmetic3A_229 = arith.shrsi %scan3A_209, %shift_right_arithmetic3A_228 : i32
        %and3A_230 = arith.constant 7 : i32
        %and3A_231 = arith.andi %scan3A_209, %and3A_230 : i32
        %mul3A_232 = arith.constant 16 : i32
        %mul3A_233 = arith.muli %and3A_231, %mul3A_232 : i32
        %swap3A = arith.index_cast %shift_right_arithmetic3A_229 : i32 to index
        %swap3A_234 = arith.index_cast %mul3A_233 : i32 to index
        %swap3A_235 = tpu.vector_load %arg12[%swap3A, %swap3A_234] {strides = array<i32>} : memref<8x128xi32, #tpu.memory_space<vmem>>, vector<16xi32>,
        tpu.vector_store %arg12[%swap3A, %swap3A_234], %add3A_227 {strides = array<i32>} : memref<8x128xi32, #tpu.memory_space<vmem>>, vector<16xi32>,
        %and3A_236 = arith.constant 3 : i32
        %and3A_237 = vector.broadcast %and3A_236 : i32 to vector<16xi32>
        %and3A_238 = arith.andi %and3A_223, %and3A_237 : vector<16xi32>
        %shift_left3A = arith.constant 1 : i32
        %shift_left3A_239 = vector.broadcast %shift_left3A : i32 to vector<16xi32>
        %shift_left3A_240 = arith.shli %and3A_238, %shift_left3A_239 : vector<16xi32>
        %mul3A_241 = arith.constant 16 : i32
        %mul3A_242 = arith.muli %scan3A_209, %mul3A_241 : i32
        %swap3A_243 = arith.index_cast %mul3A_242 : i32 to index
        %swap3A_244 = tpu.vector_load %arg13[%swap3A_243] {strides = array<i32>} : memref<1024xi32, #tpu.memory_space<vmem>>, vector<16xi32>,
        tpu.vector_store %arg13[%swap3A_243], %shift_left3A_240 {strides = array<i32>} : memref<1024xi32, #tpu.memory_space<vmem>>, vector<16xi32>,
        %scan3A_245 = arith.constant 0 : i32
        scf.yield %scan3A_245 : i32
      }
      %scan3A_186 = arith.constant 64 : i32
      %scan3A_187 = arith.constant 0 : i32
      %scan3A_188 = arith.constant 0 : i32
      %scan3A_189 = arith.constant 8 : i32
      %scan3A_190 = arith.addi %scan3A_188, %scan3A_189 : i32
      %scan3A_191 = arith.constant 1 : i32
      %scan3A_192 = scf.for %scan3A_209 = %scan3A_188 to %scan3A_190 step %scan3A_191 iter_args(%scan3A_210 = %scan3A_187) -> (i32)  : i32 {
        %mul3A_211 = arith.constant 128 : i32
        %mul3A_212 = arith.muli %scan3A_209, %mul3A_211 : i32
        %dma_start3A_213 = arith.constant 0 : i32
        %dma_start3A_214 = arith.constant 0 : i32
        %dma_start3A_215 = tpu.memref_slice %arg8[%dma_start3A_213, %mul3A_212, %dma_start3A_214] : memref<2x1024x8xf32, #tpu.memory_space<vmem>> -> memref<1x128x8xf32, #tpu.memory_space<vmem>>
        %dma_start3A_216 = tpu.memref_squeeze %dma_start3A_215 : memref<1x128x8xf32, #tpu.memory_space<vmem>> -> memref<128x8xf32, #tpu.memory_space<vmem>>
        %dma_start3A_217 = arith.constant 0 : i32
        %dma_start3A_218 = tpu.memref_slice %arg12[%scan3A_209, %dma_start3A_217] : memref<8x128xi32, #tpu.memory_space<vmem>> -> memref<1x128xi32, #tpu.memory_space<vmem>>
        %dma_start3A_219 = tpu.memref_squeeze %dma_start3A_218 : memref<1x128xi32, #tpu.memory_space<vmem>> -> memref<128xi32, #tpu.memory_space<vmem>>
        %dma_start3A_220 = arith.constant 0 : i32
        %dma_start3A_221 = arith.constant 0 : i32
        %dma_start3A_222 = tpu.memref_slice %arg3[%dma_start3A_220, %dma_start3A_221] : memref<524288x8xf32, #tpu.memory_space<hbm>> -> memref<524288x8xf32, #tpu.memory_space<hbm>>
        tpu.enqueue_indirect_dma source(%dma_start3A_222 : memref<524288x8xf32, #tpu.memory_space<hbm>>) target(%dma_start3A_216 : memref<128x8xf32, #tpu.memory_space<vmem>>) offsets(%dma_start3A_219 : memref<128xi32, #tpu.memory_space<vmem>>) semaphore(%arg14 : memref<!tpu.dma_semaphore, #tpu.memory_space<semaphore_mem>>)
        %scan3A_223 = arith.constant 0 : i32
        scf.yield %scan3A_223 : i32
      }
      %scan3A_193 = arith.constant 8 : i32
      %scan3A_194 = arith.constant 0 : i32
      %scan3A_195 = arith.constant 0 : i32
      %scan3A_196 = arith.constant 8 : i32
      %scan3A_197 = arith.addi %scan3A_195, %scan3A_196 : i32
      %scan3A_198 = arith.constant 1 : i32
      %scan3A_199 = scf.for %scan3A_209 = %scan3A_195 to %scan3A_197 step %scan3A_198 iter_args(%scan3A_210 = %scan3A_194) -> (i32)  : i32 {
        %mul3A_211 = arith.constant 128 : i32
        %mul3A_212 = arith.muli %scan3A_209, %mul3A_211 : i32
        %dma_wait3A = arith.constant 0 : i32
        %dma_wait3A_213 = arith.constant 0 : i32
        %dma_wait3A_214 = tpu.memref_slice %arg8[%dma_wait3A, %mul3A_212, %dma_wait3A_213] : memref<2x1024x8xf32, #tpu.memory_space<vmem>> -> memref<1x128x8xf32, #tpu.memory_space<vmem>>
        %dma_wait3A_215 = tpu.memref_squeeze %dma_wait3A_214 : memref<1x128x8xf32, #tpu.memory_space<vmem>> -> memref<128x8xf32, #tpu.memory_space<vmem>>
        %dma_wait3A_216 = arith.constant 0 : i32
        %dma_wait3A_217 = tpu.memref_slice %arg12[%scan3A_209, %dma_wait3A_216] : memref<8x128xi32, #tpu.memory_space<vmem>> -> memref<1x128xi32, #tpu.memory_space<vmem>>
        %dma_wait3A_218 = tpu.memref_squeeze %dma_wait3A_217 : memref<1x128xi32, #tpu.memory_space<vmem>> -> memref<128xi32, #tpu.memory_space<vmem>>
        %dma_wait3A_219 = arith.constant 0 : i32
        %dma_wait3A_220 = arith.constant 0 : i32
        %dma_wait3A_221 = tpu.memref_slice %arg3[%dma_wait3A_219, %dma_wait3A_220] : memref<524288x8xf32, #tpu.memory_space<hbm>> -> memref<524288x8xf32, #tpu.memory_space<hbm>>
        tpu.wait_indirect_dma semaphore(%arg14 : memref<!tpu.dma_semaphore, #tpu.memory_space<semaphore_mem>>) src(%dma_wait3A_221 : memref<524288x8xf32, #tpu.memory_space<hbm>>) dst(%dma_wait3A_215 : memref<128x8xf32, #tpu.memory_space<vmem>>)
        %scan3A_222 = arith.constant 0 : i32
        scf.yield %scan3A_222 : i32
      }
      %scan3A_200 = arith.constant 8 : i32
      %scan3A_201 = arith.constant 0 : i32
      %scan3A_202 = arith.constant 0 : i32
      %scan3A_203 = arith.constant 64 : i32
      %scan3A_204 = arith.addi %scan3A_202, %scan3A_203 : i32
      %scan3A_205 = arith.constant 1 : i32
      %scan3A_206 = scf.for %scan3A_209 = %scan3A_202 to %scan3A_204 step %scan3A_205 iter_args(%scan3A_210 = %scan3A_201) -> (i32)  : i32 {
        %mul3A_211 = arith.constant 16 : i32
        %mul3A_212 = arith.muli %scan3A_209, %mul3A_211 : i32
        %get3A = arith.index_cast %mul3A_212 : i32 to index
        %get3A_213 = tpu.vector_load %arg13[%get3A] {strides = array<i32>} : memref<1024xi32, #tpu.memory_space<vmem>>, vector<16xi32>,
        %add3A_214 = vector.broadcast %mul3A_212 : i32 to vector<16xi32>
        %add3A_215 = arith.addi %add3A_214, %iota3A : vector<16xi32>
        %gather3A = tpu.vector_load_idx %arg8[%mul3A_23, %add3A_215, %get3A_213] : memref<2x1024x8xf32, #tpu.memory_space<vmem>>[vector<16xi32>, vector<16xi32>, vector<16xi32>], vector<16xf32>,
        %add3A_216 = arith.constant 1 : i32
        %add3A_217 = vector.broadcast %add3A_216 : i32 to vector<16xi32>
        %add3A_218 = arith.addi %get3A_213, %add3A_217 : vector<16xi32>
        %gather3A_219 = tpu.vector_load_idx %arg8[%mul3A_23, %add3A_215, %add3A_218] : memref<2x1024x8xf32, #tpu.memory_space<vmem>>[vector<16xi32>, vector<16xi32>, vector<16xi32>], vector<16xf32>,
        %add3A_220 = arith.constant 4096 : i32
        %add3A_221 = arith.addi %add3A_220, %mul3A_179 : i32
        %add3A_222 = arith.addi %add3A_221, %mul3A_212 : i32
        %swap3A = arith.index_cast %add3A_222 : i32 to index
        %swap3A_223 = tpu.vector_load %arg10[%swap3A] {strides = array<i32>} : memref<13312xf32, #tpu.memory_space<vmem>>, vector<16xf32>,
        tpu.vector_store %arg10[%swap3A], %gather3A {strides = array<i32>} : memref<13312xf32, #tpu.memory_space<vmem>>, vector<16xf32>,
        %swap3A_224 = arith.index_cast %add3A_222 : i32 to index
        %swap3A_225 = tpu.vector_load %arg11[%swap3A_224] {strides = array<i32>} : memref<13312xf32, #tpu.memory_space<vmem>>, vector<16xf32>,
        tpu.vector_store %arg11[%swap3A_224], %gather3A_219 {strides = array<i32>} : memref<13312xf32, #tpu.memory_space<vmem>>, vector<16xf32>,
        %scan3A_226 = arith.constant 0 : i32
        scf.yield %scan3A_226 : i32
      }
      %scan3A_207 = arith.constant 64 : i32
      %while3A_208 = arith.constant 0 : i32
      scf.yield %while3A_208 : i32
    }
    %while3A_88 = arith.constant 0 : i32
    %while3A_89 = arith.constant 1 : i32
    %while3A_90 = arith.constant 0 : i32
    %while3A_91 = arith.subi %while3A_89, %while3A_88 : i32
    %while3A_92 = arith.addi %while3A_88, %while3A_91 : i32
    %while3A_93 = arith.constant 1 : i32
    %while3A_94 = arith.divsi %while3A_91, %while3A_93 : i32
    %while3A_95 = arith.muli %while3A_94, %while3A_93 : i32
    %while3A_96 = arith.addi %while3A_88, %while3A_95 : i32
    %while3A_97 = arith.constant 1 : i32
    %while3A_98 = scf.for %while3A_176 = %while3A_88 to %while3A_96 step %while3A_97 iter_args(%while3A_177 = %while3A_90) -> (i32)  : i32 {
      %mul3A_178 = arith.constant 1024 : i32
      %mul3A_179 = arith.muli %while3A_176, %mul3A_178 : i32
      %scan3A_180 = arith.constant 0 : i32
      %scan3A_181 = arith.constant 0 : i32
      %scan3A_182 = arith.constant 64 : i32
      %scan3A_183 = arith.addi %scan3A_181, %scan3A_182 : i32
      %scan3A_184 = arith.constant 1 : i32
      %scan3A_185 = scf.for %scan3A_209 = %scan3A_181 to %scan3A_183 step %scan3A_184 iter_args(%scan3A_210 = %scan3A_180) -> (i32)  : i32 {
        %mul3A_211 = arith.constant 16 : i32
        %mul3A_212 = arith.muli %scan3A_209, %mul3A_211 : i32
        %add3A_213 = arith.addi %mul3A_179, %mul3A_212 : i32
        %add3A_214 = vector.broadcast %add3A_213 : i32 to vector<16xi32>
        %add3A_215 = arith.addi %add3A_214, %iota3A : vector<16xi32>
        %min3A = arith.constant 511 : i32
        %min3A_216 = vector.broadcast %min3A : i32 to vector<16xi32>
        %min3A_217 = arith.minsi %add3A_215, %min3A_216 : vector<16xi32>
        %mul3A_218 = arith.constant -1640531535 : i32
        %mul3A_219 = vector.broadcast %mul3A_218 : i32 to vector<16xi32>
        %mul3A_220 = arith.muli %min3A_217, %mul3A_219 : vector<16xi32>
        %xor3A = arith.xori %min3A_217, %mul3A_220 : vector<16xi32>
        %and3A_221 = arith.constant 524287 : i32
        %and3A_222 = vector.broadcast %and3A_221 : i32 to vector<16xi32>
        %and3A_223 = arith.andi %xor3A, %and3A_222 : vector<16xi32>
        %shift_right_arithmetic3A = arith.constant 2 : i32
        %shift_right_arithmetic3A_224 = vector.broadcast %shift_right_arithmetic3A : i32 to vector<16xi32>
        %shift_right_arithmetic3A_225 = arith.shrsi %and3A_223, %shift_right_arithmetic3A_224 : vector<16xi32>
        %add3A_226 = vector.broadcast %mul3A_20 : i32 to vector<16xi32>
        %add3A_227 = arith.addi %shift_right_arithmetic3A_225, %add3A_226 : vector<16xi32>
        %shift_right_arithmetic3A_228 = arith.constant 3 : i32
        %shift_right_arithmetic3A_229 = arith.shrsi %scan3A_209, %shift_right_arithmetic3A_228 : i32
        %and3A_230 = arith.constant 7 : i32
        %and3A_231 = arith.andi %scan3A_209, %and3A_230 : i32
        %mul3A_232 = arith.constant 16 : i32
        %mul3A_233 = arith.muli %and3A_231, %mul3A_232 : i32
        %swap3A = arith.index_cast %shift_right_arithmetic3A_229 : i32 to index
        %swap3A_234 = arith.index_cast %mul3A_233 : i32 to index
        %swap3A_235 = tpu.vector_load %arg12[%swap3A, %swap3A_234] {strides = array<i32>} : memref<8x128xi32, #tpu.memory_space<vmem>>, vector<16xi32>,
        tpu.vector_store %arg12[%swap3A, %swap3A_234], %add3A_227 {strides = array<i32>} : memref<8x128xi32, #tpu.memory_space<vmem>>, vector<16xi32>,
        %and3A_236 = arith.constant 3 : i32
        %and3A_237 = vector.broadcast %and3A_236 : i32 to vector<16xi32>
        %and3A_238 = arith.andi %and3A_223, %and3A_237 : vector<16xi32>
        %shift_left3A = arith.constant 1 : i32
        %shift_left3A_239 = vector.broadcast %shift_left3A : i32 to vector<16xi32>
        %shift_left3A_240 = arith.shli %and3A_238, %shift_left3A_239 : vector<16xi32>
        %mul3A_241 = arith.constant 16 : i32
        %mul3A_242 = arith.muli %scan3A_209, %mul3A_241 : i32
        %swap3A_243 = arith.index_cast %mul3A_242 : i32 to index
        %swap3A_244 = tpu.vector_load %arg13[%swap3A_243] {strides = array<i32>} : memref<1024xi32, #tpu.memory_space<vmem>>, vector<16xi32>,
        tpu.vector_store %arg13[%swap3A_243], %shift_left3A_240 {strides = array<i32>} : memref<1024xi32, #tpu.memory_space<vmem>>, vector<16xi32>,
        %scan3A_245 = arith.constant 0 : i32
        scf.yield %scan3A_245 : i32
      }
      %scan3A_186 = arith.constant 64 : i32
      %scan3A_187 = arith.constant 0 : i32
      %scan3A_188 = arith.constant 0 : i32
      %scan3A_189 = arith.constant 8 : i32
      %scan3A_190 = arith.addi %scan3A_188, %scan3A_189 : i32
      %scan3A_191 = arith.constant 1 : i32
      %scan3A_192 = scf.for %scan3A_209 = %scan3A_188 to %scan3A_190 step %scan3A_191 iter_args(%scan3A_210 = %scan3A_187) -> (i32)  : i32 {
        %mul3A_211 = arith.constant 128 : i32
        %mul3A_212 = arith.muli %scan3A_209, %mul3A_211 : i32
        %dma_start3A_213 = arith.constant 0 : i32
        %dma_start3A_214 = arith.constant 0 : i32
        %dma_start3A_215 = tpu.memref_slice %arg8[%dma_start3A_213, %mul3A_212, %dma_start3A_214] : memref<2x1024x8xf32, #tpu.memory_space<vmem>> -> memref<1x128x8xf32, #tpu.memory_space<vmem>>
        %dma_start3A_216 = tpu.memref_squeeze %dma_start3A_215 : memref<1x128x8xf32, #tpu.memory_space<vmem>> -> memref<128x8xf32, #tpu.memory_space<vmem>>
        %dma_start3A_217 = arith.constant 0 : i32
        %dma_start3A_218 = tpu.memref_slice %arg12[%scan3A_209, %dma_start3A_217] : memref<8x128xi32, #tpu.memory_space<vmem>> -> memref<1x128xi32, #tpu.memory_space<vmem>>
        %dma_start3A_219 = tpu.memref_squeeze %dma_start3A_218 : memref<1x128xi32, #tpu.memory_space<vmem>> -> memref<128xi32, #tpu.memory_space<vmem>>
        %dma_start3A_220 = arith.constant 0 : i32
        %dma_start3A_221 = arith.constant 0 : i32
        %dma_start3A_222 = tpu.memref_slice %arg3[%dma_start3A_220, %dma_start3A_221] : memref<524288x8xf32, #tpu.memory_space<hbm>> -> memref<524288x8xf32, #tpu.memory_space<hbm>>
        tpu.enqueue_indirect_dma source(%dma_start3A_222 : memref<524288x8xf32, #tpu.memory_space<hbm>>) target(%dma_start3A_216 : memref<128x8xf32, #tpu.memory_space<vmem>>) offsets(%dma_start3A_219 : memref<128xi32, #tpu.memory_space<vmem>>) semaphore(%arg14 : memref<!tpu.dma_semaphore, #tpu.memory_space<semaphore_mem>>)
        %scan3A_223 = arith.constant 0 : i32
        scf.yield %scan3A_223 : i32
      }
      %scan3A_193 = arith.constant 8 : i32
      %scan3A_194 = arith.constant 0 : i32
      %scan3A_195 = arith.constant 0 : i32
      %scan3A_196 = arith.constant 8 : i32
      %scan3A_197 = arith.addi %scan3A_195, %scan3A_196 : i32
      %scan3A_198 = arith.constant 1 : i32
      %scan3A_199 = scf.for %scan3A_209 = %scan3A_195 to %scan3A_197 step %scan3A_198 iter_args(%scan3A_210 = %scan3A_194) -> (i32)  : i32 {
        %mul3A_211 = arith.constant 128 : i32
        %mul3A_212 = arith.muli %scan3A_209, %mul3A_211 : i32
        %dma_wait3A = arith.constant 0 : i32
        %dma_wait3A_213 = arith.constant 0 : i32
        %dma_wait3A_214 = tpu.memref_slice %arg8[%dma_wait3A, %mul3A_212, %dma_wait3A_213] : memref<2x1024x8xf32, #tpu.memory_space<vmem>> -> memref<1x128x8xf32, #tpu.memory_space<vmem>>
        %dma_wait3A_215 = tpu.memref_squeeze %dma_wait3A_214 : memref<1x128x8xf32, #tpu.memory_space<vmem>> -> memref<128x8xf32, #tpu.memory_space<vmem>>
        %dma_wait3A_216 = arith.constant 0 : i32
        %dma_wait3A_217 = tpu.memref_slice %arg12[%scan3A_209, %dma_wait3A_216] : memref<8x128xi32, #tpu.memory_space<vmem>> -> memref<1x128xi32, #tpu.memory_space<vmem>>
        %dma_wait3A_218 = tpu.memref_squeeze %dma_wait3A_217 : memref<1x128xi32, #tpu.memory_space<vmem>> -> memref<128xi32, #tpu.memory_space<vmem>>
        %dma_wait3A_219 = arith.constant 0 : i32
        %dma_wait3A_220 = arith.constant 0 : i32
        %dma_wait3A_221 = tpu.memref_slice %arg3[%dma_wait3A_219, %dma_wait3A_220] : memref<524288x8xf32, #tpu.memory_space<hbm>> -> memref<524288x8xf32, #tpu.memory_space<hbm>>
        tpu.wait_indirect_dma semaphore(%arg14 : memref<!tpu.dma_semaphore, #tpu.memory_space<semaphore_mem>>) src(%dma_wait3A_221 : memref<524288x8xf32, #tpu.memory_space<hbm>>) dst(%dma_wait3A_215 : memref<128x8xf32, #tpu.memory_space<vmem>>)
        %scan3A_222 = arith.constant 0 : i32
        scf.yield %scan3A_222 : i32
      }
      %scan3A_200 = arith.constant 8 : i32
      %scan3A_201 = arith.constant 0 : i32
      %scan3A_202 = arith.constant 0 : i32
      %scan3A_203 = arith.constant 64 : i32
      %scan3A_204 = arith.addi %scan3A_202, %scan3A_203 : i32
      %scan3A_205 = arith.constant 1 : i32
      %scan3A_206 = scf.for %scan3A_209 = %scan3A_202 to %scan3A_204 step %scan3A_205 iter_args(%scan3A_210 = %scan3A_201) -> (i32)  : i32 {
        %mul3A_211 = arith.constant 16 : i32
        %mul3A_212 = arith.muli %scan3A_209, %mul3A_211 : i32
        %get3A = arith.index_cast %mul3A_212 : i32 to index
        %get3A_213 = tpu.vector_load %arg13[%get3A] {strides = array<i32>} : memref<1024xi32, #tpu.memory_space<vmem>>, vector<16xi32>,
        %add3A_214 = vector.broadcast %mul3A_212 : i32 to vector<16xi32>
        %add3A_215 = arith.addi %add3A_214, %iota3A : vector<16xi32>
        %gather3A = tpu.vector_load_idx %arg8[%mul3A_23, %add3A_215, %get3A_213] : memref<2x1024x8xf32, #tpu.memory_space<vmem>>[vector<16xi32>, vector<16xi32>, vector<16xi32>], vector<16xf32>,
        %add3A_216 = arith.constant 1 : i32
        %add3A_217 = vector.broadcast %add3A_216 : i32 to vector<16xi32>
        %add3A_218 = arith.addi %get3A_213, %add3A_217 : vector<16xi32>
        %gather3A_219 = tpu.vector_load_idx %arg8[%mul3A_23, %add3A_215, %add3A_218] : memref<2x1024x8xf32, #tpu.memory_space<vmem>>[vector<16xi32>, vector<16xi32>, vector<16xi32>], vector<16xf32>,
        %add3A_220 = arith.constant 5120 : i32
        %add3A_221 = arith.addi %add3A_220, %mul3A_179 : i32
        %add3A_222 = arith.addi %add3A_221, %mul3A_212 : i32
        %swap3A = arith.index_cast %add3A_222 : i32 to index
        %swap3A_223 = tpu.vector_load %arg10[%swap3A] {strides = array<i32>} : memref<13312xf32, #tpu.memory_space<vmem>>, vector<16xf32>,
        tpu.vector_store %arg10[%swap3A], %gather3A {strides = array<i32>} : memref<13312xf32, #tpu.memory_space<vmem>>, vector<16xf32>,
        %swap3A_224 = arith.index_cast %add3A_222 : i32 to index
        %swap3A_225 = tpu.vector_load %arg11[%swap3A_224] {strides = array<i32>} : memref<13312xf32, #tpu.memory_space<vmem>>, vector<16xf32>,
        tpu.vector_store %arg11[%swap3A_224], %gather3A_219 {strides = array<i32>} : memref<13312xf32, #tpu.memory_space<vmem>>, vector<16xf32>,
        %scan3A_226 = arith.constant 0 : i32
        scf.yield %scan3A_226 : i32
      }
      %scan3A_207 = arith.constant 64 : i32
      %while3A_208 = arith.constant 0 : i32
      scf.yield %while3A_208 : i32
    }
    %while3A_99 = arith.constant 1 : i32
    %while3A_100 = scf.for %while3A_176 = %while3A_96 to %while3A_92 step %while3A_99 iter_args(%while3A_177 = %while3A_98) -> (i32)  : i32 {
      %mul3A_178 = arith.constant 1024 : i32
      %mul3A_179 = arith.muli %while3A_176, %mul3A_178 : i32
      %scan3A_180 = arith.constant 0 : i32
      %scan3A_181 = arith.constant 0 : i32
      %scan3A_182 = arith.constant 64 : i32
      %scan3A_183 = arith.addi %scan3A_181, %scan3A_182 : i32
      %scan3A_184 = arith.constant 1 : i32
      %scan3A_185 = scf.for %scan3A_209 = %scan3A_181 to %scan3A_183 step %scan3A_184 iter_args(%scan3A_210 = %scan3A_180) -> (i32)  : i32 {
        %mul3A_211 = arith.constant 16 : i32
        %mul3A_212 = arith.muli %scan3A_209, %mul3A_211 : i32
        %add3A_213 = arith.addi %mul3A_179, %mul3A_212 : i32
        %add3A_214 = vector.broadcast %add3A_213 : i32 to vector<16xi32>
        %add3A_215 = arith.addi %add3A_214, %iota3A : vector<16xi32>
        %min3A = arith.constant 511 : i32
        %min3A_216 = vector.broadcast %min3A : i32 to vector<16xi32>
        %min3A_217 = arith.minsi %add3A_215, %min3A_216 : vector<16xi32>
        %mul3A_218 = arith.constant -1640531535 : i32
        %mul3A_219 = vector.broadcast %mul3A_218 : i32 to vector<16xi32>
        %mul3A_220 = arith.muli %min3A_217, %mul3A_219 : vector<16xi32>
        %xor3A = arith.xori %min3A_217, %mul3A_220 : vector<16xi32>
        %and3A_221 = arith.constant 524287 : i32
        %and3A_222 = vector.broadcast %and3A_221 : i32 to vector<16xi32>
        %and3A_223 = arith.andi %xor3A, %and3A_222 : vector<16xi32>
        %shift_right_arithmetic3A = arith.constant 2 : i32
        %shift_right_arithmetic3A_224 = vector.broadcast %shift_right_arithmetic3A : i32 to vector<16xi32>
        %shift_right_arithmetic3A_225 = arith.shrsi %and3A_223, %shift_right_arithmetic3A_224 : vector<16xi32>
        %add3A_226 = vector.broadcast %mul3A_20 : i32 to vector<16xi32>
        %add3A_227 = arith.addi %shift_right_arithmetic3A_225, %add3A_226 : vector<16xi32>
        %shift_right_arithmetic3A_228 = arith.constant 3 : i32
        %shift_right_arithmetic3A_229 = arith.shrsi %scan3A_209, %shift_right_arithmetic3A_228 : i32
        %and3A_230 = arith.constant 7 : i32
        %and3A_231 = arith.andi %scan3A_209, %and3A_230 : i32
        %mul3A_232 = arith.constant 16 : i32
        %mul3A_233 = arith.muli %and3A_231, %mul3A_232 : i32
        %swap3A = arith.index_cast %shift_right_arithmetic3A_229 : i32 to index
        %swap3A_234 = arith.index_cast %mul3A_233 : i32 to index
        %swap3A_235 = tpu.vector_load %arg12[%swap3A, %swap3A_234] {strides = array<i32>} : memref<8x128xi32, #tpu.memory_space<vmem>>, vector<16xi32>,
        tpu.vector_store %arg12[%swap3A, %swap3A_234], %add3A_227 {strides = array<i32>} : memref<8x128xi32, #tpu.memory_space<vmem>>, vector<16xi32>,
        %and3A_236 = arith.constant 3 : i32
        %and3A_237 = vector.broadcast %and3A_236 : i32 to vector<16xi32>
        %and3A_238 = arith.andi %and3A_223, %and3A_237 : vector<16xi32>
        %shift_left3A = arith.constant 1 : i32
        %shift_left3A_239 = vector.broadcast %shift_left3A : i32 to vector<16xi32>
        %shift_left3A_240 = arith.shli %and3A_238, %shift_left3A_239 : vector<16xi32>
        %mul3A_241 = arith.constant 16 : i32
        %mul3A_242 = arith.muli %scan3A_209, %mul3A_241 : i32
        %swap3A_243 = arith.index_cast %mul3A_242 : i32 to index
        %swap3A_244 = tpu.vector_load %arg13[%swap3A_243] {strides = array<i32>} : memref<1024xi32, #tpu.memory_space<vmem>>, vector<16xi32>,
        tpu.vector_store %arg13[%swap3A_243], %shift_left3A_240 {strides = array<i32>} : memref<1024xi32, #tpu.memory_space<vmem>>, vector<16xi32>,
        %scan3A_245 = arith.constant 0 : i32
        scf.yield %scan3A_245 : i32
      }
      %scan3A_186 = arith.constant 64 : i32
      %scan3A_187 = arith.constant 0 : i32
      %scan3A_188 = arith.constant 0 : i32
      %scan3A_189 = arith.constant 8 : i32
      %scan3A_190 = arith.addi %scan3A_188, %scan3A_189 : i32
      %scan3A_191 = arith.constant 1 : i32
      %scan3A_192 = scf.for %scan3A_209 = %scan3A_188 to %scan3A_190 step %scan3A_191 iter_args(%scan3A_210 = %scan3A_187) -> (i32)  : i32 {
        %mul3A_211 = arith.constant 128 : i32
        %mul3A_212 = arith.muli %scan3A_209, %mul3A_211 : i32
        %dma_start3A_213 = arith.constant 0 : i32
        %dma_start3A_214 = arith.constant 0 : i32
        %dma_start3A_215 = tpu.memref_slice %arg8[%dma_start3A_213, %mul3A_212, %dma_start3A_214] : memref<2x1024x8xf32, #tpu.memory_space<vmem>> -> memref<1x128x8xf32, #tpu.memory_space<vmem>>
        %dma_start3A_216 = tpu.memref_squeeze %dma_start3A_215 : memref<1x128x8xf32, #tpu.memory_space<vmem>> -> memref<128x8xf32, #tpu.memory_space<vmem>>
        %dma_start3A_217 = arith.constant 0 : i32
        %dma_start3A_218 = tpu.memref_slice %arg12[%scan3A_209, %dma_start3A_217] : memref<8x128xi32, #tpu.memory_space<vmem>> -> memref<1x128xi32, #tpu.memory_space<vmem>>
        %dma_start3A_219 = tpu.memref_squeeze %dma_start3A_218 : memref<1x128xi32, #tpu.memory_space<vmem>> -> memref<128xi32, #tpu.memory_space<vmem>>
        %dma_start3A_220 = arith.constant 0 : i32
        %dma_start3A_221 = arith.constant 0 : i32
        %dma_start3A_222 = tpu.memref_slice %arg3[%dma_start3A_220, %dma_start3A_221] : memref<524288x8xf32, #tpu.memory_space<hbm>> -> memref<524288x8xf32, #tpu.memory_space<hbm>>
        tpu.enqueue_indirect_dma source(%dma_start3A_222 : memref<524288x8xf32, #tpu.memory_space<hbm>>) target(%dma_start3A_216 : memref<128x8xf32, #tpu.memory_space<vmem>>) offsets(%dma_start3A_219 : memref<128xi32, #tpu.memory_space<vmem>>) semaphore(%arg14 : memref<!tpu.dma_semaphore, #tpu.memory_space<semaphore_mem>>)
        %scan3A_223 = arith.constant 0 : i32
        scf.yield %scan3A_223 : i32
      }
      %scan3A_193 = arith.constant 8 : i32
      %scan3A_194 = arith.constant 0 : i32
      %scan3A_195 = arith.constant 0 : i32
      %scan3A_196 = arith.constant 8 : i32
      %scan3A_197 = arith.addi %scan3A_195, %scan3A_196 : i32
      %scan3A_198 = arith.constant 1 : i32
      %scan3A_199 = scf.for %scan3A_209 = %scan3A_195 to %scan3A_197 step %scan3A_198 iter_args(%scan3A_210 = %scan3A_194) -> (i32)  : i32 {
        %mul3A_211 = arith.constant 128 : i32
        %mul3A_212 = arith.muli %scan3A_209, %mul3A_211 : i32
        %dma_wait3A = arith.constant 0 : i32
        %dma_wait3A_213 = arith.constant 0 : i32
        %dma_wait3A_214 = tpu.memref_slice %arg8[%dma_wait3A, %mul3A_212, %dma_wait3A_213] : memref<2x1024x8xf32, #tpu.memory_space<vmem>> -> memref<1x128x8xf32, #tpu.memory_space<vmem>>
        %dma_wait3A_215 = tpu.memref_squeeze %dma_wait3A_214 : memref<1x128x8xf32, #tpu.memory_space<vmem>> -> memref<128x8xf32, #tpu.memory_space<vmem>>
        %dma_wait3A_216 = arith.constant 0 : i32
        %dma_wait3A_217 = tpu.memref_slice %arg12[%scan3A_209, %dma_wait3A_216] : memref<8x128xi32, #tpu.memory_space<vmem>> -> memref<1x128xi32, #tpu.memory_space<vmem>>
        %dma_wait3A_218 = tpu.memref_squeeze %dma_wait3A_217 : memref<1x128xi32, #tpu.memory_space<vmem>> -> memref<128xi32, #tpu.memory_space<vmem>>
        %dma_wait3A_219 = arith.constant 0 : i32
        %dma_wait3A_220 = arith.constant 0 : i32
        %dma_wait3A_221 = tpu.memref_slice %arg3[%dma_wait3A_219, %dma_wait3A_220] : memref<524288x8xf32, #tpu.memory_space<hbm>> -> memref<524288x8xf32, #tpu.memory_space<hbm>>
        tpu.wait_indirect_dma semaphore(%arg14 : memref<!tpu.dma_semaphore, #tpu.memory_space<semaphore_mem>>) src(%dma_wait3A_221 : memref<524288x8xf32, #tpu.memory_space<hbm>>) dst(%dma_wait3A_215 : memref<128x8xf32, #tpu.memory_space<vmem>>)
        %scan3A_222 = arith.constant 0 : i32
        scf.yield %scan3A_222 : i32
      }
      %scan3A_200 = arith.constant 8 : i32
      %scan3A_201 = arith.constant 0 : i32
      %scan3A_202 = arith.constant 0 : i32
      %scan3A_203 = arith.constant 64 : i32
      %scan3A_204 = arith.addi %scan3A_202, %scan3A_203 : i32
      %scan3A_205 = arith.constant 1 : i32
      %scan3A_206 = scf.for %scan3A_209 = %scan3A_202 to %scan3A_204 step %scan3A_205 iter_args(%scan3A_210 = %scan3A_201) -> (i32)  : i32 {
        %mul3A_211 = arith.constant 16 : i32
        %mul3A_212 = arith.muli %scan3A_209, %mul3A_211 : i32
        %get3A = arith.index_cast %mul3A_212 : i32 to index
        %get3A_213 = tpu.vector_load %arg13[%get3A] {strides = array<i32>} : memref<1024xi32, #tpu.memory_space<vmem>>, vector<16xi32>,
        %add3A_214 = vector.broadcast %mul3A_212 : i32 to vector<16xi32>
        %add3A_215 = arith.addi %add3A_214, %iota3A : vector<16xi32>
        %gather3A = tpu.vector_load_idx %arg8[%mul3A_23, %add3A_215, %get3A_213] : memref<2x1024x8xf32, #tpu.memory_space<vmem>>[vector<16xi32>, vector<16xi32>, vector<16xi32>], vector<16xf32>,
        %add3A_216 = arith.constant 1 : i32
        %add3A_217 = vector.broadcast %add3A_216 : i32 to vector<16xi32>
        %add3A_218 = arith.addi %get3A_213, %add3A_217 : vector<16xi32>
        %gather3A_219 = tpu.vector_load_idx %arg8[%mul3A_23, %add3A_215, %add3A_218] : memref<2x1024x8xf32, #tpu.memory_space<vmem>>[vector<16xi32>, vector<16xi32>, vector<16xi32>], vector<16xf32>,
        %add3A_220 = arith.constant 5120 : i32
        %add3A_221 = arith.addi %add3A_220, %mul3A_179 : i32
        %add3A_222 = arith.addi %add3A_221, %mul3A_212 : i32
        %swap3A = arith.index_cast %add3A_222 : i32 to index
        %swap3A_223 = tpu.vector_load %arg10[%swap3A] {strides = array<i32>} : memref<13312xf32, #tpu.memory_space<vmem>>, vector<16xf32>,
        tpu.vector_store %arg10[%swap3A], %gather3A {strides = array<i32>} : memref<13312xf32, #tpu.memory_space<vmem>>, vector<16xf32>,
        %swap3A_224 = arith.index_cast %add3A_222 : i32 to index
        %swap3A_225 = tpu.vector_load %arg11[%swap3A_224] {strides = array<i32>} : memref<13312xf32, #tpu.memory_space<vmem>>, vector<16xf32>,
        tpu.vector_store %arg11[%swap3A_224], %gather3A_219 {strides = array<i32>} : memref<13312xf32, #tpu.memory_space<vmem>>, vector<16xf32>,
        %scan3A_226 = arith.constant 0 : i32
        scf.yield %scan3A_226 : i32
      }
      %scan3A_207 = arith.constant 64 : i32
      %while3A_208 = arith.constant 0 : i32
      scf.yield %while3A_208 : i32
    }
    %while3A_101 = arith.constant 0 : i32
    %while3A_102 = arith.constant 1 : i32
    %while3A_103 = arith.constant 0 : i32
    %while3A_104 = arith.subi %while3A_102, %while3A_101 : i32
    %while3A_105 = arith.addi %while3A_101, %while3A_104 : i32
    %while3A_106 = arith.constant 1 : i32
    %while3A_107 = arith.divsi %while3A_104, %while3A_106 : i32
    %while3A_108 = arith.muli %while3A_107, %while3A_106 : i32
    %while3A_109 = arith.addi %while3A_101, %while3A_108 : i32
    %while3A_110 = arith.constant 1 : i32
    %while3A_111 = scf.for %while3A_176 = %while3A_101 to %while3A_109 step %while3A_110 iter_args(%while3A_177 = %while3A_103) -> (i32)  : i32 {
      %mul3A_178 = arith.constant 1024 : i32
      %mul3A_179 = arith.muli %while3A_176, %mul3A_178 : i32
      %scan3A_180 = arith.constant 0 : i32
      %scan3A_181 = arith.constant 0 : i32
      %scan3A_182 = arith.constant 64 : i32
      %scan3A_183 = arith.addi %scan3A_181, %scan3A_182 : i32
      %scan3A_184 = arith.constant 1 : i32
      %scan3A_185 = scf.for %scan3A_209 = %scan3A_181 to %scan3A_183 step %scan3A_184 iter_args(%scan3A_210 = %scan3A_180) -> (i32)  : i32 {
        %mul3A_211 = arith.constant 16 : i32
        %mul3A_212 = arith.muli %scan3A_209, %mul3A_211 : i32
        %add3A_213 = arith.addi %mul3A_179, %mul3A_212 : i32
        %add3A_214 = vector.broadcast %add3A_213 : i32 to vector<16xi32>
        %add3A_215 = arith.addi %add3A_214, %iota3A : vector<16xi32>
        %min3A = arith.constant 1023 : i32
        %min3A_216 = vector.broadcast %min3A : i32 to vector<16xi32>
        %min3A_217 = arith.minsi %add3A_215, %min3A_216 : vector<16xi32>
        %mul3A_218 = arith.constant -1640531535 : i32
        %mul3A_219 = vector.broadcast %mul3A_218 : i32 to vector<16xi32>
        %mul3A_220 = arith.muli %min3A_217, %mul3A_219 : vector<16xi32>
        %xor3A = arith.xori %min3A_217, %mul3A_220 : vector<16xi32>
        %and3A_221 = arith.constant 524287 : i32
        %and3A_222 = vector.broadcast %and3A_221 : i32 to vector<16xi32>
        %and3A_223 = arith.andi %xor3A, %and3A_222 : vector<16xi32>
        %shift_right_arithmetic3A = arith.constant 2 : i32
        %shift_right_arithmetic3A_224 = vector.broadcast %shift_right_arithmetic3A : i32 to vector<16xi32>
        %shift_right_arithmetic3A_225 = arith.shrsi %and3A_223, %shift_right_arithmetic3A_224 : vector<16xi32>
        %add3A_226 = vector.broadcast %mul3A_20 : i32 to vector<16xi32>
        %add3A_227 = arith.addi %shift_right_arithmetic3A_225, %add3A_226 : vector<16xi32>
        %shift_right_arithmetic3A_228 = arith.constant 3 : i32
        %shift_right_arithmetic3A_229 = arith.shrsi %scan3A_209, %shift_right_arithmetic3A_228 : i32
        %and3A_230 = arith.constant 7 : i32
        %and3A_231 = arith.andi %scan3A_209, %and3A_230 : i32
        %mul3A_232 = arith.constant 16 : i32
        %mul3A_233 = arith.muli %and3A_231, %mul3A_232 : i32
        %swap3A = arith.index_cast %shift_right_arithmetic3A_229 : i32 to index
        %swap3A_234 = arith.index_cast %mul3A_233 : i32 to index
        %swap3A_235 = tpu.vector_load %arg12[%swap3A, %swap3A_234] {strides = array<i32>} : memref<8x128xi32, #tpu.memory_space<vmem>>, vector<16xi32>,
        tpu.vector_store %arg12[%swap3A, %swap3A_234], %add3A_227 {strides = array<i32>} : memref<8x128xi32, #tpu.memory_space<vmem>>, vector<16xi32>,
        %and3A_236 = arith.constant 3 : i32
        %and3A_237 = vector.broadcast %and3A_236 : i32 to vector<16xi32>
        %and3A_238 = arith.andi %and3A_223, %and3A_237 : vector<16xi32>
        %shift_left3A = arith.constant 1 : i32
        %shift_left3A_239 = vector.broadcast %shift_left3A : i32 to vector<16xi32>
        %shift_left3A_240 = arith.shli %and3A_238, %shift_left3A_239 : vector<16xi32>
        %mul3A_241 = arith.constant 16 : i32
        %mul3A_242 = arith.muli %scan3A_209, %mul3A_241 : i32
        %swap3A_243 = arith.index_cast %mul3A_242 : i32 to index
        %swap3A_244 = tpu.vector_load %arg13[%swap3A_243] {strides = array<i32>} : memref<1024xi32, #tpu.memory_space<vmem>>, vector<16xi32>,
        tpu.vector_store %arg13[%swap3A_243], %shift_left3A_240 {strides = array<i32>} : memref<1024xi32, #tpu.memory_space<vmem>>, vector<16xi32>,
        %scan3A_245 = arith.constant 0 : i32
        scf.yield %scan3A_245 : i32
      }
      %scan3A_186 = arith.constant 64 : i32
      %scan3A_187 = arith.constant 0 : i32
      %scan3A_188 = arith.constant 0 : i32
      %scan3A_189 = arith.constant 8 : i32
      %scan3A_190 = arith.addi %scan3A_188, %scan3A_189 : i32
      %scan3A_191 = arith.constant 1 : i32
      %scan3A_192 = scf.for %scan3A_209 = %scan3A_188 to %scan3A_190 step %scan3A_191 iter_args(%scan3A_210 = %scan3A_187) -> (i32)  : i32 {
        %mul3A_211 = arith.constant 128 : i32
        %mul3A_212 = arith.muli %scan3A_209, %mul3A_211 : i32
        %dma_start3A_213 = arith.constant 0 : i32
        %dma_start3A_214 = arith.constant 0 : i32
        %dma_start3A_215 = tpu.memref_slice %arg8[%dma_start3A_213, %mul3A_212, %dma_start3A_214] : memref<2x1024x8xf32, #tpu.memory_space<vmem>> -> memref<1x128x8xf32, #tpu.memory_space<vmem>>
        %dma_start3A_216 = tpu.memref_squeeze %dma_start3A_215 : memref<1x128x8xf32, #tpu.memory_space<vmem>> -> memref<128x8xf32, #tpu.memory_space<vmem>>
        %dma_start3A_217 = arith.constant 0 : i32
        %dma_start3A_218 = tpu.memref_slice %arg12[%scan3A_209, %dma_start3A_217] : memref<8x128xi32, #tpu.memory_space<vmem>> -> memref<1x128xi32, #tpu.memory_space<vmem>>
        %dma_start3A_219 = tpu.memref_squeeze %dma_start3A_218 : memref<1x128xi32, #tpu.memory_space<vmem>> -> memref<128xi32, #tpu.memory_space<vmem>>
        %dma_start3A_220 = arith.constant 0 : i32
        %dma_start3A_221 = arith.constant 0 : i32
        %dma_start3A_222 = tpu.memref_slice %arg3[%dma_start3A_220, %dma_start3A_221] : memref<524288x8xf32, #tpu.memory_space<hbm>> -> memref<524288x8xf32, #tpu.memory_space<hbm>>
        tpu.enqueue_indirect_dma source(%dma_start3A_222 : memref<524288x8xf32, #tpu.memory_space<hbm>>) target(%dma_start3A_216 : memref<128x8xf32, #tpu.memory_space<vmem>>) offsets(%dma_start3A_219 : memref<128xi32, #tpu.memory_space<vmem>>) semaphore(%arg14 : memref<!tpu.dma_semaphore, #tpu.memory_space<semaphore_mem>>)
        %scan3A_223 = arith.constant 0 : i32
        scf.yield %scan3A_223 : i32
      }
      %scan3A_193 = arith.constant 8 : i32
      %scan3A_194 = arith.constant 0 : i32
      %scan3A_195 = arith.constant 0 : i32
      %scan3A_196 = arith.constant 8 : i32
      %scan3A_197 = arith.addi %scan3A_195, %scan3A_196 : i32
      %scan3A_198 = arith.constant 1 : i32
      %scan3A_199 = scf.for %scan3A_209 = %scan3A_195 to %scan3A_197 step %scan3A_198 iter_args(%scan3A_210 = %scan3A_194) -> (i32)  : i32 {
        %mul3A_211 = arith.constant 128 : i32
        %mul3A_212 = arith.muli %scan3A_209, %mul3A_211 : i32
        %dma_wait3A = arith.constant 0 : i32
        %dma_wait3A_213 = arith.constant 0 : i32
        %dma_wait3A_214 = tpu.memref_slice %arg8[%dma_wait3A, %mul3A_212, %dma_wait3A_213] : memref<2x1024x8xf32, #tpu.memory_space<vmem>> -> memref<1x128x8xf32, #tpu.memory_space<vmem>>
        %dma_wait3A_215 = tpu.memref_squeeze %dma_wait3A_214 : memref<1x128x8xf32, #tpu.memory_space<vmem>> -> memref<128x8xf32, #tpu.memory_space<vmem>>
        %dma_wait3A_216 = arith.constant 0 : i32
        %dma_wait3A_217 = tpu.memref_slice %arg12[%scan3A_209, %dma_wait3A_216] : memref<8x128xi32, #tpu.memory_space<vmem>> -> memref<1x128xi32, #tpu.memory_space<vmem>>
        %dma_wait3A_218 = tpu.memref_squeeze %dma_wait3A_217 : memref<1x128xi32, #tpu.memory_space<vmem>> -> memref<128xi32, #tpu.memory_space<vmem>>
        %dma_wait3A_219 = arith.constant 0 : i32
        %dma_wait3A_220 = arith.constant 0 : i32
        %dma_wait3A_221 = tpu.memref_slice %arg3[%dma_wait3A_219, %dma_wait3A_220] : memref<524288x8xf32, #tpu.memory_space<hbm>> -> memref<524288x8xf32, #tpu.memory_space<hbm>>
        tpu.wait_indirect_dma semaphore(%arg14 : memref<!tpu.dma_semaphore, #tpu.memory_space<semaphore_mem>>) src(%dma_wait3A_221 : memref<524288x8xf32, #tpu.memory_space<hbm>>) dst(%dma_wait3A_215 : memref<128x8xf32, #tpu.memory_space<vmem>>)
        %scan3A_222 = arith.constant 0 : i32
        scf.yield %scan3A_222 : i32
      }
      %scan3A_200 = arith.constant 8 : i32
      %scan3A_201 = arith.constant 0 : i32
      %scan3A_202 = arith.constant 0 : i32
      %scan3A_203 = arith.constant 64 : i32
      %scan3A_204 = arith.addi %scan3A_202, %scan3A_203 : i32
      %scan3A_205 = arith.constant 1 : i32
      %scan3A_206 = scf.for %scan3A_209 = %scan3A_202 to %scan3A_204 step %scan3A_205 iter_args(%scan3A_210 = %scan3A_201) -> (i32)  : i32 {
        %mul3A_211 = arith.constant 16 : i32
        %mul3A_212 = arith.muli %scan3A_209, %mul3A_211 : i32
        %get3A = arith.index_cast %mul3A_212 : i32 to index
        %get3A_213 = tpu.vector_load %arg13[%get3A] {strides = array<i32>} : memref<1024xi32, #tpu.memory_space<vmem>>, vector<16xi32>,
        %add3A_214 = vector.broadcast %mul3A_212 : i32 to vector<16xi32>
        %add3A_215 = arith.addi %add3A_214, %iota3A : vector<16xi32>
        %gather3A = tpu.vector_load_idx %arg8[%mul3A_23, %add3A_215, %get3A_213] : memref<2x1024x8xf32, #tpu.memory_space<vmem>>[vector<16xi32>, vector<16xi32>, vector<16xi32>], vector<16xf32>,
        %add3A_216 = arith.constant 1 : i32
        %add3A_217 = vector.broadcast %add3A_216 : i32 to vector<16xi32>
        %add3A_218 = arith.addi %get3A_213, %add3A_217 : vector<16xi32>
        %gather3A_219 = tpu.vector_load_idx %arg8[%mul3A_23, %add3A_215, %add3A_218] : memref<2x1024x8xf32, #tpu.memory_space<vmem>>[vector<16xi32>, vector<16xi32>, vector<16xi32>], vector<16xf32>,
        %add3A_220 = arith.constant 6144 : i32
        %add3A_221 = arith.addi %add3A_220, %mul3A_179 : i32
        %add3A_222 = arith.addi %add3A_221, %mul3A_212 : i32
        %swap3A = arith.index_cast %add3A_222 : i32 to index
        %swap3A_223 = tpu.vector_load %arg10[%swap3A] {strides = array<i32>} : memref<13312xf32, #tpu.memory_space<vmem>>, vector<16xf32>,
        tpu.vector_store %arg10[%swap3A], %gather3A {strides = array<i32>} : memref<13312xf32, #tpu.memory_space<vmem>>, vector<16xf32>,
        %swap3A_224 = arith.index_cast %add3A_222 : i32 to index
        %swap3A_225 = tpu.vector_load %arg11[%swap3A_224] {strides = array<i32>} : memref<13312xf32, #tpu.memory_space<vmem>>, vector<16xf32>,
        tpu.vector_store %arg11[%swap3A_224], %gather3A_219 {strides = array<i32>} : memref<13312xf32, #tpu.memory_space<vmem>>, vector<16xf32>,
        %scan3A_226 = arith.constant 0 : i32
        scf.yield %scan3A_226 : i32
      }
      %scan3A_207 = arith.constant 64 : i32
      %while3A_208 = arith.constant 0 : i32
      scf.yield %while3A_208 : i32
    }
    %while3A_112 = arith.constant 1 : i32
    %while3A_113 = scf.for %while3A_176 = %while3A_109 to %while3A_105 step %while3A_112 iter_args(%while3A_177 = %while3A_111) -> (i32)  : i32 {
      %mul3A_178 = arith.constant 1024 : i32
      %mul3A_179 = arith.muli %while3A_176, %mul3A_178 : i32
      %scan3A_180 = arith.constant 0 : i32
      %scan3A_181 = arith.constant 0 : i32
      %scan3A_182 = arith.constant 64 : i32
      %scan3A_183 = arith.addi %scan3A_181, %scan3A_182 : i32
      %scan3A_184 = arith.constant 1 : i32
      %scan3A_185 = scf.for %scan3A_209 = %scan3A_181 to %scan3A_183 step %scan3A_184 iter_args(%scan3A_210 = %scan3A_180) -> (i32)  : i32 {
        %mul3A_211 = arith.constant 16 : i32
        %mul3A_212 = arith.muli %scan3A_209, %mul3A_211 : i32
        %add3A_213 = arith.addi %mul3A_179, %mul3A_212 : i32
        %add3A_214 = vector.broadcast %add3A_213 : i32 to vector<16xi32>
        %add3A_215 = arith.addi %add3A_214, %iota3A : vector<16xi32>
        %min3A = arith.constant 1023 : i32
        %min3A_216 = vector.broadcast %min3A : i32 to vector<16xi32>
        %min3A_217 = arith.minsi %add3A_215, %min3A_216 : vector<16xi32>
        %mul3A_218 = arith.constant -1640531535 : i32
        %mul3A_219 = vector.broadcast %mul3A_218 : i32 to vector<16xi32>
        %mul3A_220 = arith.muli %min3A_217, %mul3A_219 : vector<16xi32>
        %xor3A = arith.xori %min3A_217, %mul3A_220 : vector<16xi32>
        %and3A_221 = arith.constant 524287 : i32
        %and3A_222 = vector.broadcast %and3A_221 : i32 to vector<16xi32>
        %and3A_223 = arith.andi %xor3A, %and3A_222 : vector<16xi32>
        %shift_right_arithmetic3A = arith.constant 2 : i32
        %shift_right_arithmetic3A_224 = vector.broadcast %shift_right_arithmetic3A : i32 to vector<16xi32>
        %shift_right_arithmetic3A_225 = arith.shrsi %and3A_223, %shift_right_arithmetic3A_224 : vector<16xi32>
        %add3A_226 = vector.broadcast %mul3A_20 : i32 to vector<16xi32>
        %add3A_227 = arith.addi %shift_right_arithmetic3A_225, %add3A_226 : vector<16xi32>
        %shift_right_arithmetic3A_228 = arith.constant 3 : i32
        %shift_right_arithmetic3A_229 = arith.shrsi %scan3A_209, %shift_right_arithmetic3A_228 : i32
        %and3A_230 = arith.constant 7 : i32
        %and3A_231 = arith.andi %scan3A_209, %and3A_230 : i32
        %mul3A_232 = arith.constant 16 : i32
        %mul3A_233 = arith.muli %and3A_231, %mul3A_232 : i32
        %swap3A = arith.index_cast %shift_right_arithmetic3A_229 : i32 to index
        %swap3A_234 = arith.index_cast %mul3A_233 : i32 to index
        %swap3A_235 = tpu.vector_load %arg12[%swap3A, %swap3A_234] {strides = array<i32>} : memref<8x128xi32, #tpu.memory_space<vmem>>, vector<16xi32>,
        tpu.vector_store %arg12[%swap3A, %swap3A_234], %add3A_227 {strides = array<i32>} : memref<8x128xi32, #tpu.memory_space<vmem>>, vector<16xi32>,
        %and3A_236 = arith.constant 3 : i32
        %and3A_237 = vector.broadcast %and3A_236 : i32 to vector<16xi32>
        %and3A_238 = arith.andi %and3A_223, %and3A_237 : vector<16xi32>
        %shift_left3A = arith.constant 1 : i32
        %shift_left3A_239 = vector.broadcast %shift_left3A : i32 to vector<16xi32>
        %shift_left3A_240 = arith.shli %and3A_238, %shift_left3A_239 : vector<16xi32>
        %mul3A_241 = arith.constant 16 : i32
        %mul3A_242 = arith.muli %scan3A_209, %mul3A_241 : i32
        %swap3A_243 = arith.index_cast %mul3A_242 : i32 to index
        %swap3A_244 = tpu.vector_load %arg13[%swap3A_243] {strides = array<i32>} : memref<1024xi32, #tpu.memory_space<vmem>>, vector<16xi32>,
        tpu.vector_store %arg13[%swap3A_243], %shift_left3A_240 {strides = array<i32>} : memref<1024xi32, #tpu.memory_space<vmem>>, vector<16xi32>,
        %scan3A_245 = arith.constant 0 : i32
        scf.yield %scan3A_245 : i32
      }
      %scan3A_186 = arith.constant 64 : i32
      %scan3A_187 = arith.constant 0 : i32
      %scan3A_188 = arith.constant 0 : i32
      %scan3A_189 = arith.constant 8 : i32
      %scan3A_190 = arith.addi %scan3A_188, %scan3A_189 : i32
      %scan3A_191 = arith.constant 1 : i32
      %scan3A_192 = scf.for %scan3A_209 = %scan3A_188 to %scan3A_190 step %scan3A_191 iter_args(%scan3A_210 = %scan3A_187) -> (i32)  : i32 {
        %mul3A_211 = arith.constant 128 : i32
        %mul3A_212 = arith.muli %scan3A_209, %mul3A_211 : i32
        %dma_start3A_213 = arith.constant 0 : i32
        %dma_start3A_214 = arith.constant 0 : i32
        %dma_start3A_215 = tpu.memref_slice %arg8[%dma_start3A_213, %mul3A_212, %dma_start3A_214] : memref<2x1024x8xf32, #tpu.memory_space<vmem>> -> memref<1x128x8xf32, #tpu.memory_space<vmem>>
        %dma_start3A_216 = tpu.memref_squeeze %dma_start3A_215 : memref<1x128x8xf32, #tpu.memory_space<vmem>> -> memref<128x8xf32, #tpu.memory_space<vmem>>
        %dma_start3A_217 = arith.constant 0 : i32
        %dma_start3A_218 = tpu.memref_slice %arg12[%scan3A_209, %dma_start3A_217] : memref<8x128xi32, #tpu.memory_space<vmem>> -> memref<1x128xi32, #tpu.memory_space<vmem>>
        %dma_start3A_219 = tpu.memref_squeeze %dma_start3A_218 : memref<1x128xi32, #tpu.memory_space<vmem>> -> memref<128xi32, #tpu.memory_space<vmem>>
        %dma_start3A_220 = arith.constant 0 : i32
        %dma_start3A_221 = arith.constant 0 : i32
        %dma_start3A_222 = tpu.memref_slice %arg3[%dma_start3A_220, %dma_start3A_221] : memref<524288x8xf32, #tpu.memory_space<hbm>> -> memref<524288x8xf32, #tpu.memory_space<hbm>>
        tpu.enqueue_indirect_dma source(%dma_start3A_222 : memref<524288x8xf32, #tpu.memory_space<hbm>>) target(%dma_start3A_216 : memref<128x8xf32, #tpu.memory_space<vmem>>) offsets(%dma_start3A_219 : memref<128xi32, #tpu.memory_space<vmem>>) semaphore(%arg14 : memref<!tpu.dma_semaphore, #tpu.memory_space<semaphore_mem>>)
        %scan3A_223 = arith.constant 0 : i32
        scf.yield %scan3A_223 : i32
      }
      %scan3A_193 = arith.constant 8 : i32
      %scan3A_194 = arith.constant 0 : i32
      %scan3A_195 = arith.constant 0 : i32
      %scan3A_196 = arith.constant 8 : i32
      %scan3A_197 = arith.addi %scan3A_195, %scan3A_196 : i32
      %scan3A_198 = arith.constant 1 : i32
      %scan3A_199 = scf.for %scan3A_209 = %scan3A_195 to %scan3A_197 step %scan3A_198 iter_args(%scan3A_210 = %scan3A_194) -> (i32)  : i32 {
        %mul3A_211 = arith.constant 128 : i32
        %mul3A_212 = arith.muli %scan3A_209, %mul3A_211 : i32
        %dma_wait3A = arith.constant 0 : i32
        %dma_wait3A_213 = arith.constant 0 : i32
        %dma_wait3A_214 = tpu.memref_slice %arg8[%dma_wait3A, %mul3A_212, %dma_wait3A_213] : memref<2x1024x8xf32, #tpu.memory_space<vmem>> -> memref<1x128x8xf32, #tpu.memory_space<vmem>>
        %dma_wait3A_215 = tpu.memref_squeeze %dma_wait3A_214 : memref<1x128x8xf32, #tpu.memory_space<vmem>> -> memref<128x8xf32, #tpu.memory_space<vmem>>
        %dma_wait3A_216 = arith.constant 0 : i32
        %dma_wait3A_217 = tpu.memref_slice %arg12[%scan3A_209, %dma_wait3A_216] : memref<8x128xi32, #tpu.memory_space<vmem>> -> memref<1x128xi32, #tpu.memory_space<vmem>>
        %dma_wait3A_218 = tpu.memref_squeeze %dma_wait3A_217 : memref<1x128xi32, #tpu.memory_space<vmem>> -> memref<128xi32, #tpu.memory_space<vmem>>
        %dma_wait3A_219 = arith.constant 0 : i32
        %dma_wait3A_220 = arith.constant 0 : i32
        %dma_wait3A_221 = tpu.memref_slice %arg3[%dma_wait3A_219, %dma_wait3A_220] : memref<524288x8xf32, #tpu.memory_space<hbm>> -> memref<524288x8xf32, #tpu.memory_space<hbm>>
        tpu.wait_indirect_dma semaphore(%arg14 : memref<!tpu.dma_semaphore, #tpu.memory_space<semaphore_mem>>) src(%dma_wait3A_221 : memref<524288x8xf32, #tpu.memory_space<hbm>>) dst(%dma_wait3A_215 : memref<128x8xf32, #tpu.memory_space<vmem>>)
        %scan3A_222 = arith.constant 0 : i32
        scf.yield %scan3A_222 : i32
      }
      %scan3A_200 = arith.constant 8 : i32
      %scan3A_201 = arith.constant 0 : i32
      %scan3A_202 = arith.constant 0 : i32
      %scan3A_203 = arith.constant 64 : i32
      %scan3A_204 = arith.addi %scan3A_202, %scan3A_203 : i32
      %scan3A_205 = arith.constant 1 : i32
      %scan3A_206 = scf.for %scan3A_209 = %scan3A_202 to %scan3A_204 step %scan3A_205 iter_args(%scan3A_210 = %scan3A_201) -> (i32)  : i32 {
        %mul3A_211 = arith.constant 16 : i32
        %mul3A_212 = arith.muli %scan3A_209, %mul3A_211 : i32
        %get3A = arith.index_cast %mul3A_212 : i32 to index
        %get3A_213 = tpu.vector_load %arg13[%get3A] {strides = array<i32>} : memref<1024xi32, #tpu.memory_space<vmem>>, vector<16xi32>,
        %add3A_214 = vector.broadcast %mul3A_212 : i32 to vector<16xi32>
        %add3A_215 = arith.addi %add3A_214, %iota3A : vector<16xi32>
        %gather3A = tpu.vector_load_idx %arg8[%mul3A_23, %add3A_215, %get3A_213] : memref<2x1024x8xf32, #tpu.memory_space<vmem>>[vector<16xi32>, vector<16xi32>, vector<16xi32>], vector<16xf32>,
        %add3A_216 = arith.constant 1 : i32
        %add3A_217 = vector.broadcast %add3A_216 : i32 to vector<16xi32>
        %add3A_218 = arith.addi %get3A_213, %add3A_217 : vector<16xi32>
        %gather3A_219 = tpu.vector_load_idx %arg8[%mul3A_23, %add3A_215, %add3A_218] : memref<2x1024x8xf32, #tpu.memory_space<vmem>>[vector<16xi32>, vector<16xi32>, vector<16xi32>], vector<16xf32>,
        %add3A_220 = arith.constant 6144 : i32
        %add3A_221 = arith.addi %add3A_220, %mul3A_179 : i32
        %add3A_222 = arith.addi %add3A_221, %mul3A_212 : i32
        %swap3A = arith.index_cast %add3A_222 : i32 to index
        %swap3A_223 = tpu.vector_load %arg10[%swap3A] {strides = array<i32>} : memref<13312xf32, #tpu.memory_space<vmem>>, vector<16xf32>,
        tpu.vector_store %arg10[%swap3A], %gather3A {strides = array<i32>} : memref<13312xf32, #tpu.memory_space<vmem>>, vector<16xf32>,
        %swap3A_224 = arith.index_cast %add3A_222 : i32 to index
        %swap3A_225 = tpu.vector_load %arg11[%swap3A_224] {strides = array<i32>} : memref<13312xf32, #tpu.memory_space<vmem>>, vector<16xf32>,
        tpu.vector_store %arg11[%swap3A_224], %gather3A_219 {strides = array<i32>} : memref<13312xf32, #tpu.memory_space<vmem>>, vector<16xf32>,
        %scan3A_226 = arith.constant 0 : i32
        scf.yield %scan3A_226 : i32
      }
      %scan3A_207 = arith.constant 64 : i32
      %while3A_208 = arith.constant 0 : i32
      scf.yield %while3A_208 : i32
    }
    %while3A_114 = arith.constant 0 : i32
    %while3A_115 = arith.constant 2 : i32
    %while3A_116 = arith.constant 0 : i32
    %while3A_117 = arith.subi %while3A_115, %while3A_114 : i32
    %while3A_118 = arith.addi %while3A_114, %while3A_117 : i32
    %while3A_119 = arith.constant 1 : i32
    %while3A_120 = arith.divsi %while3A_117, %while3A_119 : i32
    %while3A_121 = arith.muli %while3A_120, %while3A_119 : i32
    %while3A_122 = arith.addi %while3A_114, %while3A_121 : i32
    %while3A_123 = arith.constant 1 : i32
    %while3A_124 = scf.for %while3A_176 = %while3A_114 to %while3A_122 step %while3A_123 iter_args(%while3A_177 = %while3A_116) -> (i32)  : i32 {
      %mul3A_178 = arith.constant 1024 : i32
      %mul3A_179 = arith.muli %while3A_176, %mul3A_178 : i32
      %scan3A_180 = arith.constant 0 : i32
      %scan3A_181 = arith.constant 0 : i32
      %scan3A_182 = arith.constant 64 : i32
      %scan3A_183 = arith.addi %scan3A_181, %scan3A_182 : i32
      %scan3A_184 = arith.constant 1 : i32
      %scan3A_185 = scf.for %scan3A_209 = %scan3A_181 to %scan3A_183 step %scan3A_184 iter_args(%scan3A_210 = %scan3A_180) -> (i32)  : i32 {
        %mul3A_211 = arith.constant 16 : i32
        %mul3A_212 = arith.muli %scan3A_209, %mul3A_211 : i32
        %add3A_213 = arith.addi %mul3A_179, %mul3A_212 : i32
        %add3A_214 = vector.broadcast %add3A_213 : i32 to vector<16xi32>
        %add3A_215 = arith.addi %add3A_214, %iota3A : vector<16xi32>
        %min3A = arith.constant 2047 : i32
        %min3A_216 = vector.broadcast %min3A : i32 to vector<16xi32>
        %min3A_217 = arith.minsi %add3A_215, %min3A_216 : vector<16xi32>
        %mul3A_218 = arith.constant -1640531535 : i32
        %mul3A_219 = vector.broadcast %mul3A_218 : i32 to vector<16xi32>
        %mul3A_220 = arith.muli %min3A_217, %mul3A_219 : vector<16xi32>
        %xor3A = arith.xori %min3A_217, %mul3A_220 : vector<16xi32>
        %and3A_221 = arith.constant 524287 : i32
        %and3A_222 = vector.broadcast %and3A_221 : i32 to vector<16xi32>
        %and3A_223 = arith.andi %xor3A, %and3A_222 : vector<16xi32>
        %shift_right_arithmetic3A = arith.constant 2 : i32
        %shift_right_arithmetic3A_224 = vector.broadcast %shift_right_arithmetic3A : i32 to vector<16xi32>
        %shift_right_arithmetic3A_225 = arith.shrsi %and3A_223, %shift_right_arithmetic3A_224 : vector<16xi32>
        %add3A_226 = vector.broadcast %mul3A_20 : i32 to vector<16xi32>
        %add3A_227 = arith.addi %shift_right_arithmetic3A_225, %add3A_226 : vector<16xi32>
        %shift_right_arithmetic3A_228 = arith.constant 3 : i32
        %shift_right_arithmetic3A_229 = arith.shrsi %scan3A_209, %shift_right_arithmetic3A_228 : i32
        %and3A_230 = arith.constant 7 : i32
        %and3A_231 = arith.andi %scan3A_209, %and3A_230 : i32
        %mul3A_232 = arith.constant 16 : i32
        %mul3A_233 = arith.muli %and3A_231, %mul3A_232 : i32
        %swap3A = arith.index_cast %shift_right_arithmetic3A_229 : i32 to index
        %swap3A_234 = arith.index_cast %mul3A_233 : i32 to index
        %swap3A_235 = tpu.vector_load %arg12[%swap3A, %swap3A_234] {strides = array<i32>} : memref<8x128xi32, #tpu.memory_space<vmem>>, vector<16xi32>,
        tpu.vector_store %arg12[%swap3A, %swap3A_234], %add3A_227 {strides = array<i32>} : memref<8x128xi32, #tpu.memory_space<vmem>>, vector<16xi32>,
        %and3A_236 = arith.constant 3 : i32
        %and3A_237 = vector.broadcast %and3A_236 : i32 to vector<16xi32>
        %and3A_238 = arith.andi %and3A_223, %and3A_237 : vector<16xi32>
        %shift_left3A = arith.constant 1 : i32
        %shift_left3A_239 = vector.broadcast %shift_left3A : i32 to vector<16xi32>
        %shift_left3A_240 = arith.shli %and3A_238, %shift_left3A_239 : vector<16xi32>
        %mul3A_241 = arith.constant 16 : i32
        %mul3A_242 = arith.muli %scan3A_209, %mul3A_241 : i32
        %swap3A_243 = arith.index_cast %mul3A_242 : i32 to index
        %swap3A_244 = tpu.vector_load %arg13[%swap3A_243] {strides = array<i32>} : memref<1024xi32, #tpu.memory_space<vmem>>, vector<16xi32>,
        tpu.vector_store %arg13[%swap3A_243], %shift_left3A_240 {strides = array<i32>} : memref<1024xi32, #tpu.memory_space<vmem>>, vector<16xi32>,
        %scan3A_245 = arith.constant 0 : i32
        scf.yield %scan3A_245 : i32
      }
      %scan3A_186 = arith.constant 64 : i32
      %scan3A_187 = arith.constant 0 : i32
      %scan3A_188 = arith.constant 0 : i32
      %scan3A_189 = arith.constant 8 : i32
      %scan3A_190 = arith.addi %scan3A_188, %scan3A_189 : i32
      %scan3A_191 = arith.constant 1 : i32
      %scan3A_192 = scf.for %scan3A_209 = %scan3A_188 to %scan3A_190 step %scan3A_191 iter_args(%scan3A_210 = %scan3A_187) -> (i32)  : i32 {
        %mul3A_211 = arith.constant 128 : i32
        %mul3A_212 = arith.muli %scan3A_209, %mul3A_211 : i32
        %dma_start3A_213 = arith.constant 0 : i32
        %dma_start3A_214 = arith.constant 0 : i32
        %dma_start3A_215 = tpu.memref_slice %arg8[%dma_start3A_213, %mul3A_212, %dma_start3A_214] : memref<2x1024x8xf32, #tpu.memory_space<vmem>> -> memref<1x128x8xf32, #tpu.memory_space<vmem>>
        %dma_start3A_216 = tpu.memref_squeeze %dma_start3A_215 : memref<1x128x8xf32, #tpu.memory_space<vmem>> -> memref<128x8xf32, #tpu.memory_space<vmem>>
        %dma_start3A_217 = arith.constant 0 : i32
        %dma_start3A_218 = tpu.memref_slice %arg12[%scan3A_209, %dma_start3A_217] : memref<8x128xi32, #tpu.memory_space<vmem>> -> memref<1x128xi32, #tpu.memory_space<vmem>>
        %dma_start3A_219 = tpu.memref_squeeze %dma_start3A_218 : memref<1x128xi32, #tpu.memory_space<vmem>> -> memref<128xi32, #tpu.memory_space<vmem>>
        %dma_start3A_220 = arith.constant 0 : i32
        %dma_start3A_221 = arith.constant 0 : i32
        %dma_start3A_222 = tpu.memref_slice %arg3[%dma_start3A_220, %dma_start3A_221] : memref<524288x8xf32, #tpu.memory_space<hbm>> -> memref<524288x8xf32, #tpu.memory_space<hbm>>
        tpu.enqueue_indirect_dma source(%dma_start3A_222 : memref<524288x8xf32, #tpu.memory_space<hbm>>) target(%dma_start3A_216 : memref<128x8xf32, #tpu.memory_space<vmem>>) offsets(%dma_start3A_219 : memref<128xi32, #tpu.memory_space<vmem>>) semaphore(%arg14 : memref<!tpu.dma_semaphore, #tpu.memory_space<semaphore_mem>>)
        %scan3A_223 = arith.constant 0 : i32
        scf.yield %scan3A_223 : i32
      }
      %scan3A_193 = arith.constant 8 : i32
      %scan3A_194 = arith.constant 0 : i32
      %scan3A_195 = arith.constant 0 : i32
      %scan3A_196 = arith.constant 8 : i32
      %scan3A_197 = arith.addi %scan3A_195, %scan3A_196 : i32
      %scan3A_198 = arith.constant 1 : i32
      %scan3A_199 = scf.for %scan3A_209 = %scan3A_195 to %scan3A_197 step %scan3A_198 iter_args(%scan3A_210 = %scan3A_194) -> (i32)  : i32 {
        %mul3A_211 = arith.constant 128 : i32
        %mul3A_212 = arith.muli %scan3A_209, %mul3A_211 : i32
        %dma_wait3A = arith.constant 0 : i32
        %dma_wait3A_213 = arith.constant 0 : i32
        %dma_wait3A_214 = tpu.memref_slice %arg8[%dma_wait3A, %mul3A_212, %dma_wait3A_213] : memref<2x1024x8xf32, #tpu.memory_space<vmem>> -> memref<1x128x8xf32, #tpu.memory_space<vmem>>
        %dma_wait3A_215 = tpu.memref_squeeze %dma_wait3A_214 : memref<1x128x8xf32, #tpu.memory_space<vmem>> -> memref<128x8xf32, #tpu.memory_space<vmem>>
        %dma_wait3A_216 = arith.constant 0 : i32
        %dma_wait3A_217 = tpu.memref_slice %arg12[%scan3A_209, %dma_wait3A_216] : memref<8x128xi32, #tpu.memory_space<vmem>> -> memref<1x128xi32, #tpu.memory_space<vmem>>
        %dma_wait3A_218 = tpu.memref_squeeze %dma_wait3A_217 : memref<1x128xi32, #tpu.memory_space<vmem>> -> memref<128xi32, #tpu.memory_space<vmem>>
        %dma_wait3A_219 = arith.constant 0 : i32
        %dma_wait3A_220 = arith.constant 0 : i32
        %dma_wait3A_221 = tpu.memref_slice %arg3[%dma_wait3A_219, %dma_wait3A_220] : memref<524288x8xf32, #tpu.memory_space<hbm>> -> memref<524288x8xf32, #tpu.memory_space<hbm>>
        tpu.wait_indirect_dma semaphore(%arg14 : memref<!tpu.dma_semaphore, #tpu.memory_space<semaphore_mem>>) src(%dma_wait3A_221 : memref<524288x8xf32, #tpu.memory_space<hbm>>) dst(%dma_wait3A_215 : memref<128x8xf32, #tpu.memory_space<vmem>>)
        %scan3A_222 = arith.constant 0 : i32
        scf.yield %scan3A_222 : i32
      }
      %scan3A_200 = arith.constant 8 : i32
      %scan3A_201 = arith.constant 0 : i32
      %scan3A_202 = arith.constant 0 : i32
      %scan3A_203 = arith.constant 64 : i32
      %scan3A_204 = arith.addi %scan3A_202, %scan3A_203 : i32
      %scan3A_205 = arith.constant 1 : i32
      %scan3A_206 = scf.for %scan3A_209 = %scan3A_202 to %scan3A_204 step %scan3A_205 iter_args(%scan3A_210 = %scan3A_201) -> (i32)  : i32 {
        %mul3A_211 = arith.constant 16 : i32
        %mul3A_212 = arith.muli %scan3A_209, %mul3A_211 : i32
        %get3A = arith.index_cast %mul3A_212 : i32 to index
        %get3A_213 = tpu.vector_load %arg13[%get3A] {strides = array<i32>} : memref<1024xi32, #tpu.memory_space<vmem>>, vector<16xi32>,
        %add3A_214 = vector.broadcast %mul3A_212 : i32 to vector<16xi32>
        %add3A_215 = arith.addi %add3A_214, %iota3A : vector<16xi32>
        %gather3A = tpu.vector_load_idx %arg8[%mul3A_23, %add3A_215, %get3A_213] : memref<2x1024x8xf32, #tpu.memory_space<vmem>>[vector<16xi32>, vector<16xi32>, vector<16xi32>], vector<16xf32>,
        %add3A_216 = arith.constant 1 : i32
        %add3A_217 = vector.broadcast %add3A_216 : i32 to vector<16xi32>
        %add3A_218 = arith.addi %get3A_213, %add3A_217 : vector<16xi32>
        %gather3A_219 = tpu.vector_load_idx %arg8[%mul3A_23, %add3A_215, %add3A_218] : memref<2x1024x8xf32, #tpu.memory_space<vmem>>[vector<16xi32>, vector<16xi32>, vector<16xi32>], vector<16xf32>,
        %add3A_220 = arith.constant 7168 : i32
        %add3A_221 = arith.addi %add3A_220, %mul3A_179 : i32
        %add3A_222 = arith.addi %add3A_221, %mul3A_212 : i32
        %swap3A = arith.index_cast %add3A_222 : i32 to index
        %swap3A_223 = tpu.vector_load %arg10[%swap3A] {strides = array<i32>} : memref<13312xf32, #tpu.memory_space<vmem>>, vector<16xf32>,
        tpu.vector_store %arg10[%swap3A], %gather3A {strides = array<i32>} : memref<13312xf32, #tpu.memory_space<vmem>>, vector<16xf32>,
        %swap3A_224 = arith.index_cast %add3A_222 : i32 to index
        %swap3A_225 = tpu.vector_load %arg11[%swap3A_224] {strides = array<i32>} : memref<13312xf32, #tpu.memory_space<vmem>>, vector<16xf32>,
        tpu.vector_store %arg11[%swap3A_224], %gather3A_219 {strides = array<i32>} : memref<13312xf32, #tpu.memory_space<vmem>>, vector<16xf32>,
        %scan3A_226 = arith.constant 0 : i32
        scf.yield %scan3A_226 : i32
      }
      %scan3A_207 = arith.constant 64 : i32
      %while3A_208 = arith.constant 0 : i32
      scf.yield %while3A_208 : i32
    }
    %while3A_125 = arith.constant 1 : i32
    %while3A_126 = scf.for %while3A_176 = %while3A_122 to %while3A_118 step %while3A_125 iter_args(%while3A_177 = %while3A_124) -> (i32)  : i32 {
      %mul3A_178 = arith.constant 1024 : i32
      %mul3A_179 = arith.muli %while3A_176, %mul3A_178 : i32
      %scan3A_180 = arith.constant 0 : i32
      %scan3A_181 = arith.constant 0 : i32
      %scan3A_182 = arith.constant 64 : i32
      %scan3A_183 = arith.addi %scan3A_181, %scan3A_182 : i32
      %scan3A_184 = arith.constant 1 : i32
      %scan3A_185 = scf.for %scan3A_209 = %scan3A_181 to %scan3A_183 step %scan3A_184 iter_args(%scan3A_210 = %scan3A_180) -> (i32)  : i32 {
        %mul3A_211 = arith.constant 16 : i32
        %mul3A_212 = arith.muli %scan3A_209, %mul3A_211 : i32
        %add3A_213 = arith.addi %mul3A_179, %mul3A_212 : i32
        %add3A_214 = vector.broadcast %add3A_213 : i32 to vector<16xi32>
        %add3A_215 = arith.addi %add3A_214, %iota3A : vector<16xi32>
        %min3A = arith.constant 2047 : i32
        %min3A_216 = vector.broadcast %min3A : i32 to vector<16xi32>
        %min3A_217 = arith.minsi %add3A_215, %min3A_216 : vector<16xi32>
        %mul3A_218 = arith.constant -1640531535 : i32
        %mul3A_219 = vector.broadcast %mul3A_218 : i32 to vector<16xi32>
        %mul3A_220 = arith.muli %min3A_217, %mul3A_219 : vector<16xi32>
        %xor3A = arith.xori %min3A_217, %mul3A_220 : vector<16xi32>
        %and3A_221 = arith.constant 524287 : i32
        %and3A_222 = vector.broadcast %and3A_221 : i32 to vector<16xi32>
        %and3A_223 = arith.andi %xor3A, %and3A_222 : vector<16xi32>
        %shift_right_arithmetic3A = arith.constant 2 : i32
        %shift_right_arithmetic3A_224 = vector.broadcast %shift_right_arithmetic3A : i32 to vector<16xi32>
        %shift_right_arithmetic3A_225 = arith.shrsi %and3A_223, %shift_right_arithmetic3A_224 : vector<16xi32>
        %add3A_226 = vector.broadcast %mul3A_20 : i32 to vector<16xi32>
        %add3A_227 = arith.addi %shift_right_arithmetic3A_225, %add3A_226 : vector<16xi32>
        %shift_right_arithmetic3A_228 = arith.constant 3 : i32
        %shift_right_arithmetic3A_229 = arith.shrsi %scan3A_209, %shift_right_arithmetic3A_228 : i32
        %and3A_230 = arith.constant 7 : i32
        %and3A_231 = arith.andi %scan3A_209, %and3A_230 : i32
        %mul3A_232 = arith.constant 16 : i32
        %mul3A_233 = arith.muli %and3A_231, %mul3A_232 : i32
        %swap3A = arith.index_cast %shift_right_arithmetic3A_229 : i32 to index
        %swap3A_234 = arith.index_cast %mul3A_233 : i32 to index
        %swap3A_235 = tpu.vector_load %arg12[%swap3A, %swap3A_234] {strides = array<i32>} : memref<8x128xi32, #tpu.memory_space<vmem>>, vector<16xi32>,
        tpu.vector_store %arg12[%swap3A, %swap3A_234], %add3A_227 {strides = array<i32>} : memref<8x128xi32, #tpu.memory_space<vmem>>, vector<16xi32>,
        %and3A_236 = arith.constant 3 : i32
        %and3A_237 = vector.broadcast %and3A_236 : i32 to vector<16xi32>
        %and3A_238 = arith.andi %and3A_223, %and3A_237 : vector<16xi32>
        %shift_left3A = arith.constant 1 : i32
        %shift_left3A_239 = vector.broadcast %shift_left3A : i32 to vector<16xi32>
        %shift_left3A_240 = arith.shli %and3A_238, %shift_left3A_239 : vector<16xi32>
        %mul3A_241 = arith.constant 16 : i32
        %mul3A_242 = arith.muli %scan3A_209, %mul3A_241 : i32
        %swap3A_243 = arith.index_cast %mul3A_242 : i32 to index
        %swap3A_244 = tpu.vector_load %arg13[%swap3A_243] {strides = array<i32>} : memref<1024xi32, #tpu.memory_space<vmem>>, vector<16xi32>,
        tpu.vector_store %arg13[%swap3A_243], %shift_left3A_240 {strides = array<i32>} : memref<1024xi32, #tpu.memory_space<vmem>>, vector<16xi32>,
        %scan3A_245 = arith.constant 0 : i32
        scf.yield %scan3A_245 : i32
      }
      %scan3A_186 = arith.constant 64 : i32
      %scan3A_187 = arith.constant 0 : i32
      %scan3A_188 = arith.constant 0 : i32
      %scan3A_189 = arith.constant 8 : i32
      %scan3A_190 = arith.addi %scan3A_188, %scan3A_189 : i32
      %scan3A_191 = arith.constant 1 : i32
      %scan3A_192 = scf.for %scan3A_209 = %scan3A_188 to %scan3A_190 step %scan3A_191 iter_args(%scan3A_210 = %scan3A_187) -> (i32)  : i32 {
        %mul3A_211 = arith.constant 128 : i32
        %mul3A_212 = arith.muli %scan3A_209, %mul3A_211 : i32
        %dma_start3A_213 = arith.constant 0 : i32
        %dma_start3A_214 = arith.constant 0 : i32
        %dma_start3A_215 = tpu.memref_slice %arg8[%dma_start3A_213, %mul3A_212, %dma_start3A_214] : memref<2x1024x8xf32, #tpu.memory_space<vmem>> -> memref<1x128x8xf32, #tpu.memory_space<vmem>>
        %dma_start3A_216 = tpu.memref_squeeze %dma_start3A_215 : memref<1x128x8xf32, #tpu.memory_space<vmem>> -> memref<128x8xf32, #tpu.memory_space<vmem>>
        %dma_start3A_217 = arith.constant 0 : i32
        %dma_start3A_218 = tpu.memref_slice %arg12[%scan3A_209, %dma_start3A_217] : memref<8x128xi32, #tpu.memory_space<vmem>> -> memref<1x128xi32, #tpu.memory_space<vmem>>
        %dma_start3A_219 = tpu.memref_squeeze %dma_start3A_218 : memref<1x128xi32, #tpu.memory_space<vmem>> -> memref<128xi32, #tpu.memory_space<vmem>>
        %dma_start3A_220 = arith.constant 0 : i32
        %dma_start3A_221 = arith.constant 0 : i32
        %dma_start3A_222 = tpu.memref_slice %arg3[%dma_start3A_220, %dma_start3A_221] : memref<524288x8xf32, #tpu.memory_space<hbm>> -> memref<524288x8xf32, #tpu.memory_space<hbm>>
        tpu.enqueue_indirect_dma source(%dma_start3A_222 : memref<524288x8xf32, #tpu.memory_space<hbm>>) target(%dma_start3A_216 : memref<128x8xf32, #tpu.memory_space<vmem>>) offsets(%dma_start3A_219 : memref<128xi32, #tpu.memory_space<vmem>>) semaphore(%arg14 : memref<!tpu.dma_semaphore, #tpu.memory_space<semaphore_mem>>)
        %scan3A_223 = arith.constant 0 : i32
        scf.yield %scan3A_223 : i32
      }
      %scan3A_193 = arith.constant 8 : i32
      %scan3A_194 = arith.constant 0 : i32
      %scan3A_195 = arith.constant 0 : i32
      %scan3A_196 = arith.constant 8 : i32
      %scan3A_197 = arith.addi %scan3A_195, %scan3A_196 : i32
      %scan3A_198 = arith.constant 1 : i32
      %scan3A_199 = scf.for %scan3A_209 = %scan3A_195 to %scan3A_197 step %scan3A_198 iter_args(%scan3A_210 = %scan3A_194) -> (i32)  : i32 {
        %mul3A_211 = arith.constant 128 : i32
        %mul3A_212 = arith.muli %scan3A_209, %mul3A_211 : i32
        %dma_wait3A = arith.constant 0 : i32
        %dma_wait3A_213 = arith.constant 0 : i32
        %dma_wait3A_214 = tpu.memref_slice %arg8[%dma_wait3A, %mul3A_212, %dma_wait3A_213] : memref<2x1024x8xf32, #tpu.memory_space<vmem>> -> memref<1x128x8xf32, #tpu.memory_space<vmem>>
        %dma_wait3A_215 = tpu.memref_squeeze %dma_wait3A_214 : memref<1x128x8xf32, #tpu.memory_space<vmem>> -> memref<128x8xf32, #tpu.memory_space<vmem>>
        %dma_wait3A_216 = arith.constant 0 : i32
        %dma_wait3A_217 = tpu.memref_slice %arg12[%scan3A_209, %dma_wait3A_216] : memref<8x128xi32, #tpu.memory_space<vmem>> -> memref<1x128xi32, #tpu.memory_space<vmem>>
        %dma_wait3A_218 = tpu.memref_squeeze %dma_wait3A_217 : memref<1x128xi32, #tpu.memory_space<vmem>> -> memref<128xi32, #tpu.memory_space<vmem>>
        %dma_wait3A_219 = arith.constant 0 : i32
        %dma_wait3A_220 = arith.constant 0 : i32
        %dma_wait3A_221 = tpu.memref_slice %arg3[%dma_wait3A_219, %dma_wait3A_220] : memref<524288x8xf32, #tpu.memory_space<hbm>> -> memref<524288x8xf32, #tpu.memory_space<hbm>>
        tpu.wait_indirect_dma semaphore(%arg14 : memref<!tpu.dma_semaphore, #tpu.memory_space<semaphore_mem>>) src(%dma_wait3A_221 : memref<524288x8xf32, #tpu.memory_space<hbm>>) dst(%dma_wait3A_215 : memref<128x8xf32, #tpu.memory_space<vmem>>)
        %scan3A_222 = arith.constant 0 : i32
        scf.yield %scan3A_222 : i32
      }
      %scan3A_200 = arith.constant 8 : i32
      %scan3A_201 = arith.constant 0 : i32
      %scan3A_202 = arith.constant 0 : i32
      %scan3A_203 = arith.constant 64 : i32
      %scan3A_204 = arith.addi %scan3A_202, %scan3A_203 : i32
      %scan3A_205 = arith.constant 1 : i32
      %scan3A_206 = scf.for %scan3A_209 = %scan3A_202 to %scan3A_204 step %scan3A_205 iter_args(%scan3A_210 = %scan3A_201) -> (i32)  : i32 {
        %mul3A_211 = arith.constant 16 : i32
        %mul3A_212 = arith.muli %scan3A_209, %mul3A_211 : i32
        %get3A = arith.index_cast %mul3A_212 : i32 to index
        %get3A_213 = tpu.vector_load %arg13[%get3A] {strides = array<i32>} : memref<1024xi32, #tpu.memory_space<vmem>>, vector<16xi32>,
        %add3A_214 = vector.broadcast %mul3A_212 : i32 to vector<16xi32>
        %add3A_215 = arith.addi %add3A_214, %iota3A : vector<16xi32>
        %gather3A = tpu.vector_load_idx %arg8[%mul3A_23, %add3A_215, %get3A_213] : memref<2x1024x8xf32, #tpu.memory_space<vmem>>[vector<16xi32>, vector<16xi32>, vector<16xi32>], vector<16xf32>,
        %add3A_216 = arith.constant 1 : i32
        %add3A_217 = vector.broadcast %add3A_216 : i32 to vector<16xi32>
        %add3A_218 = arith.addi %get3A_213, %add3A_217 : vector<16xi32>
        %gather3A_219 = tpu.vector_load_idx %arg8[%mul3A_23, %add3A_215, %add3A_218] : memref<2x1024x8xf32, #tpu.memory_space<vmem>>[vector<16xi32>, vector<16xi32>, vector<16xi32>], vector<16xf32>,
        %add3A_220 = arith.constant 7168 : i32
        %add3A_221 = arith.addi %add3A_220, %mul3A_179 : i32
        %add3A_222 = arith.addi %add3A_221, %mul3A_212 : i32
        %swap3A = arith.index_cast %add3A_222 : i32 to index
        %swap3A_223 = tpu.vector_load %arg10[%swap3A] {strides = array<i32>} : memref<13312xf32, #tpu.memory_space<vmem>>, vector<16xf32>,
        tpu.vector_store %arg10[%swap3A], %gather3A {strides = array<i32>} : memref<13312xf32, #tpu.memory_space<vmem>>, vector<16xf32>,
        %swap3A_224 = arith.index_cast %add3A_222 : i32 to index
        %swap3A_225 = tpu.vector_load %arg11[%swap3A_224] {strides = array<i32>} : memref<13312xf32, #tpu.memory_space<vmem>>, vector<16xf32>,
        tpu.vector_store %arg11[%swap3A_224], %gather3A_219 {strides = array<i32>} : memref<13312xf32, #tpu.memory_space<vmem>>, vector<16xf32>,
        %scan3A_226 = arith.constant 0 : i32
        scf.yield %scan3A_226 : i32
      }
      %scan3A_207 = arith.constant 64 : i32
      %while3A_208 = arith.constant 0 : i32
      scf.yield %while3A_208 : i32
    }
    %while3A_127 = arith.constant 0 : i32
    %while3A_128 = arith.constant 4 : i32
    %while3A_129 = arith.constant 0 : i32
    %while3A_130 = arith.subi %while3A_128, %while3A_127 : i32
    %while3A_131 = arith.addi %while3A_127, %while3A_130 : i32
    %while3A_132 = arith.constant 1 : i32
    %while3A_133 = arith.divsi %while3A_130, %while3A_132 : i32
    %while3A_134 = arith.muli %while3A_133, %while3A_132 : i32
    %while3A_135 = arith.addi %while3A_127, %while3A_134 : i32
    %while3A_136 = arith.constant 1 : i32
    %while3A_137 = scf.for %while3A_176 = %while3A_127 to %while3A_135 step %while3A_136 iter_args(%while3A_177 = %while3A_129) -> (i32)  : i32 {
      %mul3A_178 = arith.constant 1024 : i32
      %mul3A_179 = arith.muli %while3A_176, %mul3A_178 : i32
      %scan3A_180 = arith.constant 0 : i32
      %scan3A_181 = arith.constant 0 : i32
      %scan3A_182 = arith.constant 64 : i32
      %scan3A_183 = arith.addi %scan3A_181, %scan3A_182 : i32
      %scan3A_184 = arith.constant 1 : i32
      %scan3A_185 = scf.for %scan3A_209 = %scan3A_181 to %scan3A_183 step %scan3A_184 iter_args(%scan3A_210 = %scan3A_180) -> (i32)  : i32 {
        %mul3A_211 = arith.constant 16 : i32
        %mul3A_212 = arith.muli %scan3A_209, %mul3A_211 : i32
        %add3A_213 = arith.addi %mul3A_179, %mul3A_212 : i32
        %add3A_214 = vector.broadcast %add3A_213 : i32 to vector<16xi32>
        %add3A_215 = arith.addi %add3A_214, %iota3A : vector<16xi32>
        %min3A = arith.constant 4095 : i32
        %min3A_216 = vector.broadcast %min3A : i32 to vector<16xi32>
        %min3A_217 = arith.minsi %add3A_215, %min3A_216 : vector<16xi32>
        %mul3A_218 = arith.constant -1640531535 : i32
        %mul3A_219 = vector.broadcast %mul3A_218 : i32 to vector<16xi32>
        %mul3A_220 = arith.muli %min3A_217, %mul3A_219 : vector<16xi32>
        %xor3A = arith.xori %min3A_217, %mul3A_220 : vector<16xi32>
        %and3A_221 = arith.constant 524287 : i32
        %and3A_222 = vector.broadcast %and3A_221 : i32 to vector<16xi32>
        %and3A_223 = arith.andi %xor3A, %and3A_222 : vector<16xi32>
        %shift_right_arithmetic3A = arith.constant 2 : i32
        %shift_right_arithmetic3A_224 = vector.broadcast %shift_right_arithmetic3A : i32 to vector<16xi32>
        %shift_right_arithmetic3A_225 = arith.shrsi %and3A_223, %shift_right_arithmetic3A_224 : vector<16xi32>
        %add3A_226 = vector.broadcast %mul3A_20 : i32 to vector<16xi32>
        %add3A_227 = arith.addi %shift_right_arithmetic3A_225, %add3A_226 : vector<16xi32>
        %shift_right_arithmetic3A_228 = arith.constant 3 : i32
        %shift_right_arithmetic3A_229 = arith.shrsi %scan3A_209, %shift_right_arithmetic3A_228 : i32
        %and3A_230 = arith.constant 7 : i32
        %and3A_231 = arith.andi %scan3A_209, %and3A_230 : i32
        %mul3A_232 = arith.constant 16 : i32
        %mul3A_233 = arith.muli %and3A_231, %mul3A_232 : i32
        %swap3A = arith.index_cast %shift_right_arithmetic3A_229 : i32 to index
        %swap3A_234 = arith.index_cast %mul3A_233 : i32 to index
        %swap3A_235 = tpu.vector_load %arg12[%swap3A, %swap3A_234] {strides = array<i32>} : memref<8x128xi32, #tpu.memory_space<vmem>>, vector<16xi32>,
        tpu.vector_store %arg12[%swap3A, %swap3A_234], %add3A_227 {strides = array<i32>} : memref<8x128xi32, #tpu.memory_space<vmem>>, vector<16xi32>,
        %and3A_236 = arith.constant 3 : i32
        %and3A_237 = vector.broadcast %and3A_236 : i32 to vector<16xi32>
        %and3A_238 = arith.andi %and3A_223, %and3A_237 : vector<16xi32>
        %shift_left3A = arith.constant 1 : i32
        %shift_left3A_239 = vector.broadcast %shift_left3A : i32 to vector<16xi32>
        %shift_left3A_240 = arith.shli %and3A_238, %shift_left3A_239 : vector<16xi32>
        %mul3A_241 = arith.constant 16 : i32
        %mul3A_242 = arith.muli %scan3A_209, %mul3A_241 : i32
        %swap3A_243 = arith.index_cast %mul3A_242 : i32 to index
        %swap3A_244 = tpu.vector_load %arg13[%swap3A_243] {strides = array<i32>} : memref<1024xi32, #tpu.memory_space<vmem>>, vector<16xi32>,
        tpu.vector_store %arg13[%swap3A_243], %shift_left3A_240 {strides = array<i32>} : memref<1024xi32, #tpu.memory_space<vmem>>, vector<16xi32>,
        %scan3A_245 = arith.constant 0 : i32
        scf.yield %scan3A_245 : i32
      }
      %scan3A_186 = arith.constant 64 : i32
      %scan3A_187 = arith.constant 0 : i32
      %scan3A_188 = arith.constant 0 : i32
      %scan3A_189 = arith.constant 8 : i32
      %scan3A_190 = arith.addi %scan3A_188, %scan3A_189 : i32
      %scan3A_191 = arith.constant 1 : i32
      %scan3A_192 = scf.for %scan3A_209 = %scan3A_188 to %scan3A_190 step %scan3A_191 iter_args(%scan3A_210 = %scan3A_187) -> (i32)  : i32 {
        %mul3A_211 = arith.constant 128 : i32
        %mul3A_212 = arith.muli %scan3A_209, %mul3A_211 : i32
        %dma_start3A_213 = arith.constant 0 : i32
        %dma_start3A_214 = arith.constant 0 : i32
        %dma_start3A_215 = tpu.memref_slice %arg8[%dma_start3A_213, %mul3A_212, %dma_start3A_214] : memref<2x1024x8xf32, #tpu.memory_space<vmem>> -> memref<1x128x8xf32, #tpu.memory_space<vmem>>
        %dma_start3A_216 = tpu.memref_squeeze %dma_start3A_215 : memref<1x128x8xf32, #tpu.memory_space<vmem>> -> memref<128x8xf32, #tpu.memory_space<vmem>>
        %dma_start3A_217 = arith.constant 0 : i32
        %dma_start3A_218 = tpu.memref_slice %arg12[%scan3A_209, %dma_start3A_217] : memref<8x128xi32, #tpu.memory_space<vmem>> -> memref<1x128xi32, #tpu.memory_space<vmem>>
        %dma_start3A_219 = tpu.memref_squeeze %dma_start3A_218 : memref<1x128xi32, #tpu.memory_space<vmem>> -> memref<128xi32, #tpu.memory_space<vmem>>
        %dma_start3A_220 = arith.constant 0 : i32
        %dma_start3A_221 = arith.constant 0 : i32
        %dma_start3A_222 = tpu.memref_slice %arg3[%dma_start3A_220, %dma_start3A_221] : memref<524288x8xf32, #tpu.memory_space<hbm>> -> memref<524288x8xf32, #tpu.memory_space<hbm>>
        tpu.enqueue_indirect_dma source(%dma_start3A_222 : memref<524288x8xf32, #tpu.memory_space<hbm>>) target(%dma_start3A_216 : memref<128x8xf32, #tpu.memory_space<vmem>>) offsets(%dma_start3A_219 : memref<128xi32, #tpu.memory_space<vmem>>) semaphore(%arg14 : memref<!tpu.dma_semaphore, #tpu.memory_space<semaphore_mem>>)
        %scan3A_223 = arith.constant 0 : i32
        scf.yield %scan3A_223 : i32
      }
      %scan3A_193 = arith.constant 8 : i32
      %scan3A_194 = arith.constant 0 : i32
      %scan3A_195 = arith.constant 0 : i32
      %scan3A_196 = arith.constant 8 : i32
      %scan3A_197 = arith.addi %scan3A_195, %scan3A_196 : i32
      %scan3A_198 = arith.constant 1 : i32
      %scan3A_199 = scf.for %scan3A_209 = %scan3A_195 to %scan3A_197 step %scan3A_198 iter_args(%scan3A_210 = %scan3A_194) -> (i32)  : i32 {
        %mul3A_211 = arith.constant 128 : i32
        %mul3A_212 = arith.muli %scan3A_209, %mul3A_211 : i32
        %dma_wait3A = arith.constant 0 : i32
        %dma_wait3A_213 = arith.constant 0 : i32
        %dma_wait3A_214 = tpu.memref_slice %arg8[%dma_wait3A, %mul3A_212, %dma_wait3A_213] : memref<2x1024x8xf32, #tpu.memory_space<vmem>> -> memref<1x128x8xf32, #tpu.memory_space<vmem>>
        %dma_wait3A_215 = tpu.memref_squeeze %dma_wait3A_214 : memref<1x128x8xf32, #tpu.memory_space<vmem>> -> memref<128x8xf32, #tpu.memory_space<vmem>>
        %dma_wait3A_216 = arith.constant 0 : i32
        %dma_wait3A_217 = tpu.memref_slice %arg12[%scan3A_209, %dma_wait3A_216] : memref<8x128xi32, #tpu.memory_space<vmem>> -> memref<1x128xi32, #tpu.memory_space<vmem>>
        %dma_wait3A_218 = tpu.memref_squeeze %dma_wait3A_217 : memref<1x128xi32, #tpu.memory_space<vmem>> -> memref<128xi32, #tpu.memory_space<vmem>>
        %dma_wait3A_219 = arith.constant 0 : i32
        %dma_wait3A_220 = arith.constant 0 : i32
        %dma_wait3A_221 = tpu.memref_slice %arg3[%dma_wait3A_219, %dma_wait3A_220] : memref<524288x8xf32, #tpu.memory_space<hbm>> -> memref<524288x8xf32, #tpu.memory_space<hbm>>
        tpu.wait_indirect_dma semaphore(%arg14 : memref<!tpu.dma_semaphore, #tpu.memory_space<semaphore_mem>>) src(%dma_wait3A_221 : memref<524288x8xf32, #tpu.memory_space<hbm>>) dst(%dma_wait3A_215 : memref<128x8xf32, #tpu.memory_space<vmem>>)
        %scan3A_222 = arith.constant 0 : i32
        scf.yield %scan3A_222 : i32
      }
      %scan3A_200 = arith.constant 8 : i32
      %scan3A_201 = arith.constant 0 : i32
      %scan3A_202 = arith.constant 0 : i32
      %scan3A_203 = arith.constant 64 : i32
      %scan3A_204 = arith.addi %scan3A_202, %scan3A_203 : i32
      %scan3A_205 = arith.constant 1 : i32
      %scan3A_206 = scf.for %scan3A_209 = %scan3A_202 to %scan3A_204 step %scan3A_205 iter_args(%scan3A_210 = %scan3A_201) -> (i32)  : i32 {
        %mul3A_211 = arith.constant 16 : i32
        %mul3A_212 = arith.muli %scan3A_209, %mul3A_211 : i32
        %get3A = arith.index_cast %mul3A_212 : i32 to index
        %get3A_213 = tpu.vector_load %arg13[%get3A] {strides = array<i32>} : memref<1024xi32, #tpu.memory_space<vmem>>, vector<16xi32>,
        %add3A_214 = vector.broadcast %mul3A_212 : i32 to vector<16xi32>
        %add3A_215 = arith.addi %add3A_214, %iota3A : vector<16xi32>
        %gather3A = tpu.vector_load_idx %arg8[%mul3A_23, %add3A_215, %get3A_213] : memref<2x1024x8xf32, #tpu.memory_space<vmem>>[vector<16xi32>, vector<16xi32>, vector<16xi32>], vector<16xf32>,
        %add3A_216 = arith.constant 1 : i32
        %add3A_217 = vector.broadcast %add3A_216 : i32 to vector<16xi32>
        %add3A_218 = arith.addi %get3A_213, %add3A_217 : vector<16xi32>
        %gather3A_219 = tpu.vector_load_idx %arg8[%mul3A_23, %add3A_215, %add3A_218] : memref<2x1024x8xf32, #tpu.memory_space<vmem>>[vector<16xi32>, vector<16xi32>, vector<16xi32>], vector<16xf32>,
        %add3A_220 = arith.constant 9216 : i32
        %add3A_221 = arith.addi %add3A_220, %mul3A_179 : i32
        %add3A_222 = arith.addi %add3A_221, %mul3A_212 : i32
        %swap3A = arith.index_cast %add3A_222 : i32 to index
        %swap3A_223 = tpu.vector_load %arg10[%swap3A] {strides = array<i32>} : memref<13312xf32, #tpu.memory_space<vmem>>, vector<16xf32>,
        tpu.vector_store %arg10[%swap3A], %gather3A {strides = array<i32>} : memref<13312xf32, #tpu.memory_space<vmem>>, vector<16xf32>,
        %swap3A_224 = arith.index_cast %add3A_222 : i32 to index
        %swap3A_225 = tpu.vector_load %arg11[%swap3A_224] {strides = array<i32>} : memref<13312xf32, #tpu.memory_space<vmem>>, vector<16xf32>,
        tpu.vector_store %arg11[%swap3A_224], %gather3A_219 {strides = array<i32>} : memref<13312xf32, #tpu.memory_space<vmem>>, vector<16xf32>,
        %scan3A_226 = arith.constant 0 : i32
        scf.yield %scan3A_226 : i32
      }
      %scan3A_207 = arith.constant 64 : i32
      %while3A_208 = arith.constant 0 : i32
      scf.yield %while3A_208 : i32
    }
    %while3A_138 = arith.constant 1 : i32
    %while3A_139 = scf.for %while3A_176 = %while3A_135 to %while3A_131 step %while3A_138 iter_args(%while3A_177 = %while3A_137) -> (i32)  : i32 {
      %mul3A_178 = arith.constant 1024 : i32
      %mul3A_179 = arith.muli %while3A_176, %mul3A_178 : i32
      %scan3A_180 = arith.constant 0 : i32
      %scan3A_181 = arith.constant 0 : i32
      %scan3A_182 = arith.constant 64 : i32
      %scan3A_183 = arith.addi %scan3A_181, %scan3A_182 : i32
      %scan3A_184 = arith.constant 1 : i32
      %scan3A_185 = scf.for %scan3A_209 = %scan3A_181 to %scan3A_183 step %scan3A_184 iter_args(%scan3A_210 = %scan3A_180) -> (i32)  : i32 {
        %mul3A_211 = arith.constant 16 : i32
        %mul3A_212 = arith.muli %scan3A_209, %mul3A_211 : i32
        %add3A_213 = arith.addi %mul3A_179, %mul3A_212 : i32
        %add3A_214 = vector.broadcast %add3A_213 : i32 to vector<16xi32>
        %add3A_215 = arith.addi %add3A_214, %iota3A : vector<16xi32>
        %min3A = arith.constant 4095 : i32
        %min3A_216 = vector.broadcast %min3A : i32 to vector<16xi32>
        %min3A_217 = arith.minsi %add3A_215, %min3A_216 : vector<16xi32>
        %mul3A_218 = arith.constant -1640531535 : i32
        %mul3A_219 = vector.broadcast %mul3A_218 : i32 to vector<16xi32>
        %mul3A_220 = arith.muli %min3A_217, %mul3A_219 : vector<16xi32>
        %xor3A = arith.xori %min3A_217, %mul3A_220 : vector<16xi32>
        %and3A_221 = arith.constant 524287 : i32
        %and3A_222 = vector.broadcast %and3A_221 : i32 to vector<16xi32>
        %and3A_223 = arith.andi %xor3A, %and3A_222 : vector<16xi32>
        %shift_right_arithmetic3A = arith.constant 2 : i32
        %shift_right_arithmetic3A_224 = vector.broadcast %shift_right_arithmetic3A : i32 to vector<16xi32>
        %shift_right_arithmetic3A_225 = arith.shrsi %and3A_223, %shift_right_arithmetic3A_224 : vector<16xi32>
        %add3A_226 = vector.broadcast %mul3A_20 : i32 to vector<16xi32>
        %add3A_227 = arith.addi %shift_right_arithmetic3A_225, %add3A_226 : vector<16xi32>
        %shift_right_arithmetic3A_228 = arith.constant 3 : i32
        %shift_right_arithmetic3A_229 = arith.shrsi %scan3A_209, %shift_right_arithmetic3A_228 : i32
        %and3A_230 = arith.constant 7 : i32
        %and3A_231 = arith.andi %scan3A_209, %and3A_230 : i32
        %mul3A_232 = arith.constant 16 : i32
        %mul3A_233 = arith.muli %and3A_231, %mul3A_232 : i32
        %swap3A = arith.index_cast %shift_right_arithmetic3A_229 : i32 to index
        %swap3A_234 = arith.index_cast %mul3A_233 : i32 to index
        %swap3A_235 = tpu.vector_load %arg12[%swap3A, %swap3A_234] {strides = array<i32>} : memref<8x128xi32, #tpu.memory_space<vmem>>, vector<16xi32>,
        tpu.vector_store %arg12[%swap3A, %swap3A_234], %add3A_227 {strides = array<i32>} : memref<8x128xi32, #tpu.memory_space<vmem>>, vector<16xi32>,
        %and3A_236 = arith.constant 3 : i32
        %and3A_237 = vector.broadcast %and3A_236 : i32 to vector<16xi32>
        %and3A_238 = arith.andi %and3A_223, %and3A_237 : vector<16xi32>
        %shift_left3A = arith.constant 1 : i32
        %shift_left3A_239 = vector.broadcast %shift_left3A : i32 to vector<16xi32>
        %shift_left3A_240 = arith.shli %and3A_238, %shift_left3A_239 : vector<16xi32>
        %mul3A_241 = arith.constant 16 : i32
        %mul3A_242 = arith.muli %scan3A_209, %mul3A_241 : i32
        %swap3A_243 = arith.index_cast %mul3A_242 : i32 to index
        %swap3A_244 = tpu.vector_load %arg13[%swap3A_243] {strides = array<i32>} : memref<1024xi32, #tpu.memory_space<vmem>>, vector<16xi32>,
        tpu.vector_store %arg13[%swap3A_243], %shift_left3A_240 {strides = array<i32>} : memref<1024xi32, #tpu.memory_space<vmem>>, vector<16xi32>,
        %scan3A_245 = arith.constant 0 : i32
        scf.yield %scan3A_245 : i32
      }
      %scan3A_186 = arith.constant 64 : i32
      %scan3A_187 = arith.constant 0 : i32
      %scan3A_188 = arith.constant 0 : i32
      %scan3A_189 = arith.constant 8 : i32
      %scan3A_190 = arith.addi %scan3A_188, %scan3A_189 : i32
      %scan3A_191 = arith.constant 1 : i32
      %scan3A_192 = scf.for %scan3A_209 = %scan3A_188 to %scan3A_190 step %scan3A_191 iter_args(%scan3A_210 = %scan3A_187) -> (i32)  : i32 {
        %mul3A_211 = arith.constant 128 : i32
        %mul3A_212 = arith.muli %scan3A_209, %mul3A_211 : i32
        %dma_start3A_213 = arith.constant 0 : i32
        %dma_start3A_214 = arith.constant 0 : i32
        %dma_start3A_215 = tpu.memref_slice %arg8[%dma_start3A_213, %mul3A_212, %dma_start3A_214] : memref<2x1024x8xf32, #tpu.memory_space<vmem>> -> memref<1x128x8xf32, #tpu.memory_space<vmem>>
        %dma_start3A_216 = tpu.memref_squeeze %dma_start3A_215 : memref<1x128x8xf32, #tpu.memory_space<vmem>> -> memref<128x8xf32, #tpu.memory_space<vmem>>
        %dma_start3A_217 = arith.constant 0 : i32
        %dma_start3A_218 = tpu.memref_slice %arg12[%scan3A_209, %dma_start3A_217] : memref<8x128xi32, #tpu.memory_space<vmem>> -> memref<1x128xi32, #tpu.memory_space<vmem>>
        %dma_start3A_219 = tpu.memref_squeeze %dma_start3A_218 : memref<1x128xi32, #tpu.memory_space<vmem>> -> memref<128xi32, #tpu.memory_space<vmem>>
        %dma_start3A_220 = arith.constant 0 : i32
        %dma_start3A_221 = arith.constant 0 : i32
        %dma_start3A_222 = tpu.memref_slice %arg3[%dma_start3A_220, %dma_start3A_221] : memref<524288x8xf32, #tpu.memory_space<hbm>> -> memref<524288x8xf32, #tpu.memory_space<hbm>>
        tpu.enqueue_indirect_dma source(%dma_start3A_222 : memref<524288x8xf32, #tpu.memory_space<hbm>>) target(%dma_start3A_216 : memref<128x8xf32, #tpu.memory_space<vmem>>) offsets(%dma_start3A_219 : memref<128xi32, #tpu.memory_space<vmem>>) semaphore(%arg14 : memref<!tpu.dma_semaphore, #tpu.memory_space<semaphore_mem>>)
        %scan3A_223 = arith.constant 0 : i32
        scf.yield %scan3A_223 : i32
      }
      %scan3A_193 = arith.constant 8 : i32
      %scan3A_194 = arith.constant 0 : i32
      %scan3A_195 = arith.constant 0 : i32
      %scan3A_196 = arith.constant 8 : i32
      %scan3A_197 = arith.addi %scan3A_195, %scan3A_196 : i32
      %scan3A_198 = arith.constant 1 : i32
      %scan3A_199 = scf.for %scan3A_209 = %scan3A_195 to %scan3A_197 step %scan3A_198 iter_args(%scan3A_210 = %scan3A_194) -> (i32)  : i32 {
        %mul3A_211 = arith.constant 128 : i32
        %mul3A_212 = arith.muli %scan3A_209, %mul3A_211 : i32
        %dma_wait3A = arith.constant 0 : i32
        %dma_wait3A_213 = arith.constant 0 : i32
        %dma_wait3A_214 = tpu.memref_slice %arg8[%dma_wait3A, %mul3A_212, %dma_wait3A_213] : memref<2x1024x8xf32, #tpu.memory_space<vmem>> -> memref<1x128x8xf32, #tpu.memory_space<vmem>>
        %dma_wait3A_215 = tpu.memref_squeeze %dma_wait3A_214 : memref<1x128x8xf32, #tpu.memory_space<vmem>> -> memref<128x8xf32, #tpu.memory_space<vmem>>
        %dma_wait3A_216 = arith.constant 0 : i32
        %dma_wait3A_217 = tpu.memref_slice %arg12[%scan3A_209, %dma_wait3A_216] : memref<8x128xi32, #tpu.memory_space<vmem>> -> memref<1x128xi32, #tpu.memory_space<vmem>>
        %dma_wait3A_218 = tpu.memref_squeeze %dma_wait3A_217 : memref<1x128xi32, #tpu.memory_space<vmem>> -> memref<128xi32, #tpu.memory_space<vmem>>
        %dma_wait3A_219 = arith.constant 0 : i32
        %dma_wait3A_220 = arith.constant 0 : i32
        %dma_wait3A_221 = tpu.memref_slice %arg3[%dma_wait3A_219, %dma_wait3A_220] : memref<524288x8xf32, #tpu.memory_space<hbm>> -> memref<524288x8xf32, #tpu.memory_space<hbm>>
        tpu.wait_indirect_dma semaphore(%arg14 : memref<!tpu.dma_semaphore, #tpu.memory_space<semaphore_mem>>) src(%dma_wait3A_221 : memref<524288x8xf32, #tpu.memory_space<hbm>>) dst(%dma_wait3A_215 : memref<128x8xf32, #tpu.memory_space<vmem>>)
        %scan3A_222 = arith.constant 0 : i32
        scf.yield %scan3A_222 : i32
      }
      %scan3A_200 = arith.constant 8 : i32
      %scan3A_201 = arith.constant 0 : i32
      %scan3A_202 = arith.constant 0 : i32
      %scan3A_203 = arith.constant 64 : i32
      %scan3A_204 = arith.addi %scan3A_202, %scan3A_203 : i32
      %scan3A_205 = arith.constant 1 : i32
      %scan3A_206 = scf.for %scan3A_209 = %scan3A_202 to %scan3A_204 step %scan3A_205 iter_args(%scan3A_210 = %scan3A_201) -> (i32)  : i32 {
        %mul3A_211 = arith.constant 16 : i32
        %mul3A_212 = arith.muli %scan3A_209, %mul3A_211 : i32
        %get3A = arith.index_cast %mul3A_212 : i32 to index
        %get3A_213 = tpu.vector_load %arg13[%get3A] {strides = array<i32>} : memref<1024xi32, #tpu.memory_space<vmem>>, vector<16xi32>,
        %add3A_214 = vector.broadcast %mul3A_212 : i32 to vector<16xi32>
        %add3A_215 = arith.addi %add3A_214, %iota3A : vector<16xi32>
        %gather3A = tpu.vector_load_idx %arg8[%mul3A_23, %add3A_215, %get3A_213] : memref<2x1024x8xf32, #tpu.memory_space<vmem>>[vector<16xi32>, vector<16xi32>, vector<16xi32>], vector<16xf32>,
        %add3A_216 = arith.constant 1 : i32
        %add3A_217 = vector.broadcast %add3A_216 : i32 to vector<16xi32>
        %add3A_218 = arith.addi %get3A_213, %add3A_217 : vector<16xi32>
        %gather3A_219 = tpu.vector_load_idx %arg8[%mul3A_23, %add3A_215, %add3A_218] : memref<2x1024x8xf32, #tpu.memory_space<vmem>>[vector<16xi32>, vector<16xi32>, vector<16xi32>], vector<16xf32>,
        %add3A_220 = arith.constant 9216 : i32
        %add3A_221 = arith.addi %add3A_220, %mul3A_179 : i32
        %add3A_222 = arith.addi %add3A_221, %mul3A_212 : i32
        %swap3A = arith.index_cast %add3A_222 : i32 to index
        %swap3A_223 = tpu.vector_load %arg10[%swap3A] {strides = array<i32>} : memref<13312xf32, #tpu.memory_space<vmem>>, vector<16xf32>,
        tpu.vector_store %arg10[%swap3A], %gather3A {strides = array<i32>} : memref<13312xf32, #tpu.memory_space<vmem>>, vector<16xf32>,
        %swap3A_224 = arith.index_cast %add3A_222 : i32 to index
        %swap3A_225 = tpu.vector_load %arg11[%swap3A_224] {strides = array<i32>} : memref<13312xf32, #tpu.memory_space<vmem>>, vector<16xf32>,
        tpu.vector_store %arg11[%swap3A_224], %gather3A_219 {strides = array<i32>} : memref<13312xf32, #tpu.memory_space<vmem>>, vector<16xf32>,
        %scan3A_226 = arith.constant 0 : i32
        scf.yield %scan3A_226 : i32
      }
      %scan3A_207 = arith.constant 64 : i32
      %while3A_208 = arith.constant 0 : i32
      scf.yield %while3A_208 : i32
    }
    %mul3A_140 = arith.constant 0 : i32
    %mul3A_141 = arith.constant 1024 : i32
    %mul3A_142 = arith.muli %mul3A_140, %mul3A_141 : i32
    %add3A_143 = arith.addi %mul3A_2, %mul3A_142 : i32
    %and3A_144 = arith.constant 0 : i32
    %and3A_145 = arith.constant 1 : i32
    %and3A_146 = arith.andi %and3A_144, %and3A_145 : i32
    %dma_start3A = arith.constant 0 : i32
    %dma_start3A_147 = tpu.memref_slice %arg5[%and3A_146, %dma_start3A] : memref<2x1024xf32, #tpu.memory_space<vmem>> -> memref<1x1024xf32, #tpu.memory_space<vmem>>
    %dma_start3A_148 = tpu.memref_squeeze %dma_start3A_147 : memref<1x1024xf32, #tpu.memory_space<vmem>> -> memref<1024xf32, #tpu.memory_space<vmem>>
    %dma_start3A_149 = tpu.memref_slice %arg2[%add3A_143] : memref<262144xf32, #tpu.memory_space<hbm>> -> memref<1024xf32, #tpu.memory_space<hbm>>
    %dma_start3A_150 = arith.constant 0 : i32
    %dma_start3A_151 = tpu.memref_slice %arg5[%and3A_146, %dma_start3A_150] : memref<2x1024xf32, #tpu.memory_space<vmem>> -> memref<1x1024xf32, #tpu.memory_space<vmem>>
    %dma_start3A_152 = tpu.memref_squeeze %dma_start3A_151 : memref<1x1024xf32, #tpu.memory_space<vmem>> -> memref<1024xf32, #tpu.memory_space<vmem>>
    %dma_start3A_153 = tpu.memref_slice %arg2[%add3A_143] : memref<262144xf32, #tpu.memory_space<hbm>> -> memref<1024xf32, #tpu.memory_space<hbm>>
    tpu.enqueue_dma source(%dma_start3A_153 : memref<1024xf32, #tpu.memory_space<hbm>>) target(%dma_start3A_152 : memref<1024xf32, #tpu.memory_space<vmem>>) target_semaphore(%arg15 : memref<!tpu.dma_semaphore, #tpu.memory_space<semaphore_mem>>)
    %scan3A = arith.constant 8.191000e+03 : f32
    %scan3A_154 = arith.constant 1.638300e+04 : f32
    %scan3A_155 = arith.constant 3.276700e+04 : f32
    %scan3A_156 = arith.constant 6.553500e+04 : f32
    %scan3A_157 = arith.constant 1.310710e+05 : f32
    %scan3A_158 = arith.constant 2.621430e+05 : f32
    %scan3A_159 = arith.constant 5.242870e+05 : f32
    %scan3A_160 = arith.constant 1.500000e+01 : f32
    %scan3A_161 = arith.constant 3.100000e+01 : f32
    %scan3A_162 = arith.constant 6.300000e+01 : f32
    %scan3A_163 = arith.constant 1.270000e+02 : f32
    %scan3A_164 = arith.constant 2.550000e+02 : f32
    %scan3A_165 = arith.constant 5.110000e+02 : f32
    %scan3A_166 = arith.constant 1.023000e+03 : f32
    %scan3A_167 = arith.constant 2.047000e+03 : f32
    %scan3A_168 = arith.constant 4.095000e+03 : f32
    %scan3A_169 = arith.constant 0 : i32
    %scan3A_170 = arith.constant 0 : i32
    %scan3A_171 = arith.constant 8 : i32
    %scan3A_172 = arith.addi %scan3A_170, %scan3A_171 : i32
    %scan3A_173 = arith.constant 1 : i32
    %scan3A_174 = scf.for %scan3A_176 = %scan3A_170 to %scan3A_172 step %scan3A_173 iter_args(%scan3A_177 = %scan3A_169) -> (i32)  : i32 {
      %mul3A_178 = arith.constant 1024 : i32
      %mul3A_179 = arith.muli %scan3A_176, %mul3A_178 : i32
      %add3A_180 = arith.addi %mul3A_2, %mul3A_179 : i32
      %and3A_181 = arith.constant 1 : i32
      %and3A_182 = arith.andi %scan3A_176, %and3A_181 : i32
      %mul3A_183 = arith.constant 1024 : i32
      %mul3A_184 = arith.muli %scan3A_176, %mul3A_183 : i32
      %add3A_185 = arith.addi %mul3A_2, %mul3A_184 : i32
      %and3A_186 = arith.constant 1 : i32
      %and3A_187 = arith.andi %scan3A_176, %and3A_186 : i32
      %dma_wait3A = arith.constant 0 : i32
      %dma_wait3A_188 = tpu.memref_slice %arg5[%and3A_187, %dma_wait3A] : memref<2x1024xf32, #tpu.memory_space<vmem>> -> memref<1x1024xf32, #tpu.memory_space<vmem>>
      %dma_wait3A_189 = tpu.memref_squeeze %dma_wait3A_188 : memref<1x1024xf32, #tpu.memory_space<vmem>> -> memref<1024xf32, #tpu.memory_space<vmem>>
      %dma_wait3A_190 = tpu.memref_slice %arg2[%add3A_185] : memref<262144xf32, #tpu.memory_space<hbm>> -> memref<1024xf32, #tpu.memory_space<hbm>>
      %dma_wait3A_191 = arith.constant 0 : i32
      %dma_wait3A_192 = tpu.memref_slice %arg5[%and3A_187, %dma_wait3A_191] : memref<2x1024xf32, #tpu.memory_space<vmem>> -> memref<1x1024xf32, #tpu.memory_space<vmem>>
      %dma_wait3A_193 = tpu.memref_squeeze %dma_wait3A_192 : memref<1x1024xf32, #tpu.memory_space<vmem>> -> memref<1024xf32, #tpu.memory_space<vmem>>
      %dma_wait3A_194 = tpu.memref_slice %arg2[%add3A_185] : memref<262144xf32, #tpu.memory_space<hbm>> -> memref<1024xf32, #tpu.memory_space<hbm>>
      tpu.wait_dma2 semaphore(%arg15 : memref<!tpu.dma_semaphore, #tpu.memory_space<semaphore_mem>>) src(%dma_wait3A_194 : memref<1024xf32, #tpu.memory_space<hbm>>) dst(%dma_wait3A_193 : memref<1024xf32, #tpu.memory_space<vmem>>)
      %lt3A = arith.constant 7 : i32
      %lt3A_195 = arith.cmpi slt, %scan3A_176, %lt3A : i32
      %convert_element_type3A = arith.extui %lt3A_195 : i1 to i32
      %cond3A = arith.constant 0 : i32
      %cond3A_196 = arith.cmpi ne, %convert_element_type3A, %cond3A : i32
      scf.if %cond3A_196 {
        %add3A_401 = arith.constant 1 : i32
        %add3A_402 = arith.addi %scan3A_176, %add3A_401 : i32
        %mul3A_403 = arith.constant 1024 : i32
        %mul3A_404 = arith.muli %add3A_402, %mul3A_403 : i32
        %add3A_405 = arith.addi %mul3A_2, %mul3A_404 : i32
        %and3A_406 = arith.constant 1 : i32
        %and3A_407 = arith.andi %add3A_402, %and3A_406 : i32
        %dma_start3A_408 = arith.constant 0 : i32
        %dma_start3A_409 = tpu.memref_slice %arg5[%and3A_407, %dma_start3A_408] : memref<2x1024xf32, #tpu.memory_space<vmem>> -> memref<1x1024xf32, #tpu.memory_space<vmem>>
        %dma_start3A_410 = tpu.memref_squeeze %dma_start3A_409 : memref<1x1024xf32, #tpu.memory_space<vmem>> -> memref<1024xf32, #tpu.memory_space<vmem>>
        %dma_start3A_411 = tpu.memref_slice %arg2[%add3A_405] : memref<262144xf32, #tpu.memory_space<hbm>> -> memref<1024xf32, #tpu.memory_space<hbm>>
        %dma_start3A_412 = arith.constant 0 : i32
        %dma_start3A_413 = tpu.memref_slice %arg5[%and3A_407, %dma_start3A_412] : memref<2x1024xf32, #tpu.memory_space<vmem>> -> memref<1x1024xf32, #tpu.memory_space<vmem>>
        %dma_start3A_414 = tpu.memref_squeeze %dma_start3A_413 : memref<1x1024xf32, #tpu.memory_space<vmem>> -> memref<1024xf32, #tpu.memory_space<vmem>>
        %dma_start3A_415 = tpu.memref_slice %arg2[%add3A_405] : memref<262144xf32, #tpu.memory_space<hbm>> -> memref<1024xf32, #tpu.memory_space<hbm>>
        tpu.enqueue_dma source(%dma_start3A_415 : memref<1024xf32, #tpu.memory_space<hbm>>) target(%dma_start3A_414 : memref<1024xf32, #tpu.memory_space<vmem>>) target_semaphore(%arg15 : memref<!tpu.dma_semaphore, #tpu.memory_space<semaphore_mem>>)
      } else {
      }
      %scan3A_197 = arith.constant 0 : i32
      %scan3A_198 = arith.constant 0 : i32
      %scan3A_199 = arith.constant 64 : i32
      %scan3A_200 = arith.addi %scan3A_198, %scan3A_199 : i32
      %scan3A_201 = arith.constant 1 : i32
      %scan3A_202 = scf.for %scan3A_401 = %scan3A_198 to %scan3A_200 step %scan3A_201 iter_args(%scan3A_402 = %scan3A_197) -> (i32)  : i32 {
        %shift_right_arithmetic3A = arith.constant 3 : i32
        %shift_right_arithmetic3A_403 = arith.shrsi %scan3A_401, %shift_right_arithmetic3A : i32
        %and3A_404 = arith.constant 7 : i32
        %and3A_405 = arith.andi %scan3A_401, %and3A_404 : i32
        %mul3A_406 = arith.constant 16 : i32
        %mul3A_407 = arith.muli %and3A_405, %mul3A_406 : i32
        %mul3A_408 = arith.constant 16 : i32
        %mul3A_409 = arith.muli %scan3A_401, %mul3A_408 : i32
        %get3A = arith.index_cast %and3A_182 : i32 to index
        %get3A_410 = arith.index_cast %mul3A_409 : i32 to index
        %get3A_411 = tpu.vector_load %arg5[%get3A, %get3A_410] {strides = array<i32>} : memref<2x1024xf32, #tpu.memory_space<vmem>>, vector<16xf32>,
        %mul3A_412 = vector.broadcast %scan3A : f32 to vector<16xf32>
        %mul3A_413 = arith.mulf %get3A_411, %mul3A_412 : vector<16xf32>
        %convert_element_type3A_414 = arith.fptosi %mul3A_413 : vector<16xf32> to vector<16xi32>
        %mul3A_415 = arith.constant -1640531535 : i32
        %mul3A_416 = vector.broadcast %mul3A_415 : i32 to vector<16xi32>
        %mul3A_417 = arith.muli %convert_element_type3A_414, %mul3A_416 : vector<16xi32>
        %xor3A = arith.xori %convert_element_type3A_414, %mul3A_417 : vector<16xi32>
        %and3A_418 = arith.constant 524287 : i32
        %and3A_419 = vector.broadcast %and3A_418 : i32 to vector<16xi32>
        %and3A_420 = arith.andi %xor3A, %and3A_419 : vector<16xi32>
        %shift_right_arithmetic3A_421 = arith.constant 2 : i32
        %shift_right_arithmetic3A_422 = vector.broadcast %shift_right_arithmetic3A_421 : i32 to vector<16xi32>
        %shift_right_arithmetic3A_423 = arith.shrsi %and3A_420, %shift_right_arithmetic3A_422 : vector<16xi32>
        %add3A_424 = vector.broadcast %mul3A_20 : i32 to vector<16xi32>
        %add3A_425 = arith.addi %shift_right_arithmetic3A_423, %add3A_424 : vector<16xi32>
        %swap3A = arith.constant 0 : i32
        %swap3A_426 = arith.index_cast %swap3A : i32 to index
        %swap3A_427 = arith.index_cast %shift_right_arithmetic3A_403 : i32 to index
        %swap3A_428 = arith.index_cast %mul3A_407 : i32 to index
        %swap3A_429 = tpu.vector_load %arg6[%swap3A_426, %swap3A_427, %swap3A_428] {strides = array<i32>} : memref<7x8x128xi32, #tpu.memory_space<vmem>>, vector<16xi32>,
        tpu.vector_store %arg6[%swap3A_426, %swap3A_427, %swap3A_428], %add3A_425 {strides = array<i32>} : memref<7x8x128xi32, #tpu.memory_space<vmem>>, vector<16xi32>,
        %and3A_430 = arith.constant 3 : i32
        %and3A_431 = vector.broadcast %and3A_430 : i32 to vector<16xi32>
        %and3A_432 = arith.andi %and3A_420, %and3A_431 : vector<16xi32>
        %shift_left3A = arith.constant 1 : i32
        %shift_left3A_433 = vector.broadcast %shift_left3A : i32 to vector<16xi32>
        %shift_left3A_434 = arith.shli %and3A_432, %shift_left3A_433 : vector<16xi32>
        %mul3A_435 = arith.constant 16 : i32
        %mul3A_436 = arith.muli %scan3A_401, %mul3A_435 : i32
        %swap3A_437 = arith.constant 0 : i32
        %swap3A_438 = arith.index_cast %swap3A_437 : i32 to index
        %swap3A_439 = arith.index_cast %mul3A_436 : i32 to index
        %swap3A_440 = tpu.vector_load %arg7[%swap3A_438, %swap3A_439] {strides = array<i32>} : memref<7x1024xi32, #tpu.memory_space<vmem>>, vector<16xi32>,
        tpu.vector_store %arg7[%swap3A_438, %swap3A_439], %shift_left3A_434 {strides = array<i32>} : memref<7x1024xi32, #tpu.memory_space<vmem>>, vector<16xi32>,
        %mul3A_441 = vector.broadcast %scan3A_154 : f32 to vector<16xf32>
        %mul3A_442 = arith.mulf %get3A_411, %mul3A_441 : vector<16xf32>
        %convert_element_type3A_443 = arith.fptosi %mul3A_442 : vector<16xf32> to vector<16xi32>
        %mul3A_444 = arith.constant -1640531535 : i32
        %mul3A_445 = vector.broadcast %mul3A_444 : i32 to vector<16xi32>
        %mul3A_446 = arith.muli %convert_element_type3A_443, %mul3A_445 : vector<16xi32>
        %xor3A_447 = arith.xori %convert_element_type3A_443, %mul3A_446 : vector<16xi32>
        %and3A_448 = arith.constant 524287 : i32
        %and3A_449 = vector.broadcast %and3A_448 : i32 to vector<16xi32>
        %and3A_450 = arith.andi %xor3A_447, %and3A_449 : vector<16xi32>
        %shift_right_arithmetic3A_451 = arith.constant 2 : i32
        %shift_right_arithmetic3A_452 = vector.broadcast %shift_right_arithmetic3A_451 : i32 to vector<16xi32>
        %shift_right_arithmetic3A_453 = arith.shrsi %and3A_450, %shift_right_arithmetic3A_452 : vector<16xi32>
        %add3A_454 = vector.broadcast %mul3A_20 : i32 to vector<16xi32>
        %add3A_455 = arith.addi %shift_right_arithmetic3A_453, %add3A_454 : vector<16xi32>
        %swap3A_456 = arith.constant 1 : i32
        %swap3A_457 = arith.index_cast %swap3A_456 : i32 to index
        %swap3A_458 = arith.index_cast %shift_right_arithmetic3A_403 : i32 to index
        %swap3A_459 = arith.index_cast %mul3A_407 : i32 to index
        %swap3A_460 = tpu.vector_load %arg6[%swap3A_457, %swap3A_458, %swap3A_459] {strides = array<i32>} : memref<7x8x128xi32, #tpu.memory_space<vmem>>, vector<16xi32>,
        tpu.vector_store %arg6[%swap3A_457, %swap3A_458, %swap3A_459], %add3A_455 {strides = array<i32>} : memref<7x8x128xi32, #tpu.memory_space<vmem>>, vector<16xi32>,
        %and3A_461 = arith.constant 3 : i32
        %and3A_462 = vector.broadcast %and3A_461 : i32 to vector<16xi32>
        %and3A_463 = arith.andi %and3A_450, %and3A_462 : vector<16xi32>
        %shift_left3A_464 = arith.constant 1 : i32
        %shift_left3A_465 = vector.broadcast %shift_left3A_464 : i32 to vector<16xi32>
        %shift_left3A_466 = arith.shli %and3A_463, %shift_left3A_465 : vector<16xi32>
        %mul3A_467 = arith.constant 16 : i32
        %mul3A_468 = arith.muli %scan3A_401, %mul3A_467 : i32
        %swap3A_469 = arith.constant 1 : i32
        %swap3A_470 = arith.index_cast %swap3A_469 : i32 to index
        %swap3A_471 = arith.index_cast %mul3A_468 : i32 to index
        %swap3A_472 = tpu.vector_load %arg7[%swap3A_470, %swap3A_471] {strides = array<i32>} : memref<7x1024xi32, #tpu.memory_space<vmem>>, vector<16xi32>,
        tpu.vector_store %arg7[%swap3A_470, %swap3A_471], %shift_left3A_466 {strides = array<i32>} : memref<7x1024xi32, #tpu.memory_space<vmem>>, vector<16xi32>,
        %mul3A_473 = vector.broadcast %scan3A_155 : f32 to vector<16xf32>
        %mul3A_474 = arith.mulf %get3A_411, %mul3A_473 : vector<16xf32>
        %convert_element_type3A_475 = arith.fptosi %mul3A_474 : vector<16xf32> to vector<16xi32>
        %mul3A_476 = arith.constant -1640531535 : i32
        %mul3A_477 = vector.broadcast %mul3A_476 : i32 to vector<16xi32>
        %mul3A_478 = arith.muli %convert_element_type3A_475, %mul3A_477 : vector<16xi32>
        %xor3A_479 = arith.xori %convert_element_type3A_475, %mul3A_478 : vector<16xi32>
        %and3A_480 = arith.constant 524287 : i32
        %and3A_481 = vector.broadcast %and3A_480 : i32 to vector<16xi32>
        %and3A_482 = arith.andi %xor3A_479, %and3A_481 : vector<16xi32>
        %shift_right_arithmetic3A_483 = arith.constant 2 : i32
        %shift_right_arithmetic3A_484 = vector.broadcast %shift_right_arithmetic3A_483 : i32 to vector<16xi32>
        %shift_right_arithmetic3A_485 = arith.shrsi %and3A_482, %shift_right_arithmetic3A_484 : vector<16xi32>
        %add3A_486 = vector.broadcast %mul3A_20 : i32 to vector<16xi32>
        %add3A_487 = arith.addi %shift_right_arithmetic3A_485, %add3A_486 : vector<16xi32>
        %swap3A_488 = arith.constant 2 : i32
        %swap3A_489 = arith.index_cast %swap3A_488 : i32 to index
        %swap3A_490 = arith.index_cast %shift_right_arithmetic3A_403 : i32 to index
        %swap3A_491 = arith.index_cast %mul3A_407 : i32 to index
        %swap3A_492 = tpu.vector_load %arg6[%swap3A_489, %swap3A_490, %swap3A_491] {strides = array<i32>} : memref<7x8x128xi32, #tpu.memory_space<vmem>>, vector<16xi32>,
        tpu.vector_store %arg6[%swap3A_489, %swap3A_490, %swap3A_491], %add3A_487 {strides = array<i32>} : memref<7x8x128xi32, #tpu.memory_space<vmem>>, vector<16xi32>,
        %and3A_493 = arith.constant 3 : i32
        %and3A_494 = vector.broadcast %and3A_493 : i32 to vector<16xi32>
        %and3A_495 = arith.andi %and3A_482, %and3A_494 : vector<16xi32>
        %shift_left3A_496 = arith.constant 1 : i32
        %shift_left3A_497 = vector.broadcast %shift_left3A_496 : i32 to vector<16xi32>
        %shift_left3A_498 = arith.shli %and3A_495, %shift_left3A_497 : vector<16xi32>
        %mul3A_499 = arith.constant 16 : i32
        %mul3A_500 = arith.muli %scan3A_401, %mul3A_499 : i32
        %swap3A_501 = arith.constant 2 : i32
        %swap3A_502 = arith.index_cast %swap3A_501 : i32 to index
        %swap3A_503 = arith.index_cast %mul3A_500 : i32 to index
        %swap3A_504 = tpu.vector_load %arg7[%swap3A_502, %swap3A_503] {strides = array<i32>} : memref<7x1024xi32, #tpu.memory_space<vmem>>, vector<16xi32>,
        tpu.vector_store %arg7[%swap3A_502, %swap3A_503], %shift_left3A_498 {strides = array<i32>} : memref<7x1024xi32, #tpu.memory_space<vmem>>, vector<16xi32>,
        %mul3A_505 = vector.broadcast %scan3A_156 : f32 to vector<16xf32>
        %mul3A_506 = arith.mulf %get3A_411, %mul3A_505 : vector<16xf32>
        %convert_element_type3A_507 = arith.fptosi %mul3A_506 : vector<16xf32> to vector<16xi32>
        %mul3A_508 = arith.constant -1640531535 : i32
        %mul3A_509 = vector.broadcast %mul3A_508 : i32 to vector<16xi32>
        %mul3A_510 = arith.muli %convert_element_type3A_507, %mul3A_509 : vector<16xi32>
        %xor3A_511 = arith.xori %convert_element_type3A_507, %mul3A_510 : vector<16xi32>
        %and3A_512 = arith.constant 524287 : i32
        %and3A_513 = vector.broadcast %and3A_512 : i32 to vector<16xi32>
        %and3A_514 = arith.andi %xor3A_511, %and3A_513 : vector<16xi32>
        %shift_right_arithmetic3A_515 = arith.constant 2 : i32
        %shift_right_arithmetic3A_516 = vector.broadcast %shift_right_arithmetic3A_515 : i32 to vector<16xi32>
        %shift_right_arithmetic3A_517 = arith.shrsi %and3A_514, %shift_right_arithmetic3A_516 : vector<16xi32>
        %add3A_518 = vector.broadcast %mul3A_20 : i32 to vector<16xi32>
        %add3A_519 = arith.addi %shift_right_arithmetic3A_517, %add3A_518 : vector<16xi32>
        %swap3A_520 = arith.constant 3 : i32
        %swap3A_521 = arith.index_cast %swap3A_520 : i32 to index
        %swap3A_522 = arith.index_cast %shift_right_arithmetic3A_403 : i32 to index
        %swap3A_523 = arith.index_cast %mul3A_407 : i32 to index
        %swap3A_524 = tpu.vector_load %arg6[%swap3A_521, %swap3A_522, %swap3A_523] {strides = array<i32>} : memref<7x8x128xi32, #tpu.memory_space<vmem>>, vector<16xi32>,
        tpu.vector_store %arg6[%swap3A_521, %swap3A_522, %swap3A_523], %add3A_519 {strides = array<i32>} : memref<7x8x128xi32, #tpu.memory_space<vmem>>, vector<16xi32>,
        %and3A_525 = arith.constant 3 : i32
        %and3A_526 = vector.broadcast %and3A_525 : i32 to vector<16xi32>
        %and3A_527 = arith.andi %and3A_514, %and3A_526 : vector<16xi32>
        %shift_left3A_528 = arith.constant 1 : i32
        %shift_left3A_529 = vector.broadcast %shift_left3A_528 : i32 to vector<16xi32>
        %shift_left3A_530 = arith.shli %and3A_527, %shift_left3A_529 : vector<16xi32>
        %mul3A_531 = arith.constant 16 : i32
        %mul3A_532 = arith.muli %scan3A_401, %mul3A_531 : i32
        %swap3A_533 = arith.constant 3 : i32
        %swap3A_534 = arith.index_cast %swap3A_533 : i32 to index
        %swap3A_535 = arith.index_cast %mul3A_532 : i32 to index
        %swap3A_536 = tpu.vector_load %arg7[%swap3A_534, %swap3A_535] {strides = array<i32>} : memref<7x1024xi32, #tpu.memory_space<vmem>>, vector<16xi32>,
        tpu.vector_store %arg7[%swap3A_534, %swap3A_535], %shift_left3A_530 {strides = array<i32>} : memref<7x1024xi32, #tpu.memory_space<vmem>>, vector<16xi32>,
        %mul3A_537 = vector.broadcast %scan3A_157 : f32 to vector<16xf32>
        %mul3A_538 = arith.mulf %get3A_411, %mul3A_537 : vector<16xf32>
        %convert_element_type3A_539 = arith.fptosi %mul3A_538 : vector<16xf32> to vector<16xi32>
        %mul3A_540 = arith.constant -1640531535 : i32
        %mul3A_541 = vector.broadcast %mul3A_540 : i32 to vector<16xi32>
        %mul3A_542 = arith.muli %convert_element_type3A_539, %mul3A_541 : vector<16xi32>
        %xor3A_543 = arith.xori %convert_element_type3A_539, %mul3A_542 : vector<16xi32>
        %and3A_544 = arith.constant 524287 : i32
        %and3A_545 = vector.broadcast %and3A_544 : i32 to vector<16xi32>
        %and3A_546 = arith.andi %xor3A_543, %and3A_545 : vector<16xi32>
        %shift_right_arithmetic3A_547 = arith.constant 2 : i32
        %shift_right_arithmetic3A_548 = vector.broadcast %shift_right_arithmetic3A_547 : i32 to vector<16xi32>
        %shift_right_arithmetic3A_549 = arith.shrsi %and3A_546, %shift_right_arithmetic3A_548 : vector<16xi32>
        %add3A_550 = vector.broadcast %mul3A_20 : i32 to vector<16xi32>
        %add3A_551 = arith.addi %shift_right_arithmetic3A_549, %add3A_550 : vector<16xi32>
        %swap3A_552 = arith.constant 4 : i32
        %swap3A_553 = arith.index_cast %swap3A_552 : i32 to index
        %swap3A_554 = arith.index_cast %shift_right_arithmetic3A_403 : i32 to index
        %swap3A_555 = arith.index_cast %mul3A_407 : i32 to index
        %swap3A_556 = tpu.vector_load %arg6[%swap3A_553, %swap3A_554, %swap3A_555] {strides = array<i32>} : memref<7x8x128xi32, #tpu.memory_space<vmem>>, vector<16xi32>,
        tpu.vector_store %arg6[%swap3A_553, %swap3A_554, %swap3A_555], %add3A_551 {strides = array<i32>} : memref<7x8x128xi32, #tpu.memory_space<vmem>>, vector<16xi32>,
        %and3A_557 = arith.constant 3 : i32
        %and3A_558 = vector.broadcast %and3A_557 : i32 to vector<16xi32>
        %and3A_559 = arith.andi %and3A_546, %and3A_558 : vector<16xi32>
        %shift_left3A_560 = arith.constant 1 : i32
        %shift_left3A_561 = vector.broadcast %shift_left3A_560 : i32 to vector<16xi32>
        %shift_left3A_562 = arith.shli %and3A_559, %shift_left3A_561 : vector<16xi32>
        %mul3A_563 = arith.constant 16 : i32
        %mul3A_564 = arith.muli %scan3A_401, %mul3A_563 : i32
        %swap3A_565 = arith.constant 4 : i32
        %swap3A_566 = arith.index_cast %swap3A_565 : i32 to index
        %swap3A_567 = arith.index_cast %mul3A_564 : i32 to index
        %swap3A_568 = tpu.vector_load %arg7[%swap3A_566, %swap3A_567] {strides = array<i32>} : memref<7x1024xi32, #tpu.memory_space<vmem>>, vector<16xi32>,
        tpu.vector_store %arg7[%swap3A_566, %swap3A_567], %shift_left3A_562 {strides = array<i32>} : memref<7x1024xi32, #tpu.memory_space<vmem>>, vector<16xi32>,
        %mul3A_569 = vector.broadcast %scan3A_158 : f32 to vector<16xf32>
        %mul3A_570 = arith.mulf %get3A_411, %mul3A_569 : vector<16xf32>
        %convert_element_type3A_571 = arith.fptosi %mul3A_570 : vector<16xf32> to vector<16xi32>
        %mul3A_572 = arith.constant -1640531535 : i32
        %mul3A_573 = vector.broadcast %mul3A_572 : i32 to vector<16xi32>
        %mul3A_574 = arith.muli %convert_element_type3A_571, %mul3A_573 : vector<16xi32>
        %xor3A_575 = arith.xori %convert_element_type3A_571, %mul3A_574 : vector<16xi32>
        %and3A_576 = arith.constant 524287 : i32
        %and3A_577 = vector.broadcast %and3A_576 : i32 to vector<16xi32>
        %and3A_578 = arith.andi %xor3A_575, %and3A_577 : vector<16xi32>
        %shift_right_arithmetic3A_579 = arith.constant 2 : i32
        %shift_right_arithmetic3A_580 = vector.broadcast %shift_right_arithmetic3A_579 : i32 to vector<16xi32>
        %shift_right_arithmetic3A_581 = arith.shrsi %and3A_578, %shift_right_arithmetic3A_580 : vector<16xi32>
        %add3A_582 = vector.broadcast %mul3A_20 : i32 to vector<16xi32>
        %add3A_583 = arith.addi %shift_right_arithmetic3A_581, %add3A_582 : vector<16xi32>
        %swap3A_584 = arith.constant 5 : i32
        %swap3A_585 = arith.index_cast %swap3A_584 : i32 to index
        %swap3A_586 = arith.index_cast %shift_right_arithmetic3A_403 : i32 to index
        %swap3A_587 = arith.index_cast %mul3A_407 : i32 to index
        %swap3A_588 = tpu.vector_load %arg6[%swap3A_585, %swap3A_586, %swap3A_587] {strides = array<i32>} : memref<7x8x128xi32, #tpu.memory_space<vmem>>, vector<16xi32>,
        tpu.vector_store %arg6[%swap3A_585, %swap3A_586, %swap3A_587], %add3A_583 {strides = array<i32>} : memref<7x8x128xi32, #tpu.memory_space<vmem>>, vector<16xi32>,
        %and3A_589 = arith.constant 3 : i32
        %and3A_590 = vector.broadcast %and3A_589 : i32 to vector<16xi32>
        %and3A_591 = arith.andi %and3A_578, %and3A_590 : vector<16xi32>
        %shift_left3A_592 = arith.constant 1 : i32
        %shift_left3A_593 = vector.broadcast %shift_left3A_592 : i32 to vector<16xi32>
        %shift_left3A_594 = arith.shli %and3A_591, %shift_left3A_593 : vector<16xi32>
        %mul3A_595 = arith.constant 16 : i32
        %mul3A_596 = arith.muli %scan3A_401, %mul3A_595 : i32
        %swap3A_597 = arith.constant 5 : i32
        %swap3A_598 = arith.index_cast %swap3A_597 : i32 to index
        %swap3A_599 = arith.index_cast %mul3A_596 : i32 to index
        %swap3A_600 = tpu.vector_load %arg7[%swap3A_598, %swap3A_599] {strides = array<i32>} : memref<7x1024xi32, #tpu.memory_space<vmem>>, vector<16xi32>,
        tpu.vector_store %arg7[%swap3A_598, %swap3A_599], %shift_left3A_594 {strides = array<i32>} : memref<7x1024xi32, #tpu.memory_space<vmem>>, vector<16xi32>,
        %mul3A_601 = vector.broadcast %scan3A_159 : f32 to vector<16xf32>
        %mul3A_602 = arith.mulf %get3A_411, %mul3A_601 : vector<16xf32>
        %convert_element_type3A_603 = arith.fptosi %mul3A_602 : vector<16xf32> to vector<16xi32>
        %mul3A_604 = arith.constant -1640531535 : i32
        %mul3A_605 = vector.broadcast %mul3A_604 : i32 to vector<16xi32>
        %mul3A_606 = arith.muli %convert_element_type3A_603, %mul3A_605 : vector<16xi32>
        %xor3A_607 = arith.xori %convert_element_type3A_603, %mul3A_606 : vector<16xi32>
        %and3A_608 = arith.constant 524287 : i32
        %and3A_609 = vector.broadcast %and3A_608 : i32 to vector<16xi32>
        %and3A_610 = arith.andi %xor3A_607, %and3A_609 : vector<16xi32>
        %shift_right_arithmetic3A_611 = arith.constant 2 : i32
        %shift_right_arithmetic3A_612 = vector.broadcast %shift_right_arithmetic3A_611 : i32 to vector<16xi32>
        %shift_right_arithmetic3A_613 = arith.shrsi %and3A_610, %shift_right_arithmetic3A_612 : vector<16xi32>
        %add3A_614 = vector.broadcast %mul3A_20 : i32 to vector<16xi32>
        %add3A_615 = arith.addi %shift_right_arithmetic3A_613, %add3A_614 : vector<16xi32>
        %swap3A_616 = arith.constant 6 : i32
        %swap3A_617 = arith.index_cast %swap3A_616 : i32 to index
        %swap3A_618 = arith.index_cast %shift_right_arithmetic3A_403 : i32 to index
        %swap3A_619 = arith.index_cast %mul3A_407 : i32 to index
        %swap3A_620 = tpu.vector_load %arg6[%swap3A_617, %swap3A_618, %swap3A_619] {strides = array<i32>} : memref<7x8x128xi32, #tpu.memory_space<vmem>>, vector<16xi32>,
        tpu.vector_store %arg6[%swap3A_617, %swap3A_618, %swap3A_619], %add3A_615 {strides = array<i32>} : memref<7x8x128xi32, #tpu.memory_space<vmem>>, vector<16xi32>,
        %and3A_621 = arith.constant 3 : i32
        %and3A_622 = vector.broadcast %and3A_621 : i32 to vector<16xi32>
        %and3A_623 = arith.andi %and3A_610, %and3A_622 : vector<16xi32>
        %shift_left3A_624 = arith.constant 1 : i32
        %shift_left3A_625 = vector.broadcast %shift_left3A_624 : i32 to vector<16xi32>
        %shift_left3A_626 = arith.shli %and3A_623, %shift_left3A_625 : vector<16xi32>
        %mul3A_627 = arith.constant 16 : i32
        %mul3A_628 = arith.muli %scan3A_401, %mul3A_627 : i32
        %swap3A_629 = arith.constant 6 : i32
        %swap3A_630 = arith.index_cast %swap3A_629 : i32 to index
        %swap3A_631 = arith.index_cast %mul3A_628 : i32 to index
        %swap3A_632 = tpu.vector_load %arg7[%swap3A_630, %swap3A_631] {strides = array<i32>} : memref<7x1024xi32, #tpu.memory_space<vmem>>, vector<16xi32>,
        tpu.vector_store %arg7[%swap3A_630, %swap3A_631], %shift_left3A_626 {strides = array<i32>} : memref<7x1024xi32, #tpu.memory_space<vmem>>, vector<16xi32>,
        %scan3A_633 = arith.constant 0 : i32
        scf.yield %scan3A_633 : i32
      }
      %scan3A_203 = arith.constant 64 : i32
      %scan3A_204 = arith.constant 0 : i32
      %scan3A_205 = arith.constant 0 : i32
      %scan3A_206 = arith.constant 8 : i32
      %scan3A_207 = arith.addi %scan3A_205, %scan3A_206 : i32
      %scan3A_208 = arith.constant 1 : i32
      %scan3A_209 = scf.for %scan3A_401 = %scan3A_205 to %scan3A_207 step %scan3A_208 iter_args(%scan3A_402 = %scan3A_204) -> (i32)  : i32 {
        %mul3A_403 = arith.constant 128 : i32
        %mul3A_404 = arith.muli %scan3A_401, %mul3A_403 : i32
        %dma_start3A_405 = arith.constant 0 : i32
        %dma_start3A_406 = arith.constant 0 : i32
        %dma_start3A_407 = arith.constant 0 : i32
        %dma_start3A_408 = tpu.memref_slice %arg8[%dma_start3A_406, %mul3A_404, %dma_start3A_407] : memref<2x1024x8xf32, #tpu.memory_space<vmem>> -> memref<1x128x8xf32, #tpu.memory_space<vmem>>
        %dma_start3A_409 = tpu.memref_squeeze %dma_start3A_408 : memref<1x128x8xf32, #tpu.memory_space<vmem>> -> memref<128x8xf32, #tpu.memory_space<vmem>>
        %dma_start3A_410 = arith.constant 0 : i32
        %dma_start3A_411 = tpu.memref_slice %arg6[%dma_start3A_405, %scan3A_401, %dma_start3A_410] : memref<7x8x128xi32, #tpu.memory_space<vmem>> -> memref<1x1x128xi32, #tpu.memory_space<vmem>>
        %dma_start3A_412 = tpu.memref_squeeze %dma_start3A_411 : memref<1x1x128xi32, #tpu.memory_space<vmem>> -> memref<128xi32, #tpu.memory_space<vmem>>
        %dma_start3A_413 = arith.constant 0 : i32
        %dma_start3A_414 = arith.constant 0 : i32
        %dma_start3A_415 = tpu.memref_slice %arg3[%dma_start3A_413, %dma_start3A_414] : memref<524288x8xf32, #tpu.memory_space<hbm>> -> memref<524288x8xf32, #tpu.memory_space<hbm>>
        tpu.enqueue_indirect_dma source(%dma_start3A_415 : memref<524288x8xf32, #tpu.memory_space<hbm>>) target(%dma_start3A_409 : memref<128x8xf32, #tpu.memory_space<vmem>>) offsets(%dma_start3A_412 : memref<128xi32, #tpu.memory_space<vmem>>) semaphore(%arg14 : memref<!tpu.dma_semaphore, #tpu.memory_space<semaphore_mem>>)
        %scan3A_416 = arith.constant 0 : i32
        scf.yield %scan3A_416 : i32
      }
      %scan3A_210 = arith.constant 8 : i32
      %scan3A_211 = arith.constant 0 : i32
      %scan3A_212 = arith.constant 0 : i32
      %scan3A_213 = arith.constant 8 : i32
      %scan3A_214 = arith.addi %scan3A_212, %scan3A_213 : i32
      %scan3A_215 = arith.constant 1 : i32
      %scan3A_216 = scf.for %scan3A_401 = %scan3A_212 to %scan3A_214 step %scan3A_215 iter_args(%scan3A_402 = %scan3A_211) -> (i32)  : i32 {
        %mul3A_403 = arith.constant 128 : i32
        %mul3A_404 = arith.muli %scan3A_401, %mul3A_403 : i32
        %dma_start3A_405 = arith.constant 1 : i32
        %dma_start3A_406 = arith.constant 1 : i32
        %dma_start3A_407 = arith.constant 0 : i32
        %dma_start3A_408 = tpu.memref_slice %arg8[%dma_start3A_406, %mul3A_404, %dma_start3A_407] : memref<2x1024x8xf32, #tpu.memory_space<vmem>> -> memref<1x128x8xf32, #tpu.memory_space<vmem>>
        %dma_start3A_409 = tpu.memref_squeeze %dma_start3A_408 : memref<1x128x8xf32, #tpu.memory_space<vmem>> -> memref<128x8xf32, #tpu.memory_space<vmem>>
        %dma_start3A_410 = arith.constant 0 : i32
        %dma_start3A_411 = tpu.memref_slice %arg6[%dma_start3A_405, %scan3A_401, %dma_start3A_410] : memref<7x8x128xi32, #tpu.memory_space<vmem>> -> memref<1x1x128xi32, #tpu.memory_space<vmem>>
        %dma_start3A_412 = tpu.memref_squeeze %dma_start3A_411 : memref<1x1x128xi32, #tpu.memory_space<vmem>> -> memref<128xi32, #tpu.memory_space<vmem>>
        %dma_start3A_413 = arith.constant 0 : i32
        %dma_start3A_414 = arith.constant 0 : i32
        %dma_start3A_415 = tpu.memref_slice %arg3[%dma_start3A_413, %dma_start3A_414] : memref<524288x8xf32, #tpu.memory_space<hbm>> -> memref<524288x8xf32, #tpu.memory_space<hbm>>
        tpu.enqueue_indirect_dma source(%dma_start3A_415 : memref<524288x8xf32, #tpu.memory_space<hbm>>) target(%dma_start3A_409 : memref<128x8xf32, #tpu.memory_space<vmem>>) offsets(%dma_start3A_412 : memref<128xi32, #tpu.memory_space<vmem>>) semaphore(%arg14 : memref<!tpu.dma_semaphore, #tpu.memory_space<semaphore_mem>>)
        %scan3A_416 = arith.constant 0 : i32
        scf.yield %scan3A_416 : i32
      }
      %scan3A_217 = arith.constant 8 : i32
      %scan3A_218 = arith.constant 0 : i32
      %scan3A_219 = arith.constant 0 : i32
      %scan3A_220 = arith.constant 64 : i32
      %scan3A_221 = arith.addi %scan3A_219, %scan3A_220 : i32
      %scan3A_222 = arith.constant 1 : i32
      %scan3A_223 = scf.for %scan3A_401 = %scan3A_219 to %scan3A_221 step %scan3A_222 iter_args(%scan3A_402 = %scan3A_218) -> (i32)  : i32 {
        %mul3A_403 = arith.constant 16 : i32
        %mul3A_404 = arith.muli %scan3A_401, %mul3A_403 : i32
        %get3A = arith.index_cast %and3A_182 : i32 to index
        %get3A_405 = arith.index_cast %mul3A_404 : i32 to index
        %get3A_406 = tpu.vector_load %arg5[%get3A, %get3A_405] {strides = array<i32>} : memref<2x1024xf32, #tpu.memory_space<vmem>>, vector<16xf32>,
        %mul3A_407 = vector.broadcast %scan3A_160 : f32 to vector<16xf32>
        %mul3A_408 = arith.mulf %get3A_406, %mul3A_407 : vector<16xf32>
        %convert_element_type3A_409 = arith.fptosi %mul3A_408 : vector<16xf32> to vector<16xi32>
        %add3A_410 = arith.constant 0 : i32
        %add3A_411 = vector.broadcast %add3A_410 : i32 to vector<16xi32>
        %add3A_412 = arith.addi %convert_element_type3A_409, %add3A_411 : vector<16xi32>
        %gather3A = tpu.vector_load_idx %arg10[%add3A_412] : memref<13312xf32, #tpu.memory_space<vmem>>[vector<16xi32>], vector<16xf32>,
        %gather3A_413 = tpu.vector_load_idx %arg11[%add3A_412] : memref<13312xf32, #tpu.memory_space<vmem>>[vector<16xi32>], vector<16xf32>,
        %swap3A = arith.constant 0 : i32
        %swap3A_414 = arith.constant 0 : i32
        %swap3A_415 = arith.index_cast %swap3A : i32 to index
        %swap3A_416 = arith.index_cast %swap3A_414 : i32 to index
        %swap3A_417 = arith.index_cast %mul3A_404 : i32 to index
        %swap3A_418 = tpu.vector_load %arg9[%swap3A_415, %swap3A_416, %swap3A_417] {strides = array<i32>} : memref<16x2x1024xf32, #tpu.memory_space<vmem>>, vector<16xf32>,
        tpu.vector_store %arg9[%swap3A_415, %swap3A_416, %swap3A_417], %gather3A {strides = array<i32>} : memref<16x2x1024xf32, #tpu.memory_space<vmem>>, vector<16xf32>,
        %swap3A_419 = arith.constant 0 : i32
        %swap3A_420 = arith.constant 1 : i32
        %swap3A_421 = arith.index_cast %swap3A_419 : i32 to index
        %swap3A_422 = arith.index_cast %swap3A_420 : i32 to index
        %swap3A_423 = arith.index_cast %mul3A_404 : i32 to index
        %swap3A_424 = tpu.vector_load %arg9[%swap3A_421, %swap3A_422, %swap3A_423] {strides = array<i32>} : memref<16x2x1024xf32, #tpu.memory_space<vmem>>, vector<16xf32>,
        tpu.vector_store %arg9[%swap3A_421, %swap3A_422, %swap3A_423], %gather3A_413 {strides = array<i32>} : memref<16x2x1024xf32, #tpu.memory_space<vmem>>, vector<16xf32>,
        %mul3A_425 = vector.broadcast %scan3A_161 : f32 to vector<16xf32>
        %mul3A_426 = arith.mulf %get3A_406, %mul3A_425 : vector<16xf32>
        %convert_element_type3A_427 = arith.fptosi %mul3A_426 : vector<16xf32> to vector<16xi32>
        %add3A_428 = arith.constant 1024 : i32
        %add3A_429 = vector.broadcast %add3A_428 : i32 to vector<16xi32>
        %add3A_430 = arith.addi %convert_element_type3A_427, %add3A_429 : vector<16xi32>
        %gather3A_431 = tpu.vector_load_idx %arg10[%add3A_430] : memref<13312xf32, #tpu.memory_space<vmem>>[vector<16xi32>], vector<16xf32>,
        %gather3A_432 = tpu.vector_load_idx %arg11[%add3A_430] : memref<13312xf32, #tpu.memory_space<vmem>>[vector<16xi32>], vector<16xf32>,
        %swap3A_433 = arith.constant 1 : i32
        %swap3A_434 = arith.constant 0 : i32
        %swap3A_435 = arith.index_cast %swap3A_433 : i32 to index
        %swap3A_436 = arith.index_cast %swap3A_434 : i32 to index
        %swap3A_437 = arith.index_cast %mul3A_404 : i32 to index
        %swap3A_438 = tpu.vector_load %arg9[%swap3A_435, %swap3A_436, %swap3A_437] {strides = array<i32>} : memref<16x2x1024xf32, #tpu.memory_space<vmem>>, vector<16xf32>,
        tpu.vector_store %arg9[%swap3A_435, %swap3A_436, %swap3A_437], %gather3A_431 {strides = array<i32>} : memref<16x2x1024xf32, #tpu.memory_space<vmem>>, vector<16xf32>,
        %swap3A_439 = arith.constant 1 : i32
        %swap3A_440 = arith.constant 1 : i32
        %swap3A_441 = arith.index_cast %swap3A_439 : i32 to index
        %swap3A_442 = arith.index_cast %swap3A_440 : i32 to index
        %swap3A_443 = arith.index_cast %mul3A_404 : i32 to index
        %swap3A_444 = tpu.vector_load %arg9[%swap3A_441, %swap3A_442, %swap3A_443] {strides = array<i32>} : memref<16x2x1024xf32, #tpu.memory_space<vmem>>, vector<16xf32>,
        tpu.vector_store %arg9[%swap3A_441, %swap3A_442, %swap3A_443], %gather3A_432 {strides = array<i32>} : memref<16x2x1024xf32, #tpu.memory_space<vmem>>, vector<16xf32>,
        %mul3A_445 = vector.broadcast %scan3A_162 : f32 to vector<16xf32>
        %mul3A_446 = arith.mulf %get3A_406, %mul3A_445 : vector<16xf32>
        %convert_element_type3A_447 = arith.fptosi %mul3A_446 : vector<16xf32> to vector<16xi32>
        %add3A_448 = arith.constant 2048 : i32
        %add3A_449 = vector.broadcast %add3A_448 : i32 to vector<16xi32>
        %add3A_450 = arith.addi %convert_element_type3A_447, %add3A_449 : vector<16xi32>
        %gather3A_451 = tpu.vector_load_idx %arg10[%add3A_450] : memref<13312xf32, #tpu.memory_space<vmem>>[vector<16xi32>], vector<16xf32>,
        %gather3A_452 = tpu.vector_load_idx %arg11[%add3A_450] : memref<13312xf32, #tpu.memory_space<vmem>>[vector<16xi32>], vector<16xf32>,
        %swap3A_453 = arith.constant 2 : i32
        %swap3A_454 = arith.constant 0 : i32
        %swap3A_455 = arith.index_cast %swap3A_453 : i32 to index
        %swap3A_456 = arith.index_cast %swap3A_454 : i32 to index
        %swap3A_457 = arith.index_cast %mul3A_404 : i32 to index
        %swap3A_458 = tpu.vector_load %arg9[%swap3A_455, %swap3A_456, %swap3A_457] {strides = array<i32>} : memref<16x2x1024xf32, #tpu.memory_space<vmem>>, vector<16xf32>,
        tpu.vector_store %arg9[%swap3A_455, %swap3A_456, %swap3A_457], %gather3A_451 {strides = array<i32>} : memref<16x2x1024xf32, #tpu.memory_space<vmem>>, vector<16xf32>,
        %swap3A_459 = arith.constant 2 : i32
        %swap3A_460 = arith.constant 1 : i32
        %swap3A_461 = arith.index_cast %swap3A_459 : i32 to index
        %swap3A_462 = arith.index_cast %swap3A_460 : i32 to index
        %swap3A_463 = arith.index_cast %mul3A_404 : i32 to index
        %swap3A_464 = tpu.vector_load %arg9[%swap3A_461, %swap3A_462, %swap3A_463] {strides = array<i32>} : memref<16x2x1024xf32, #tpu.memory_space<vmem>>, vector<16xf32>,
        tpu.vector_store %arg9[%swap3A_461, %swap3A_462, %swap3A_463], %gather3A_452 {strides = array<i32>} : memref<16x2x1024xf32, #tpu.memory_space<vmem>>, vector<16xf32>,
        %mul3A_465 = vector.broadcast %scan3A_163 : f32 to vector<16xf32>
        %mul3A_466 = arith.mulf %get3A_406, %mul3A_465 : vector<16xf32>
        %convert_element_type3A_467 = arith.fptosi %mul3A_466 : vector<16xf32> to vector<16xi32>
        %add3A_468 = arith.constant 3072 : i32
        %add3A_469 = vector.broadcast %add3A_468 : i32 to vector<16xi32>
        %add3A_470 = arith.addi %convert_element_type3A_467, %add3A_469 : vector<16xi32>
        %gather3A_471 = tpu.vector_load_idx %arg10[%add3A_470] : memref<13312xf32, #tpu.memory_space<vmem>>[vector<16xi32>], vector<16xf32>,
        %gather3A_472 = tpu.vector_load_idx %arg11[%add3A_470] : memref<13312xf32, #tpu.memory_space<vmem>>[vector<16xi32>], vector<16xf32>,
        %swap3A_473 = arith.constant 3 : i32
        %swap3A_474 = arith.constant 0 : i32
        %swap3A_475 = arith.index_cast %swap3A_473 : i32 to index
        %swap3A_476 = arith.index_cast %swap3A_474 : i32 to index
        %swap3A_477 = arith.index_cast %mul3A_404 : i32 to index
        %swap3A_478 = tpu.vector_load %arg9[%swap3A_475, %swap3A_476, %swap3A_477] {strides = array<i32>} : memref<16x2x1024xf32, #tpu.memory_space<vmem>>, vector<16xf32>,
        tpu.vector_store %arg9[%swap3A_475, %swap3A_476, %swap3A_477], %gather3A_471 {strides = array<i32>} : memref<16x2x1024xf32, #tpu.memory_space<vmem>>, vector<16xf32>,
        %swap3A_479 = arith.constant 3 : i32
        %swap3A_480 = arith.constant 1 : i32
        %swap3A_481 = arith.index_cast %swap3A_479 : i32 to index
        %swap3A_482 = arith.index_cast %swap3A_480 : i32 to index
        %swap3A_483 = arith.index_cast %mul3A_404 : i32 to index
        %swap3A_484 = tpu.vector_load %arg9[%swap3A_481, %swap3A_482, %swap3A_483] {strides = array<i32>} : memref<16x2x1024xf32, #tpu.memory_space<vmem>>, vector<16xf32>,
        tpu.vector_store %arg9[%swap3A_481, %swap3A_482, %swap3A_483], %gather3A_472 {strides = array<i32>} : memref<16x2x1024xf32, #tpu.memory_space<vmem>>, vector<16xf32>,
        %mul3A_485 = vector.broadcast %scan3A_164 : f32 to vector<16xf32>
        %mul3A_486 = arith.mulf %get3A_406, %mul3A_485 : vector<16xf32>
        %convert_element_type3A_487 = arith.fptosi %mul3A_486 : vector<16xf32> to vector<16xi32>
        %add3A_488 = arith.constant 4096 : i32
        %add3A_489 = vector.broadcast %add3A_488 : i32 to vector<16xi32>
        %add3A_490 = arith.addi %convert_element_type3A_487, %add3A_489 : vector<16xi32>
        %gather3A_491 = tpu.vector_load_idx %arg10[%add3A_490] : memref<13312xf32, #tpu.memory_space<vmem>>[vector<16xi32>], vector<16xf32>,
        %gather3A_492 = tpu.vector_load_idx %arg11[%add3A_490] : memref<13312xf32, #tpu.memory_space<vmem>>[vector<16xi32>], vector<16xf32>,
        %swap3A_493 = arith.constant 4 : i32
        %swap3A_494 = arith.constant 0 : i32
        %swap3A_495 = arith.index_cast %swap3A_493 : i32 to index
        %swap3A_496 = arith.index_cast %swap3A_494 : i32 to index
        %swap3A_497 = arith.index_cast %mul3A_404 : i32 to index
        %swap3A_498 = tpu.vector_load %arg9[%swap3A_495, %swap3A_496, %swap3A_497] {strides = array<i32>} : memref<16x2x1024xf32, #tpu.memory_space<vmem>>, vector<16xf32>,
        tpu.vector_store %arg9[%swap3A_495, %swap3A_496, %swap3A_497], %gather3A_491 {strides = array<i32>} : memref<16x2x1024xf32, #tpu.memory_space<vmem>>, vector<16xf32>,
        %swap3A_499 = arith.constant 4 : i32
        %swap3A_500 = arith.constant 1 : i32
        %swap3A_501 = arith.index_cast %swap3A_499 : i32 to index
        %swap3A_502 = arith.index_cast %swap3A_500 : i32 to index
        %swap3A_503 = arith.index_cast %mul3A_404 : i32 to index
        %swap3A_504 = tpu.vector_load %arg9[%swap3A_501, %swap3A_502, %swap3A_503] {strides = array<i32>} : memref<16x2x1024xf32, #tpu.memory_space<vmem>>, vector<16xf32>,
        tpu.vector_store %arg9[%swap3A_501, %swap3A_502, %swap3A_503], %gather3A_492 {strides = array<i32>} : memref<16x2x1024xf32, #tpu.memory_space<vmem>>, vector<16xf32>,
        %mul3A_505 = vector.broadcast %scan3A_165 : f32 to vector<16xf32>
        %mul3A_506 = arith.mulf %get3A_406, %mul3A_505 : vector<16xf32>
        %convert_element_type3A_507 = arith.fptosi %mul3A_506 : vector<16xf32> to vector<16xi32>
        %add3A_508 = arith.constant 5120 : i32
        %add3A_509 = vector.broadcast %add3A_508 : i32 to vector<16xi32>
        %add3A_510 = arith.addi %convert_element_type3A_507, %add3A_509 : vector<16xi32>
        %gather3A_511 = tpu.vector_load_idx %arg10[%add3A_510] : memref<13312xf32, #tpu.memory_space<vmem>>[vector<16xi32>], vector<16xf32>,
        %gather3A_512 = tpu.vector_load_idx %arg11[%add3A_510] : memref<13312xf32, #tpu.memory_space<vmem>>[vector<16xi32>], vector<16xf32>,
        %swap3A_513 = arith.constant 5 : i32
        %swap3A_514 = arith.constant 0 : i32
        %swap3A_515 = arith.index_cast %swap3A_513 : i32 to index
        %swap3A_516 = arith.index_cast %swap3A_514 : i32 to index
        %swap3A_517 = arith.index_cast %mul3A_404 : i32 to index
        %swap3A_518 = tpu.vector_load %arg9[%swap3A_515, %swap3A_516, %swap3A_517] {strides = array<i32>} : memref<16x2x1024xf32, #tpu.memory_space<vmem>>, vector<16xf32>,
        tpu.vector_store %arg9[%swap3A_515, %swap3A_516, %swap3A_517], %gather3A_511 {strides = array<i32>} : memref<16x2x1024xf32, #tpu.memory_space<vmem>>, vector<16xf32>,
        %swap3A_519 = arith.constant 5 : i32
        %swap3A_520 = arith.constant 1 : i32
        %swap3A_521 = arith.index_cast %swap3A_519 : i32 to index
        %swap3A_522 = arith.index_cast %swap3A_520 : i32 to index
        %swap3A_523 = arith.index_cast %mul3A_404 : i32 to index
        %swap3A_524 = tpu.vector_load %arg9[%swap3A_521, %swap3A_522, %swap3A_523] {strides = array<i32>} : memref<16x2x1024xf32, #tpu.memory_space<vmem>>, vector<16xf32>,
        tpu.vector_store %arg9[%swap3A_521, %swap3A_522, %swap3A_523], %gather3A_512 {strides = array<i32>} : memref<16x2x1024xf32, #tpu.memory_space<vmem>>, vector<16xf32>,
        %mul3A_525 = vector.broadcast %scan3A_166 : f32 to vector<16xf32>
        %mul3A_526 = arith.mulf %get3A_406, %mul3A_525 : vector<16xf32>
        %convert_element_type3A_527 = arith.fptosi %mul3A_526 : vector<16xf32> to vector<16xi32>
        %add3A_528 = arith.constant 6144 : i32
        %add3A_529 = vector.broadcast %add3A_528 : i32 to vector<16xi32>
        %add3A_530 = arith.addi %convert_element_type3A_527, %add3A_529 : vector<16xi32>
        %gather3A_531 = tpu.vector_load_idx %arg10[%add3A_530] : memref<13312xf32, #tpu.memory_space<vmem>>[vector<16xi32>], vector<16xf32>,
        %gather3A_532 = tpu.vector_load_idx %arg11[%add3A_530] : memref<13312xf32, #tpu.memory_space<vmem>>[vector<16xi32>], vector<16xf32>,
        %swap3A_533 = arith.constant 6 : i32
        %swap3A_534 = arith.constant 0 : i32
        %swap3A_535 = arith.index_cast %swap3A_533 : i32 to index
        %swap3A_536 = arith.index_cast %swap3A_534 : i32 to index
        %swap3A_537 = arith.index_cast %mul3A_404 : i32 to index
        %swap3A_538 = tpu.vector_load %arg9[%swap3A_535, %swap3A_536, %swap3A_537] {strides = array<i32>} : memref<16x2x1024xf32, #tpu.memory_space<vmem>>, vector<16xf32>,
        tpu.vector_store %arg9[%swap3A_535, %swap3A_536, %swap3A_537], %gather3A_531 {strides = array<i32>} : memref<16x2x1024xf32, #tpu.memory_space<vmem>>, vector<16xf32>,
        %swap3A_539 = arith.constant 6 : i32
        %swap3A_540 = arith.constant 1 : i32
        %swap3A_541 = arith.index_cast %swap3A_539 : i32 to index
        %swap3A_542 = arith.index_cast %swap3A_540 : i32 to index
        %swap3A_543 = arith.index_cast %mul3A_404 : i32 to index
        %swap3A_544 = tpu.vector_load %arg9[%swap3A_541, %swap3A_542, %swap3A_543] {strides = array<i32>} : memref<16x2x1024xf32, #tpu.memory_space<vmem>>, vector<16xf32>,
        tpu.vector_store %arg9[%swap3A_541, %swap3A_542, %swap3A_543], %gather3A_532 {strides = array<i32>} : memref<16x2x1024xf32, #tpu.memory_space<vmem>>, vector<16xf32>,
        %mul3A_545 = vector.broadcast %scan3A_167 : f32 to vector<16xf32>
        %mul3A_546 = arith.mulf %get3A_406, %mul3A_545 : vector<16xf32>
        %convert_element_type3A_547 = arith.fptosi %mul3A_546 : vector<16xf32> to vector<16xi32>
        %add3A_548 = arith.constant 7168 : i32
        %add3A_549 = vector.broadcast %add3A_548 : i32 to vector<16xi32>
        %add3A_550 = arith.addi %convert_element_type3A_547, %add3A_549 : vector<16xi32>
        %gather3A_551 = tpu.vector_load_idx %arg10[%add3A_550] : memref<13312xf32, #tpu.memory_space<vmem>>[vector<16xi32>], vector<16xf32>,
        %gather3A_552 = tpu.vector_load_idx %arg11[%add3A_550] : memref<13312xf32, #tpu.memory_space<vmem>>[vector<16xi32>], vector<16xf32>,
        %swap3A_553 = arith.constant 7 : i32
        %swap3A_554 = arith.constant 0 : i32
        %swap3A_555 = arith.index_cast %swap3A_553 : i32 to index
        %swap3A_556 = arith.index_cast %swap3A_554 : i32 to index
        %swap3A_557 = arith.index_cast %mul3A_404 : i32 to index
        %swap3A_558 = tpu.vector_load %arg9[%swap3A_555, %swap3A_556, %swap3A_557] {strides = array<i32>} : memref<16x2x1024xf32, #tpu.memory_space<vmem>>, vector<16xf32>,
        tpu.vector_store %arg9[%swap3A_555, %swap3A_556, %swap3A_557], %gather3A_551 {strides = array<i32>} : memref<16x2x1024xf32, #tpu.memory_space<vmem>>, vector<16xf32>,
        %swap3A_559 = arith.constant 7 : i32
        %swap3A_560 = arith.constant 1 : i32
        %swap3A_561 = arith.index_cast %swap3A_559 : i32 to index
        %swap3A_562 = arith.index_cast %swap3A_560 : i32 to index
        %swap3A_563 = arith.index_cast %mul3A_404 : i32 to index
        %swap3A_564 = tpu.vector_load %arg9[%swap3A_561, %swap3A_562, %swap3A_563] {strides = array<i32>} : memref<16x2x1024xf32, #tpu.memory_space<vmem>>, vector<16xf32>,
        tpu.vector_store %arg9[%swap3A_561, %swap3A_562, %swap3A_563], %gather3A_552 {strides = array<i32>} : memref<16x2x1024xf32, #tpu.memory_space<vmem>>, vector<16xf32>,
        %mul3A_565 = vector.broadcast %scan3A_168 : f32 to vector<16xf32>
        %mul3A_566 = arith.mulf %get3A_406, %mul3A_565 : vector<16xf32>
        %convert_element_type3A_567 = arith.fptosi %mul3A_566 : vector<16xf32> to vector<16xi32>
        %add3A_568 = arith.constant 9216 : i32
        %add3A_569 = vector.broadcast %add3A_568 : i32 to vector<16xi32>
        %add3A_570 = arith.addi %convert_element_type3A_567, %add3A_569 : vector<16xi32>
        %gather3A_571 = tpu.vector_load_idx %arg10[%add3A_570] : memref<13312xf32, #tpu.memory_space<vmem>>[vector<16xi32>], vector<16xf32>,
        %gather3A_572 = tpu.vector_load_idx %arg11[%add3A_570] : memref<13312xf32, #tpu.memory_space<vmem>>[vector<16xi32>], vector<16xf32>,
        %swap3A_573 = arith.constant 8 : i32
        %swap3A_574 = arith.constant 0 : i32
        %swap3A_575 = arith.index_cast %swap3A_573 : i32 to index
        %swap3A_576 = arith.index_cast %swap3A_574 : i32 to index
        %swap3A_577 = arith.index_cast %mul3A_404 : i32 to index
        %swap3A_578 = tpu.vector_load %arg9[%swap3A_575, %swap3A_576, %swap3A_577] {strides = array<i32>} : memref<16x2x1024xf32, #tpu.memory_space<vmem>>, vector<16xf32>,
        tpu.vector_store %arg9[%swap3A_575, %swap3A_576, %swap3A_577], %gather3A_571 {strides = array<i32>} : memref<16x2x1024xf32, #tpu.memory_space<vmem>>, vector<16xf32>,
        %swap3A_579 = arith.constant 8 : i32
        %swap3A_580 = arith.constant 1 : i32
        %swap3A_581 = arith.index_cast %swap3A_579 : i32 to index
        %swap3A_582 = arith.index_cast %swap3A_580 : i32 to index
        %swap3A_583 = arith.index_cast %mul3A_404 : i32 to index
        %swap3A_584 = tpu.vector_load %arg9[%swap3A_581, %swap3A_582, %swap3A_583] {strides = array<i32>} : memref<16x2x1024xf32, #tpu.memory_space<vmem>>, vector<16xf32>,
        tpu.vector_store %arg9[%swap3A_581, %swap3A_582, %swap3A_583], %gather3A_572 {strides = array<i32>} : memref<16x2x1024xf32, #tpu.memory_space<vmem>>, vector<16xf32>,
        %scan3A_585 = arith.constant 0 : i32
        scf.yield %scan3A_585 : i32
      }
      %scan3A_224 = arith.constant 64 : i32
      %scan3A_225 = arith.constant 0 : i32
      %scan3A_226 = arith.constant 0 : i32
      %scan3A_227 = arith.constant 8 : i32
      %scan3A_228 = arith.addi %scan3A_226, %scan3A_227 : i32
      %scan3A_229 = arith.constant 1 : i32
      %scan3A_230 = scf.for %scan3A_401 = %scan3A_226 to %scan3A_228 step %scan3A_229 iter_args(%scan3A_402 = %scan3A_225) -> (i32)  : i32 {
        %mul3A_403 = arith.constant 128 : i32
        %mul3A_404 = arith.muli %scan3A_401, %mul3A_403 : i32
        %dma_wait3A_405 = arith.constant 0 : i32
        %dma_wait3A_406 = arith.constant 0 : i32
        %dma_wait3A_407 = arith.constant 0 : i32
        %dma_wait3A_408 = tpu.memref_slice %arg8[%dma_wait3A_406, %mul3A_404, %dma_wait3A_407] : memref<2x1024x8xf32, #tpu.memory_space<vmem>> -> memref<1x128x8xf32, #tpu.memory_space<vmem>>
        %dma_wait3A_409 = tpu.memref_squeeze %dma_wait3A_408 : memref<1x128x8xf32, #tpu.memory_space<vmem>> -> memref<128x8xf32, #tpu.memory_space<vmem>>
        %dma_wait3A_410 = arith.constant 0 : i32
        %dma_wait3A_411 = tpu.memref_slice %arg6[%dma_wait3A_405, %scan3A_401, %dma_wait3A_410] : memref<7x8x128xi32, #tpu.memory_space<vmem>> -> memref<1x1x128xi32, #tpu.memory_space<vmem>>
        %dma_wait3A_412 = tpu.memref_squeeze %dma_wait3A_411 : memref<1x1x128xi32, #tpu.memory_space<vmem>> -> memref<128xi32, #tpu.memory_space<vmem>>
        %dma_wait3A_413 = arith.constant 0 : i32
        %dma_wait3A_414 = arith.constant 0 : i32
        %dma_wait3A_415 = tpu.memref_slice %arg3[%dma_wait3A_413, %dma_wait3A_414] : memref<524288x8xf32, #tpu.memory_space<hbm>> -> memref<524288x8xf32, #tpu.memory_space<hbm>>
        tpu.wait_indirect_dma semaphore(%arg14 : memref<!tpu.dma_semaphore, #tpu.memory_space<semaphore_mem>>) src(%dma_wait3A_415 : memref<524288x8xf32, #tpu.memory_space<hbm>>) dst(%dma_wait3A_409 : memref<128x8xf32, #tpu.memory_space<vmem>>)
        %scan3A_416 = arith.constant 0 : i32
        scf.yield %scan3A_416 : i32
      }
      %scan3A_231 = arith.constant 8 : i32
      %mul3A_232 = arith.constant 0 : i32
      %mul3A_233 = vector.broadcast %mul3A_232 : i32 to vector<16xi32>
      %mul3A_234 = arith.muli %iota3A, %mul3A_233 : vector<16xi32>
      %add3A_235 = arith.constant 0 : i32
      %add3A_236 = vector.broadcast %add3A_235 : i32 to vector<16xi32>
      %add3A_237 = arith.addi %mul3A_234, %add3A_236 : vector<16xi32>
      %scan3A_238 = arith.constant 0 : i32
      %scan3A_239 = arith.constant 0 : i32
      %scan3A_240 = arith.constant 64 : i32
      %scan3A_241 = arith.addi %scan3A_239, %scan3A_240 : i32
      %scan3A_242 = arith.constant 1 : i32
      %scan3A_243 = scf.for %scan3A_401 = %scan3A_239 to %scan3A_241 step %scan3A_242 iter_args(%scan3A_402 = %scan3A_238) -> (i32)  : i32 {
        %mul3A_403 = arith.constant 16 : i32
        %mul3A_404 = arith.muli %scan3A_401, %mul3A_403 : i32
        %get3A = arith.constant 0 : i32
        %get3A_405 = arith.index_cast %get3A : i32 to index
        %get3A_406 = arith.index_cast %mul3A_404 : i32 to index
        %get3A_407 = tpu.vector_load %arg7[%get3A_405, %get3A_406] {strides = array<i32>} : memref<7x1024xi32, #tpu.memory_space<vmem>>, vector<16xi32>,
        %add3A_408 = vector.broadcast %mul3A_404 : i32 to vector<16xi32>
        %add3A_409 = arith.addi %add3A_408, %iota3A : vector<16xi32>
        %gather3A = tpu.vector_load_idx %arg8[%add3A_237, %add3A_409, %get3A_407] : memref<2x1024x8xf32, #tpu.memory_space<vmem>>[vector<16xi32>, vector<16xi32>, vector<16xi32>], vector<16xf32>,
        %add3A_410 = arith.constant 1 : i32
        %add3A_411 = vector.broadcast %add3A_410 : i32 to vector<16xi32>
        %add3A_412 = arith.addi %get3A_407, %add3A_411 : vector<16xi32>
        %gather3A_413 = tpu.vector_load_idx %arg8[%add3A_237, %add3A_409, %add3A_412] : memref<2x1024x8xf32, #tpu.memory_space<vmem>>[vector<16xi32>, vector<16xi32>, vector<16xi32>], vector<16xf32>,
        %swap3A = arith.constant 9 : i32
        %swap3A_414 = arith.constant 0 : i32
        %swap3A_415 = arith.index_cast %swap3A : i32 to index
        %swap3A_416 = arith.index_cast %swap3A_414 : i32 to index
        %swap3A_417 = arith.index_cast %mul3A_404 : i32 to index
        %swap3A_418 = tpu.vector_load %arg9[%swap3A_415, %swap3A_416, %swap3A_417] {strides = array<i32>} : memref<16x2x1024xf32, #tpu.memory_space<vmem>>, vector<16xf32>,
        tpu.vector_store %arg9[%swap3A_415, %swap3A_416, %swap3A_417], %gather3A {strides = array<i32>} : memref<16x2x1024xf32, #tpu.memory_space<vmem>>, vector<16xf32>,
        %swap3A_419 = arith.constant 9 : i32
        %swap3A_420 = arith.constant 1 : i32
        %swap3A_421 = arith.index_cast %swap3A_419 : i32 to index
        %swap3A_422 = arith.index_cast %swap3A_420 : i32 to index
        %swap3A_423 = arith.index_cast %mul3A_404 : i32 to index
        %swap3A_424 = tpu.vector_load %arg9[%swap3A_421, %swap3A_422, %swap3A_423] {strides = array<i32>} : memref<16x2x1024xf32, #tpu.memory_space<vmem>>, vector<16xf32>,
        tpu.vector_store %arg9[%swap3A_421, %swap3A_422, %swap3A_423], %gather3A_413 {strides = array<i32>} : memref<16x2x1024xf32, #tpu.memory_space<vmem>>, vector<16xf32>,
        %scan3A_425 = arith.constant 0 : i32
        scf.yield %scan3A_425 : i32
      }
      %scan3A_244 = arith.constant 64 : i32
      %scan3A_245 = arith.constant 0 : i32
      %scan3A_246 = arith.constant 0 : i32
      %scan3A_247 = arith.constant 8 : i32
      %scan3A_248 = arith.addi %scan3A_246, %scan3A_247 : i32
      %scan3A_249 = arith.constant 1 : i32
      %scan3A_250 = scf.for %scan3A_401 = %scan3A_246 to %scan3A_248 step %scan3A_249 iter_args(%scan3A_402 = %scan3A_245) -> (i32)  : i32 {
        %mul3A_403 = arith.constant 128 : i32
        %mul3A_404 = arith.muli %scan3A_401, %mul3A_403 : i32
        %dma_start3A_405 = arith.constant 2 : i32
        %dma_start3A_406 = arith.constant 0 : i32
        %dma_start3A_407 = arith.constant 0 : i32
        %dma_start3A_408 = tpu.memref_slice %arg8[%dma_start3A_406, %mul3A_404, %dma_start3A_407] : memref<2x1024x8xf32, #tpu.memory_space<vmem>> -> memref<1x128x8xf32, #tpu.memory_space<vmem>>
        %dma_start3A_409 = tpu.memref_squeeze %dma_start3A_408 : memref<1x128x8xf32, #tpu.memory_space<vmem>> -> memref<128x8xf32, #tpu.memory_space<vmem>>
        %dma_start3A_410 = arith.constant 0 : i32
        %dma_start3A_411 = tpu.memref_slice %arg6[%dma_start3A_405, %scan3A_401, %dma_start3A_410] : memref<7x8x128xi32, #tpu.memory_space<vmem>> -> memref<1x1x128xi32, #tpu.memory_space<vmem>>
        %dma_start3A_412 = tpu.memref_squeeze %dma_start3A_411 : memref<1x1x128xi32, #tpu.memory_space<vmem>> -> memref<128xi32, #tpu.memory_space<vmem>>
        %dma_start3A_413 = arith.constant 0 : i32
        %dma_start3A_414 = arith.constant 0 : i32
        %dma_start3A_415 = tpu.memref_slice %arg3[%dma_start3A_413, %dma_start3A_414] : memref<524288x8xf32, #tpu.memory_space<hbm>> -> memref<524288x8xf32, #tpu.memory_space<hbm>>
        tpu.enqueue_indirect_dma source(%dma_start3A_415 : memref<524288x8xf32, #tpu.memory_space<hbm>>) target(%dma_start3A_409 : memref<128x8xf32, #tpu.memory_space<vmem>>) offsets(%dma_start3A_412 : memref<128xi32, #tpu.memory_space<vmem>>) semaphore(%arg14 : memref<!tpu.dma_semaphore, #tpu.memory_space<semaphore_mem>>)
        %scan3A_416 = arith.constant 0 : i32
        scf.yield %scan3A_416 : i32
      }
      %scan3A_251 = arith.constant 8 : i32
      %scan3A_252 = arith.constant 0 : i32
      %scan3A_253 = arith.constant 0 : i32
      %scan3A_254 = arith.constant 8 : i32
      %scan3A_255 = arith.addi %scan3A_253, %scan3A_254 : i32
      %scan3A_256 = arith.constant 1 : i32
      %scan3A_257 = scf.for %scan3A_401 = %scan3A_253 to %scan3A_255 step %scan3A_256 iter_args(%scan3A_402 = %scan3A_252) -> (i32)  : i32 {
        %mul3A_403 = arith.constant 128 : i32
        %mul3A_404 = arith.muli %scan3A_401, %mul3A_403 : i32
        %dma_wait3A_405 = arith.constant 1 : i32
        %dma_wait3A_406 = arith.constant 1 : i32
        %dma_wait3A_407 = arith.constant 0 : i32
        %dma_wait3A_408 = tpu.memref_slice %arg8[%dma_wait3A_406, %mul3A_404, %dma_wait3A_407] : memref<2x1024x8xf32, #tpu.memory_space<vmem>> -> memref<1x128x8xf32, #tpu.memory_space<vmem>>
        %dma_wait3A_409 = tpu.memref_squeeze %dma_wait3A_408 : memref<1x128x8xf32, #tpu.memory_space<vmem>> -> memref<128x8xf32, #tpu.memory_space<vmem>>
        %dma_wait3A_410 = arith.constant 0 : i32
        %dma_wait3A_411 = tpu.memref_slice %arg6[%dma_wait3A_405, %scan3A_401, %dma_wait3A_410] : memref<7x8x128xi32, #tpu.memory_space<vmem>> -> memref<1x1x128xi32, #tpu.memory_space<vmem>>
        %dma_wait3A_412 = tpu.memref_squeeze %dma_wait3A_411 : memref<1x1x128xi32, #tpu.memory_space<vmem>> -> memref<128xi32, #tpu.memory_space<vmem>>
        %dma_wait3A_413 = arith.constant 0 : i32
        %dma_wait3A_414 = arith.constant 0 : i32
        %dma_wait3A_415 = tpu.memref_slice %arg3[%dma_wait3A_413, %dma_wait3A_414] : memref<524288x8xf32, #tpu.memory_space<hbm>> -> memref<524288x8xf32, #tpu.memory_space<hbm>>
        tpu.wait_indirect_dma semaphore(%arg14 : memref<!tpu.dma_semaphore, #tpu.memory_space<semaphore_mem>>) src(%dma_wait3A_415 : memref<524288x8xf32, #tpu.memory_space<hbm>>) dst(%dma_wait3A_409 : memref<128x8xf32, #tpu.memory_space<vmem>>)
        %scan3A_416 = arith.constant 0 : i32
        scf.yield %scan3A_416 : i32
      }
      %scan3A_258 = arith.constant 8 : i32
      %mul3A_259 = arith.constant 0 : i32
      %mul3A_260 = vector.broadcast %mul3A_259 : i32 to vector<16xi32>
      %mul3A_261 = arith.muli %iota3A, %mul3A_260 : vector<16xi32>
      %add3A_262 = arith.constant 1 : i32
      %add3A_263 = vector.broadcast %add3A_262 : i32 to vector<16xi32>
      %add3A_264 = arith.addi %mul3A_261, %add3A_263 : vector<16xi32>
      %scan3A_265 = arith.constant 0 : i32
      %scan3A_266 = arith.constant 0 : i32
      %scan3A_267 = arith.constant 64 : i32
      %scan3A_268 = arith.addi %scan3A_266, %scan3A_267 : i32
      %scan3A_269 = arith.constant 1 : i32
      %scan3A_270 = scf.for %scan3A_401 = %scan3A_266 to %scan3A_268 step %scan3A_269 iter_args(%scan3A_402 = %scan3A_265) -> (i32)  : i32 {
        %mul3A_403 = arith.constant 16 : i32
        %mul3A_404 = arith.muli %scan3A_401, %mul3A_403 : i32
        %get3A = arith.constant 1 : i32
        %get3A_405 = arith.index_cast %get3A : i32 to index
        %get3A_406 = arith.index_cast %mul3A_404 : i32 to index
        %get3A_407 = tpu.vector_load %arg7[%get3A_405, %get3A_406] {strides = array<i32>} : memref<7x1024xi32, #tpu.memory_space<vmem>>, vector<16xi32>,
        %add3A_408 = vector.broadcast %mul3A_404 : i32 to vector<16xi32>
        %add3A_409 = arith.addi %add3A_408, %iota3A : vector<16xi32>
        %gather3A = tpu.vector_load_idx %arg8[%add3A_264, %add3A_409, %get3A_407] : memref<2x1024x8xf32, #tpu.memory_space<vmem>>[vector<16xi32>, vector<16xi32>, vector<16xi32>], vector<16xf32>,
        %add3A_410 = arith.constant 1 : i32
        %add3A_411 = vector.broadcast %add3A_410 : i32 to vector<16xi32>
        %add3A_412 = arith.addi %get3A_407, %add3A_411 : vector<16xi32>
        %gather3A_413 = tpu.vector_load_idx %arg8[%add3A_264, %add3A_409, %add3A_412] : memref<2x1024x8xf32, #tpu.memory_space<vmem>>[vector<16xi32>, vector<16xi32>, vector<16xi32>], vector<16xf32>,
        %swap3A = arith.constant 10 : i32
        %swap3A_414 = arith.constant 0 : i32
        %swap3A_415 = arith.index_cast %swap3A : i32 to index
        %swap3A_416 = arith.index_cast %swap3A_414 : i32 to index
        %swap3A_417 = arith.index_cast %mul3A_404 : i32 to index
        %swap3A_418 = tpu.vector_load %arg9[%swap3A_415, %swap3A_416, %swap3A_417] {strides = array<i32>} : memref<16x2x1024xf32, #tpu.memory_space<vmem>>, vector<16xf32>,
        tpu.vector_store %arg9[%swap3A_415, %swap3A_416, %swap3A_417], %gather3A {strides = array<i32>} : memref<16x2x1024xf32, #tpu.memory_space<vmem>>, vector<16xf32>,
        %swap3A_419 = arith.constant 10 : i32
        %swap3A_420 = arith.constant 1 : i32
        %swap3A_421 = arith.index_cast %swap3A_419 : i32 to index
        %swap3A_422 = arith.index_cast %swap3A_420 : i32 to index
        %swap3A_423 = arith.index_cast %mul3A_404 : i32 to index
        %swap3A_424 = tpu.vector_load %arg9[%swap3A_421, %swap3A_422, %swap3A_423] {strides = array<i32>} : memref<16x2x1024xf32, #tpu.memory_space<vmem>>, vector<16xf32>,
        tpu.vector_store %arg9[%swap3A_421, %swap3A_422, %swap3A_423], %gather3A_413 {strides = array<i32>} : memref<16x2x1024xf32, #tpu.memory_space<vmem>>, vector<16xf32>,
        %scan3A_425 = arith.constant 0 : i32
        scf.yield %scan3A_425 : i32
      }
      %scan3A_271 = arith.constant 64 : i32
      %scan3A_272 = arith.constant 0 : i32
      %scan3A_273 = arith.constant 0 : i32
      %scan3A_274 = arith.constant 8 : i32
      %scan3A_275 = arith.addi %scan3A_273, %scan3A_274 : i32
      %scan3A_276 = arith.constant 1 : i32
      %scan3A_277 = scf.for %scan3A_401 = %scan3A_273 to %scan3A_275 step %scan3A_276 iter_args(%scan3A_402 = %scan3A_272) -> (i32)  : i32 {
        %mul3A_403 = arith.constant 128 : i32
        %mul3A_404 = arith.muli %scan3A_401, %mul3A_403 : i32
        %dma_start3A_405 = arith.constant 3 : i32
        %dma_start3A_406 = arith.constant 1 : i32
        %dma_start3A_407 = arith.constant 0 : i32
        %dma_start3A_408 = tpu.memref_slice %arg8[%dma_start3A_406, %mul3A_404, %dma_start3A_407] : memref<2x1024x8xf32, #tpu.memory_space<vmem>> -> memref<1x128x8xf32, #tpu.memory_space<vmem>>
        %dma_start3A_409 = tpu.memref_squeeze %dma_start3A_408 : memref<1x128x8xf32, #tpu.memory_space<vmem>> -> memref<128x8xf32, #tpu.memory_space<vmem>>
        %dma_start3A_410 = arith.constant 0 : i32
        %dma_start3A_411 = tpu.memref_slice %arg6[%dma_start3A_405, %scan3A_401, %dma_start3A_410] : memref<7x8x128xi32, #tpu.memory_space<vmem>> -> memref<1x1x128xi32, #tpu.memory_space<vmem>>
        %dma_start3A_412 = tpu.memref_squeeze %dma_start3A_411 : memref<1x1x128xi32, #tpu.memory_space<vmem>> -> memref<128xi32, #tpu.memory_space<vmem>>
        %dma_start3A_413 = arith.constant 0 : i32
        %dma_start3A_414 = arith.constant 0 : i32
        %dma_start3A_415 = tpu.memref_slice %arg3[%dma_start3A_413, %dma_start3A_414] : memref<524288x8xf32, #tpu.memory_space<hbm>> -> memref<524288x8xf32, #tpu.memory_space<hbm>>
        tpu.enqueue_indirect_dma source(%dma_start3A_415 : memref<524288x8xf32, #tpu.memory_space<hbm>>) target(%dma_start3A_409 : memref<128x8xf32, #tpu.memory_space<vmem>>) offsets(%dma_start3A_412 : memref<128xi32, #tpu.memory_space<vmem>>) semaphore(%arg14 : memref<!tpu.dma_semaphore, #tpu.memory_space<semaphore_mem>>)
        %scan3A_416 = arith.constant 0 : i32
        scf.yield %scan3A_416 : i32
      }
      %scan3A_278 = arith.constant 8 : i32
      %scan3A_279 = arith.constant 0 : i32
      %scan3A_280 = arith.constant 0 : i32
      %scan3A_281 = arith.constant 8 : i32
      %scan3A_282 = arith.addi %scan3A_280, %scan3A_281 : i32
      %scan3A_283 = arith.constant 1 : i32
      %scan3A_284 = scf.for %scan3A_401 = %scan3A_280 to %scan3A_282 step %scan3A_283 iter_args(%scan3A_402 = %scan3A_279) -> (i32)  : i32 {
        %mul3A_403 = arith.constant 128 : i32
        %mul3A_404 = arith.muli %scan3A_401, %mul3A_403 : i32
        %dma_wait3A_405 = arith.constant 2 : i32
        %dma_wait3A_406 = arith.constant 0 : i32
        %dma_wait3A_407 = arith.constant 0 : i32
        %dma_wait3A_408 = tpu.memref_slice %arg8[%dma_wait3A_406, %mul3A_404, %dma_wait3A_407] : memref<2x1024x8xf32, #tpu.memory_space<vmem>> -> memref<1x128x8xf32, #tpu.memory_space<vmem>>
        %dma_wait3A_409 = tpu.memref_squeeze %dma_wait3A_408 : memref<1x128x8xf32, #tpu.memory_space<vmem>> -> memref<128x8xf32, #tpu.memory_space<vmem>>
        %dma_wait3A_410 = arith.constant 0 : i32
        %dma_wait3A_411 = tpu.memref_slice %arg6[%dma_wait3A_405, %scan3A_401, %dma_wait3A_410] : memref<7x8x128xi32, #tpu.memory_space<vmem>> -> memref<1x1x128xi32, #tpu.memory_space<vmem>>
        %dma_wait3A_412 = tpu.memref_squeeze %dma_wait3A_411 : memref<1x1x128xi32, #tpu.memory_space<vmem>> -> memref<128xi32, #tpu.memory_space<vmem>>
        %dma_wait3A_413 = arith.constant 0 : i32
        %dma_wait3A_414 = arith.constant 0 : i32
        %dma_wait3A_415 = tpu.memref_slice %arg3[%dma_wait3A_413, %dma_wait3A_414] : memref<524288x8xf32, #tpu.memory_space<hbm>> -> memref<524288x8xf32, #tpu.memory_space<hbm>>
        tpu.wait_indirect_dma semaphore(%arg14 : memref<!tpu.dma_semaphore, #tpu.memory_space<semaphore_mem>>) src(%dma_wait3A_415 : memref<524288x8xf32, #tpu.memory_space<hbm>>) dst(%dma_wait3A_409 : memref<128x8xf32, #tpu.memory_space<vmem>>)
        %scan3A_416 = arith.constant 0 : i32
        scf.yield %scan3A_416 : i32
      }
      %scan3A_285 = arith.constant 8 : i32
      %mul3A_286 = arith.constant 0 : i32
      %mul3A_287 = vector.broadcast %mul3A_286 : i32 to vector<16xi32>
      %mul3A_288 = arith.muli %iota3A, %mul3A_287 : vector<16xi32>
      %add3A_289 = arith.constant 0 : i32
      %add3A_290 = vector.broadcast %add3A_289 : i32 to vector<16xi32>
      %add3A_291 = arith.addi %mul3A_288, %add3A_290 : vector<16xi32>
      %scan3A_292 = arith.constant 0 : i32
      %scan3A_293 = arith.constant 0 : i32
      %scan3A_294 = arith.constant 64 : i32
      %scan3A_295 = arith.addi %scan3A_293, %scan3A_294 : i32
      %scan3A_296 = arith.constant 1 : i32
      %scan3A_297 = scf.for %scan3A_401 = %scan3A_293 to %scan3A_295 step %scan3A_296 iter_args(%scan3A_402 = %scan3A_292) -> (i32)  : i32 {
        %mul3A_403 = arith.constant 16 : i32
        %mul3A_404 = arith.muli %scan3A_401, %mul3A_403 : i32
        %get3A = arith.constant 2 : i32
        %get3A_405 = arith.index_cast %get3A : i32 to index
        %get3A_406 = arith.index_cast %mul3A_404 : i32 to index
        %get3A_407 = tpu.vector_load %arg7[%get3A_405, %get3A_406] {strides = array<i32>} : memref<7x1024xi32, #tpu.memory_space<vmem>>, vector<16xi32>,
        %add3A_408 = vector.broadcast %mul3A_404 : i32 to vector<16xi32>
        %add3A_409 = arith.addi %add3A_408, %iota3A : vector<16xi32>
        %gather3A = tpu.vector_load_idx %arg8[%add3A_291, %add3A_409, %get3A_407] : memref<2x1024x8xf32, #tpu.memory_space<vmem>>[vector<16xi32>, vector<16xi32>, vector<16xi32>], vector<16xf32>,
        %add3A_410 = arith.constant 1 : i32
        %add3A_411 = vector.broadcast %add3A_410 : i32 to vector<16xi32>
        %add3A_412 = arith.addi %get3A_407, %add3A_411 : vector<16xi32>
        %gather3A_413 = tpu.vector_load_idx %arg8[%add3A_291, %add3A_409, %add3A_412] : memref<2x1024x8xf32, #tpu.memory_space<vmem>>[vector<16xi32>, vector<16xi32>, vector<16xi32>], vector<16xf32>,
        %swap3A = arith.constant 11 : i32
        %swap3A_414 = arith.constant 0 : i32
        %swap3A_415 = arith.index_cast %swap3A : i32 to index
        %swap3A_416 = arith.index_cast %swap3A_414 : i32 to index
        %swap3A_417 = arith.index_cast %mul3A_404 : i32 to index
        %swap3A_418 = tpu.vector_load %arg9[%swap3A_415, %swap3A_416, %swap3A_417] {strides = array<i32>} : memref<16x2x1024xf32, #tpu.memory_space<vmem>>, vector<16xf32>,
        tpu.vector_store %arg9[%swap3A_415, %swap3A_416, %swap3A_417], %gather3A {strides = array<i32>} : memref<16x2x1024xf32, #tpu.memory_space<vmem>>, vector<16xf32>,
        %swap3A_419 = arith.constant 11 : i32
        %swap3A_420 = arith.constant 1 : i32
        %swap3A_421 = arith.index_cast %swap3A_419 : i32 to index
        %swap3A_422 = arith.index_cast %swap3A_420 : i32 to index
        %swap3A_423 = arith.index_cast %mul3A_404 : i32 to index
        %swap3A_424 = tpu.vector_load %arg9[%swap3A_421, %swap3A_422, %swap3A_423] {strides = array<i32>} : memref<16x2x1024xf32, #tpu.memory_space<vmem>>, vector<16xf32>,
        tpu.vector_store %arg9[%swap3A_421, %swap3A_422, %swap3A_423], %gather3A_413 {strides = array<i32>} : memref<16x2x1024xf32, #tpu.memory_space<vmem>>, vector<16xf32>,
        %scan3A_425 = arith.constant 0 : i32
        scf.yield %scan3A_425 : i32
      }
      %scan3A_298 = arith.constant 64 : i32
      %scan3A_299 = arith.constant 0 : i32
      %scan3A_300 = arith.constant 0 : i32
      %scan3A_301 = arith.constant 8 : i32
      %scan3A_302 = arith.addi %scan3A_300, %scan3A_301 : i32
      %scan3A_303 = arith.constant 1 : i32
      %scan3A_304 = scf.for %scan3A_401 = %scan3A_300 to %scan3A_302 step %scan3A_303 iter_args(%scan3A_402 = %scan3A_299) -> (i32)  : i32 {
        %mul3A_403 = arith.constant 128 : i32
        %mul3A_404 = arith.muli %scan3A_401, %mul3A_403 : i32
        %dma_start3A_405 = arith.constant 4 : i32
        %dma_start3A_406 = arith.constant 0 : i32
        %dma_start3A_407 = arith.constant 0 : i32
        %dma_start3A_408 = tpu.memref_slice %arg8[%dma_start3A_406, %mul3A_404, %dma_start3A_407] : memref<2x1024x8xf32, #tpu.memory_space<vmem>> -> memref<1x128x8xf32, #tpu.memory_space<vmem>>
        %dma_start3A_409 = tpu.memref_squeeze %dma_start3A_408 : memref<1x128x8xf32, #tpu.memory_space<vmem>> -> memref<128x8xf32, #tpu.memory_space<vmem>>
        %dma_start3A_410 = arith.constant 0 : i32
        %dma_start3A_411 = tpu.memref_slice %arg6[%dma_start3A_405, %scan3A_401, %dma_start3A_410] : memref<7x8x128xi32, #tpu.memory_space<vmem>> -> memref<1x1x128xi32, #tpu.memory_space<vmem>>
        %dma_start3A_412 = tpu.memref_squeeze %dma_start3A_411 : memref<1x1x128xi32, #tpu.memory_space<vmem>> -> memref<128xi32, #tpu.memory_space<vmem>>
        %dma_start3A_413 = arith.constant 0 : i32
        %dma_start3A_414 = arith.constant 0 : i32
        %dma_start3A_415 = tpu.memref_slice %arg3[%dma_start3A_413, %dma_start3A_414] : memref<524288x8xf32, #tpu.memory_space<hbm>> -> memref<524288x8xf32, #tpu.memory_space<hbm>>
        tpu.enqueue_indirect_dma source(%dma_start3A_415 : memref<524288x8xf32, #tpu.memory_space<hbm>>) target(%dma_start3A_409 : memref<128x8xf32, #tpu.memory_space<vmem>>) offsets(%dma_start3A_412 : memref<128xi32, #tpu.memory_space<vmem>>) semaphore(%arg14 : memref<!tpu.dma_semaphore, #tpu.memory_space<semaphore_mem>>)
        %scan3A_416 = arith.constant 0 : i32
        scf.yield %scan3A_416 : i32
      }
      %scan3A_305 = arith.constant 8 : i32
      %scan3A_306 = arith.constant 0 : i32
      %scan3A_307 = arith.constant 0 : i32
      %scan3A_308 = arith.constant 8 : i32
      %scan3A_309 = arith.addi %scan3A_307, %scan3A_308 : i32
      %scan3A_310 = arith.constant 1 : i32
      %scan3A_311 = scf.for %scan3A_401 = %scan3A_307 to %scan3A_309 step %scan3A_310 iter_args(%scan3A_402 = %scan3A_306) -> (i32)  : i32 {
        %mul3A_403 = arith.constant 128 : i32
        %mul3A_404 = arith.muli %scan3A_401, %mul3A_403 : i32
        %dma_wait3A_405 = arith.constant 3 : i32
        %dma_wait3A_406 = arith.constant 1 : i32
        %dma_wait3A_407 = arith.constant 0 : i32
        %dma_wait3A_408 = tpu.memref_slice %arg8[%dma_wait3A_406, %mul3A_404, %dma_wait3A_407] : memref<2x1024x8xf32, #tpu.memory_space<vmem>> -> memref<1x128x8xf32, #tpu.memory_space<vmem>>
        %dma_wait3A_409 = tpu.memref_squeeze %dma_wait3A_408 : memref<1x128x8xf32, #tpu.memory_space<vmem>> -> memref<128x8xf32, #tpu.memory_space<vmem>>
        %dma_wait3A_410 = arith.constant 0 : i32
        %dma_wait3A_411 = tpu.memref_slice %arg6[%dma_wait3A_405, %scan3A_401, %dma_wait3A_410] : memref<7x8x128xi32, #tpu.memory_space<vmem>> -> memref<1x1x128xi32, #tpu.memory_space<vmem>>
        %dma_wait3A_412 = tpu.memref_squeeze %dma_wait3A_411 : memref<1x1x128xi32, #tpu.memory_space<vmem>> -> memref<128xi32, #tpu.memory_space<vmem>>
        %dma_wait3A_413 = arith.constant 0 : i32
        %dma_wait3A_414 = arith.constant 0 : i32
        %dma_wait3A_415 = tpu.memref_slice %arg3[%dma_wait3A_413, %dma_wait3A_414] : memref<524288x8xf32, #tpu.memory_space<hbm>> -> memref<524288x8xf32, #tpu.memory_space<hbm>>
        tpu.wait_indirect_dma semaphore(%arg14 : memref<!tpu.dma_semaphore, #tpu.memory_space<semaphore_mem>>) src(%dma_wait3A_415 : memref<524288x8xf32, #tpu.memory_space<hbm>>) dst(%dma_wait3A_409 : memref<128x8xf32, #tpu.memory_space<vmem>>)
        %scan3A_416 = arith.constant 0 : i32
        scf.yield %scan3A_416 : i32
      }
      %scan3A_312 = arith.constant 8 : i32
      %mul3A_313 = arith.constant 0 : i32
      %mul3A_314 = vector.broadcast %mul3A_313 : i32 to vector<16xi32>
      %mul3A_315 = arith.muli %iota3A, %mul3A_314 : vector<16xi32>
      %add3A_316 = arith.constant 1 : i32
      %add3A_317 = vector.broadcast %add3A_316 : i32 to vector<16xi32>
      %add3A_318 = arith.addi %mul3A_315, %add3A_317 : vector<16xi32>
      %scan3A_319 = arith.constant 0 : i32
      %scan3A_320 = arith.constant 0 : i32
      %scan3A_321 = arith.constant 64 : i32
      %scan3A_322 = arith.addi %scan3A_320, %scan3A_321 : i32
      %scan3A_323 = arith.constant 1 : i32
      %scan3A_324 = scf.for %scan3A_401 = %scan3A_320 to %scan3A_322 step %scan3A_323 iter_args(%scan3A_402 = %scan3A_319) -> (i32)  : i32 {
        %mul3A_403 = arith.constant 16 : i32
        %mul3A_404 = arith.muli %scan3A_401, %mul3A_403 : i32
        %get3A = arith.constant 3 : i32
        %get3A_405 = arith.index_cast %get3A : i32 to index
        %get3A_406 = arith.index_cast %mul3A_404 : i32 to index
        %get3A_407 = tpu.vector_load %arg7[%get3A_405, %get3A_406] {strides = array<i32>} : memref<7x1024xi32, #tpu.memory_space<vmem>>, vector<16xi32>,
        %add3A_408 = vector.broadcast %mul3A_404 : i32 to vector<16xi32>
        %add3A_409 = arith.addi %add3A_408, %iota3A : vector<16xi32>
        %gather3A = tpu.vector_load_idx %arg8[%add3A_318, %add3A_409, %get3A_407] : memref<2x1024x8xf32, #tpu.memory_space<vmem>>[vector<16xi32>, vector<16xi32>, vector<16xi32>], vector<16xf32>,
        %add3A_410 = arith.constant 1 : i32
        %add3A_411 = vector.broadcast %add3A_410 : i32 to vector<16xi32>
        %add3A_412 = arith.addi %get3A_407, %add3A_411 : vector<16xi32>
        %gather3A_413 = tpu.vector_load_idx %arg8[%add3A_318, %add3A_409, %add3A_412] : memref<2x1024x8xf32, #tpu.memory_space<vmem>>[vector<16xi32>, vector<16xi32>, vector<16xi32>], vector<16xf32>,
        %swap3A = arith.constant 12 : i32
        %swap3A_414 = arith.constant 0 : i32
        %swap3A_415 = arith.index_cast %swap3A : i32 to index
        %swap3A_416 = arith.index_cast %swap3A_414 : i32 to index
        %swap3A_417 = arith.index_cast %mul3A_404 : i32 to index
        %swap3A_418 = tpu.vector_load %arg9[%swap3A_415, %swap3A_416, %swap3A_417] {strides = array<i32>} : memref<16x2x1024xf32, #tpu.memory_space<vmem>>, vector<16xf32>,
        tpu.vector_store %arg9[%swap3A_415, %swap3A_416, %swap3A_417], %gather3A {strides = array<i32>} : memref<16x2x1024xf32, #tpu.memory_space<vmem>>, vector<16xf32>,
        %swap3A_419 = arith.constant 12 : i32
        %swap3A_420 = arith.constant 1 : i32
        %swap3A_421 = arith.index_cast %swap3A_419 : i32 to index
        %swap3A_422 = arith.index_cast %swap3A_420 : i32 to index
        %swap3A_423 = arith.index_cast %mul3A_404 : i32 to index
        %swap3A_424 = tpu.vector_load %arg9[%swap3A_421, %swap3A_422, %swap3A_423] {strides = array<i32>} : memref<16x2x1024xf32, #tpu.memory_space<vmem>>, vector<16xf32>,
        tpu.vector_store %arg9[%swap3A_421, %swap3A_422, %swap3A_423], %gather3A_413 {strides = array<i32>} : memref<16x2x1024xf32, #tpu.memory_space<vmem>>, vector<16xf32>,
        %scan3A_425 = arith.constant 0 : i32
        scf.yield %scan3A_425 : i32
      }
      %scan3A_325 = arith.constant 64 : i32
      %scan3A_326 = arith.constant 0 : i32
      %scan3A_327 = arith.constant 0 : i32
      %scan3A_328 = arith.constant 8 : i32
      %scan3A_329 = arith.addi %scan3A_327, %scan3A_328 : i32
      %scan3A_330 = arith.constant 1 : i32
      %scan3A_331 = scf.for %scan3A_401 = %scan3A_327 to %scan3A_329 step %scan3A_330 iter_args(%scan3A_402 = %scan3A_326) -> (i32)  : i32 {
        %mul3A_403 = arith.constant 128 : i32
        %mul3A_404 = arith.muli %scan3A_401, %mul3A_403 : i32
        %dma_start3A_405 = arith.constant 5 : i32
        %dma_start3A_406 = arith.constant 1 : i32
        %dma_start3A_407 = arith.constant 0 : i32
        %dma_start3A_408 = tpu.memref_slice %arg8[%dma_start3A_406, %mul3A_404, %dma_start3A_407] : memref<2x1024x8xf32, #tpu.memory_space<vmem>> -> memref<1x128x8xf32, #tpu.memory_space<vmem>>
        %dma_start3A_409 = tpu.memref_squeeze %dma_start3A_408 : memref<1x128x8xf32, #tpu.memory_space<vmem>> -> memref<128x8xf32, #tpu.memory_space<vmem>>
        %dma_start3A_410 = arith.constant 0 : i32
        %dma_start3A_411 = tpu.memref_slice %arg6[%dma_start3A_405, %scan3A_401, %dma_start3A_410] : memref<7x8x128xi32, #tpu.memory_space<vmem>> -> memref<1x1x128xi32, #tpu.memory_space<vmem>>
        %dma_start3A_412 = tpu.memref_squeeze %dma_start3A_411 : memref<1x1x128xi32, #tpu.memory_space<vmem>> -> memref<128xi32, #tpu.memory_space<vmem>>
        %dma_start3A_413 = arith.constant 0 : i32
        %dma_start3A_414 = arith.constant 0 : i32
        %dma_start3A_415 = tpu.memref_slice %arg3[%dma_start3A_413, %dma_start3A_414] : memref<524288x8xf32, #tpu.memory_space<hbm>> -> memref<524288x8xf32, #tpu.memory_space<hbm>>
        tpu.enqueue_indirect_dma source(%dma_start3A_415 : memref<524288x8xf32, #tpu.memory_space<hbm>>) target(%dma_start3A_409 : memref<128x8xf32, #tpu.memory_space<vmem>>) offsets(%dma_start3A_412 : memref<128xi32, #tpu.memory_space<vmem>>) semaphore(%arg14 : memref<!tpu.dma_semaphore, #tpu.memory_space<semaphore_mem>>)
        %scan3A_416 = arith.constant 0 : i32
        scf.yield %scan3A_416 : i32
      }
      %scan3A_332 = arith.constant 8 : i32
      %scan3A_333 = arith.constant 0 : i32
      %scan3A_334 = arith.constant 0 : i32
      %scan3A_335 = arith.constant 8 : i32
      %scan3A_336 = arith.addi %scan3A_334, %scan3A_335 : i32
      %scan3A_337 = arith.constant 1 : i32
      %scan3A_338 = scf.for %scan3A_401 = %scan3A_334 to %scan3A_336 step %scan3A_337 iter_args(%scan3A_402 = %scan3A_333) -> (i32)  : i32 {
        %mul3A_403 = arith.constant 128 : i32
        %mul3A_404 = arith.muli %scan3A_401, %mul3A_403 : i32
        %dma_wait3A_405 = arith.constant 4 : i32
        %dma_wait3A_406 = arith.constant 0 : i32
        %dma_wait3A_407 = arith.constant 0 : i32
        %dma_wait3A_408 = tpu.memref_slice %arg8[%dma_wait3A_406, %mul3A_404, %dma_wait3A_407] : memref<2x1024x8xf32, #tpu.memory_space<vmem>> -> memref<1x128x8xf32, #tpu.memory_space<vmem>>
        %dma_wait3A_409 = tpu.memref_squeeze %dma_wait3A_408 : memref<1x128x8xf32, #tpu.memory_space<vmem>> -> memref<128x8xf32, #tpu.memory_space<vmem>>
        %dma_wait3A_410 = arith.constant 0 : i32
        %dma_wait3A_411 = tpu.memref_slice %arg6[%dma_wait3A_405, %scan3A_401, %dma_wait3A_410] : memref<7x8x128xi32, #tpu.memory_space<vmem>> -> memref<1x1x128xi32, #tpu.memory_space<vmem>>
        %dma_wait3A_412 = tpu.memref_squeeze %dma_wait3A_411 : memref<1x1x128xi32, #tpu.memory_space<vmem>> -> memref<128xi32, #tpu.memory_space<vmem>>
        %dma_wait3A_413 = arith.constant 0 : i32
        %dma_wait3A_414 = arith.constant 0 : i32
        %dma_wait3A_415 = tpu.memref_slice %arg3[%dma_wait3A_413, %dma_wait3A_414] : memref<524288x8xf32, #tpu.memory_space<hbm>> -> memref<524288x8xf32, #tpu.memory_space<hbm>>
        tpu.wait_indirect_dma semaphore(%arg14 : memref<!tpu.dma_semaphore, #tpu.memory_space<semaphore_mem>>) src(%dma_wait3A_415 : memref<524288x8xf32, #tpu.memory_space<hbm>>) dst(%dma_wait3A_409 : memref<128x8xf32, #tpu.memory_space<vmem>>)
        %scan3A_416 = arith.constant 0 : i32
        scf.yield %scan3A_416 : i32
      }
      %scan3A_339 = arith.constant 8 : i32
      %mul3A_340 = arith.constant 0 : i32
      %mul3A_341 = vector.broadcast %mul3A_340 : i32 to vector<16xi32>
      %mul3A_342 = arith.muli %iota3A, %mul3A_341 : vector<16xi32>
      %add3A_343 = arith.constant 0 : i32
      %add3A_344 = vector.broadcast %add3A_343 : i32 to vector<16xi32>
      %add3A_345 = arith.addi %mul3A_342, %add3A_344 : vector<16xi32>
      %scan3A_346 = arith.constant 0 : i32
      %scan3A_347 = arith.constant 0 : i32
      %scan3A_348 = arith.constant 64 : i32
      %scan3A_349 = arith.addi %scan3A_347, %scan3A_348 : i32
      %scan3A_350 = arith.constant 1 : i32
      %scan3A_351 = scf.for %scan3A_401 = %scan3A_347 to %scan3A_349 step %scan3A_350 iter_args(%scan3A_402 = %scan3A_346) -> (i32)  : i32 {
        %mul3A_403 = arith.constant 16 : i32
        %mul3A_404 = arith.muli %scan3A_401, %mul3A_403 : i32
        %get3A = arith.constant 4 : i32
        %get3A_405 = arith.index_cast %get3A : i32 to index
        %get3A_406 = arith.index_cast %mul3A_404 : i32 to index
        %get3A_407 = tpu.vector_load %arg7[%get3A_405, %get3A_406] {strides = array<i32>} : memref<7x1024xi32, #tpu.memory_space<vmem>>, vector<16xi32>,
        %add3A_408 = vector.broadcast %mul3A_404 : i32 to vector<16xi32>
        %add3A_409 = arith.addi %add3A_408, %iota3A : vector<16xi32>
        %gather3A = tpu.vector_load_idx %arg8[%add3A_345, %add3A_409, %get3A_407] : memref<2x1024x8xf32, #tpu.memory_space<vmem>>[vector<16xi32>, vector<16xi32>, vector<16xi32>], vector<16xf32>,
        %add3A_410 = arith.constant 1 : i32
        %add3A_411 = vector.broadcast %add3A_410 : i32 to vector<16xi32>
        %add3A_412 = arith.addi %get3A_407, %add3A_411 : vector<16xi32>
        %gather3A_413 = tpu.vector_load_idx %arg8[%add3A_345, %add3A_409, %add3A_412] : memref<2x1024x8xf32, #tpu.memory_space<vmem>>[vector<16xi32>, vector<16xi32>, vector<16xi32>], vector<16xf32>,
        %swap3A = arith.constant 13 : i32
        %swap3A_414 = arith.constant 0 : i32
        %swap3A_415 = arith.index_cast %swap3A : i32 to index
        %swap3A_416 = arith.index_cast %swap3A_414 : i32 to index
        %swap3A_417 = arith.index_cast %mul3A_404 : i32 to index
        %swap3A_418 = tpu.vector_load %arg9[%swap3A_415, %swap3A_416, %swap3A_417] {strides = array<i32>} : memref<16x2x1024xf32, #tpu.memory_space<vmem>>, vector<16xf32>,
        tpu.vector_store %arg9[%swap3A_415, %swap3A_416, %swap3A_417], %gather3A {strides = array<i32>} : memref<16x2x1024xf32, #tpu.memory_space<vmem>>, vector<16xf32>,
        %swap3A_419 = arith.constant 13 : i32
        %swap3A_420 = arith.constant 1 : i32
        %swap3A_421 = arith.index_cast %swap3A_419 : i32 to index
        %swap3A_422 = arith.index_cast %swap3A_420 : i32 to index
        %swap3A_423 = arith.index_cast %mul3A_404 : i32 to index
        %swap3A_424 = tpu.vector_load %arg9[%swap3A_421, %swap3A_422, %swap3A_423] {strides = array<i32>} : memref<16x2x1024xf32, #tpu.memory_space<vmem>>, vector<16xf32>,
        tpu.vector_store %arg9[%swap3A_421, %swap3A_422, %swap3A_423], %gather3A_413 {strides = array<i32>} : memref<16x2x1024xf32, #tpu.memory_space<vmem>>, vector<16xf32>,
        %scan3A_425 = arith.constant 0 : i32
        scf.yield %scan3A_425 : i32
      }
      %scan3A_352 = arith.constant 64 : i32
      %scan3A_353 = arith.constant 0 : i32
      %scan3A_354 = arith.constant 0 : i32
      %scan3A_355 = arith.constant 8 : i32
      %scan3A_356 = arith.addi %scan3A_354, %scan3A_355 : i32
      %scan3A_357 = arith.constant 1 : i32
      %scan3A_358 = scf.for %scan3A_401 = %scan3A_354 to %scan3A_356 step %scan3A_357 iter_args(%scan3A_402 = %scan3A_353) -> (i32)  : i32 {
        %mul3A_403 = arith.constant 128 : i32
        %mul3A_404 = arith.muli %scan3A_401, %mul3A_403 : i32
        %dma_start3A_405 = arith.constant 6 : i32
        %dma_start3A_406 = arith.constant 0 : i32
        %dma_start3A_407 = arith.constant 0 : i32
        %dma_start3A_408 = tpu.memref_slice %arg8[%dma_start3A_406, %mul3A_404, %dma_start3A_407] : memref<2x1024x8xf32, #tpu.memory_space<vmem>> -> memref<1x128x8xf32, #tpu.memory_space<vmem>>
        %dma_start3A_409 = tpu.memref_squeeze %dma_start3A_408 : memref<1x128x8xf32, #tpu.memory_space<vmem>> -> memref<128x8xf32, #tpu.memory_space<vmem>>
        %dma_start3A_410 = arith.constant 0 : i32
        %dma_start3A_411 = tpu.memref_slice %arg6[%dma_start3A_405, %scan3A_401, %dma_start3A_410] : memref<7x8x128xi32, #tpu.memory_space<vmem>> -> memref<1x1x128xi32, #tpu.memory_space<vmem>>
        %dma_start3A_412 = tpu.memref_squeeze %dma_start3A_411 : memref<1x1x128xi32, #tpu.memory_space<vmem>> -> memref<128xi32, #tpu.memory_space<vmem>>
        %dma_start3A_413 = arith.constant 0 : i32
        %dma_start3A_414 = arith.constant 0 : i32
        %dma_start3A_415 = tpu.memref_slice %arg3[%dma_start3A_413, %dma_start3A_414] : memref<524288x8xf32, #tpu.memory_space<hbm>> -> memref<524288x8xf32, #tpu.memory_space<hbm>>
        tpu.enqueue_indirect_dma source(%dma_start3A_415 : memref<524288x8xf32, #tpu.memory_space<hbm>>) target(%dma_start3A_409 : memref<128x8xf32, #tpu.memory_space<vmem>>) offsets(%dma_start3A_412 : memref<128xi32, #tpu.memory_space<vmem>>) semaphore(%arg14 : memref<!tpu.dma_semaphore, #tpu.memory_space<semaphore_mem>>)
        %scan3A_416 = arith.constant 0 : i32
        scf.yield %scan3A_416 : i32
      }
      %scan3A_359 = arith.constant 8 : i32
      %scan3A_360 = arith.constant 0 : i32
      %scan3A_361 = arith.constant 0 : i32
      %scan3A_362 = arith.constant 8 : i32
      %scan3A_363 = arith.addi %scan3A_361, %scan3A_362 : i32
      %scan3A_364 = arith.constant 1 : i32
      %scan3A_365 = scf.for %scan3A_401 = %scan3A_361 to %scan3A_363 step %scan3A_364 iter_args(%scan3A_402 = %scan3A_360) -> (i32)  : i32 {
        %mul3A_403 = arith.constant 128 : i32
        %mul3A_404 = arith.muli %scan3A_401, %mul3A_403 : i32
        %dma_wait3A_405 = arith.constant 5 : i32
        %dma_wait3A_406 = arith.constant 1 : i32
        %dma_wait3A_407 = arith.constant 0 : i32
        %dma_wait3A_408 = tpu.memref_slice %arg8[%dma_wait3A_406, %mul3A_404, %dma_wait3A_407] : memref<2x1024x8xf32, #tpu.memory_space<vmem>> -> memref<1x128x8xf32, #tpu.memory_space<vmem>>
        %dma_wait3A_409 = tpu.memref_squeeze %dma_wait3A_408 : memref<1x128x8xf32, #tpu.memory_space<vmem>> -> memref<128x8xf32, #tpu.memory_space<vmem>>
        %dma_wait3A_410 = arith.constant 0 : i32
        %dma_wait3A_411 = tpu.memref_slice %arg6[%dma_wait3A_405, %scan3A_401, %dma_wait3A_410] : memref<7x8x128xi32, #tpu.memory_space<vmem>> -> memref<1x1x128xi32, #tpu.memory_space<vmem>>
        %dma_wait3A_412 = tpu.memref_squeeze %dma_wait3A_411 : memref<1x1x128xi32, #tpu.memory_space<vmem>> -> memref<128xi32, #tpu.memory_space<vmem>>
        %dma_wait3A_413 = arith.constant 0 : i32
        %dma_wait3A_414 = arith.constant 0 : i32
        %dma_wait3A_415 = tpu.memref_slice %arg3[%dma_wait3A_413, %dma_wait3A_414] : memref<524288x8xf32, #tpu.memory_space<hbm>> -> memref<524288x8xf32, #tpu.memory_space<hbm>>
        tpu.wait_indirect_dma semaphore(%arg14 : memref<!tpu.dma_semaphore, #tpu.memory_space<semaphore_mem>>) src(%dma_wait3A_415 : memref<524288x8xf32, #tpu.memory_space<hbm>>) dst(%dma_wait3A_409 : memref<128x8xf32, #tpu.memory_space<vmem>>)
        %scan3A_416 = arith.constant 0 : i32
        scf.yield %scan3A_416 : i32
      }
      %scan3A_366 = arith.constant 8 : i32
      %mul3A_367 = arith.constant 0 : i32
      %mul3A_368 = vector.broadcast %mul3A_367 : i32 to vector<16xi32>
      %mul3A_369 = arith.muli %iota3A, %mul3A_368 : vector<16xi32>
      %add3A_370 = arith.constant 1 : i32
      %add3A_371 = vector.broadcast %add3A_370 : i32 to vector<16xi32>
      %add3A_372 = arith.addi %mul3A_369, %add3A_371 : vector<16xi32>
      %scan3A_373 = arith.constant 0 : i32
      %scan3A_374 = arith.constant 0 : i32
      %scan3A_375 = arith.constant 64 : i32
      %scan3A_376 = arith.addi %scan3A_374, %scan3A_375 : i32
      %scan3A_377 = arith.constant 1 : i32
      %scan3A_378 = scf.for %scan3A_401 = %scan3A_374 to %scan3A_376 step %scan3A_377 iter_args(%scan3A_402 = %scan3A_373) -> (i32)  : i32 {
        %mul3A_403 = arith.constant 16 : i32
        %mul3A_404 = arith.muli %scan3A_401, %mul3A_403 : i32
        %get3A = arith.constant 5 : i32
        %get3A_405 = arith.index_cast %get3A : i32 to index
        %get3A_406 = arith.index_cast %mul3A_404 : i32 to index
        %get3A_407 = tpu.vector_load %arg7[%get3A_405, %get3A_406] {strides = array<i32>} : memref<7x1024xi32, #tpu.memory_space<vmem>>, vector<16xi32>,
        %add3A_408 = vector.broadcast %mul3A_404 : i32 to vector<16xi32>
        %add3A_409 = arith.addi %add3A_408, %iota3A : vector<16xi32>
        %gather3A = tpu.vector_load_idx %arg8[%add3A_372, %add3A_409, %get3A_407] : memref<2x1024x8xf32, #tpu.memory_space<vmem>>[vector<16xi32>, vector<16xi32>, vector<16xi32>], vector<16xf32>,
        %add3A_410 = arith.constant 1 : i32
        %add3A_411 = vector.broadcast %add3A_410 : i32 to vector<16xi32>
        %add3A_412 = arith.addi %get3A_407, %add3A_411 : vector<16xi32>
        %gather3A_413 = tpu.vector_load_idx %arg8[%add3A_372, %add3A_409, %add3A_412] : memref<2x1024x8xf32, #tpu.memory_space<vmem>>[vector<16xi32>, vector<16xi32>, vector<16xi32>], vector<16xf32>,
        %swap3A = arith.constant 14 : i32
        %swap3A_414 = arith.constant 0 : i32
        %swap3A_415 = arith.index_cast %swap3A : i32 to index
        %swap3A_416 = arith.index_cast %swap3A_414 : i32 to index
        %swap3A_417 = arith.index_cast %mul3A_404 : i32 to index
        %swap3A_418 = tpu.vector_load %arg9[%swap3A_415, %swap3A_416, %swap3A_417] {strides = array<i32>} : memref<16x2x1024xf32, #tpu.memory_space<vmem>>, vector<16xf32>,
        tpu.vector_store %arg9[%swap3A_415, %swap3A_416, %swap3A_417], %gather3A {strides = array<i32>} : memref<16x2x1024xf32, #tpu.memory_space<vmem>>, vector<16xf32>,
        %swap3A_419 = arith.constant 14 : i32
        %swap3A_420 = arith.constant 1 : i32
        %swap3A_421 = arith.index_cast %swap3A_419 : i32 to index
        %swap3A_422 = arith.index_cast %swap3A_420 : i32 to index
        %swap3A_423 = arith.index_cast %mul3A_404 : i32 to index
        %swap3A_424 = tpu.vector_load %arg9[%swap3A_421, %swap3A_422, %swap3A_423] {strides = array<i32>} : memref<16x2x1024xf32, #tpu.memory_space<vmem>>, vector<16xf32>,
        tpu.vector_store %arg9[%swap3A_421, %swap3A_422, %swap3A_423], %gather3A_413 {strides = array<i32>} : memref<16x2x1024xf32, #tpu.memory_space<vmem>>, vector<16xf32>,
        %scan3A_425 = arith.constant 0 : i32
        scf.yield %scan3A_425 : i32
      }
      %scan3A_379 = arith.constant 64 : i32
      %scan3A_380 = arith.constant 0 : i32
      %scan3A_381 = arith.constant 0 : i32
      %scan3A_382 = arith.constant 8 : i32
      %scan3A_383 = arith.addi %scan3A_381, %scan3A_382 : i32
      %scan3A_384 = arith.constant 1 : i32
      %scan3A_385 = scf.for %scan3A_401 = %scan3A_381 to %scan3A_383 step %scan3A_384 iter_args(%scan3A_402 = %scan3A_380) -> (i32)  : i32 {
        %mul3A_403 = arith.constant 128 : i32
        %mul3A_404 = arith.muli %scan3A_401, %mul3A_403 : i32
        %dma_wait3A_405 = arith.constant 6 : i32
        %dma_wait3A_406 = arith.constant 0 : i32
        %dma_wait3A_407 = arith.constant 0 : i32
        %dma_wait3A_408 = tpu.memref_slice %arg8[%dma_wait3A_406, %mul3A_404, %dma_wait3A_407] : memref<2x1024x8xf32, #tpu.memory_space<vmem>> -> memref<1x128x8xf32, #tpu.memory_space<vmem>>
        %dma_wait3A_409 = tpu.memref_squeeze %dma_wait3A_408 : memref<1x128x8xf32, #tpu.memory_space<vmem>> -> memref<128x8xf32, #tpu.memory_space<vmem>>
        %dma_wait3A_410 = arith.constant 0 : i32
        %dma_wait3A_411 = tpu.memref_slice %arg6[%dma_wait3A_405, %scan3A_401, %dma_wait3A_410] : memref<7x8x128xi32, #tpu.memory_space<vmem>> -> memref<1x1x128xi32, #tpu.memory_space<vmem>>
        %dma_wait3A_412 = tpu.memref_squeeze %dma_wait3A_411 : memref<1x1x128xi32, #tpu.memory_space<vmem>> -> memref<128xi32, #tpu.memory_space<vmem>>
        %dma_wait3A_413 = arith.constant 0 : i32
        %dma_wait3A_414 = arith.constant 0 : i32
        %dma_wait3A_415 = tpu.memref_slice %arg3[%dma_wait3A_413, %dma_wait3A_414] : memref<524288x8xf32, #tpu.memory_space<hbm>> -> memref<524288x8xf32, #tpu.memory_space<hbm>>
        tpu.wait_indirect_dma semaphore(%arg14 : memref<!tpu.dma_semaphore, #tpu.memory_space<semaphore_mem>>) src(%dma_wait3A_415 : memref<524288x8xf32, #tpu.memory_space<hbm>>) dst(%dma_wait3A_409 : memref<128x8xf32, #tpu.memory_space<vmem>>)
        %scan3A_416 = arith.constant 0 : i32
        scf.yield %scan3A_416 : i32
      }
      %scan3A_386 = arith.constant 8 : i32
      %mul3A_387 = arith.constant 0 : i32
      %mul3A_388 = vector.broadcast %mul3A_387 : i32 to vector<16xi32>
      %mul3A_389 = arith.muli %iota3A, %mul3A_388 : vector<16xi32>
      %add3A_390 = arith.constant 0 : i32
      %add3A_391 = vector.broadcast %add3A_390 : i32 to vector<16xi32>
      %add3A_392 = arith.addi %mul3A_389, %add3A_391 : vector<16xi32>
      %scan3A_393 = arith.constant 0 : i32
      %scan3A_394 = arith.constant 0 : i32
      %scan3A_395 = arith.constant 64 : i32
      %scan3A_396 = arith.addi %scan3A_394, %scan3A_395 : i32
      %scan3A_397 = arith.constant 1 : i32
      %scan3A_398 = scf.for %scan3A_401 = %scan3A_394 to %scan3A_396 step %scan3A_397 iter_args(%scan3A_402 = %scan3A_393) -> (i32)  : i32 {
        %mul3A_403 = arith.constant 16 : i32
        %mul3A_404 = arith.muli %scan3A_401, %mul3A_403 : i32
        %get3A = arith.constant 6 : i32
        %get3A_405 = arith.index_cast %get3A : i32 to index
        %get3A_406 = arith.index_cast %mul3A_404 : i32 to index
        %get3A_407 = tpu.vector_load %arg7[%get3A_405, %get3A_406] {strides = array<i32>} : memref<7x1024xi32, #tpu.memory_space<vmem>>, vector<16xi32>,
        %add3A_408 = vector.broadcast %mul3A_404 : i32 to vector<16xi32>
        %add3A_409 = arith.addi %add3A_408, %iota3A : vector<16xi32>
        %gather3A = tpu.vector_load_idx %arg8[%add3A_392, %add3A_409, %get3A_407] : memref<2x1024x8xf32, #tpu.memory_space<vmem>>[vector<16xi32>, vector<16xi32>, vector<16xi32>], vector<16xf32>,
        %add3A_410 = arith.constant 1 : i32
        %add3A_411 = vector.broadcast %add3A_410 : i32 to vector<16xi32>
        %add3A_412 = arith.addi %get3A_407, %add3A_411 : vector<16xi32>
        %gather3A_413 = tpu.vector_load_idx %arg8[%add3A_392, %add3A_409, %add3A_412] : memref<2x1024x8xf32, #tpu.memory_space<vmem>>[vector<16xi32>, vector<16xi32>, vector<16xi32>], vector<16xf32>,
        %swap3A = arith.constant 15 : i32
        %swap3A_414 = arith.constant 0 : i32
        %swap3A_415 = arith.index_cast %swap3A : i32 to index
        %swap3A_416 = arith.index_cast %swap3A_414 : i32 to index
        %swap3A_417 = arith.index_cast %mul3A_404 : i32 to index
        %swap3A_418 = tpu.vector_load %arg9[%swap3A_415, %swap3A_416, %swap3A_417] {strides = array<i32>} : memref<16x2x1024xf32, #tpu.memory_space<vmem>>, vector<16xf32>,
        tpu.vector_store %arg9[%swap3A_415, %swap3A_416, %swap3A_417], %gather3A {strides = array<i32>} : memref<16x2x1024xf32, #tpu.memory_space<vmem>>, vector<16xf32>,
        %swap3A_419 = arith.constant 15 : i32
        %swap3A_420 = arith.constant 1 : i32
        %swap3A_421 = arith.index_cast %swap3A_419 : i32 to index
        %swap3A_422 = arith.index_cast %swap3A_420 : i32 to index
        %swap3A_423 = arith.index_cast %mul3A_404 : i32 to index
        %swap3A_424 = tpu.vector_load %arg9[%swap3A_421, %swap3A_422, %swap3A_423] {strides = array<i32>} : memref<16x2x1024xf32, #tpu.memory_space<vmem>>, vector<16xf32>,
        tpu.vector_store %arg9[%swap3A_421, %swap3A_422, %swap3A_423], %gather3A_413 {strides = array<i32>} : memref<16x2x1024xf32, #tpu.memory_space<vmem>>, vector<16xf32>,
        %scan3A_425 = arith.constant 0 : i32
        scf.yield %scan3A_425 : i32
      }
      %scan3A_399 = arith.constant 64 : i32
      "tpu.region"() ({
        %run_scoped3A = tpu.sem_alloc : memref<!tpu.dma_semaphore, #tpu.memory_space<semaphore_mem>>
        %dma_start3A_401 = arith.constant 0 : i32
        %dma_start3A_402 = arith.constant 0 : i32
        %dma_start3A_403 = tpu.memref_slice %arg4[%dma_start3A_401, %dma_start3A_402, %add3A_180] : memref<16x2x262144xf32, #tpu.memory_space<hbm>> -> memref<16x2x1024xf32, #tpu.memory_space<hbm>>
        %dma_start3A_404 = arith.constant 0 : i32
        %dma_start3A_405 = arith.constant 0 : i32
        %dma_start3A_406 = tpu.memref_slice %arg4[%dma_start3A_404, %dma_start3A_405, %add3A_180] : memref<16x2x262144xf32, #tpu.memory_space<hbm>> -> memref<16x2x1024xf32, #tpu.memory_space<hbm>>
        tpu.enqueue_dma source(%arg9 : memref<16x2x1024xf32, #tpu.memory_space<vmem>>) target(%dma_start3A_406 : memref<16x2x1024xf32, #tpu.memory_space<hbm>>) target_semaphore(%run_scoped3A : memref<!tpu.dma_semaphore, #tpu.memory_space<semaphore_mem>>)
        %dma_wait3A_407 = arith.constant 0 : i32
        %dma_wait3A_408 = arith.constant 0 : i32
        %dma_wait3A_409 = tpu.memref_slice %arg4[%dma_wait3A_407, %dma_wait3A_408, %add3A_180] : memref<16x2x262144xf32, #tpu.memory_space<hbm>> -> memref<16x2x1024xf32, #tpu.memory_space<hbm>>
        %dma_wait3A_410 = arith.constant 0 : i32
        %dma_wait3A_411 = arith.constant 0 : i32
        %dma_wait3A_412 = tpu.memref_slice %arg4[%dma_wait3A_410, %dma_wait3A_411, %add3A_180] : memref<16x2x262144xf32, #tpu.memory_space<hbm>> -> memref<16x2x1024xf32, #tpu.memory_space<hbm>>
        tpu.wait_dma2 semaphore(%run_scoped3A : memref<!tpu.dma_semaphore, #tpu.memory_space<semaphore_mem>>) src(%arg9 : memref<16x2x1024xf32, #tpu.memory_space<vmem>>) dst(%dma_wait3A_412 : memref<16x2x1024xf32, #tpu.memory_space<hbm>>)
        tpu.yield
      }) : () -> ()
      %scan3A_400 = arith.constant 0 : i32
      scf.yield %scan3A_400 : i32
    }
    %scan3A_175 = arith.constant 8 : i32
    return
  }
}

</mosaic_0001>

<sc_bundles>
// kernel: _run.3.cloned.1.call-start
scs
__scs_entry_jumppad:
0x0: {  	(pc) =	sbr.rel $0x88, $3  }
0x1: {  	(tag) =	ssettag $0x0;
	lr =	simm.s32 $0x1  }
0x2: {  	[smem:$0x3F9F] =	sst lr;
	_ =	strace $0xD0000000  }
0x3: {  	_ = 	snop  }
0x4: {  	_ = 	snop  }
0x5: {  	_ = 	snop  }
0x6: {  	_ = 	snop  }
0x7: {  	_ = 	snop  }
__scs_overlays_trampoline_lowered:
0x8: {  	[smem:$0x3FAE] =	sst s0  }
0x9: {  	[smem:$0x3FAF] =	sst s1  }
0xa: {  	[smem:$0x3FB0] =	sst s2  }
0xb: {  	[smem:$0x3FB1] =	sst s3  }
0xc: {  	[smem:$0x3FB2] =	sst s4  }
0xd: {  	[smem:$0x3FB3] =	sst s5  }
0xe: {  	[smem:$0x3FB4] =	sst s6  }
0xf: {  	[smem:$0x3FB5] =	sst s7  }
0x10: {  	[smem:$0x3FB6] =	sst s8  }
0x11: {  	[smem:$0x3FB7] =	sst s9;
	s0 =	simm.s32 @!p0 $0x0  }
0x12: {  	s1 =	sld [smem:$0x3F9D];
	s0 =	simm.s32 @p0 $0x1  }
0x13: {  	[smem:$0x3FB8] =	sst s0;
	s0 =	simm.s32 @!p1 $0x0  }
0x14: {  	s2 =	sld [smem:$0x3F9C];
	s0 =	simm.s32 @p1 $0x1  }
0x15: {  	[smem:$0x3FB9] =	sst s0;
	s0 =	simm.s32 @!p2 $0x0  }
0x16: {  	s3 =	sld [smem:$0x3FDB];
	s0 =	simm.s32 @p2 $0x1  }
0x17: {  	s4 =	simm.s32 $0x1BF5;
	[smem:$0x3FBB] =	sst s0  }
0x18: {  	s0 =	sld [smem:$0x3F9E];
	_ =	swait.ge [sflag:s4], $0x0  }
0x19: {  	s7 =	sld [smem:$0x3F9F]  }
0x1a: {  	s8 =	sadd.s32 $0xFFFFE003, lr  }
0x1b: {  	s9 =	sadd.s32 $0xFFFFFEF7, lr;
	s5 =	simm.s32 $0xFFFFFFFF;
	p2 =	slt.u32 s8, $0xFFFFF086  }
0x1c: {  	p1 =	slt.u32 s9, $0xF7A;
	s5 =	simm.s32 @!p2 $0x0  }
0x1d: {  	s5 =	simm.s32 @p1 $0x1;
	p0 =	seq.s32 s7, s2  }
0x1e: {  	s7 =	smul.u32 @!p0 $0xF7A, s2;
	p2 =	seq.s32 @!p0 s5, $0x0  }
0x1f: {  	s9 =	smul.u32 $0xF7A, s1;
	s8 =	simm.s32 @!p0 $0x1BF5;
	p2 =	por !p2, p0  }
0x20: {  	[sflag:s8] =	ssyncset.s32 @!p0 $0xFFFFF086;
	s6 =	sadd.s32 @!p0 s3, s7;
	s7 =	simm.s32 @!p0 $0x108  }
0x21: {  	s3 =	sadd.s32 s3, s9;
	s6 =	sadd.s32 @!p0 $0x88, s6;
	s7 =	simm.s32 @p2 $0x1082  }
0x22: {  	[simem:s7], [sflag:s8] =	dma.local @!p0 [hbm:s6], $0xF7A  }
0x23: {  	s9 =	sor.u32 $0xD0000000, s2;
	s6 =	simm.s32 $0x108;
	_ =	swait.ge @!p0 [sflag:s8], $0x0  }
0x24: {  	s3 =	sadd.s32 $0x88, s3;
	s6 =	simm.s32 @!p1 $0x1082;
	[sflag:s4] =	ssyncset.s32 $0xFFFFF086  }
0x25: {  	[simem:s6], [sflag:s4] =	dma.local [hbm:s3], $0xF7A  }
0x26: {  	[smem:$0x3F9F] =	sst s1;
	(tag) =	ssettag s2;
	_ =	strace s9  }
0x27: {  	s1 =	sld [smem:$0x3FAF]  }
0x28: {  	s2 =	sld [smem:$0x3FB0]  }
0x29: {  	s4 =	sld [smem:$0x3FB2]  }
0x2a: {  	p0 =	seq.s32 s5, $0x0;
	s5 =	sld [smem:$0x3FB3]  }
0x2b: {  	s6 =	sld [smem:$0x3FB4]  }
0x2c: {  	s7 =	sld [smem:$0x3FB5]  }
0x2d: {  	s3 =	simm.s32 $0x108;
	s8 =	sld [smem:$0x3FB6]  }
0x2e: {  	s3 =	simm.s32 @!p0 $0x1082;
	s9 =	sld [smem:$0x3FB7]  }
0x2f: {  	lr =	sadd.s32 s0, s3;
	s0 =	sld [smem:$0x3FAE]  }
0x30: {  	s3 =	sld [smem:$0x3FB1]  }
0x31: {  	[smem:$0x3FBA] =	sst s10  }
0x32: {  	s10 =	sld [smem:$0x3FB8];
	_ =	sdelay $0x3  }
0x33: {  	p0 =	seq.s32 s10, $0x1;
	s10 =	sld [smem:$0x3FBA];
	_ =	sdelay $0x3  }
0x34: {  	[smem:$0x3FBA] =	sst s10  }
0x35: {  	s10 =	sld [smem:$0x3FB9];
	_ =	sdelay $0x3  }
0x36: {  	p1 =	seq.s32 s10, $0x1;
	s10 =	sld [smem:$0x3FBA];
	_ =	sdelay $0x3  }
0x37: {  	[smem:$0x3FBA] =	sst s10  }
0x38: {  	s10 =	sld [smem:$0x3FBB]  }
0x39: {  	_ = 	snop;
	(pc) =	sbr.ind lr, $3  }
0x3a: {  	_ = 	snop  }
0x3b: {  	_ = 	snop  }
0x3c: {  	p2 =	seq.s32 s10, $0x1;
	s10 =	sld [smem:$0x3FBA]  }
0x3d: {  	_ =	shalt  }
0x3e: {  	_ =	shalt  }
0x3f: {  	_ =	shalt  }
0x40: {  	_ =	shalt  }
0x41: {  	_ =	shalt  }
0x42: {  	_ =	shalt  }
0x43: {  	_ =	shalt  }
0x44: {  	_ =	shalt  }
0x45: {  	_ =	shalt  }
0x46: {  	_ =	shalt  }
0x47: {  	_ =	shalt  }
0x48: {  	_ =	shalt  }
0x49: {  	_ =	shalt  }
0x4a: {  	_ =	shalt  }
0x4b: {  	_ =	shalt  }
0x4c: {  	_ =	shalt  }
0x4d: {  	_ =	shalt  }
0x4e: {  	_ =	shalt  }
0x4f: {  	_ =	shalt  }
0x50: {  	_ =	shalt  }
0x51: {  	_ =	shalt  }
0x52: {  	_ =	shalt  }
0x53: {  	_ =	shalt  }
0x54: {  	_ =	shalt  }
0x55: {  	_ =	shalt  }
0x56: {  	_ =	shalt  }
0x57: {  	_ =	shalt  }
0x58: {  	_ =	shalt  }
0x59: {  	_ =	shalt  }
0x5a: {  	_ =	shalt  }
0x5b: {  	_ =	shalt  }
0x5c: {  	_ =	shalt  }
0x5d: {  	_ =	shalt  }
0x5e: {  	_ =	shalt  }
0x5f: {  	_ =	shalt  }
0x60: {  	_ =	shalt  }
0x61: {  	_ =	shalt  }
0x62: {  	_ =	shalt  }
0x63: {  	_ =	shalt  }
0x64: {  	_ =	shalt  }
0x65: {  	_ =	shalt  }
0x66: {  	_ =	shalt  }
0x67: {  	_ =	shalt  }
0x68: {  	_ =	shalt  }
0x69: {  	_ =	shalt  }
0x6a: {  	_ =	shalt  }
0x6b: {  	_ =	shalt  }
0x6c: {  	_ =	shalt  }
0x6d: {  	_ =	shalt  }
0x6e: {  	_ =	shalt  }
0x6f: {  	_ =	shalt  }
0x70: {  	_ =	shalt  }
0x71: {  	_ =	shalt  }
0x72: {  	_ =	shalt  }
0x73: {  	_ =	shalt  }
0x74: {  	_ =	shalt  }
0x75: {  	_ =	shalt  }
0x76: {  	_ =	shalt  }
0x77: {  	_ =	shalt  }
0x78: {  	_ =	shalt  }
0x79: {  	_ =	shalt  }
0x7a: {  	_ =	shalt  }
0x7b: {  	_ =	shalt  }
0x7c: {  	_ =	shalt  }
0x7d: {  	_ =	shalt  }
0x7e: {  	_ =	shalt  }
0x7f: {  	_ =	shalt  }
0x80: {  	_ =	shalt  }
0x81: {  	_ =	shalt  }
0x82: {  	_ =	shalt  }
0x83: {  	_ =	shalt  }
0x84: {  	_ =	shalt  }
0x85: {  	_ =	shalt  }
0x86: {  	_ =	shalt  }
0x87: {  	_ =	shalt  }
.Lfunc_end0:
.L_simem_size_0:
called_computation.1_lowered:
.L_overlay_start_0:
0x88: {  	s2 =	sld [smem:$0x3FD9]  }
0x89: {  	s3 =	sld [smem:$0x3FFE];
	_ =	sdelay $0x1  }
0x8a: {  	s1 =	srdreg.scid  }
0x8b: {  	s0 =	sand.u32 $0x1, s1  }
0x8c: {  	s17 =	sshll.u32 s0, $0xA;
	s2 =	sadd.s32 s3, s2  }
0x8d: {  	s2 =	sadd.s32 s2, s17  }
0x8e: {  	[smem:$0x3FC6] =	sst s2  }
0x8f: {  	_ = 	snop  }
0x90: {  	s2 =	sld [smem:$0x3FD0];
	(tm) =	ssettm $0x1  }
0x91: {  	s18 =	sld [smem:$0x3FFB];
	_ =	sdelay $0x3  }
0x92: {  	_ =	strace s18  }
0x93: {  	s3 =	sld [smem:$0x3FFC];
	_ =	sdelay $0x3  }
0x94: {  	_ =	strace s3  }
0x95: {  	s3 =	sld [smem:$0x3FFD];
	_ =	sdelay $0x3  }
0x96: {  	_ =	strace s3  }
0x97: {  	_ =	strace $0x8FFFFFFF  }
0x98: {  	s19 =	sld [smem:$0x3FDB];
	_ =	sdelay $0x1  }
0x99: {  	s4 =	simm.s32 $_scs_section_size  }
0x9a: {  	s5 =	simm.s32 $_size__tile_overlayer_lowered;
	s6 =	simm.s32 $_tile_overlayer_lowered  }
0x9b: {  	s22 =	simm.s32 $0x1BFF;
	s21 =	sshll.u32 s6, $0x1;
	s3 =	sadd.s32 s4, s19  }
0x9c: {  	s7 =	simm.s32 $0x0;
	s20 =	sshll.u32 s5, $0x1;
	s5 =	sadd.s32 s21, s3  }
0x9d: {  	[timem:s7], [sflag:s22] =	dma.local [hbm:s5], s20  }
0x9e: {  	_ =	swait.ge [sflag:s22], s20  }
0x9f: {  	s4 =	ssub.s32 $0x0, s20;
	[sflag:s22] =	ssyncset.done $0x0  }
0xa0: {  	[sflag:s22] =	ssyncadd.s32 s4;
	_ =	sdelay $0x1  }
0xa1: {  	s23 =	simm.s32 $0x1B8B  }
0xa2: {  	_ =	swait.ge [sflag:s23], $0x1  }
0xa3: {  	[sflag:s23] =	ssyncset.done $0x0  }
0xa4: {  	s25 =	simm.s32 $0x1B8E;
	s24 =	sld [smem:$0x3FFE];
	[sflag:s23] =	ssyncadd.s32 $0xFFFFFFFF  }
0xa5: {  	s26 =	simm.s32 $execute0_lowered;
	[smem:$0x3FD2] =	sst s25  }
0xa6: {  	s5 =	sshll.u32 s26, $0x1;
	_ =	strace $0x80000046;
	[dreg:$0x1] =	wrdreg $0xFFFFFFFF  }
0xa7: {  	s28 =	simm.s32 $_size_execute0_lowered;
	s3 =	sadd.s32 s3, s5;
	[dreg:$0x0] =	wrdreg $0x0  }
0xa8: {  	s5 =	sshll.u32 s28, $0x1;
	[dreg:$0x2] =	wrdreg s3  }
0xa9: {  	[dreg:$0x3] =	wrdreg s5  }
0xaa: {  	[dreg:$0x4] =	wrdreg $0xC0  }
0xab: {  	_ =	task [dreg:s7], $0x5FFFF  }
0xac: {  	[dreg:$0x1] =	wrdreg $0xFFFFFFFF  }
0xad: {  	[dreg:$0x0] =	wrdreg $0x60  }
0xae: {  	[dreg:$0x2] =	wrdreg s24  }
0xaf: {  	[dreg:$0x3] =	wrdreg s2  }
0xb0: {  	[dreg:$0x4] =	wrdreg $0x9  }
0xb1: {  	_ =	task.clear_ibuf [dreg:s7], $0x5FFFF;
	_ =	strace $0x90000046  }
0xb2: {  	s29 =	simm.s32 $0x9;
	_ =	strace $0x80000048  }
0xb3: {  	_ =	swait.ge [sflag:s29], $0x1  }
0xb4: {  	[sflag:s29] =	ssyncadd.s32 $0xFFFFFFFF  }
0xb5: {  	_ =	strace $0x90000048  }
0xb6: {  	_ =	sfence  }
0xb7: {  	s30 =	sld [smem:$0x0];
	_ =	sdelay $0x2  }
0xb8: {  	s31 =	sshll.u32 s1, $0xD;
	s1 =	sshrl.u32 s1, $0x2  }
0xb9: {  	s3 =	sand.u32 $0x4000, s31;
	s1 =	sadd.s32 s1, s30  }
0xba: {  	s0 =	sor.u32 s3, s0;
	s1 =	sshll.u32 s1, $0x11  }
0xbb: {  	s0 =	sor.u32 s1, s0  }
0xbc: {  	s0 =	sadd.s32 $0x8F2B, s0  }
0xbd: {  	[sflag:s0] =	ssyncadd.remote.s32 $0x1  }
0xbe: {  	_ =	sfence.sel $0xFFFF  }
0xbf: {  	[dreg:$0x0] =	wrdreg $0xFFFFFFFF;
	(pc) =	sbr.abs _section_cstart, $3  }
0xc0: {  	[dreg:$0x1] =	wrdreg $0xFFFFFFFF  }
0xc1: {  	_ =	task.clear_ibuf [dreg:s7], $0x2FFFF;
	_ =	strace $0x9FFFFFFF  }
0xc2: {  	(tm) =	ssettm $0x7FFFFFFF  }
0xc3: {  	_ =	shalt  }
tec
execute0_lowered:
.L_overlay_start_1:
0x0: {  	(tag) =	ssettag $0x1  }
0x1: {  	s0 =	rddreg [dreg:$0x0]  }
0x2: {  	s1 =	rddreg [dreg:$0x1]  }
0x3: {  	s2 =	simm.s32 $0x0;
	s23 =	srdreg.scid;
	s5 =	stileid.u32  }
0x4: {  	s9 =	simm.s32 $0x80;
	s28 =	simm.s32 $0x16800;
	s11 =	simm.s32 $0x4000  }
0x5: {  	s30 =	simm.s32 $0x16880;
	s13 =	simm.s32 $0x4400;
	s31 =	simm.s32 $0x16900  }
0x6: {  	s15 =	simm.s32 $0x4800;
	s22 =	simm.s32 $0x16980;
	s17 =	simm.s32 $0x4C00  }
0x7: {  	s19 =	simm.s32 $0x5000;
	s21 =	simm.s32 $0x5400;
	s10 =	simm.s32 $0x16B80  }
0x8: {  	[smem:$0x7FF] =	sst s2;
	s7 =	sadd.s32 $0x800, s0;
	s2 =	sand.u32 $0x1, s23  }
0x9: {  	s4 =	sshll.u32 s5, $0xE;
	s0 =	sadd.s32 $0x8800, s0;
	s26 =	sshll.u32 s5, $0xF  }
0xa: {  	s23 =	simm.s32 $0x5800;
	s5 =	simm.s32 $0x13400;
	_ =	strace $0x80000047  }
0xb: {  	s3 =	ssub.s32 $0x2, s2;
	s2 =	sshll.u32 s2, $0xD;
	[dreg:$0x4] =	wrdreg s0  }
0xc: {  	s0 =	sand.u32 $0x60000, s26;
	[dreg:$0x3] =	wrdreg s7;
	s26 =	simm.s32 $0x1  }
0xd: {  	s24 =	sshrl.u32 s3, $0x1;
	s6 =	sor.u32 s2, s4;
	s4 =	simm.s32 $0x10000  }
0xe: {  	s25 =	ssub.s32 s3, s24;
	s29 =	sshrl.u32 s6, $0x3;
	s24 =	simm.s32 $0x16B00  }
0xf: {  	[dreg:$0x7] =	wrdreg s6;
	s3 =	sadd.s32 s7, s29;
	s2 =	smax.u32 s25, $0x1  }
0x10: {  	v0 =	vlaneseq.u32;
	s7 =	simm.s32 $0x16A00;
	s25 =	simm.s32 $0x5C00;
	[dreg:$0x5] =	wrdreg s3  }
0x11: {  	v2 =	vmul.u32 $0x8, v0;
	v1 =	vmov s0;
	[dreg:$0x6] =	wrdreg s2;
	s3 =	simm.s32 $0x16A80;
	s2 =	simm.s32 $0x0  }
.LBB2_1:
0x12: {  	s29 =	simm.s32 $0x0  }
0x13: {  	v3 =	vor.u32 s29, v0  }
0x14: {  	vm0 =	vlt.s32 v3, $0xF  }
0x15: {  	v3 =	vnsel vm0, $0xF, v3  }
0x16: {  	v4 =	vmul.u32 $0x779B1, v3  }
0x17: {  	s0 =	simm.s32 $0x10  }
0x18: {  	v3 =	vxor.u32 v3, v4;
	v4 =	vor.u32 s0, v0  }
0x19: {  	v5 =	vshrl.u32 v3, $0x2;
	vm15 =	vlt.s32 v4, $0xF  }
0x1a: {  	v5 =	vand.u32 $0x1FFFF, v5;
	v4 =	vnsel vm15, $0xF, v4  }
0x1b: {  	s8 =	sand.u32 $0x3F0, s29;
	v3 =	vshll.u32 v3, $0x1;
	v5 =	vor.u32 v1, v5;
	v6 =	vmul.u32 $0x779B1, v4  }
0x1c: {  	[dreg:$0x8] =	wrdreg s2;
	s2 =	simm.s32 $0x16C00;
	v3 =	vand.u32 $0x6, v3;
	[tilespmem:s8+$0x16800] =	vst v5  }
0x1d: {  	s8 =	simm.s32 $0x20;
	[tilespmem:s2+$0x0] =	vst v3;
	v3 =	vxor.u32 v4, v6  }
.LBB2_2:
0x1e: {  	v4 =	vor.u32 s8, v0;
	v5 =	vshrl.u32 v3, $0x2;
	s12 =	smov.u32 s8;
	p0 =	sne.s32 s8, $0x3F0  }
.Ltmp0:
0x1f: {  	s8 =	sadd.s32 $0x10, s8;
	vm0 =	vlt.s32 v4, $0xF;
	v5 =	vand.u32 $0x1FFFF, v5;
	(pc) =	sbr.rel @p0 .LBB2_2-.Ltmp0, $4  }
0x20: {  	s14 =	sand.u32 $0x3F0, s0;
	v3 =	vshll.u32 v3, $0x1;
	s0 =	smov.u32 s12;
	v4 =	vnsel vm0, $0xF, v4;
	v5 =	vor.u32 v1, v5  }
0x21: {  	s2 =	sadd.s32 $0x10, s2;
	v3 =	vand.u32 $0x6, v3;
	v6 =	vmul.u32 $0x779B1, v4;
	[tilespmem:s14+$0x16800] =	vst v5  }
0x22: {  	[tilespmem:s2+$0x0] =	vst v3  }
0x23: {  	v3 =	vxor.u32 v4, v6  }
0x24: {  	v4 =	vshrl.u32 v3, $0x2  }
0x25: {  	v4 =	vand.u32 $0x1FFFF, v4  }
0x26: {  	s0 =	sand.u32 $0x3F0, s0;
	v3 =	vshll.u32 v3, $0x1;
	v4 =	vor.u32 v1, v4  }
0x27: {  	s29 =	sadd.s32 $0x10, s2;
	v3 =	vand.u32 $0x6, v3;
	[tilespmem:s0+$0x16800] =	vst v4  }
0x28: {  	[tilespmem:s29+$0x0] =	vst v3  }
0x29: {  	[tilespmem:s11], [sflag:$0x1] =	stream.indirect.gather [hbm4b:s1+s9], $0x8, s28, s9, $0xb8;
	[tilespmem:$0x17000] =	vst v63  }
0x2a: {  	_ = 	snop  }
0x2b: {  	[tilespmem:s13], [sflag:$0x1] =	stream.indirect.gather [hbm4b:s1+s9], $0x8, s30, s9, $0xb8;
	[tilespmem:$0x17000] =	vst v63  }
0x2c: {  	_ = 	snop  }
0x2d: {  	[tilespmem:s15], [sflag:$0x1] =	stream.indirect.gather [hbm4b:s1+s9], $0x8, s31, s9, $0xb8;
	[tilespmem:$0x17000] =	vst v63  }
0x2e: {  	_ = 	snop  }
0x2f: {  	[tilespmem:s17], [sflag:$0x1] =	stream.indirect.gather [hbm4b:s1+s9], $0x8, s22, s9, $0xb8;
	[tilespmem:$0x17000] =	vst v63  }
0x30: {  	_ = 	snop  }
0x31: {  	[tilespmem:s19], [sflag:$0x1] =	stream.indirect.gather [hbm4b:s1+s9], $0x8, s7, s9, $0xb8;
	[tilespmem:$0x17000] =	vst v63  }
0x32: {  	_ = 	snop  }
0x33: {  	[tilespmem:s21], [sflag:$0x1] =	stream.indirect.gather [hbm4b:s1+s9], $0x8, s3, s9, $0xb8;
	[tilespmem:$0x17000] =	vst v63  }
0x34: {  	_ = 	snop  }
0x35: {  	[tilespmem:s23], [sflag:$0x1] =	stream.indirect.gather [hbm4b:s1+s9], $0x8, s24, s9, $0xb8;
	[tilespmem:$0x17000] =	vst v63  }
0x36: {  	_ = 	snop  }
0x37: {  	[tilespmem:s25], [sflag:$0x1] =	stream.indirect.gather [hbm4b:s1+s9], $0x8, s10, s9, $0xb8;
	[tilespmem:$0x17000] =	vst v63  }
0x38: {  	_ =	swait.ge [sflag:s26], $0x400  }
0x39: {  	[sflag:s26] =	ssyncset.done $0x0  }
0x3a: {  	[sflag:s26] =	ssyncadd.s32 $0xFFFFFC00  }
0x3b: {  	_ =	swait.ge [sflag:s26], $0x400  }
0x3c: {  	[sflag:s26] =	ssyncset.done $0x0  }
0x3d: {  	[sflag:s26] =	ssyncadd.s32 $0xFFFFFC00  }
0x3e: {  	_ =	swait.ge [sflag:s26], $0x400  }
0x3f: {  	[sflag:s26] =	ssyncset.done $0x0  }
0x40: {  	[sflag:s26] =	ssyncadd.s32 $0xFFFFFC00  }
0x41: {  	_ =	swait.ge [sflag:s26], $0x400  }
0x42: {  	[sflag:s26] =	ssyncset.done $0x0  }
0x43: {  	[sflag:s26] =	ssyncadd.s32 $0xFFFFFC00  }
0x44: {  	_ =	swait.ge [sflag:s26], $0x400  }
0x45: {  	[sflag:s26] =	ssyncset.done $0x0  }
0x46: {  	[sflag:s26] =	ssyncadd.s32 $0xFFFFFC00  }
0x47: {  	_ =	swait.ge [sflag:s26], $0x400  }
0x48: {  	[sflag:s26] =	ssyncset.done $0x0  }
0x49: {  	[sflag:s26] =	ssyncadd.s32 $0xFFFFFC00  }
0x4a: {  	_ =	swait.ge [sflag:s26], $0x400  }
0x4b: {  	[sflag:s26] =	ssyncset.done $0x0  }
0x4c: {  	[sflag:s26] =	ssyncadd.s32 $0xFFFFFC00  }
0x4d: {  	_ =	swait.ge [sflag:s26], $0x400  }
0x4e: {  	[sflag:s26] =	ssyncset.done $0x0  }
0x4f: {  	s12 =	simm.s32 $0x16C00;
	[sflag:s26] =	ssyncadd.s32 $0xFFFFFC00  }
0x50: {  	v3 =	vld [tilespmem:s12+$0x0];
	_ =	sdelay $0x1  }
0x51: {  	s2 =	simm.s32 $0x0  }
0x52: {  	v4 =	vmov s2  }
0x53: {  	v4 =	vshll.u32 v4, $0x3  }
0x54: {  	v4 =	vor.u32 v2, v4;
	v5 =	vand.u32 $0xFFFFFFF8, v3;
	v6 =	vadd.s32 $0x1, v3  }
0x55: {  	v3 =	vand.u32 $0x7, v3;
	v5 =	vadd.s32 v4, v5;
	v7 =	vand.u32 $0xFFFFFFF8, v6  }
0x56: {  	v3 =	vor.u32 v3, v5;
	v5 =	vand.u32 $0x7, v6;
	v4 =	vadd.s32 v4, v7  }
0x57: {  	v4 =	vor.u32 v5, v4;
	_ =	sdelay $0x3  }
0x58: {  	v3 =	vld.idx.msk [tilespmem:v3+s11+$0x0], $0xffff  }
0x59: {  	v4 =	vld.idx.msk [tilespmem:v4+s11+$0x0], $0xffff;
	_ =	sdelay $0x2  }
0x5a: {  	s16 =	simm.s32 $0x10000  }
0x5b: {  	s14 =	simm.s32 $0x13400;
	[tilespmem:s16+$0x0] =	vst v3  }
0x5c: {  	s8 =	simm.s32 $0x16C10;
	[tilespmem:s14+$0x0] =	vst v4  }
0x5d: {  	s18 =	simm.s32 $0x20;
	s20 =	simm.s32 $0x10;
	s0 =	simm.s32 $0x10;
	v3 =	vld [tilespmem:s8+$0x0]  }
.LBB2_4:
0x5e: {  	p0 =	sne.s32 s18, $0x3F0;
	_ =	sdelay $0x1  }
0x5f: {  	v4 =	vmov s20;
	s20 =	smov.u32 s18  }
0x60: {  	v4 =	vshll.u32 v4, $0x3  }
0x61: {  	v4 =	vor.u32 v2, v4;
	v5 =	vand.u32 $0xFFFFFFF8, v3;
	v6 =	vadd.s32 $0x1, v3  }
0x62: {  	v3 =	vand.u32 $0x7, v3;
	v5 =	vadd.s32 v4, v5;
	v7 =	vand.u32 $0xFFFFFFF8, v6  }
0x63: {  	v3 =	vor.u32 v3, v5;
	v5 =	vand.u32 $0x7, v6;
	v4 =	vadd.s32 v4, v7  }
0x64: {  	v4 =	vor.u32 v5, v4;
	_ =	sdelay $0x3  }
0x65: {  	v3 =	vld.idx.msk [tilespmem:v3+s11+$0x0], $0xffff  }
0x66: {  	v4 =	vld.idx.msk [tilespmem:v4+s11+$0x0], $0xffff;
	_ =	sdelay $0x2  }
.Ltmp1:
0x67: {  	(pc) =	sbr.rel @p0 .LBB2_4-.Ltmp1, $4  }
0x68: {  	s16 =	sadd.s32 $0x10, s16  }
0x69: {  	s14 =	sadd.s32 $0x10, s14;
	[tilespmem:s16+$0x0] =	vst v3  }
0x6a: {  	s8 =	sadd.s32 $0x10, s8;
	[tilespmem:s14+$0x0] =	vst v4  }
0x6b: {  	s18 =	sadd.s32 $0x10, s18;
	v3 =	vld [tilespmem:s8+$0x0]  }
0x6c: {  	_ =	sdelay $0x1  }
0x6d: {  	v4 =	vmov s20  }
0x6e: {  	v4 =	vshll.u32 v4, $0x3  }
0x6f: {  	v4 =	vor.u32 v2, v4;
	v5 =	vand.u32 $0xFFFFFFF8, v3;
	v6 =	vadd.s32 $0x1, v3  }
0x70: {  	v3 =	vand.u32 $0x7, v3;
	v5 =	vadd.s32 v4, v5;
	v7 =	vand.u32 $0xFFFFFFF8, v6  }
0x71: {  	v3 =	vor.u32 v3, v5;
	v5 =	vand.u32 $0x7, v6;
	v4 =	vadd.s32 v4, v7  }
0x72: {  	v4 =	vor.u32 v5, v4;
	_ =	sdelay $0x1  }
0x73: {  	v5 =	vor.u32 s2, v0  }
0x74: {  	vm0 =	vlt.s32 v5, $0x1F  }
0x75: {  	v5 =	vnsel vm0, $0x1F, v5;
	v3 =	vld.idx.msk [tilespmem:v3+s11+$0x0], $0xffff  }
0x76: {  	v61 =	vmul.u32 $0x779B1, v5;
	v4 =	vld.idx.msk [tilespmem:v4+s11+$0x0], $0xffff;
	_ =	sdelay $0x1  }
0x77: {  	v62 =	vor.u32 s0, v0;
	v5 =	vxor.u32 v5, v61  }
0x78: {  	s8 =	sadd.s32 $0x10, s16;
	vm15 =	vlt.s32 v62, $0x1F;
	v63 =	vshrl.u32 v5, $0x2  }
0x79: {  	s20 =	sadd.s32 $0x10, s14;
	v6 =	vnsel vm15, $0x1F, v62;
	[tilespmem:s8+$0x0] =	vst v3;
	v3 =	vand.u32 $0x1FFFF, v63  }
0x7a: {  	s29 =	sand.u32 $0x3F0, s2;
	[tilespmem:s20+$0x0] =	vst v4;
	v3 =	vor.u32 v1, v3;
	v4 =	vshll.u32 v5, $0x1;
	v5 =	vmul.u32 $0x779B1, v6  }
0x7b: {  	[tilespmem:s29+$0x16800] =	vst v3;
	v3 =	vand.u32 $0x6, v4  }
0x7c: {  	s2 =	simm.s32 $0x20;
	[tilespmem:s12+$0x0] =	vst v3;
	v3 =	vxor.u32 v6, v5  }
.LBB2_6:
0x7d: {  	v4 =	vor.u32 s2, v0;
	v5 =	vshrl.u32 v3, $0x2;
	s8 =	smov.u32 s2;
	p0 =	sne.s32 s2, $0x3F0  }
.Ltmp2:
0x7e: {  	s2 =	sadd.s32 $0x10, s2;
	vm0 =	vlt.s32 v4, $0x1F;
	v5 =	vand.u32 $0x1FFFF, v5;
	(pc) =	sbr.rel @p0 .LBB2_6-.Ltmp2, $4  }
0x7f: {  	s14 =	sand.u32 $0x3F0, s0;
	v3 =	vshll.u32 v3, $0x1;
	s0 =	smov.u32 s8;
	v4 =	vnsel vm0, $0x1F, v4;
	v5 =	vor.u32 v1, v5  }
0x80: {  	s12 =	sadd.s32 $0x10, s12;
	v3 =	vand.u32 $0x6, v3;
	v6 =	vmul.u32 $0x779B1, v4;
	[tilespmem:s14+$0x16800] =	vst v5  }
0x81: {  	[tilespmem:s12+$0x0] =	vst v3  }
0x82: {  	v3 =	vxor.u32 v4, v6  }
0x83: {  	v4 =	vshrl.u32 v3, $0x2  }
0x84: {  	v4 =	vand.u32 $0x1FFFF, v4  }
0x85: {  	s0 =	sand.u32 $0x3F0, s0;
	v3 =	vshll.u32 v3, $0x1;
	v4 =	vor.u32 v1, v4  }
0x86: {  	s29 =	sadd.s32 $0x10, s12;
	v3 =	vand.u32 $0x6, v3;
	[tilespmem:s0+$0x16800] =	vst v4  }
0x87: {  	[tilespmem:s29+$0x0] =	vst v3  }
0x88: {  	[tilespmem:s11], [sflag:$0x1] =	stream.indirect.gather [hbm4b:s1+s9], $0x8, s28, s9, $0xb8;
	[tilespmem:$0x17000] =	vst v63  }
0x89: {  	_ = 	snop  }
0x8a: {  	[tilespmem:s13], [sflag:$0x1] =	stream.indirect.gather [hbm4b:s1+s9], $0x8, s30, s9, $0xb8;
	[tilespmem:$0x17000] =	vst v63  }
0x8b: {  	_ = 	snop  }
0x8c: {  	[tilespmem:s15], [sflag:$0x1] =	stream.indirect.gather [hbm4b:s1+s9], $0x8, s31, s9, $0xb8;
	[tilespmem:$0x17000] =	vst v63  }
0x8d: {  	_ = 	snop  }
0x8e: {  	[tilespmem:s17], [sflag:$0x1] =	stream.indirect.gather [hbm4b:s1+s9], $0x8, s22, s9, $0xb8;
	[tilespmem:$0x17000] =	vst v63  }
0x8f: {  	_ = 	snop  }
0x90: {  	[tilespmem:s19], [sflag:$0x1] =	stream.indirect.gather [hbm4b:s1+s9], $0x8, s7, s9, $0xb8;
	[tilespmem:$0x17000] =	vst v63  }
0x91: {  	_ = 	snop  }
0x92: {  	[tilespmem:s21], [sflag:$0x1] =	stream.indirect.gather [hbm4b:s1+s9], $0x8, s3, s9, $0xb8;
	[tilespmem:$0x17000] =	vst v63  }
0x93: {  	_ = 	snop  }
0x94: {  	[tilespmem:s23], [sflag:$0x1] =	stream.indirect.gather [hbm4b:s1+s9], $0x8, s24, s9, $0xb8;
	[tilespmem:$0x17000] =	vst v63  }
0x95: {  	_ = 	snop  }
0x96: {  	[tilespmem:s25], [sflag:$0x1] =	stream.indirect.gather [hbm4b:s1+s9], $0x8, s10, s9, $0xb8;
	[tilespmem:$0x17000] =	vst v63  }
0x97: {  	_ =	swait.ge [sflag:s26], $0x400  }
0x98: {  	[sflag:s26] =	ssyncset.done $0x0  }
0x99: {  	[sflag:s26] =	ssyncadd.s32 $0xFFFFFC00  }
0x9a: {  	_ =	swait.ge [sflag:s26], $0x400  }
0x9b: {  	[sflag:s26] =	ssyncset.done $0x0  }
0x9c: {  	[sflag:s26] =	ssyncadd.s32 $0xFFFFFC00  }
0x9d: {  	_ =	swait.ge [sflag:s26], $0x400  }
0x9e: {  	[sflag:s26] =	ssyncset.done $0x0  }
0x9f: {  	[sflag:s26] =	ssyncadd.s32 $0xFFFFFC00  }
0xa0: {  	_ =	swait.ge [sflag:s26], $0x400  }
0xa1: {  	[sflag:s26] =	ssyncset.done $0x0  }
0xa2: {  	[sflag:s26] =	ssyncadd.s32 $0xFFFFFC00  }
0xa3: {  	_ =	swait.ge [sflag:s26], $0x400  }
0xa4: {  	[sflag:s26] =	ssyncset.done $0x0  }
0xa5: {  	[sflag:s26] =	ssyncadd.s32 $0xFFFFFC00  }
0xa6: {  	_ =	swait.ge [sflag:s26], $0x400  }
0xa7: {  	[sflag:s26] =	ssyncset.done $0x0  }
0xa8: {  	[sflag:s26] =	ssyncadd.s32 $0xFFFFFC00  }
0xa9: {  	_ =	swait.ge [sflag:s26], $0x400  }
0xaa: {  	[sflag:s26] =	ssyncset.done $0x0  }
0xab: {  	[sflag:s26] =	ssyncadd.s32 $0xFFFFFC00  }
0xac: {  	_ =	swait.ge [sflag:s26], $0x400  }
0xad: {  	[sflag:s26] =	ssyncset.done $0x0  }
0xae: {  	s12 =	simm.s32 $0x16C00;
	[sflag:s26] =	ssyncadd.s32 $0xFFFFFC00  }
0xaf: {  	v3 =	vld [tilespmem:s12+$0x0];
	_ =	sdelay $0x1  }
0xb0: {  	s2 =	simm.s32 $0x0  }
0xb1: {  	v4 =	vmov s2  }
0xb2: {  	v4 =	vshll.u32 v4, $0x3  }
0xb3: {  	v4 =	vor.u32 v2, v4;
	v5 =	vand.u32 $0xFFFFFFF8, v3;
	v6 =	vadd.s32 $0x1, v3  }
0xb4: {  	v3 =	vand.u32 $0x7, v3;
	v5 =	vadd.s32 v4, v5;
	v7 =	vand.u32 $0xFFFFFFF8, v6  }
0xb5: {  	v3 =	vor.u32 v3, v5;
	v5 =	vand.u32 $0x7, v6;
	v4 =	vadd.s32 v4, v7  }
0xb6: {  	v4 =	vor.u32 v5, v4;
	_ =	sdelay $0x3  }
0xb7: {  	v3 =	vld.idx.msk [tilespmem:v3+s11+$0x0], $0xffff  }
0xb8: {  	v4 =	vld.idx.msk [tilespmem:v4+s11+$0x0], $0xffff;
	_ =	sdelay $0x2  }
0xb9: {  	s16 =	simm.s32 $0x10400  }
0xba: {  	s14 =	simm.s32 $0x13800;
	[tilespmem:s16+$0x0] =	vst v3  }
0xbb: {  	s8 =	simm.s32 $0x16C10;
	[tilespmem:s14+$0x0] =	vst v4  }
0xbc: {  	s18 =	simm.s32 $0x20;
	s20 =	simm.s32 $0x10;
	s0 =	simm.s32 $0x10;
	v3 =	vld [tilespmem:s8+$0x0]  }
.LBB2_8:
0xbd: {  	p0 =	sne.s32 s18, $0x3F0;
	_ =	sdelay $0x1  }
0xbe: {  	v4 =	vmov s20;
	s20 =	smov.u32 s18  }
0xbf: {  	v4 =	vshll.u32 v4, $0x3  }
0xc0: {  	v4 =	vor.u32 v2, v4;
	v5 =	vand.u32 $0xFFFFFFF8, v3;
	v6 =	vadd.s32 $0x1, v3  }
0xc1: {  	v3 =	vand.u32 $0x7, v3;
	v5 =	vadd.s32 v4, v5;
	v7 =	vand.u32 $0xFFFFFFF8, v6  }
0xc2: {  	v3 =	vor.u32 v3, v5;
	v5 =	vand.u32 $0x7, v6;
	v4 =	vadd.s32 v4, v7  }
0xc3: {  	v4 =	vor.u32 v5, v4;
	_ =	sdelay $0x3  }
0xc4: {  	v3 =	vld.idx.msk [tilespmem:v3+s11+$0x0], $0xffff  }
0xc5: {  	v4 =	vld.idx.msk [tilespmem:v4+s11+$0x0], $0xffff;
	_ =	sdelay $0x2  }
.Ltmp3:
0xc6: {  	(pc) =	sbr.rel @p0 .LBB2_8-.Ltmp3, $4  }
0xc7: {  	s16 =	sadd.s32 $0x10, s16  }
0xc8: {  	s14 =	sadd.s32 $0x10, s14;
	[tilespmem:s16+$0x0] =	vst v3  }
0xc9: {  	s8 =	sadd.s32 $0x10, s8;
	[tilespmem:s14+$0x0] =	vst v4  }
0xca: {  	s18 =	sadd.s32 $0x10, s18;
	v3 =	vld [tilespmem:s8+$0x0]  }
0xcb: {  	_ =	sdelay $0x1  }
0xcc: {  	v4 =	vmov s20  }
0xcd: {  	v4 =	vshll.u32 v4, $0x3  }
0xce: {  	v4 =	vor.u32 v2, v4;
	v5 =	vand.u32 $0xFFFFFFF8, v3;
	v6 =	vadd.s32 $0x1, v3  }
0xcf: {  	v3 =	vand.u32 $0x7, v3;
	v5 =	vadd.s32 v4, v5;
	v7 =	vand.u32 $0xFFFFFFF8, v6  }
0xd0: {  	v3 =	vor.u32 v3, v5;
	v5 =	vand.u32 $0x7, v6;
	v4 =	vadd.s32 v4, v7  }
0xd1: {  	v4 =	vor.u32 v5, v4;
	_ =	sdelay $0x1  }
0xd2: {  	v5 =	vor.u32 s2, v0  }
0xd3: {  	vm0 =	vlt.s32 v5, $0x3F  }
0xd4: {  	v5 =	vnsel vm0, $0x3F, v5;
	v3 =	vld.idx.msk [tilespmem:v3+s11+$0x0], $0xffff  }
0xd5: {  	v61 =	vmul.u32 $0x779B1, v5;
	v4 =	vld.idx.msk [tilespmem:v4+s11+$0x0], $0xffff;
	_ =	sdelay $0x1  }
0xd6: {  	v62 =	vor.u32 s0, v0;
	v5 =	vxor.u32 v5, v61  }
0xd7: {  	s8 =	sadd.s32 $0x10, s16;
	vm15 =	vlt.s32 v62, $0x3F;
	v63 =	vshrl.u32 v5, $0x2  }
0xd8: {  	s20 =	sadd.s32 $0x10, s14;
	v6 =	vnsel vm15, $0x3F, v62;
	[tilespmem:s8+$0x0] =	vst v3;
	v3 =	vand.u32 $0x1FFFF, v63  }
0xd9: {  	s29 =	sand.u32 $0x3F0, s2;
	[tilespmem:s20+$0x0] =	vst v4;
	v3 =	vor.u32 v1, v3;
	v4 =	vshll.u32 v5, $0x1;
	v5 =	vmul.u32 $0x779B1, v6  }
0xda: {  	[tilespmem:s29+$0x16800] =	vst v3;
	v3 =	vand.u32 $0x6, v4  }
0xdb: {  	s2 =	simm.s32 $0x20;
	[tilespmem:s12+$0x0] =	vst v3;
	v3 =	vxor.u32 v6, v5  }
.LBB2_10:
0xdc: {  	v4 =	vor.u32 s2, v0;
	v5 =	vshrl.u32 v3, $0x2;
	s8 =	smov.u32 s2;
	p0 =	sne.s32 s2, $0x3F0  }
.Ltmp4:
0xdd: {  	s2 =	sadd.s32 $0x10, s2;
	vm0 =	vlt.s32 v4, $0x3F;
	v5 =	vand.u32 $0x1FFFF, v5;
	(pc) =	sbr.rel @p0 .LBB2_10-.Ltmp4, $4  }
0xde: {  	s14 =	sand.u32 $0x3F0, s0;
	v3 =	vshll.u32 v3, $0x1;
	s0 =	smov.u32 s8;
	v4 =	vnsel vm0, $0x3F, v4;
	v5 =	vor.u32 v1, v5  }
0xdf: {  	s12 =	sadd.s32 $0x10, s12;
	v3 =	vand.u32 $0x6, v3;
	v6 =	vmul.u32 $0x779B1, v4;
	[tilespmem:s14+$0x16800] =	vst v5  }
0xe0: {  	[tilespmem:s12+$0x0] =	vst v3  }
0xe1: {  	v3 =	vxor.u32 v4, v6  }
0xe2: {  	v4 =	vshrl.u32 v3, $0x2  }
0xe3: {  	v4 =	vand.u32 $0x1FFFF, v4  }
0xe4: {  	s0 =	sand.u32 $0x3F0, s0;
	v3 =	vshll.u32 v3, $0x1;
	v4 =	vor.u32 v1, v4  }
0xe5: {  	s29 =	sadd.s32 $0x10, s12;
	v3 =	vand.u32 $0x6, v3;
	[tilespmem:s0+$0x16800] =	vst v4  }
0xe6: {  	[tilespmem:s29+$0x0] =	vst v3  }
0xe7: {  	[tilespmem:s11], [sflag:$0x1] =	stream.indirect.gather [hbm4b:s1+s9], $0x8, s28, s9, $0xb8;
	[tilespmem:$0x17000] =	vst v63  }
0xe8: {  	_ = 	snop  }
0xe9: {  	[tilespmem:s13], [sflag:$0x1] =	stream.indirect.gather [hbm4b:s1+s9], $0x8, s30, s9, $0xb8;
	[tilespmem:$0x17000] =	vst v63  }
0xea: {  	_ = 	snop  }
0xeb: {  	[tilespmem:s15], [sflag:$0x1] =	stream.indirect.gather [hbm4b:s1+s9], $0x8, s31, s9, $0xb8;
	[tilespmem:$0x17000] =	vst v63  }
0xec: {  	_ = 	snop  }
0xed: {  	[tilespmem:s17], [sflag:$0x1] =	stream.indirect.gather [hbm4b:s1+s9], $0x8, s22, s9, $0xb8;
	[tilespmem:$0x17000] =	vst v63  }
0xee: {  	_ = 	snop  }
0xef: {  	[tilespmem:s19], [sflag:$0x1] =	stream.indirect.gather [hbm4b:s1+s9], $0x8, s7, s9, $0xb8;
	[tilespmem:$0x17000] =	vst v63  }
0xf0: {  	_ = 	snop  }
0xf1: {  	[tilespmem:s21], [sflag:$0x1] =	stream.indirect.gather [hbm4b:s1+s9], $0x8, s3, s9, $0xb8;
	[tilespmem:$0x17000] =	vst v63  }
0xf2: {  	_ = 	snop  }
0xf3: {  	[tilespmem:s23], [sflag:$0x1] =	stream.indirect.gather [hbm4b:s1+s9], $0x8, s24, s9, $0xb8;
	[tilespmem:$0x17000] =	vst v63  }
0xf4: {  	_ = 	snop  }
0xf5: {  	[tilespmem:s25], [sflag:$0x1] =	stream.indirect.gather [hbm4b:s1+s9], $0x8, s10, s9, $0xb8;
	[tilespmem:$0x17000] =	vst v63  }
0xf6: {  	_ =	swait.ge [sflag:s26], $0x400  }
0xf7: {  	[sflag:s26] =	ssyncset.done $0x0  }
0xf8: {  	[sflag:s26] =	ssyncadd.s32 $0xFFFFFC00  }
0xf9: {  	_ =	swait.ge [sflag:s26], $0x400  }
0xfa: {  	[sflag:s26] =	ssyncset.done $0x0  }
0xfb: {  	[sflag:s26] =	ssyncadd.s32 $0xFFFFFC00  }
0xfc: {  	_ =	swait.ge [sflag:s26], $0x400  }
0xfd: {  	[sflag:s26] =	ssyncset.done $0x0  }
0xfe: {  	[sflag:s26] =	ssyncadd.s32 $0xFFFFFC00  }
0xff: {  	_ =	swait.ge [sflag:s26], $0x400  }
0x100: {  	[sflag:s26] =	ssyncset.done $0x0  }
0x101: {  	[sflag:s26] =	ssyncadd.s32 $0xFFFFFC00  }
0x102: {  	_ =	swait.ge [sflag:s26], $0x400  }
0x103: {  	[sflag:s26] =	ssyncset.done $0x0  }
0x104: {  	[sflag:s26] =	ssyncadd.s32 $0xFFFFFC00  }
0x105: {  	_ =	swait.ge [sflag:s26], $0x400  }
0x106: {  	[sflag:s26] =	ssyncset.done $0x0  }
0x107: {  	[sflag:s26] =	ssyncadd.s32 $0xFFFFFC00  }
0x108: {  	_ =	swait.ge [sflag:s26], $0x400  }
0x109: {  	[sflag:s26] =	ssyncset.done $0x0  }
0x10a: {  	[sflag:s26] =	ssyncadd.s32 $0xFFFFFC00  }
0x10b: {  	_ =	swait.ge [sflag:s26], $0x400  }
0x10c: {  	[sflag:s26] =	ssyncset.done $0x0  }
0x10d: {  	s12 =	simm.s32 $0x16C00;
	[sflag:s26] =	ssyncadd.s32 $0xFFFFFC00  }
0x10e: {  	v3 =	vld [tilespmem:s12+$0x0];
	_ =	sdelay $0x1  }
0x10f: {  	s2 =	simm.s32 $0x0  }
0x110: {  	v4 =	vmov s2  }
0x111: {  	v4 =	vshll.u32 v4, $0x3  }
0x112: {  	v4 =	vor.u32 v2, v4;
	v5 =	vand.u32 $0xFFFFFFF8, v3;
	v6 =	vadd.s32 $0x1, v3  }
0x113: {  	v3 =	vand.u32 $0x7, v3;
	v5 =	vadd.s32 v4, v5;
	v7 =	vand.u32 $0xFFFFFFF8, v6  }
0x114: {  	v3 =	vor.u32 v3, v5;
	v5 =	vand.u32 $0x7, v6;
	v4 =	vadd.s32 v4, v7  }
0x115: {  	v4 =	vor.u32 v5, v4;
	_ =	sdelay $0x3  }
0x116: {  	v3 =	vld.idx.msk [tilespmem:v3+s11+$0x0], $0xffff  }
0x117: {  	v4 =	vld.idx.msk [tilespmem:v4+s11+$0x0], $0xffff;
	_ =	sdelay $0x2  }
0x118: {  	s16 =	simm.s32 $0x10800  }
0x119: {  	s14 =	simm.s32 $0x13C00;
	[tilespmem:s16+$0x0] =	vst v3  }
0x11a: {  	s8 =	simm.s32 $0x16C10;
	[tilespmem:s14+$0x0] =	vst v4  }
0x11b: {  	s18 =	simm.s32 $0x20;
	s20 =	simm.s32 $0x10;
	s0 =	simm.s32 $0x10;
	v3 =	vld [tilespmem:s8+$0x0]  }
.LBB2_12:
0x11c: {  	p0 =	sne.s32 s18, $0x3F0;
	_ =	sdelay $0x1  }
0x11d: {  	v4 =	vmov s20;
	s20 =	smov.u32 s18  }
0x11e: {  	v4 =	vshll.u32 v4, $0x3  }
0x11f: {  	v4 =	vor.u32 v2, v4;
	v5 =	vand.u32 $0xFFFFFFF8, v3;
	v6 =	vadd.s32 $0x1, v3  }
0x120: {  	v3 =	vand.u32 $0x7, v3;
	v5 =	vadd.s32 v4, v5;
	v7 =	vand.u32 $0xFFFFFFF8, v6  }
0x121: {  	v3 =	vor.u32 v3, v5;
	v5 =	vand.u32 $0x7, v6;
	v4 =	vadd.s32 v4, v7  }
0x122: {  	v4 =	vor.u32 v5, v4;
	_ =	sdelay $0x3  }
0x123: {  	v3 =	vld.idx.msk [tilespmem:v3+s11+$0x0], $0xffff  }
0x124: {  	v4 =	vld.idx.msk [tilespmem:v4+s11+$0x0], $0xffff;
	_ =	sdelay $0x2  }
.Ltmp5:
0x125: {  	(pc) =	sbr.rel @p0 .LBB2_12-.Ltmp5, $4  }
0x126: {  	s16 =	sadd.s32 $0x10, s16  }
0x127: {  	s14 =	sadd.s32 $0x10, s14;
	[tilespmem:s16+$0x0] =	vst v3  }
0x128: {  	s8 =	sadd.s32 $0x10, s8;
	[tilespmem:s14+$0x0] =	vst v4  }
0x129: {  	s18 =	sadd.s32 $0x10, s18;
	v3 =	vld [tilespmem:s8+$0x0]  }
0x12a: {  	_ =	sdelay $0x1  }
0x12b: {  	v4 =	vmov s20  }
0x12c: {  	v4 =	vshll.u32 v4, $0x3  }
0x12d: {  	v4 =	vor.u32 v2, v4;
	v5 =	vand.u32 $0xFFFFFFF8, v3;
	v6 =	vadd.s32 $0x1, v3  }
0x12e: {  	v3 =	vand.u32 $0x7, v3;
	v5 =	vadd.s32 v4, v5;
	v7 =	vand.u32 $0xFFFFFFF8, v6  }
0x12f: {  	v3 =	vor.u32 v3, v5;
	v5 =	vand.u32 $0x7, v6;
	v4 =	vadd.s32 v4, v7  }
0x130: {  	v4 =	vor.u32 v5, v4;
	_ =	sdelay $0x1  }
0x131: {  	v5 =	vor.u32 s2, v0  }
0x132: {  	vm0 =	vlt.s32 v5, $0x7F  }
0x133: {  	v5 =	vnsel vm0, $0x7F, v5;
	v3 =	vld.idx.msk [tilespmem:v3+s11+$0x0], $0xffff  }
0x134: {  	v61 =	vmul.u32 $0x779B1, v5;
	v4 =	vld.idx.msk [tilespmem:v4+s11+$0x0], $0xffff;
	_ =	sdelay $0x1  }
0x135: {  	v62 =	vor.u32 s0, v0;
	v5 =	vxor.u32 v5, v61  }
0x136: {  	s8 =	sadd.s32 $0x10, s16;
	vm15 =	vlt.s32 v62, $0x7F;
	v63 =	vshrl.u32 v5, $0x2  }
0x137: {  	s20 =	sadd.s32 $0x10, s14;
	v6 =	vnsel vm15, $0x7F, v62;
	[tilespmem:s8+$0x0] =	vst v3;
	v3 =	vand.u32 $0x1FFFF, v63  }
0x138: {  	s29 =	sand.u32 $0x3F0, s2;
	[tilespmem:s20+$0x0] =	vst v4;
	v3 =	vor.u32 v1, v3;
	v4 =	vshll.u32 v5, $0x1;
	v5 =	vmul.u32 $0x779B1, v6  }
0x139: {  	[tilespmem:s29+$0x16800] =	vst v3;
	v3 =	vand.u32 $0x6, v4  }
0x13a: {  	s2 =	simm.s32 $0x20;
	[tilespmem:s12+$0x0] =	vst v3;
	v3 =	vxor.u32 v6, v5  }
.LBB2_14:
0x13b: {  	v4 =	vor.u32 s2, v0;
	v5 =	vshrl.u32 v3, $0x2;
	s8 =	smov.u32 s2;
	p0 =	sne.s32 s2, $0x3F0  }
.Ltmp6:
0x13c: {  	s2 =	sadd.s32 $0x10, s2;
	vm0 =	vlt.s32 v4, $0x7F;
	v5 =	vand.u32 $0x1FFFF, v5;
	(pc) =	sbr.rel @p0 .LBB2_14-.Ltmp6, $4  }
0x13d: {  	s14 =	sand.u32 $0x3F0, s0;
	v3 =	vshll.u32 v3, $0x1;
	s0 =	smov.u32 s8;
	v4 =	vnsel vm0, $0x7F, v4;
	v5 =	vor.u32 v1, v5  }
0x13e: {  	s12 =	sadd.s32 $0x10, s12;
	v3 =	vand.u32 $0x6, v3;
	v6 =	vmul.u32 $0x779B1, v4;
	[tilespmem:s14+$0x16800] =	vst v5  }
0x13f: {  	[tilespmem:s12+$0x0] =	vst v3  }
0x140: {  	v3 =	vxor.u32 v4, v6  }
0x141: {  	v4 =	vshrl.u32 v3, $0x2  }
0x142: {  	v4 =	vand.u32 $0x1FFFF, v4  }
0x143: {  	s0 =	sand.u32 $0x3F0, s0;
	v3 =	vshll.u32 v3, $0x1;
	v4 =	vor.u32 v1, v4  }
0x144: {  	s29 =	sadd.s32 $0x10, s12;
	v3 =	vand.u32 $0x6, v3;
	[tilespmem:s0+$0x16800] =	vst v4  }
0x145: {  	[tilespmem:s29+$0x0] =	vst v3  }
0x146: {  	[tilespmem:s11], [sflag:$0x1] =	stream.indirect.gather [hbm4b:s1+s9], $0x8, s28, s9, $0xb8;
	[tilespmem:$0x17000] =	vst v63  }
0x147: {  	_ = 	snop  }
0x148: {  	[tilespmem:s13], [sflag:$0x1] =	stream.indirect.gather [hbm4b:s1+s9], $0x8, s30, s9, $0xb8;
	[tilespmem:$0x17000] =	vst v63  }
0x149: {  	_ = 	snop  }
0x14a: {  	[tilespmem:s15], [sflag:$0x1] =	stream.indirect.gather [hbm4b:s1+s9], $0x8, s31, s9, $0xb8;
	[tilespmem:$0x17000] =	vst v63  }
0x14b: {  	_ = 	snop  }
0x14c: {  	[tilespmem:s17], [sflag:$0x1] =	stream.indirect.gather [hbm4b:s1+s9], $0x8, s22, s9, $0xb8;
	[tilespmem:$0x17000] =	vst v63  }
0x14d: {  	_ = 	snop  }
0x14e: {  	[tilespmem:s19], [sflag:$0x1] =	stream.indirect.gather [hbm4b:s1+s9], $0x8, s7, s9, $0xb8;
	[tilespmem:$0x17000] =	vst v63  }
0x14f: {  	_ = 	snop  }
0x150: {  	[tilespmem:s21], [sflag:$0x1] =	stream.indirect.gather [hbm4b:s1+s9], $0x8, s3, s9, $0xb8;
	[tilespmem:$0x17000] =	vst v63  }
0x151: {  	_ = 	snop  }
0x152: {  	[tilespmem:s23], [sflag:$0x1] =	stream.indirect.gather [hbm4b:s1+s9], $0x8, s24, s9, $0xb8;
	[tilespmem:$0x17000] =	vst v63  }
0x153: {  	_ = 	snop  }
0x154: {  	[tilespmem:s25], [sflag:$0x1] =	stream.indirect.gather [hbm4b:s1+s9], $0x8, s10, s9, $0xb8;
	[tilespmem:$0x17000] =	vst v63  }
0x155: {  	_ =	swait.ge [sflag:s26], $0x400  }
0x156: {  	[sflag:s26] =	ssyncset.done $0x0  }
0x157: {  	[sflag:s26] =	ssyncadd.s32 $0xFFFFFC00  }
0x158: {  	_ =	swait.ge [sflag:s26], $0x400  }
0x159: {  	[sflag:s26] =	ssyncset.done $0x0  }
0x15a: {  	[sflag:s26] =	ssyncadd.s32 $0xFFFFFC00  }
0x15b: {  	_ =	swait.ge [sflag:s26], $0x400  }
0x15c: {  	[sflag:s26] =	ssyncset.done $0x0  }
0x15d: {  	[sflag:s26] =	ssyncadd.s32 $0xFFFFFC00  }
0x15e: {  	_ =	swait.ge [sflag:s26], $0x400  }
0x15f: {  	[sflag:s26] =	ssyncset.done $0x0  }
0x160: {  	[sflag:s26] =	ssyncadd.s32 $0xFFFFFC00  }
0x161: {  	_ =	swait.ge [sflag:s26], $0x400  }
0x162: {  	[sflag:s26] =	ssyncset.done $0x0  }
0x163: {  	[sflag:s26] =	ssyncadd.s32 $0xFFFFFC00  }
0x164: {  	_ =	swait.ge [sflag:s26], $0x400  }
0x165: {  	[sflag:s26] =	ssyncset.done $0x0  }
0x166: {  	[sflag:s26] =	ssyncadd.s32 $0xFFFFFC00  }
0x167: {  	_ =	swait.ge [sflag:s26], $0x400  }
0x168: {  	[sflag:s26] =	ssyncset.done $0x0  }
0x169: {  	[sflag:s26] =	ssyncadd.s32 $0xFFFFFC00  }
0x16a: {  	_ =	swait.ge [sflag:s26], $0x400  }
0x16b: {  	[sflag:s26] =	ssyncset.done $0x0  }
0x16c: {  	s12 =	simm.s32 $0x16C00;
	[sflag:s26] =	ssyncadd.s32 $0xFFFFFC00  }
0x16d: {  	v3 =	vld [tilespmem:s12+$0x0];
	_ =	sdelay $0x1  }
0x16e: {  	s2 =	simm.s32 $0x0  }
0x16f: {  	v4 =	vmov s2  }
0x170: {  	v4 =	vshll.u32 v4, $0x3  }
0x171: {  	v4 =	vor.u32 v2, v4;
	v5 =	vand.u32 $0xFFFFFFF8, v3;
	v6 =	vadd.s32 $0x1, v3  }
0x172: {  	v3 =	vand.u32 $0x7, v3;
	v5 =	vadd.s32 v4, v5;
	v7 =	vand.u32 $0xFFFFFFF8, v6  }
0x173: {  	v3 =	vor.u32 v3, v5;
	v5 =	vand.u32 $0x7, v6;
	v4 =	vadd.s32 v4, v7  }
0x174: {  	v4 =	vor.u32 v5, v4;
	_ =	sdelay $0x3  }
0x175: {  	v3 =	vld.idx.msk [tilespmem:v3+s11+$0x0], $0xffff  }
0x176: {  	v4 =	vld.idx.msk [tilespmem:v4+s11+$0x0], $0xffff;
	_ =	sdelay $0x2  }
0x177: {  	s16 =	simm.s32 $0x10C00  }
0x178: {  	s14 =	simm.s32 $0x14000;
	[tilespmem:s16+$0x0] =	vst v3  }
0x179: {  	s8 =	simm.s32 $0x16C10;
	[tilespmem:s14+$0x0] =	vst v4  }
0x17a: {  	s18 =	simm.s32 $0x20;
	s20 =	simm.s32 $0x10;
	s0 =	simm.s32 $0x10;
	v3 =	vld [tilespmem:s8+$0x0]  }
.LBB2_16:
0x17b: {  	p0 =	sne.s32 s18, $0x3F0;
	_ =	sdelay $0x1  }
0x17c: {  	v4 =	vmov s20;
	s20 =	smov.u32 s18  }
0x17d: {  	v4 =	vshll.u32 v4, $0x3  }
0x17e: {  	v4 =	vor.u32 v2, v4;
	v5 =	vand.u32 $0xFFFFFFF8, v3;
	v6 =	vadd.s32 $0x1, v3  }
0x17f: {  	v3 =	vand.u32 $0x7, v3;
	v5 =	vadd.s32 v4, v5;
	v7 =	vand.u32 $0xFFFFFFF8, v6  }
0x180: {  	v3 =	vor.u32 v3, v5;
	v5 =	vand.u32 $0x7, v6;
	v4 =	vadd.s32 v4, v7  }
0x181: {  	v4 =	vor.u32 v5, v4;
	_ =	sdelay $0x3  }
0x182: {  	v3 =	vld.idx.msk [tilespmem:v3+s11+$0x0], $0xffff  }
0x183: {  	v4 =	vld.idx.msk [tilespmem:v4+s11+$0x0], $0xffff;
	_ =	sdelay $0x2  }
.Ltmp7:
0x184: {  	(pc) =	sbr.rel @p0 .LBB2_16-.Ltmp7, $4  }
0x185: {  	s16 =	sadd.s32 $0x10, s16  }
0x186: {  	s14 =	sadd.s32 $0x10, s14;
	[tilespmem:s16+$0x0] =	vst v3  }
0x187: {  	s8 =	sadd.s32 $0x10, s8;
	[tilespmem:s14+$0x0] =	vst v4  }
0x188: {  	s18 =	sadd.s32 $0x10, s18;
	v3 =	vld [tilespmem:s8+$0x0]  }
0x189: {  	_ =	sdelay $0x1  }
0x18a: {  	v4 =	vmov s20  }
0x18b: {  	v4 =	vshll.u32 v4, $0x3  }
0x18c: {  	v4 =	vor.u32 v2, v4;
	v5 =	vand.u32 $0xFFFFFFF8, v3;
	v6 =	vadd.s32 $0x1, v3  }
0x18d: {  	v3 =	vand.u32 $0x7, v3;
	v5 =	vadd.s32 v4, v5;
	v7 =	vand.u32 $0xFFFFFFF8, v6  }
0x18e: {  	v3 =	vor.u32 v3, v5;
	v5 =	vand.u32 $0x7, v6;
	v4 =	vadd.s32 v4, v7  }
0x18f: {  	v4 =	vor.u32 v5, v4;
	_ =	sdelay $0x1  }
0x190: {  	v5 =	vor.u32 s2, v0  }
0x191: {  	vm0 =	vlt.s32 v5, $0xFF  }
0x192: {  	v5 =	vnsel vm0, $0xFF, v5;
	v3 =	vld.idx.msk [tilespmem:v3+s11+$0x0], $0xffff  }
0x193: {  	v61 =	vmul.u32 $0x779B1, v5;
	v4 =	vld.idx.msk [tilespmem:v4+s11+$0x0], $0xffff;
	_ =	sdelay $0x1  }
0x194: {  	v62 =	vor.u32 s0, v0;
	v5 =	vxor.u32 v5, v61  }
0x195: {  	s8 =	sadd.s32 $0x10, s16;
	vm15 =	vlt.s32 v62, $0xFF;
	v63 =	vshrl.u32 v5, $0x2  }
0x196: {  	s20 =	sadd.s32 $0x10, s14;
	v6 =	vnsel vm15, $0xFF, v62;
	[tilespmem:s8+$0x0] =	vst v3;
	v3 =	vand.u32 $0x1FFFF, v63  }
0x197: {  	s29 =	sand.u32 $0x3F0, s2;
	[tilespmem:s20+$0x0] =	vst v4;
	v3 =	vor.u32 v1, v3;
	v4 =	vshll.u32 v5, $0x1;
	v5 =	vmul.u32 $0x779B1, v6  }
0x198: {  	[tilespmem:s29+$0x16800] =	vst v3;
	v3 =	vand.u32 $0x6, v4  }
0x199: {  	s2 =	simm.s32 $0x20;
	[tilespmem:s12+$0x0] =	vst v3;
	v3 =	vxor.u32 v6, v5  }
.LBB2_18:
0x19a: {  	v4 =	vor.u32 s2, v0;
	v5 =	vshrl.u32 v3, $0x2;
	s8 =	smov.u32 s2;
	p0 =	sne.s32 s2, $0x3F0  }
.Ltmp8:
0x19b: {  	s2 =	sadd.s32 $0x10, s2;
	vm0 =	vlt.s32 v4, $0xFF;
	v5 =	vand.u32 $0x1FFFF, v5;
	(pc) =	sbr.rel @p0 .LBB2_18-.Ltmp8, $4  }
0x19c: {  	s14 =	sand.u32 $0x3F0, s0;
	v3 =	vshll.u32 v3, $0x1;
	s0 =	smov.u32 s8;
	v4 =	vnsel vm0, $0xFF, v4;
	v5 =	vor.u32 v1, v5  }
0x19d: {  	s12 =	sadd.s32 $0x10, s12;
	v3 =	vand.u32 $0x6, v3;
	v6 =	vmul.u32 $0x779B1, v4;
	[tilespmem:s14+$0x16800] =	vst v5  }
0x19e: {  	[tilespmem:s12+$0x0] =	vst v3  }
0x19f: {  	v3 =	vxor.u32 v4, v6  }
0x1a0: {  	v4 =	vshrl.u32 v3, $0x2  }
0x1a1: {  	v4 =	vand.u32 $0x1FFFF, v4  }
0x1a2: {  	s0 =	sand.u32 $0x3F0, s0;
	v3 =	vshll.u32 v3, $0x1;
	v4 =	vor.u32 v1, v4  }
0x1a3: {  	s29 =	sadd.s32 $0x10, s12;
	v3 =	vand.u32 $0x6, v3;
	[tilespmem:s0+$0x16800] =	vst v4  }
0x1a4: {  	[tilespmem:s29+$0x0] =	vst v3  }
0x1a5: {  	[tilespmem:s11], [sflag:$0x1] =	stream.indirect.gather [hbm4b:s1+s9], $0x8, s28, s9, $0xb8;
	[tilespmem:$0x17000] =	vst v63  }
0x1a6: {  	_ = 	snop  }
0x1a7: {  	[tilespmem:s13], [sflag:$0x1] =	stream.indirect.gather [hbm4b:s1+s9], $0x8, s30, s9, $0xb8;
	[tilespmem:$0x17000] =	vst v63  }
0x1a8: {  	_ = 	snop  }
0x1a9: {  	[tilespmem:s15], [sflag:$0x1] =	stream.indirect.gather [hbm4b:s1+s9], $0x8, s31, s9, $0xb8;
	[tilespmem:$0x17000] =	vst v63  }
0x1aa: {  	_ = 	snop  }
0x1ab: {  	[tilespmem:s17], [sflag:$0x1] =	stream.indirect.gather [hbm4b:s1+s9], $0x8, s22, s9, $0xb8;
	[tilespmem:$0x17000] =	vst v63  }
0x1ac: {  	_ = 	snop  }
0x1ad: {  	[tilespmem:s19], [sflag:$0x1] =	stream.indirect.gather [hbm4b:s1+s9], $0x8, s7, s9, $0xb8;
	[tilespmem:$0x17000] =	vst v63  }
0x1ae: {  	_ = 	snop  }
0x1af: {  	[tilespmem:s21], [sflag:$0x1] =	stream.indirect.gather [hbm4b:s1+s9], $0x8, s3, s9, $0xb8;
	[tilespmem:$0x17000] =	vst v63  }
0x1b0: {  	_ = 	snop  }
0x1b1: {  	[tilespmem:s23], [sflag:$0x1] =	stream.indirect.gather [hbm4b:s1+s9], $0x8, s24, s9, $0xb8;
	[tilespmem:$0x17000] =	vst v63  }
0x1b2: {  	_ = 	snop  }
0x1b3: {  	[tilespmem:s25], [sflag:$0x1] =	stream.indirect.gather [hbm4b:s1+s9], $0x8, s10, s9, $0xb8;
	[tilespmem:$0x17000] =	vst v63  }
0x1b4: {  	_ =	swait.ge [sflag:s26], $0x400  }
0x1b5: {  	[sflag:s26] =	ssyncset.done $0x0  }
0x1b6: {  	[sflag:s26] =	ssyncadd.s32 $0xFFFFFC00  }
0x1b7: {  	_ =	swait.ge [sflag:s26], $0x400  }
0x1b8: {  	[sflag:s26] =	ssyncset.done $0x0  }
0x1b9: {  	[sflag:s26] =	ssyncadd.s32 $0xFFFFFC00  }
0x1ba: {  	_ =	swait.ge [sflag:s26], $0x400  }
0x1bb: {  	[sflag:s26] =	ssyncset.done $0x0  }
0x1bc: {  	[sflag:s26] =	ssyncadd.s32 $0xFFFFFC00  }
0x1bd: {  	_ =	swait.ge [sflag:s26], $0x400  }
0x1be: {  	[sflag:s26] =	ssyncset.done $0x0  }
0x1bf: {  	[sflag:s26] =	ssyncadd.s32 $0xFFFFFC00  }
0x1c0: {  	_ =	swait.ge [sflag:s26], $0x400  }
0x1c1: {  	[sflag:s26] =	ssyncset.done $0x0  }
0x1c2: {  	[sflag:s26] =	ssyncadd.s32 $0xFFFFFC00  }
0x1c3: {  	_ =	swait.ge [sflag:s26], $0x400  }
0x1c4: {  	[sflag:s26] =	ssyncset.done $0x0  }
0x1c5: {  	[sflag:s26] =	ssyncadd.s32 $0xFFFFFC00  }
0x1c6: {  	_ =	swait.ge [sflag:s26], $0x400  }
0x1c7: {  	[sflag:s26] =	ssyncset.done $0x0  }
0x1c8: {  	[sflag:s26] =	ssyncadd.s32 $0xFFFFFC00  }
0x1c9: {  	_ =	swait.ge [sflag:s26], $0x400  }
0x1ca: {  	[sflag:s26] =	ssyncset.done $0x0  }
0x1cb: {  	s12 =	simm.s32 $0x16C00;
	[sflag:s26] =	ssyncadd.s32 $0xFFFFFC00  }
0x1cc: {  	v3 =	vld [tilespmem:s12+$0x0];
	_ =	sdelay $0x1  }
0x1cd: {  	s2 =	simm.s32 $0x0  }
0x1ce: {  	v4 =	vmov s2  }
0x1cf: {  	v4 =	vshll.u32 v4, $0x3  }
0x1d0: {  	v4 =	vor.u32 v2, v4;
	v5 =	vand.u32 $0xFFFFFFF8, v3;
	v6 =	vadd.s32 $0x1, v3  }
0x1d1: {  	v3 =	vand.u32 $0x7, v3;
	v5 =	vadd.s32 v4, v5;
	v7 =	vand.u32 $0xFFFFFFF8, v6  }
0x1d2: {  	v3 =	vor.u32 v3, v5;
	v5 =	vand.u32 $0x7, v6;
	v4 =	vadd.s32 v4, v7  }
0x1d3: {  	v4 =	vor.u32 v5, v4;
	_ =	sdelay $0x3  }
0x1d4: {  	v3 =	vld.idx.msk [tilespmem:v3+s11+$0x0], $0xffff  }
0x1d5: {  	v4 =	vld.idx.msk [tilespmem:v4+s11+$0x0], $0xffff;
	_ =	sdelay $0x2  }
0x1d6: {  	s16 =	simm.s32 $0x11000  }
0x1d7: {  	s14 =	simm.s32 $0x14400;
	[tilespmem:s16+$0x0] =	vst v3  }
0x1d8: {  	s8 =	simm.s32 $0x16C10;
	[tilespmem:s14+$0x0] =	vst v4  }
0x1d9: {  	s18 =	simm.s32 $0x20;
	s20 =	simm.s32 $0x10;
	s0 =	simm.s32 $0x10;
	v3 =	vld [tilespmem:s8+$0x0]  }
.LBB2_20:
0x1da: {  	p0 =	sne.s32 s18, $0x3F0;
	_ =	sdelay $0x1  }
0x1db: {  	v4 =	vmov s20;
	s20 =	smov.u32 s18  }
0x1dc: {  	v4 =	vshll.u32 v4, $0x3  }
0x1dd: {  	v4 =	vor.u32 v2, v4;
	v5 =	vand.u32 $0xFFFFFFF8, v3;
	v6 =	vadd.s32 $0x1, v3  }
0x1de: {  	v3 =	vand.u32 $0x7, v3;
	v5 =	vadd.s32 v4, v5;
	v7 =	vand.u32 $0xFFFFFFF8, v6  }
0x1df: {  	v3 =	vor.u32 v3, v5;
	v5 =	vand.u32 $0x7, v6;
	v4 =	vadd.s32 v4, v7  }
0x1e0: {  	v4 =	vor.u32 v5, v4;
	_ =	sdelay $0x3  }
0x1e1: {  	v3 =	vld.idx.msk [tilespmem:v3+s11+$0x0], $0xffff  }
0x1e2: {  	v4 =	vld.idx.msk [tilespmem:v4+s11+$0x0], $0xffff;
	_ =	sdelay $0x2  }
.Ltmp9:
0x1e3: {  	(pc) =	sbr.rel @p0 .LBB2_20-.Ltmp9, $4  }
0x1e4: {  	s16 =	sadd.s32 $0x10, s16  }
0x1e5: {  	s14 =	sadd.s32 $0x10, s14;
	[tilespmem:s16+$0x0] =	vst v3  }
0x1e6: {  	s8 =	sadd.s32 $0x10, s8;
	[tilespmem:s14+$0x0] =	vst v4  }
0x1e7: {  	s18 =	sadd.s32 $0x10, s18;
	v3 =	vld [tilespmem:s8+$0x0]  }
0x1e8: {  	_ =	sdelay $0x1  }
0x1e9: {  	v4 =	vmov s20  }
0x1ea: {  	v4 =	vshll.u32 v4, $0x3  }
0x1eb: {  	v4 =	vor.u32 v2, v4;
	v5 =	vand.u32 $0xFFFFFFF8, v3;
	v6 =	vadd.s32 $0x1, v3  }
0x1ec: {  	v3 =	vand.u32 $0x7, v3;
	v5 =	vadd.s32 v4, v5;
	v7 =	vand.u32 $0xFFFFFFF8, v6  }
0x1ed: {  	v3 =	vor.u32 v3, v5;
	v5 =	vand.u32 $0x7, v6;
	v4 =	vadd.s32 v4, v7  }
0x1ee: {  	v4 =	vor.u32 v5, v4;
	_ =	sdelay $0x1  }
0x1ef: {  	v5 =	vor.u32 s2, v0  }
0x1f0: {  	vm0 =	vlt.s32 v5, $0x1FF  }
0x1f1: {  	v5 =	vnsel vm0, $0x1FF, v5;
	v3 =	vld.idx.msk [tilespmem:v3+s11+$0x0], $0xffff  }
0x1f2: {  	v61 =	vmul.u32 $0x779B1, v5;
	v4 =	vld.idx.msk [tilespmem:v4+s11+$0x0], $0xffff;
	_ =	sdelay $0x1  }
0x1f3: {  	v62 =	vor.u32 s0, v0;
	v5 =	vxor.u32 v5, v61  }
0x1f4: {  	s8 =	sadd.s32 $0x10, s16;
	vm15 =	vlt.s32 v62, $0x1FF;
	v63 =	vshrl.u32 v5, $0x2  }
0x1f5: {  	s20 =	sadd.s32 $0x10, s14;
	v6 =	vnsel vm15, $0x1FF, v62;
	[tilespmem:s8+$0x0] =	vst v3;
	v3 =	vand.u32 $0x1FFFF, v63  }
0x1f6: {  	s29 =	sand.u32 $0x3F0, s2;
	[tilespmem:s20+$0x0] =	vst v4;
	v3 =	vor.u32 v1, v3;
	v4 =	vshll.u32 v5, $0x1;
	v5 =	vmul.u32 $0x779B1, v6  }
0x1f7: {  	[tilespmem:s29+$0x16800] =	vst v3;
	v3 =	vand.u32 $0x6, v4  }
0x1f8: {  	s2 =	simm.s32 $0x20;
	[tilespmem:s12+$0x0] =	vst v3;
	v3 =	vxor.u32 v6, v5  }
.LBB2_22:
0x1f9: {  	v4 =	vor.u32 s2, v0;
	v5 =	vshrl.u32 v3, $0x2;
	s8 =	smov.u32 s2;
	p0 =	sne.s32 s2, $0x3F0  }
.Ltmp10:
0x1fa: {  	s2 =	sadd.s32 $0x10, s2;
	vm0 =	vlt.s32 v4, $0x1FF;
	v5 =	vand.u32 $0x1FFFF, v5;
	(pc) =	sbr.rel @p0 .LBB2_22-.Ltmp10, $4  }
0x1fb: {  	s14 =	sand.u32 $0x3F0, s0;
	v3 =	vshll.u32 v3, $0x1;
	s0 =	smov.u32 s8;
	v4 =	vnsel vm0, $0x1FF, v4;
	v5 =	vor.u32 v1, v5  }
0x1fc: {  	s12 =	sadd.s32 $0x10, s12;
	v3 =	vand.u32 $0x6, v3;
	v6 =	vmul.u32 $0x779B1, v4;
	[tilespmem:s14+$0x16800] =	vst v5  }
0x1fd: {  	[tilespmem:s12+$0x0] =	vst v3  }
0x1fe: {  	v3 =	vxor.u32 v4, v6  }
0x1ff: {  	v4 =	vshrl.u32 v3, $0x2  }
0x200: {  	v4 =	vand.u32 $0x1FFFF, v4  }
0x201: {  	s0 =	sand.u32 $0x3F0, s0;
	v3 =	vshll.u32 v3, $0x1;
	v4 =	vor.u32 v1, v4  }
0x202: {  	s29 =	sadd.s32 $0x10, s12;
	v3 =	vand.u32 $0x6, v3;
	[tilespmem:s0+$0x16800] =	vst v4  }
0x203: {  	[tilespmem:s29+$0x0] =	vst v3  }
0x204: {  	[tilespmem:s11], [sflag:$0x1] =	stream.indirect.gather [hbm4b:s1+s9], $0x8, s28, s9, $0xb8;
	[tilespmem:$0x17000] =	vst v63  }
0x205: {  	_ = 	snop  }
0x206: {  	[tilespmem:s13], [sflag:$0x1] =	stream.indirect.gather [hbm4b:s1+s9], $0x8, s30, s9, $0xb8;
	[tilespmem:$0x17000] =	vst v63  }
0x207: {  	_ = 	snop  }
0x208: {  	[tilespmem:s15], [sflag:$0x1] =	stream.indirect.gather [hbm4b:s1+s9], $0x8, s31, s9, $0xb8;
	[tilespmem:$0x17000] =	vst v63  }
0x209: {  	_ = 	snop  }
0x20a: {  	[tilespmem:s17], [sflag:$0x1] =	stream.indirect.gather [hbm4b:s1+s9], $0x8, s22, s9, $0xb8;
	[tilespmem:$0x17000] =	vst v63  }
0x20b: {  	_ = 	snop  }
0x20c: {  	[tilespmem:s19], [sflag:$0x1] =	stream.indirect.gather [hbm4b:s1+s9], $0x8, s7, s9, $0xb8;
	[tilespmem:$0x17000] =	vst v63  }
0x20d: {  	_ = 	snop  }
0x20e: {  	[tilespmem:s21], [sflag:$0x1] =	stream.indirect.gather [hbm4b:s1+s9], $0x8, s3, s9, $0xb8;
	[tilespmem:$0x17000] =	vst v63  }
0x20f: {  	_ = 	snop  }
0x210: {  	[tilespmem:s23], [sflag:$0x1] =	stream.indirect.gather [hbm4b:s1+s9], $0x8, s24, s9, $0xb8;
	[tilespmem:$0x17000] =	vst v63  }
0x211: {  	_ = 	snop  }
0x212: {  	[tilespmem:s25], [sflag:$0x1] =	stream.indirect.gather [hbm4b:s1+s9], $0x8, s10, s9, $0xb8;
	[tilespmem:$0x17000] =	vst v63  }
0x213: {  	_ =	swait.ge [sflag:s26], $0x400  }
0x214: {  	[sflag:s26] =	ssyncset.done $0x0  }
0x215: {  	[sflag:s26] =	ssyncadd.s32 $0xFFFFFC00  }
0x216: {  	_ =	swait.ge [sflag:s26], $0x400  }
0x217: {  	[sflag:s26] =	ssyncset.done $0x0  }
0x218: {  	[sflag:s26] =	ssyncadd.s32 $0xFFFFFC00  }
0x219: {  	_ =	swait.ge [sflag:s26], $0x400  }
0x21a: {  	[sflag:s26] =	ssyncset.done $0x0  }
0x21b: {  	[sflag:s26] =	ssyncadd.s32 $0xFFFFFC00  }
0x21c: {  	_ =	swait.ge [sflag:s26], $0x400  }
0x21d: {  	[sflag:s26] =	ssyncset.done $0x0  }
0x21e: {  	[sflag:s26] =	ssyncadd.s32 $0xFFFFFC00  }
0x21f: {  	_ =	swait.ge [sflag:s26], $0x400  }
0x220: {  	[sflag:s26] =	ssyncset.done $0x0  }
0x221: {  	[sflag:s26] =	ssyncadd.s32 $0xFFFFFC00  }
0x222: {  	_ =	swait.ge [sflag:s26], $0x400  }
0x223: {  	[sflag:s26] =	ssyncset.done $0x0  }
0x224: {  	[sflag:s26] =	ssyncadd.s32 $0xFFFFFC00  }
0x225: {  	_ =	swait.ge [sflag:s26], $0x400  }
0x226: {  	[sflag:s26] =	ssyncset.done $0x0  }
0x227: {  	[sflag:s26] =	ssyncadd.s32 $0xFFFFFC00  }
0x228: {  	_ =	swait.ge [sflag:s26], $0x400  }
0x229: {  	[sflag:s26] =	ssyncset.done $0x0  }
0x22a: {  	s0 =	simm.s32 $0x16C00;
	[sflag:s26] =	ssyncadd.s32 $0xFFFFFC00  }
0x22b: {  	v3 =	vld [tilespmem:s0+$0x0];
	_ =	sdelay $0x1  }
0x22c: {  	s12 =	simm.s32 $0x0  }
0x22d: {  	v4 =	vmov s12  }
0x22e: {  	v4 =	vshll.u32 v4, $0x3  }
0x22f: {  	v4 =	vor.u32 v2, v4;
	v5 =	vand.u32 $0xFFFFFFF8, v3;
	v6 =	vadd.s32 $0x1, v3  }
0x230: {  	v3 =	vand.u32 $0x7, v3;
	v5 =	vadd.s32 v4, v5;
	v7 =	vand.u32 $0xFFFFFFF8, v6  }
0x231: {  	v3 =	vor.u32 v3, v5;
	v5 =	vand.u32 $0x7, v6;
	v4 =	vadd.s32 v4, v7  }
0x232: {  	v4 =	vor.u32 v5, v4;
	_ =	sdelay $0x3  }
0x233: {  	v3 =	vld.idx.msk [tilespmem:v3+s11+$0x0], $0xffff  }
0x234: {  	v4 =	vld.idx.msk [tilespmem:v4+s11+$0x0], $0xffff;
	_ =	sdelay $0x2  }
0x235: {  	s16 =	simm.s32 $0x11400  }
0x236: {  	s14 =	simm.s32 $0x14800;
	[tilespmem:s16+$0x0] =	vst v3  }
0x237: {  	s8 =	simm.s32 $0x16C10;
	[tilespmem:s14+$0x0] =	vst v4  }
0x238: {  	s2 =	simm.s32 $0x10;
	s18 =	simm.s32 $0x20;
	s20 =	simm.s32 $0x10;
	v3 =	vld [tilespmem:s8+$0x0]  }
.LBB2_24:
0x239: {  	p0 =	sne.s32 s18, $0x3F0;
	_ =	sdelay $0x1  }
0x23a: {  	v4 =	vmov s20;
	s20 =	smov.u32 s18  }
0x23b: {  	v4 =	vshll.u32 v4, $0x3  }
0x23c: {  	v4 =	vor.u32 v2, v4;
	v5 =	vand.u32 $0xFFFFFFF8, v3;
	v6 =	vadd.s32 $0x1, v3  }
0x23d: {  	v3 =	vand.u32 $0x7, v3;
	v5 =	vadd.s32 v4, v5;
	v7 =	vand.u32 $0xFFFFFFF8, v6  }
0x23e: {  	v3 =	vor.u32 v3, v5;
	v5 =	vand.u32 $0x7, v6;
	v4 =	vadd.s32 v4, v7  }
0x23f: {  	v4 =	vor.u32 v5, v4;
	_ =	sdelay $0x3  }
0x240: {  	v3 =	vld.idx.msk [tilespmem:v3+s11+$0x0], $0xffff  }
0x241: {  	v4 =	vld.idx.msk [tilespmem:v4+s11+$0x0], $0xffff;
	_ =	sdelay $0x2  }
.Ltmp11:
0x242: {  	(pc) =	sbr.rel @p0 .LBB2_24-.Ltmp11, $4  }
0x243: {  	s16 =	sadd.s32 $0x10, s16  }
0x244: {  	s14 =	sadd.s32 $0x10, s14;
	[tilespmem:s16+$0x0] =	vst v3  }
0x245: {  	s8 =	sadd.s32 $0x10, s8;
	[tilespmem:s14+$0x0] =	vst v4  }
0x246: {  	s18 =	sadd.s32 $0x10, s18;
	v3 =	vld [tilespmem:s8+$0x0]  }
0x247: {  	_ =	sdelay $0x1  }
0x248: {  	v4 =	vmov s20  }
0x249: {  	v4 =	vshll.u32 v4, $0x3  }
0x24a: {  	v4 =	vor.u32 v2, v4;
	v5 =	vand.u32 $0xFFFFFFF8, v3;
	v6 =	vadd.s32 $0x1, v3  }
0x24b: {  	v3 =	vand.u32 $0x7, v3;
	v5 =	vadd.s32 v4, v5;
	v7 =	vand.u32 $0xFFFFFFF8, v6  }
0x24c: {  	v3 =	vor.u32 v3, v5;
	v5 =	vand.u32 $0x7, v6;
	v4 =	vadd.s32 v4, v7  }
0x24d: {  	v4 =	vor.u32 v5, v4;
	_ =	sdelay $0x3  }
0x24e: {  	v5 =	vor.u32 s12, v0;
	v3 =	vld.idx.msk [tilespmem:v3+s11+$0x0], $0xffff  }
0x24f: {  	v6 =	vmul.u32 $0x779B1, v5;
	v4 =	vld.idx.msk [tilespmem:v4+s11+$0x0], $0xffff;
	_ =	sdelay $0x1  }
0x250: {  	v5 =	vxor.u32 v5, v6;
	v6 =	vor.u32 s2, v0  }
0x251: {  	s8 =	sadd.s32 $0x10, s16;
	v7 =	vshrl.u32 v5, $0x2;
	v8 =	vmul.u32 $0x779B1, v6  }
0x252: {  	s20 =	sadd.s32 $0x10, s14;
	[tilespmem:s8+$0x0] =	vst v3;
	v3 =	vand.u32 $0x1FFFF, v7  }
0x253: {  	s29 =	sand.u32 $0x3F0, s12;
	v5 =	vshll.u32 v5, $0x1;
	[tilespmem:s20+$0x0] =	vst v4;
	v4 =	vor.u32 v1, v3;
	v3 =	vxor.u32 v6, v8  }
0x254: {  	[tilespmem:s29+$0x16800] =	vst v4;
	v4 =	vand.u32 $0x6, v5;
	v5 =	vshrl.u32 v3, $0x2  }
0x255: {  	s8 =	simm.s32 $0x20;
	[tilespmem:s0+$0x0] =	vst v4;
	v4 =	vand.u32 $0x1FFFF, v5  }
.LBB2_26:
0x256: {  	v5 =	vor.u32 s8, v0;
	v4 =	vor.u32 v1, v4;
	s12 =	sand.u32 $0x3F0, s2;
	v3 =	vshll.u32 v3, $0x1;
	s2 =	smov.u32 s8;
	p0 =	sne.s32 s8, $0x3F0  }
.Ltmp12:
0x257: {  	s8 =	sadd.s32 $0x10, s8;
	s0 =	sadd.s32 $0x10, s0;
	v6 =	vmul.u32 $0x779B1, v5;
	[tilespmem:s12+$0x16800] =	vst v4;
	v3 =	vand.u32 $0x6, v3;
	(pc) =	sbr.rel @p0 .LBB2_26-.Ltmp12, $4  }
0x258: {  	[tilespmem:s0+$0x0] =	vst v3  }
0x259: {  	v3 =	vxor.u32 v5, v6  }
0x25a: {  	v4 =	vshrl.u32 v3, $0x2  }
0x25b: {  	v4 =	vand.u32 $0x1FFFF, v4  }
0x25c: {  	v4 =	vor.u32 v1, v4;
	s2 =	sand.u32 $0x3F0, s2;
	v3 =	vshll.u32 v3, $0x1  }
0x25d: {  	s0 =	sadd.s32 $0x10, s0;
	[tilespmem:s2+$0x16800] =	vst v4;
	v3 =	vand.u32 $0x6, v3  }
0x25e: {  	[tilespmem:s0+$0x0] =	vst v3  }
0x25f: {  	[tilespmem:s11], [sflag:$0x1] =	stream.indirect.gather [hbm4b:s1+s9], $0x8, s28, s9, $0xb8;
	[tilespmem:$0x17000] =	vst v63  }
0x260: {  	_ = 	snop  }
0x261: {  	[tilespmem:s13], [sflag:$0x1] =	stream.indirect.gather [hbm4b:s1+s9], $0x8, s30, s9, $0xb8;
	[tilespmem:$0x17000] =	vst v63  }
0x262: {  	_ = 	snop  }
0x263: {  	[tilespmem:s15], [sflag:$0x1] =	stream.indirect.gather [hbm4b:s1+s9], $0x8, s31, s9, $0xb8;
	[tilespmem:$0x17000] =	vst v63  }
0x264: {  	_ = 	snop  }
0x265: {  	[tilespmem:s17], [sflag:$0x1] =	stream.indirect.gather [hbm4b:s1+s9], $0x8, s22, s9, $0xb8;
	[tilespmem:$0x17000] =	vst v63  }
0x266: {  	_ = 	snop  }
0x267: {  	[tilespmem:s19], [sflag:$0x1] =	stream.indirect.gather [hbm4b:s1+s9], $0x8, s7, s9, $0xb8;
	[tilespmem:$0x17000] =	vst v63  }
0x268: {  	_ = 	snop  }
0x269: {  	[tilespmem:s21], [sflag:$0x1] =	stream.indirect.gather [hbm4b:s1+s9], $0x8, s3, s9, $0xb8;
	[tilespmem:$0x17000] =	vst v63  }
0x26a: {  	_ = 	snop  }
0x26b: {  	[tilespmem:s23], [sflag:$0x1] =	stream.indirect.gather [hbm4b:s1+s9], $0x8, s24, s9, $0xb8;
	[tilespmem:$0x17000] =	vst v63  }
0x26c: {  	_ = 	snop  }
0x26d: {  	[tilespmem:s25], [sflag:$0x1] =	stream.indirect.gather [hbm4b:s1+s9], $0x8, s10, s9, $0xb8;
	[tilespmem:$0x17000] =	vst v63  }
0x26e: {  	_ =	swait.ge [sflag:s26], $0x400  }
0x26f: {  	[sflag:s26] =	ssyncset.done $0x0  }
0x270: {  	[sflag:s26] =	ssyncadd.s32 $0xFFFFFC00  }
0x271: {  	_ =	swait.ge [sflag:s26], $0x400  }
0x272: {  	[sflag:s26] =	ssyncset.done $0x0  }
0x273: {  	[sflag:s26] =	ssyncadd.s32 $0xFFFFFC00  }
0x274: {  	_ =	swait.ge [sflag:s26], $0x400  }
0x275: {  	[sflag:s26] =	ssyncset.done $0x0  }
0x276: {  	[sflag:s26] =	ssyncadd.s32 $0xFFFFFC00  }
0x277: {  	_ =	swait.ge [sflag:s26], $0x400  }
0x278: {  	[sflag:s26] =	ssyncset.done $0x0  }
0x279: {  	[sflag:s26] =	ssyncadd.s32 $0xFFFFFC00  }
0x27a: {  	_ =	swait.ge [sflag:s26], $0x400  }
0x27b: {  	[sflag:s26] =	ssyncset.done $0x0  }
0x27c: {  	[sflag:s26] =	ssyncadd.s32 $0xFFFFFC00  }
0x27d: {  	_ =	swait.ge [sflag:s26], $0x400  }
0x27e: {  	[sflag:s26] =	ssyncset.done $0x0  }
0x27f: {  	[sflag:s26] =	ssyncadd.s32 $0xFFFFFC00  }
0x280: {  	_ =	swait.ge [sflag:s26], $0x400  }
0x281: {  	[sflag:s26] =	ssyncset.done $0x0  }
0x282: {  	[sflag:s26] =	ssyncadd.s32 $0xFFFFFC00  }
0x283: {  	s8 =	simm.s32 $0x11800;
	_ =	swait.ge [sflag:s26], $0x400  }
0x284: {  	s12 =	simm.s32 $0x16C00;
	s14 =	simm.s32 $0x0;
	[sflag:s26] =	ssyncset.done $0x0  }
0x285: {  	s2 =	simm.s32 $0x14C00;
	s0 =	simm.s32 $0x0;
	[sflag:s26] =	ssyncadd.s32 $0xFFFFFC00  }
.LBB2_28:
0x286: {  	v3 =	vld [tilespmem:s12+$0x0];
	_ =	sdelay $0x2  }
0x287: {  	v4 =	vmov s14  }
0x288: {  	v4 =	vshll.u32 v4, $0x3  }
0x289: {  	v4 =	vor.u32 v2, v4;
	v5 =	vand.u32 $0xFFFFFFF8, v3;
	v6 =	vadd.s32 $0x1, v3  }
0x28a: {  	v3 =	vand.u32 $0x7, v3;
	v5 =	vadd.s32 v4, v5;
	v7 =	vand.u32 $0xFFFFFFF8, v6  }
0x28b: {  	v63 =	vand.u32 $0x7, v6;
	v3 =	vor.u32 v3, v5;
	v4 =	vadd.s32 v4, v7  }
0x28c: {  	v4 =	vor.u32 v63, v4;
	_ =	sdelay $0x3  }
0x28d: {  	v3 =	vld.idx.msk [tilespmem:v3+s11+$0x0], $0xffff  }
0x28e: {  	p0 =	sne.s32 s14, $0x3F0;
	v4 =	vld.idx.msk [tilespmem:v4+s11+$0x0], $0xffff  }
.Ltmp13:
0x28f: {  	_ = 	snop;
	(pc) =	sbr.rel @p0 .LBB2_28-.Ltmp13, $3  }
0x290: {  	_ =	sdelay $0x1  }
0x291: {  	s12 =	sadd.s32 $0x10, s12;
	[tilespmem:s8+$0x0] =	vst v3  }
0x292: {  	s14 =	sadd.s32 $0x10, s14;
	s8 =	sadd.s32 $0x10, s8;
	[tilespmem:s2+$0x0] =	vst v4;
	s2 =	sadd.s32 $0x10, s2  }
0x293: {  	p1 =	por $0x1, $0x1  }
.LBB2_30:
0x294: {  	s2 =	sadd.s32 $0x0, s0  }
0x295: {  	v3 =	vor.u32 s2, v0  }
0x296: {  	v4 =	vmul.u32 $0x779B1, v3;
	_ =	sdelay $0x1  }
0x297: {  	s20 =	sadd.s32 $0x10, s0;
	v3 =	vxor.u32 v3, v4  }
0x298: {  	v5 =	vor.u32 s20, v0;
	v4 =	vshrl.u32 v3, $0x2  }
0x299: {  	s29 =	simm.s32 $0x0;
	v6 =	vmul.u32 $0x779B1, v5;
	v4 =	vand.u32 $0x1FFFF, v4  }
0x29a: {  	s8 =	sand.u32 $0x3F0, s29;
	v3 =	vshll.u32 v3, $0x1;
	v4 =	vor.u32 v1, v4  }
0x29b: {  	s2 =	simm.s32 $0x16C00;
	[tilespmem:s8+$0x16800] =	vst v4;
	v4 =	vand.u32 $0x6, v3;
	v3 =	vxor.u32 v5, v6  }
0x29c: {  	p0 =	por p1, p1;
	s12 =	simm.s32 $0x10;
	s8 =	simm.s32 $0x20;
	[tilespmem:s2+$0x0] =	vst v4;
	v4 =	vshrl.u32 v3, $0x2  }
.LBB2_31:
0x29d: {  	s14 =	sadd.s32 s8, s0;
	v4 =	vand.u32 $0x1FFFF, v4;
	s16 =	smov.u32 s8;
	p1 =	sne.s32 s8, $0x3F0  }
.Ltmp14:
0x29e: {  	s8 =	sadd.s32 $0x10, s8;
	s12 =	sand.u32 $0x3F0, s12;
	v3 =	vshll.u32 v3, $0x1;
	v5 =	vor.u32 s14, v0;
	v4 =	vor.u32 v1, v4;
	(pc) =	sbr.rel @p1 .LBB2_31-.Ltmp14, $4  }
0x29f: {  	s2 =	sadd.s32 $0x10, s2;
	v3 =	vand.u32 $0x6, v3;
	v6 =	vmul.u32 $0x779B1, v5;
	[tilespmem:s12+$0x16800] =	vst v4;
	s12 =	smov.u32 s16  }
0x2a0: {  	[tilespmem:s2+$0x0] =	vst v3  }
0x2a1: {  	v3 =	vxor.u32 v5, v6  }
0x2a2: {  	v4 =	vshrl.u32 v3, $0x2  }
0x2a3: {  	v4 =	vand.u32 $0x1FFFF, v4  }
0x2a4: {  	s8 =	sand.u32 $0x3F0, s12;
	v3 =	vshll.u32 v3, $0x1;
	v4 =	vor.u32 v1, v4  }
0x2a5: {  	s2 =	sadd.s32 $0x10, s2;
	v3 =	vand.u32 $0x6, v3;
	[tilespmem:s8+$0x16800] =	vst v4  }
0x2a6: {  	[tilespmem:s2+$0x0] =	vst v3  }
0x2a7: {  	[tilespmem:s11], [sflag:$0x1] =	stream.indirect.gather [hbm4b:s1+s9], $0x8, s28, s9, $0xb8;
	[tilespmem:$0x17000] =	vst v63  }
0x2a8: {  	_ = 	snop  }
0x2a9: {  	[tilespmem:s13], [sflag:$0x1] =	stream.indirect.gather [hbm4b:s1+s9], $0x8, s30, s9, $0xb8;
	[tilespmem:$0x17000] =	vst v63  }
0x2aa: {  	_ = 	snop  }
0x2ab: {  	[tilespmem:s15], [sflag:$0x1] =	stream.indirect.gather [hbm4b:s1+s9], $0x8, s31, s9, $0xb8;
	[tilespmem:$0x17000] =	vst v63  }
0x2ac: {  	_ = 	snop  }
0x2ad: {  	[tilespmem:s17], [sflag:$0x1] =	stream.indirect.gather [hbm4b:s1+s9], $0x8, s22, s9, $0xb8;
	[tilespmem:$0x17000] =	vst v63  }
0x2ae: {  	_ = 	snop  }
0x2af: {  	[tilespmem:s19], [sflag:$0x1] =	stream.indirect.gather [hbm4b:s1+s9], $0x8, s7, s9, $0xb8;
	[tilespmem:$0x17000] =	vst v63  }
0x2b0: {  	_ = 	snop  }
0x2b1: {  	[tilespmem:s21], [sflag:$0x1] =	stream.indirect.gather [hbm4b:s1+s9], $0x8, s3, s9, $0xb8;
	[tilespmem:$0x17000] =	vst v63  }
0x2b2: {  	_ = 	snop  }
0x2b3: {  	[tilespmem:s23], [sflag:$0x1] =	stream.indirect.gather [hbm4b:s1+s9], $0x8, s24, s9, $0xb8;
	[tilespmem:$0x17000] =	vst v63  }
0x2b4: {  	_ = 	snop  }
0x2b5: {  	[tilespmem:s25], [sflag:$0x1] =	stream.indirect.gather [hbm4b:s1+s9], $0x8, s10, s9, $0xb8;
	[tilespmem:$0x17000] =	vst v63  }
0x2b6: {  	_ =	swait.ge [sflag:s26], $0x400  }
0x2b7: {  	[sflag:s26] =	ssyncset.done $0x0  }
0x2b8: {  	[sflag:s26] =	ssyncadd.s32 $0xFFFFFC00  }
0x2b9: {  	_ =	swait.ge [sflag:s26], $0x400  }
0x2ba: {  	[sflag:s26] =	ssyncset.done $0x0  }
0x2bb: {  	[sflag:s26] =	ssyncadd.s32 $0xFFFFFC00  }
0x2bc: {  	_ =	swait.ge [sflag:s26], $0x400  }
0x2bd: {  	[sflag:s26] =	ssyncset.done $0x0  }
0x2be: {  	[sflag:s26] =	ssyncadd.s32 $0xFFFFFC00  }
0x2bf: {  	_ =	swait.ge [sflag:s26], $0x400  }
0x2c0: {  	[sflag:s26] =	ssyncset.done $0x0  }
0x2c1: {  	[sflag:s26] =	ssyncadd.s32 $0xFFFFFC00  }
0x2c2: {  	_ =	swait.ge [sflag:s26], $0x400  }
0x2c3: {  	[sflag:s26] =	ssyncset.done $0x0  }
0x2c4: {  	[sflag:s26] =	ssyncadd.s32 $0xFFFFFC00  }
0x2c5: {  	_ =	swait.ge [sflag:s26], $0x400  }
0x2c6: {  	[sflag:s26] =	ssyncset.done $0x0  }
0x2c7: {  	[sflag:s26] =	ssyncadd.s32 $0xFFFFFC00  }
0x2c8: {  	_ =	swait.ge [sflag:s26], $0x400  }
0x2c9: {  	[sflag:s26] =	ssyncset.done $0x0  }
0x2ca: {  	[sflag:s26] =	ssyncadd.s32 $0xFFFFFC00  }
0x2cb: {  	_ =	swait.ge [sflag:s26], $0x400  }
0x2cc: {  	[sflag:s26] =	ssyncset.done $0x0  }
0x2cd: {  	s20 =	simm.s32 $0x16C00;
	[sflag:s26] =	ssyncadd.s32 $0xFFFFFC00  }
0x2ce: {  	v3 =	vld [tilespmem:s20+$0x0];
	_ =	sdelay $0x1  }
0x2cf: {  	s29 =	simm.s32 $0x0  }
0x2d0: {  	v4 =	vmov s29  }
0x2d1: {  	v4 =	vshll.u32 v4, $0x3  }
0x2d2: {  	v4 =	vor.u32 v2, v4;
	v5 =	vand.u32 $0xFFFFFFF8, v3;
	v6 =	vadd.s32 $0x1, v3  }
0x2d3: {  	v3 =	vand.u32 $0x7, v3;
	v5 =	vadd.s32 v4, v5;
	v7 =	vand.u32 $0xFFFFFFF8, v6  }
0x2d4: {  	v3 =	vor.u32 v3, v5;
	v5 =	vand.u32 $0x7, v6;
	v4 =	vadd.s32 v4, v7  }
0x2d5: {  	v4 =	vor.u32 v5, v4;
	_ =	sdelay $0x3  }
0x2d6: {  	v3 =	vld.idx.msk [tilespmem:v3+s11+$0x0], $0xffff  }
0x2d7: {  	v4 =	vld.idx.msk [tilespmem:v4+s11+$0x0], $0xffff  }
0x2d8: {  	s0 =	sshll.u32 s0, $0x2  }
0x2d9: {  	s0 =	sshra.s32 s0, $0x2  }
0x2da: {  	s2 =	sadd.s32 $0x11C00, s0  }
0x2db: {  	s0 =	sadd.s32 $0x15000, s0;
	[tilespmem:s2+$0x0] =	vst v3  }
0x2dc: {  	s8 =	simm.s32 $0x16C10;
	[tilespmem:s0+$0x0] =	vst v4  }
0x2dd: {  	s12 =	simm.s32 $0x10;
	s14 =	simm.s32 $0x20;
	v3 =	vld [tilespmem:s8+$0x0]  }
.LBB2_33:
0x2de: {  	p1 =	sne.s32 s14, $0x3F0;
	_ =	sdelay $0x1  }
0x2df: {  	v4 =	vmov s12;
	s12 =	smov.u32 s14  }
0x2e0: {  	v4 =	vshll.u32 v4, $0x3  }
0x2e1: {  	v4 =	vor.u32 v2, v4;
	v5 =	vand.u32 $0xFFFFFFF8, v3;
	v6 =	vadd.s32 $0x1, v3  }
0x2e2: {  	v3 =	vand.u32 $0x7, v3;
	v5 =	vadd.s32 v4, v5;
	v7 =	vand.u32 $0xFFFFFFF8, v6  }
0x2e3: {  	v3 =	vor.u32 v3, v5;
	v5 =	vand.u32 $0x7, v6;
	v4 =	vadd.s32 v4, v7  }
0x2e4: {  	v4 =	vor.u32 v5, v4;
	_ =	sdelay $0x3  }
0x2e5: {  	v3 =	vld.idx.msk [tilespmem:v3+s11+$0x0], $0xffff  }
0x2e6: {  	v4 =	vld.idx.msk [tilespmem:v4+s11+$0x0], $0xffff;
	_ =	sdelay $0x2  }
.Ltmp15:
0x2e7: {  	(pc) =	sbr.rel @p1 .LBB2_33-.Ltmp15, $4  }
0x2e8: {  	s2 =	sadd.s32 $0x10, s2  }
0x2e9: {  	s0 =	sadd.s32 $0x10, s0;
	[tilespmem:s2+$0x0] =	vst v3  }
0x2ea: {  	s8 =	sadd.s32 $0x10, s8;
	[tilespmem:s0+$0x0] =	vst v4  }
0x2eb: {  	s14 =	sadd.s32 $0x10, s14;
	v3 =	vld [tilespmem:s8+$0x0]  }
0x2ec: {  	_ =	sdelay $0x1  }
0x2ed: {  	v4 =	vmov s12  }
0x2ee: {  	v4 =	vshll.u32 v4, $0x3  }
0x2ef: {  	v4 =	vor.u32 v2, v4;
	v5 =	vand.u32 $0xFFFFFFF8, v3;
	v6 =	vadd.s32 $0x1, v3  }
0x2f0: {  	v3 =	vand.u32 $0x7, v3;
	v5 =	vadd.s32 v4, v5;
	v7 =	vand.u32 $0xFFFFFFF8, v6  }
0x2f1: {  	v63 =	vand.u32 $0x7, v6;
	v3 =	vor.u32 v3, v5;
	v4 =	vadd.s32 v4, v7  }
0x2f2: {  	v4 =	vor.u32 v63, v4;
	_ =	sdelay $0x3  }
0x2f3: {  	v3 =	vld.idx.msk [tilespmem:v3+s11+$0x0], $0xffff  }
0x2f4: {  	v4 =	vld.idx.msk [tilespmem:v4+s11+$0x0], $0xffff  }
.Ltmp16:
0x2f5: {  	_ = 	snop;
	(pc) =	sbr.rel @p0 .LBB2_30-.Ltmp16, $4  }
0x2f6: {  	_ = 	snop  }
0x2f7: {  	s2 =	sadd.s32 $0x10, s2  }
0x2f8: {  	s0 =	sadd.s32 $0x10, s0;
	s12 =	simm.s32 $0x0;
	s14 =	simm.s32 $0x12400;
	[tilespmem:s2+$0x0] =	vst v3  }
0x2f9: {  	s16 =	simm.s32 $0x15800;
	p1 =	por $0x0, $0x0;
	[tilespmem:s0+$0x0] =	vst v4;
	s0 =	simm.s32 $0x400  }
0x2fa: {  	s6 =	simm.s32 $0x16B80  }
0x2fb: {  	s10 =	simm.s32 $0x16B00;
	s29 =	simm.s32 $0x16A80;
	s3 =	simm.s32 $0x16A00  }
0x2fc: {  	s7 =	simm.s32 $0x16980;
	s18 =	simm.s32 $0x0;
	s20 =	simm.s32 $0x0  }
.LBB2_36:
0x2fd: {  	s0 =	sadd.s32 $0x0, s18  }
0x2fe: {  	v3 =	vor.u32 s0, v0  }
0x2ff: {  	v4 =	vmul.u32 $0x779B1, v3;
	_ =	sdelay $0x1  }
0x300: {  	s24 =	sadd.s32 $0x10, s18;
	v3 =	vxor.u32 v3, v4  }
0x301: {  	v5 =	vor.u32 s24, v0;
	v4 =	vshrl.u32 v3, $0x2  }
0x302: {  	v6 =	vmul.u32 $0x779B1, v5;
	v4 =	vand.u32 $0x1FFFF, v4  }
0x303: {  	s2 =	sand.u32 $0x3F0, s12;
	v3 =	vshll.u32 v3, $0x1;
	v4 =	vor.u32 v1, v4  }
0x304: {  	s0 =	simm.s32 $0x16C00;
	[tilespmem:s2+$0x16800] =	vst v4;
	v4 =	vand.u32 $0x6, v3;
	v3 =	vxor.u32 v5, v6  }
0x305: {  	s8 =	simm.s32 $0x10;
	s2 =	simm.s32 $0x20;
	[tilespmem:s0+$0x0] =	vst v4;
	v4 =	vshrl.u32 v3, $0x2  }
.LBB2_37:
0x306: {  	s22 =	sadd.s32 s2, s18;
	v4 =	vand.u32 $0x1FFFF, v4;
	s24 =	smov.u32 s2;
	p0 =	sne.s32 s2, $0x3F0  }
.Ltmp17:
0x307: {  	s2 =	sadd.s32 $0x10, s2;
	s8 =	sand.u32 $0x3F0, s8;
	v3 =	vshll.u32 v3, $0x1;
	v5 =	vor.u32 s22, v0;
	v4 =	vor.u32 v1, v4;
	(pc) =	sbr.rel @p0 .LBB2_37-.Ltmp17, $4  }
0x308: {  	s0 =	sadd.s32 $0x10, s0;
	v3 =	vand.u32 $0x6, v3;
	v6 =	vmul.u32 $0x779B1, v5;
	[tilespmem:s8+$0x16800] =	vst v4;
	s8 =	smov.u32 s24  }
0x309: {  	[tilespmem:s0+$0x0] =	vst v3  }
0x30a: {  	v3 =	vxor.u32 v5, v6  }
0x30b: {  	v4 =	vshrl.u32 v3, $0x2  }
0x30c: {  	v4 =	vand.u32 $0x1FFFF, v4  }
0x30d: {  	s2 =	sand.u32 $0x3F0, s8;
	v3 =	vshll.u32 v3, $0x1;
	v4 =	vor.u32 v1, v4  }
0x30e: {  	s0 =	sadd.s32 $0x10, s0;
	v3 =	vand.u32 $0x6, v3;
	[tilespmem:s2+$0x16800] =	vst v4  }
0x30f: {  	[tilespmem:s0+$0x0] =	vst v3  }
0x310: {  	[tilespmem:s11], [sflag:$0x1] =	stream.indirect.gather [hbm4b:s1+s9], $0x8, s28, s9, $0xb8;
	[tilespmem:$0x17000] =	vst v63  }
0x311: {  	_ = 	snop  }
0x312: {  	[tilespmem:s13], [sflag:$0x1] =	stream.indirect.gather [hbm4b:s1+s9], $0x8, s30, s9, $0xb8;
	[tilespmem:$0x17000] =	vst v63  }
0x313: {  	_ = 	snop  }
0x314: {  	[tilespmem:s15], [sflag:$0x1] =	stream.indirect.gather [hbm4b:s1+s9], $0x8, s31, s9, $0xb8;
	[tilespmem:$0x17000] =	vst v63  }
0x315: {  	_ = 	snop  }
0x316: {  	[tilespmem:s17], [sflag:$0x1] =	stream.indirect.gather [hbm4b:s1+s9], $0x8, s7, s9, $0xb8;
	[tilespmem:$0x17000] =	vst v63  }
0x317: {  	_ = 	snop  }
0x318: {  	[tilespmem:s19], [sflag:$0x1] =	stream.indirect.gather [hbm4b:s1+s9], $0x8, s3, s9, $0xb8;
	[tilespmem:$0x17000] =	vst v63  }
0x319: {  	_ = 	snop  }
0x31a: {  	[tilespmem:s21], [sflag:$0x1] =	stream.indirect.gather [hbm4b:s1+s9], $0x8, s29, s9, $0xb8;
	[tilespmem:$0x17000] =	vst v63  }
0x31b: {  	_ = 	snop  }
0x31c: {  	[tilespmem:s23], [sflag:$0x1] =	stream.indirect.gather [hbm4b:s1+s9], $0x8, s10, s9, $0xb8;
	[tilespmem:$0x17000] =	vst v63  }
0x31d: {  	_ = 	snop  }
0x31e: {  	[tilespmem:s25], [sflag:$0x1] =	stream.indirect.gather [hbm4b:s1+s9], $0x8, s6, s9, $0xb8;
	[tilespmem:$0x17000] =	vst v63  }
0x31f: {  	_ =	swait.ge [sflag:s26], $0x400  }
0x320: {  	[sflag:s26] =	ssyncset.done $0x0  }
0x321: {  	[sflag:s26] =	ssyncadd.s32 $0xFFFFFC00  }
0x322: {  	_ =	swait.ge [sflag:s26], $0x400  }
0x323: {  	[sflag:s26] =	ssyncset.done $0x0  }
0x324: {  	[sflag:s26] =	ssyncadd.s32 $0xFFFFFC00  }
0x325: {  	_ =	swait.ge [sflag:s26], $0x400  }
0x326: {  	[sflag:s26] =	ssyncset.done $0x0  }
0x327: {  	[sflag:s26] =	ssyncadd.s32 $0xFFFFFC00  }
0x328: {  	_ =	swait.ge [sflag:s26], $0x400  }
0x329: {  	[sflag:s26] =	ssyncset.done $0x0  }
0x32a: {  	[sflag:s26] =	ssyncadd.s32 $0xFFFFFC00  }
0x32b: {  	_ =	swait.ge [sflag:s26], $0x400  }
0x32c: {  	[sflag:s26] =	ssyncset.done $0x0  }
0x32d: {  	[sflag:s26] =	ssyncadd.s32 $0xFFFFFC00  }
0x32e: {  	_ =	swait.ge [sflag:s26], $0x400  }
0x32f: {  	[sflag:s26] =	ssyncset.done $0x0  }
0x330: {  	[sflag:s26] =	ssyncadd.s32 $0xFFFFFC00  }
0x331: {  	_ =	swait.ge [sflag:s26], $0x400  }
0x332: {  	[sflag:s26] =	ssyncset.done $0x0  }
0x333: {  	[sflag:s26] =	ssyncadd.s32 $0xFFFFFC00  }
0x334: {  	_ =	swait.ge [sflag:s26], $0x400  }
0x335: {  	[sflag:s26] =	ssyncset.done $0x0  }
0x336: {  	s22 =	simm.s32 $0x16C00;
	[sflag:s26] =	ssyncadd.s32 $0xFFFFFC00  }
0x337: {  	v3 =	vld [tilespmem:s22+$0x0];
	_ =	sdelay $0x1  }
0x338: {  	s24 =	simm.s32 $0x0  }
0x339: {  	v4 =	vmov s24  }
0x33a: {  	v4 =	vshll.u32 v4, $0x3  }
0x33b: {  	v4 =	vor.u32 v2, v4;
	v5 =	vand.u32 $0xFFFFFFF8, v3;
	v6 =	vadd.s32 $0x1, v3  }
0x33c: {  	v3 =	vand.u32 $0x7, v3;
	v5 =	vadd.s32 v4, v5;
	v7 =	vand.u32 $0xFFFFFFF8, v6  }
0x33d: {  	v3 =	vor.u32 v3, v5;
	v5 =	vand.u32 $0x7, v6;
	v4 =	vadd.s32 v4, v7  }
0x33e: {  	v4 =	vor.u32 v5, v4;
	_ =	sdelay $0x3  }
0x33f: {  	v3 =	vld.idx.msk [tilespmem:v3+s11+$0x0], $0xffff  }
0x340: {  	v4 =	vld.idx.msk [tilespmem:v4+s11+$0x0], $0xffff;
	_ =	sdelay $0x3  }
0x341: {  	[tilespmem:s14+$0x0] =	vst v3  }
0x342: {  	s8 =	simm.s32 $0x16C10;
	s24 =	simm.s32 $0x20;
	[tilespmem:s16+$0x0] =	vst v4  }
0x343: {  	s2 =	smov.u32 s14;
	s0 =	smov.u32 s16;
	s22 =	simm.s32 $0x10;
	v3 =	vld [tilespmem:s8+$0x0]  }
.LBB2_39:
0x344: {  	p0 =	sne.s32 s24, $0x3F0;
	_ =	sdelay $0x1  }
0x345: {  	v4 =	vmov s22;
	s22 =	smov.u32 s24  }
0x346: {  	v4 =	vshll.u32 v4, $0x3  }
0x347: {  	v4 =	vor.u32 v2, v4;
	v5 =	vand.u32 $0xFFFFFFF8, v3;
	v6 =	vadd.s32 $0x1, v3  }
0x348: {  	v3 =	vand.u32 $0x7, v3;
	v5 =	vadd.s32 v4, v5;
	v7 =	vand.u32 $0xFFFFFFF8, v6  }
0x349: {  	v3 =	vor.u32 v3, v5;
	v5 =	vand.u32 $0x7, v6;
	v4 =	vadd.s32 v4, v7  }
0x34a: {  	v4 =	vor.u32 v5, v4;
	_ =	sdelay $0x3  }
0x34b: {  	v3 =	vld.idx.msk [tilespmem:v3+s11+$0x0], $0xffff  }
0x34c: {  	v4 =	vld.idx.msk [tilespmem:v4+s11+$0x0], $0xffff;
	_ =	sdelay $0x2  }
.Ltmp18:
0x34d: {  	(pc) =	sbr.rel @p0 .LBB2_39-.Ltmp18, $4  }
0x34e: {  	s2 =	sadd.s32 $0x10, s2  }
0x34f: {  	s0 =	sadd.s32 $0x10, s0;
	[tilespmem:s2+$0x0] =	vst v3  }
0x350: {  	s8 =	sadd.s32 $0x10, s8;
	[tilespmem:s0+$0x0] =	vst v4  }
0x351: {  	s24 =	sadd.s32 $0x10, s24;
	v3 =	vld [tilespmem:s8+$0x0]  }
0x352: {  	_ =	sdelay $0x1  }
0x353: {  	v4 =	vmov s22  }
0x354: {  	v4 =	vshll.u32 v4, $0x3  }
0x355: {  	v4 =	vor.u32 v2, v4;
	v5 =	vand.u32 $0xFFFFFFF8, v3;
	v6 =	vadd.s32 $0x1, v3  }
0x356: {  	v3 =	vand.u32 $0x7, v3;
	v5 =	vadd.s32 v4, v5;
	v7 =	vand.u32 $0xFFFFFFF8, v6  }
0x357: {  	v63 =	vand.u32 $0x7, v6;
	v3 =	vor.u32 v3, v5;
	v4 =	vadd.s32 v4, v7  }
0x358: {  	v4 =	vor.u32 v63, v4;
	_ =	sdelay $0x3  }
0x359: {  	s20 =	sadd.s32 $0x1, s20;
	v3 =	vld.idx.msk [tilespmem:v3+s11+$0x0], $0xffff  }
0x35a: {  	p0 =	sne.s32 s20, $0x4;
	v4 =	vld.idx.msk [tilespmem:v4+s11+$0x0], $0xffff  }
.Ltmp19:
0x35b: {  	_ = 	snop;
	(pc) =	sbr.rel @p0 .LBB2_36-.Ltmp19, $4  }
0x35c: {  	_ = 	snop  }
0x35d: {  	s2 =	sadd.s32 $0x10, s2  }
0x35e: {  	s0 =	sadd.s32 $0x10, s0;
	[tilespmem:s2+$0x0] =	vst v3  }
0x35f: {  	s18 =	sadd.s32 $0x400, s18;
	s14 =	sadd.s32 $0x400, s14;
	s16 =	sadd.s32 $0x400, s16;
	[tilespmem:s0+$0x0] =	vst v4  }
0x360: {  	s12 =	simm.s32 $0x0;
	s0 =	rddreg [dreg:$0x5]  }
0x361: {  	p0 =	por $0x0, $0x0;
	s7 =	simm.s32 $0x16A00;
	s3 =	simm.s32 $0x16A80  }
0x362: {  	s10 =	simm.s32 $0x16B80;
	s6 =	rddreg [dreg:$0x7];
	s29 =	simm.s32 $0x2  }
0x363: {  	[tilespmem:s12], [sflag:$0x2] =	stream.linear.gather [hbm4b:s0+s12], $0x400, $0x38;
	[tilespmem:$0x17000] =	vst v63  }
.LBB2_42:
0x364: {  	s0 =	sshll.u32 s12, $0xA;
	p1 =	seq.s32 s12, $0x7;
	s2 =	simm.s32 $0x1  }
0x365: {  	_ =	swait.ge [sflag:s29], $0x400;
	s8 =	sadd.s32 @!p1 $0x400, s0;
	s2 =	simm.s32 @!p0 $0x0  }
0x366: {  	[sflag:s29] =	ssyncset.done $0x0;
	s14 =	sadd.s32 @!p1 s6, s8;
	s16 =	sshll.u32 s2, $0xA  }
0x367: {  	[sflag:s29] =	ssyncadd.s32 $0xFFFFFC00;
	s2 =	sshrl.u32 @!p1 s14, $0x3;
	s14 =	rddreg [dreg:$0x3]  }
0x368: {  	s8 =	sand.u32 @!p1 $0x400, s8;
	s2 =	sadd.s32 @!p1 s14, s2;
	s14 =	simm.s32 @!p1 $0x0  }
0x369: {  	[tilespmem:s8], [sflag:$0x2] =	stream.linear.gather @!p1 [hbm4b:s2+s14], $0x400, $0x38;
	[tilespmem:$0x17000] =	vst v63  }
0x36a: {  	v3 =	vld [tilespmem:s16+$0x0];
	_ =	sdelay $0x4  }
0x36b: {  	v4 =	vmul.f32 $1.638300000e+04, v3;
	v5 =	vmul.f32 $5.242870000e+05, v3  }
0x36c: {  	v7 =	vmul.f32 $3.276700000e+04, v3;
	v8 =	vmul.f32 $2.621430000e+05, v3  }
0x36d: {  	v6 =	vmul.f32 $1.310710000e+05, v3;
	v9 =	vmul.f32 $8.191000000e+03, v3  }
0x36e: {  	v11 =	vmul.f32 $6.553500000e+04, v3;
	v4 =	vtrunc.f32 v4  }
0x36f: {  	v7 =	vtrunc.f32 v7;
	v4 =	vcvt.f32.s32 v4  }
0x370: {  	v8 =	vtrunc.f32 v8;
	v9 =	vtrunc.f32 v9  }
0x371: {  	v3 =	vtrunc.f32 v5;
	v10 =	vcvt.f32.s32 v9;
	v12 =	vmul.u32 $0x779B1, v4  }
0x372: {  	s22 =	simm.s32 $0x3000;
	s20 =	simm.s32 $0x10;
	s24 =	sadd.s32 $0x10, s16;
	v5 =	vtrunc.f32 v11;
	v9 =	vcvt.f32.s32 v7  }
0x373: {  	s30 =	simm.s32 $0x0;
	s18 =	simm.s32 $0x3010;
	s28 =	smov.u32 s24;
	v11 =	vmul.u32 $0x779B1, v10;
	v12 =	vxor.u32 v4, v12;
	v4 =	vcvt.f32.s32 v5  }
0x374: {  	s14 =	sadd.s32 s6, s0;
	s0 =	simm.s32 $0x3010;
	s2 =	simm.s32 $0x20;
	v7 =	vshrl.u32 v12, $0x2;
	v5 =	vshll.u32 v12, $0x1;
	v12 =	vmul.u32 $0x779B1, v9  }
.LBB2_43:
0x375: {  	p1 =	sne.s32 s2, $0x3F0;
	s24 =	sadd.s32 $0x10, s24;
	s0 =	sadd.s32 $0x10, s0;
	v10 =	vxor.u32 v10, v11;
	v6 =	vtrunc.f32 v6;
	v8 =	vcvt.f32.s32 v8  }
0x376: {  	s31 =	smov.u32 s2;
	s2 =	sadd.s32 $0x10, s2;
	v11 =	vshrl.u32 v10, $0x2;
	v10 =	vshll.u32 v10, $0x1;
	v9 =	vxor.u32 v9, v12  }
0x377: {  	v11 =	vand.u32 $0x1FFFF, v11;
	v12 =	vshrl.u32 v9, $0x2;
	v9 =	vshll.u32 v9, $0x1  }
0x378: {  	s8 =	sand.u32 $0x3F0, s30;
	s30 =	smov.u32 s20;
	v6 =	vcvt.f32.s32 v6;
	s20 =	smov.u32 s31;
	v11 =	vor.u32 v1, v11;
	v12 =	vand.u32 $0x1FFFF, v12  }
0x379: {  	v7 =	vand.u32 $0x1FFFF, v7;
	v10 =	vand.u32 $0x6, v10;
	[tilespmem:s8+$0x800] =	vst v11;
	v11 =	vmul.u32 $0x779B1, v4  }
0x37a: {  	v7 =	vor.u32 v1, v7;
	v13 =	vmul.u32 $0x779B1, v8;
	[tilespmem:s22+$0xFFFFF400] =	vst v10;
	v10 =	vmul.u32 $0x779B1, v6  }
0x37b: {  	v5 =	vand.u32 $0x6, v5;
	v3 =	vcvt.f32.s32 v3;
	[tilespmem:s8+$0xC00] =	vst v7;
	v4 =	vxor.u32 v4, v11  }
0x37c: {  	[tilespmem:s22+$0xFFFFF800] =	vst v5;
	v5 =	vor.u32 v1, v12;
	v7 =	vshrl.u32 v4, $0x2;
	v4 =	vshll.u32 v4, $0x1  }
0x37d: {  	v6 =	vxor.u32 v6, v10;
	[tilespmem:s8+$0x1000] =	vst v5;
	v5 =	vand.u32 $0x6, v9;
	v7 =	vand.u32 $0x1FFFF, v7  }
0x37e: {  	v8 =	vxor.u32 v8, v13;
	[tilespmem:s22+$0xFFFFFC00] =	vst v5;
	v5 =	vor.u32 v1, v7;
	v7 =	vshrl.u32 v6, $0x2  }
0x37f: {  	v4 =	vand.u32 $0x6, v4;
	[tilespmem:s8+$0x1400] =	vst v5;
	v5 =	vand.u32 $0x1FFFF, v7;
	v7 =	vmul.u32 $0x779B1, v3  }
0x380: {  	[tilespmem:s22+$0x0] =	vst v4;
	v4 =	vor.u32 v1, v5;
	v5 =	vshll.u32 v6, $0x1;
	v6 =	vshrl.u32 v8, $0x2  }
0x381: {  	[tilespmem:s8+$0x1800] =	vst v4;
	v4 =	vand.u32 $0x6, v5;
	v5 =	vand.u32 $0x1FFFF, v6;
	v3 =	vxor.u32 v3, v7  }
0x382: {  	[tilespmem:s22+$0x400] =	vst v4;
	v4 =	vor.u32 v1, v5;
	v5 =	vshll.u32 v8, $0x1;
	v6 =	vshrl.u32 v3, $0x2  }
0x383: {  	[tilespmem:s8+$0x1C00] =	vst v4;
	v4 =	vand.u32 $0x6, v5;
	v5 =	vand.u32 $0x1FFFF, v6  }
0x384: {  	v3 =	vshll.u32 v3, $0x1;
	[tilespmem:s22+$0x800] =	vst v4;
	v4 =	vor.u32 v1, v5  }
0x385: {  	v3 =	vand.u32 $0x6, v3;
	[tilespmem:s8+$0x2000] =	vst v4  }
0x386: {  	[tilespmem:s22+$0xC00] =	vst v3;
	s22 =	smov.u32 s18;
	s18 =	smov.u32 s0  }
0x387: {  	v3 =	vld [tilespmem:s28+$0x0];
	s28 =	smov.u32 s24;
	_ =	sdelay $0x4  }
0x388: {  	v4 =	vmul.f32 $1.638300000e+04, v3;
	v5 =	vmul.f32 $5.242870000e+05, v3  }
0x389: {  	v7 =	vmul.f32 $3.276700000e+04, v3;
	v8 =	vmul.f32 $2.621430000e+05, v3  }
0x38a: {  	v6 =	vmul.f32 $1.310710000e+05, v3;
	v4 =	vtrunc.f32 v4  }
0x38b: {  	v9 =	vmul.f32 $8.191000000e+03, v3;
	v7 =	vtrunc.f32 v7  }
0x38c: {  	v8 =	vtrunc.f32 v8;
	v4 =	vcvt.f32.s32 v4  }
.Ltmp20:
0x38d: {  	v11 =	vmul.f32 $6.553500000e+04, v3;
	v9 =	vtrunc.f32 v9;
	(pc) =	sbr.rel @p1 .LBB2_43-.Ltmp20, $4  }
0x38e: {  	v3 =	vtrunc.f32 v5;
	v10 =	vcvt.f32.s32 v9;
	v12 =	vmul.u32 $0x779B1, v4  }
0x38f: {  	v5 =	vtrunc.f32 v11;
	v9 =	vcvt.f32.s32 v7  }
0x390: {  	v11 =	vmul.u32 $0x779B1, v10;
	v12 =	vxor.u32 v4, v12;
	v4 =	vcvt.f32.s32 v5  }
0x391: {  	v7 =	vshrl.u32 v12, $0x2;
	v5 =	vshll.u32 v12, $0x1;
	v12 =	vmul.u32 $0x779B1, v9  }
0x392: {  	v10 =	vxor.u32 v10, v11;
	v6 =	vtrunc.f32 v6;
	v8 =	vcvt.f32.s32 v8  }
0x393: {  	v7 =	vand.u32 $0x1FFFF, v7;
	v53 =	vmul.u32 $0x779B1, v4;
	v11 =	vshrl.u32 v10, $0x2  }
0x394: {  	v5 =	vand.u32 $0x6, v5;
	v3 =	vcvt.f32.s32 v3;
	v11 =	vand.u32 $0x1FFFF, v11  }
0x395: {  	s0 =	sand.u32 $0x3F0, s30;
	v10 =	vshll.u32 v10, $0x1;
	v9 =	vxor.u32 v9, v12;
	v11 =	vor.u32 v1, v11  }
0x396: {  	v6 =	vcvt.f32.s32 v6;
	v7 =	vor.u32 v1, v7;
	v10 =	vand.u32 $0x6, v10;
	[tilespmem:s0+$0x800] =	vst v11  }
0x397: {  	v12 =	vshrl.u32 v9, $0x2;
	v9 =	vshll.u32 v9, $0x1;
	v13 =	vmul.u32 $0x779B1, v8;
	[tilespmem:s22+$0xFFFFF400] =	vst v10  }
0x398: {  	v4 =	vxor.u32 v4, v53;
	v12 =	vand.u32 $0x1FFFF, v12;
	v54 =	vmul.u32 $0x779B1, v6;
	[tilespmem:s0+$0xC00] =	vst v7  }
0x399: {  	v8 =	vxor.u32 v8, v13;
	v7 =	vshrl.u32 v4, $0x2;
	[tilespmem:s22+$0xFFFFF800] =	vst v5;
	v5 =	vor.u32 v1, v12  }
0x39a: {  	v6 =	vxor.u32 v6, v54;
	v7 =	vand.u32 $0x1FFFF, v7;
	[tilespmem:s0+$0x1000] =	vst v5;
	v5 =	vand.u32 $0x6, v9  }
0x39b: {  	v4 =	vshll.u32 v4, $0x1;
	[tilespmem:s22+$0xFFFFFC00] =	vst v5;
	v5 =	vor.u32 v1, v7;
	v7 =	vshrl.u32 v6, $0x2  }
0x39c: {  	v4 =	vand.u32 $0x6, v4;
	[tilespmem:s0+$0x1400] =	vst v5;
	v5 =	vand.u32 $0x1FFFF, v7;
	v7 =	vmul.u32 $0x779B1, v3  }
0x39d: {  	[tilespmem:s22+$0x0] =	vst v4;
	v4 =	vor.u32 v1, v5;
	v5 =	vshll.u32 v6, $0x1;
	v6 =	vshrl.u32 v8, $0x2  }
0x39e: {  	[tilespmem:s0+$0x1800] =	vst v4;
	v4 =	vand.u32 $0x6, v5;
	v5 =	vand.u32 $0x1FFFF, v6;
	v3 =	vxor.u32 v3, v7  }
0x39f: {  	[tilespmem:s22+$0x400] =	vst v4;
	v4 =	vor.u32 v1, v5;
	v5 =	vshll.u32 v8, $0x1;
	v6 =	vshrl.u32 v3, $0x2  }
0x3a0: {  	[tilespmem:s0+$0x1C00] =	vst v4;
	v4 =	vand.u32 $0x6, v5;
	v5 =	vand.u32 $0x1FFFF, v6  }
0x3a1: {  	v3 =	vshll.u32 v3, $0x1;
	[tilespmem:s22+$0x800] =	vst v4;
	v4 =	vor.u32 v1, v5  }
0x3a2: {  	v3 =	vand.u32 $0x6, v3;
	[tilespmem:s0+$0x2000] =	vst v4  }
0x3a3: {  	[tilespmem:s22+$0xC00] =	vst v3  }
0x3a4: {  	v3 =	vld [tilespmem:s28+$0x0];
	_ =	sdelay $0x4  }
0x3a5: {  	v4 =	vmul.f32 $1.638300000e+04, v3  }
0x3a6: {  	v5 =	vmul.f32 $5.242870000e+05, v3;
	v6 =	vmul.f32 $3.276700000e+04, v3  }
0x3a7: {  	v7 =	vmul.f32 $2.621430000e+05, v3;
	v8 =	vmul.f32 $1.310710000e+05, v3  }
0x3a8: {  	v55 =	vmul.f32 $8.191000000e+03, v3;
	v3 =	vmul.f32 $6.553500000e+04, v3  }
0x3a9: {  	v4 =	vtrunc.f32 v4;
	v6 =	vtrunc.f32 v6  }
0x3aa: {  	v7 =	vtrunc.f32 v7;
	v9 =	vtrunc.f32 v55  }
0x3ab: {  	v5 =	vtrunc.f32 v5;
	v3 =	vtrunc.f32 v3  }
0x3ac: {  	v8 =	vtrunc.f32 v8;
	v9 =	vcvt.f32.s32 v9  }
0x3ad: {  	v4 =	vcvt.f32.s32 v4;
	v6 =	vcvt.f32.s32 v6  }
0x3ae: {  	v3 =	vcvt.f32.s32 v3;
	v7 =	vcvt.f32.s32 v7;
	v57 =	vmul.u32 $0x779B1, v9  }
0x3af: {  	v8 =	vcvt.f32.s32 v8;
	v5 =	vcvt.f32.s32 v5;
	v56 =	vmul.u32 $0x779B1, v4  }
0x3b0: {  	v58 =	vmul.u32 $0x779B1, v6;
	v59 =	vmul.u32 $0x779B1, v3;
	v9 =	vxor.u32 v9, v57  }
0x3b1: {  	v61 =	vmul.u32 $0x779B1, v8;
	v62 =	vmul.u32 $0x779B1, v7;
	v11 =	vshrl.u32 v9, $0x2  }
0x3b2: {  	v4 =	vxor.u32 v4, v56;
	v6 =	vxor.u32 v6, v58;
	v11 =	vand.u32 $0x1FFFF, v11  }
0x3b3: {  	s2 =	sand.u32 $0x3F0, s20;
	v10 =	vshrl.u32 v4, $0x2;
	v9 =	vshll.u32 v9, $0x1;
	v11 =	vor.u32 v1, v11  }
0x3b4: {  	v3 =	vxor.u32 v3, v59;
	v9 =	vand.u32 $0x6, v9;
	v10 =	vand.u32 $0x1FFFF, v10;
	[tilespmem:s2+$0x800] =	vst v11  }
0x3b5: {  	v4 =	vshll.u32 v4, $0x1;
	v12 =	vshrl.u32 v6, $0x2;
	v60 =	vor.u32 v1, v10;
	[tilespmem:s18+$0xFFFFF400] =	vst v9  }
0x3b6: {  	v8 =	vxor.u32 v8, v61;
	v12 =	vand.u32 $0x1FFFF, v12;
	v4 =	vand.u32 $0x6, v4;
	[tilespmem:s2+$0xC00] =	vst v60  }
0x3b7: {  	v6 =	vshll.u32 v6, $0x1;
	v63 =	vshrl.u32 v3, $0x2;
	[tilespmem:s18+$0xFFFFF800] =	vst v4;
	v4 =	vor.u32 v1, v12  }
0x3b8: {  	v7 =	vxor.u32 v7, v62;
	[tilespmem:s2+$0x1000] =	vst v4;
	v4 =	vand.u32 $0x6, v6;
	v6 =	vand.u32 $0x1FFFF, v63  }
0x3b9: {  	v3 =	vshll.u32 v3, $0x1;
	[tilespmem:s18+$0xFFFFFC00] =	vst v4;
	v4 =	vor.u32 v1, v6;
	v6 =	vshrl.u32 v8, $0x2  }
0x3ba: {  	v3 =	vand.u32 $0x6, v3;
	[tilespmem:s2+$0x1400] =	vst v4;
	v4 =	vand.u32 $0x1FFFF, v6;
	v6 =	vmul.u32 $0x779B1, v5  }
0x3bb: {  	[tilespmem:s18+$0x0] =	vst v3;
	v3 =	vor.u32 v1, v4;
	v4 =	vshll.u32 v8, $0x1;
	v8 =	vshrl.u32 v7, $0x2  }
0x3bc: {  	[tilespmem:s2+$0x1800] =	vst v3;
	v3 =	vand.u32 $0x6, v4;
	v4 =	vand.u32 $0x1FFFF, v8;
	v5 =	vxor.u32 v5, v6  }
0x3bd: {  	[tilespmem:s18+$0x400] =	vst v3;
	v3 =	vor.u32 v1, v4;
	v4 =	vshll.u32 v7, $0x1;
	v6 =	vshrl.u32 v5, $0x2  }
0x3be: {  	[tilespmem:s2+$0x1C00] =	vst v3;
	v3 =	vand.u32 $0x6, v4;
	v4 =	vand.u32 $0x1FFFF, v6  }
0x3bf: {  	[tilespmem:s18+$0x800] =	vst v3;
	v3 =	vor.u32 v1, v4;
	v4 =	vshll.u32 v5, $0x1  }
0x3c0: {  	[tilespmem:s2+$0x2000] =	vst v3;
	v3 =	vand.u32 $0x6, v4  }
0x3c1: {  	s8 =	simm.s32 $0x800;
	[tilespmem:s18+$0xC00] =	vst v3  }
0x3c2: {  	[tilespmem:s11], [sflag:$0x1] =	stream.indirect.gather [hbm4b:s1+s9], $0x8, s8, s9, $0xb8;
	[tilespmem:$0x17000] =	vst v63  }
0x3c3: {  	s18 =	simm.s32 $0x880  }
0x3c4: {  	[tilespmem:s13], [sflag:$0x1] =	stream.indirect.gather [hbm4b:s1+s9], $0x8, s18, s9, $0xb8;
	[tilespmem:$0x17000] =	vst v63  }
0x3c5: {  	s20 =	simm.s32 $0x900  }
0x3c6: {  	[tilespmem:s15], [sflag:$0x1] =	stream.indirect.gather [hbm4b:s1+s9], $0x8, s20, s9, $0xb8;
	[tilespmem:$0x17000] =	vst v63  }
0x3c7: {  	s22 =	simm.s32 $0x980  }
0x3c8: {  	[tilespmem:s17], [sflag:$0x1] =	stream.indirect.gather [hbm4b:s1+s9], $0x8, s22, s9, $0xb8;
	[tilespmem:$0x17000] =	vst v63  }
0x3c9: {  	s24 =	simm.s32 $0xA00  }
0x3ca: {  	[tilespmem:s19], [sflag:$0x1] =	stream.indirect.gather [hbm4b:s1+s9], $0x8, s24, s9, $0xb8;
	[tilespmem:$0x17000] =	vst v63  }
0x3cb: {  	s28 =	simm.s32 $0xA80  }
0x3cc: {  	[tilespmem:s21], [sflag:$0x1] =	stream.indirect.gather [hbm4b:s1+s9], $0x8, s28, s9, $0xb8;
	[tilespmem:$0x17000] =	vst v63  }
0x3cd: {  	s30 =	simm.s32 $0xB00  }
0x3ce: {  	[tilespmem:s23], [sflag:$0x1] =	stream.indirect.gather [hbm4b:s1+s9], $0x8, s30, s9, $0xb8;
	[tilespmem:$0x17000] =	vst v63  }
0x3cf: {  	s31 =	simm.s32 $0xB80  }
0x3d0: {  	[tilespmem:s25], [sflag:$0x1] =	stream.indirect.gather [hbm4b:s1+s9], $0x8, s31, s9, $0xb8;
	[tilespmem:$0x17000] =	vst v63  }
0x3d1: {  	s2 =	simm.s32 $0xC00;
	s20 =	simm.s32 $0x6000  }
0x3d2: {  	[tilespmem:s20], [sflag:$0x1] =	stream.indirect.gather [hbm4b:s1+s9], $0x8, s2, s9, $0xb8;
	[tilespmem:$0x17000] =	vst v63  }
0x3d3: {  	s8 =	simm.s32 $0xC80;
	s22 =	simm.s32 $0x6400  }
0x3d4: {  	[tilespmem:s22], [sflag:$0x1] =	stream.indirect.gather [hbm4b:s1+s9], $0x8, s8, s9, $0xb8;
	[tilespmem:$0x17000] =	vst v63  }
0x3d5: {  	s18 =	simm.s32 $0xD00;
	s24 =	simm.s32 $0x6800  }
0x3d6: {  	[tilespmem:s24], [sflag:$0x1] =	stream.indirect.gather [hbm4b:s1+s9], $0x8, s18, s9, $0xb8;
	[tilespmem:$0x17000] =	vst v63  }
0x3d7: {  	s28 =	simm.s32 $0xD80;
	s2 =	simm.s32 $0x6C00  }
0x3d8: {  	[tilespmem:s2], [sflag:$0x1] =	stream.indirect.gather [hbm4b:s1+s9], $0x8, s28, s9, $0xb8;
	[tilespmem:$0x17000] =	vst v63  }
0x3d9: {  	s30 =	simm.s32 $0xE00;
	s31 =	simm.s32 $0x7000  }
0x3da: {  	[tilespmem:s31], [sflag:$0x1] =	stream.indirect.gather [hbm4b:s1+s9], $0x8, s30, s9, $0xb8;
	[tilespmem:$0x17000] =	vst v63  }
0x3db: {  	s8 =	simm.s32 $0x7400;
	s2 =	simm.s32 $0xE80  }
0x3dc: {  	v3 =	vmov s16;
	[tilespmem:s8], [sflag:$0x1] =	stream.indirect.gather [hbm4b:s1+s9], $0x8, s2, s9, $0xb8;
	[tilespmem:$0x17000] =	vst v63  }
0x3dd: {  	s18 =	simm.s32 $0xF00;
	s28 =	simm.s32 $0x7800  }
0x3de: {  	[tilespmem:s28], [sflag:$0x1] =	stream.indirect.gather [hbm4b:s1+s9], $0x8, s18, s9, $0xb8;
	[tilespmem:$0x17000] =	vst v63  }
0x3df: {  	s16 =	simm.s32 $0x0;
	s30 =	simm.s32 $0xF80;
	s31 =	simm.s32 $0x7C00  }
0x3e0: {  	[tilespmem:s31], [sflag:$0x1] =	stream.indirect.gather [hbm4b:s1+s9], $0x8, s30, s9, $0xb8;
	[tilespmem:$0x17000] =	vst v63  }
0x3e1: {  	v4 =	vld.idx.msk [tilespmem:v3+s16+$0x0 ss:$0x1], $0xffff;
	_ =	sdelay $0x4  }
0x3e2: {  	v5 =	vmul.f32 $1.500000000e+01, v4;
	_ =	sdelay $0x1  }
0x3e3: {  	v5 =	vtrunc.f32 v5  }
0x3e4: {  	v5 =	vcvt.f32.s32 v5;
	_ =	sdelay $0x2  }
0x3e5: {  	v6 =	vmul.f32 $3.100000000e+01, v4;
	_ =	sdelay $0x1  }
0x3e6: {  	v6 =	vtrunc.f32 v6  }
0x3e7: {  	v6 =	vcvt.f32.s32 v6;
	v7 =	vld.idx.msk [tilespmem:v5+s4+$0x0], $0xffff  }
0x3e8: {  	v5 =	vld.idx.msk [tilespmem:v5+s5+$0x0], $0xffff  }
0x3e9: {  	v6 =	vadd.s32 $0x400, v6;
	_ =	sdelay $0x1  }
0x3ea: {  	v8 =	vmul.f32 $6.300000000e+01, v4  }
0x3eb: {  	[tilespmem:s16+$0x8000] =	vst v7  }
0x3ec: {  	v7 =	vtrunc.f32 v8;
	[tilespmem:s16+$0x8400] =	vst v5  }
0x3ed: {  	v5 =	vcvt.f32.s32 v7;
	v7 =	vld.idx.msk [tilespmem:v6+s4+$0x0], $0xffff  }
0x3ee: {  	v6 =	vld.idx.msk [tilespmem:v6+s5+$0x0], $0xffff  }
0x3ef: {  	v5 =	vadd.s32 $0x800, v5;
	_ =	sdelay $0x1  }
0x3f0: {  	v8 =	vmul.f32 $1.270000000e+02, v4  }
0x3f1: {  	[tilespmem:s16+$0x8800] =	vst v7  }
0x3f2: {  	v7 =	vtrunc.f32 v8;
	[tilespmem:s16+$0x8C00] =	vst v6  }
0x3f3: {  	v6 =	vcvt.f32.s32 v7;
	v7 =	vld.idx.msk [tilespmem:v5+s4+$0x0], $0xffff  }
0x3f4: {  	v5 =	vld.idx.msk [tilespmem:v5+s5+$0x0], $0xffff  }
0x3f5: {  	v6 =	vadd.s32 $0xC00, v6;
	_ =	sdelay $0x1  }
0x3f6: {  	v8 =	vmul.f32 $2.550000000e+02, v4  }
0x3f7: {  	[tilespmem:s16+$0x9000] =	vst v7  }
0x3f8: {  	v7 =	vtrunc.f32 v8;
	[tilespmem:s16+$0x9400] =	vst v5  }
0x3f9: {  	v5 =	vcvt.f32.s32 v7;
	v7 =	vld.idx.msk [tilespmem:v6+s4+$0x0], $0xffff  }
0x3fa: {  	v6 =	vld.idx.msk [tilespmem:v6+s5+$0x0], $0xffff  }
0x3fb: {  	v5 =	vadd.s32 $0x1000, v5;
	_ =	sdelay $0x1  }
0x3fc: {  	v8 =	vmul.f32 $5.110000000e+02, v4  }
0x3fd: {  	[tilespmem:s16+$0x9800] =	vst v7  }
0x3fe: {  	v7 =	vtrunc.f32 v8;
	[tilespmem:s16+$0x9C00] =	vst v6  }
0x3ff: {  	v6 =	vcvt.f32.s32 v7;
	v7 =	vld.idx.msk [tilespmem:v5+s4+$0x0], $0xffff  }
0x400: {  	v5 =	vld.idx.msk [tilespmem:v5+s5+$0x0], $0xffff  }
0x401: {  	v6 =	vadd.s32 $0x1400, v6;
	_ =	sdelay $0x1  }
0x402: {  	v8 =	vmul.f32 $1.023000000e+03, v4  }
0x403: {  	[tilespmem:s16+$0xA000] =	vst v7  }
0x404: {  	v7 =	vtrunc.f32 v8;
	[tilespmem:s16+$0xA400] =	vst v5  }
0x405: {  	v5 =	vcvt.f32.s32 v7;
	v7 =	vld.idx.msk [tilespmem:v6+s4+$0x0], $0xffff  }
0x406: {  	v6 =	vld.idx.msk [tilespmem:v6+s5+$0x0], $0xffff  }
0x407: {  	v5 =	vadd.s32 $0x1800, v5;
	_ =	sdelay $0x1  }
0x408: {  	v8 =	vmul.f32 $2.047000000e+03, v4  }
0x409: {  	[tilespmem:s16+$0xA800] =	vst v7  }
0x40a: {  	v7 =	vtrunc.f32 v8;
	[tilespmem:s16+$0xAC00] =	vst v6  }
0x40b: {  	v6 =	vcvt.f32.s32 v7;
	v7 =	vld.idx.msk [tilespmem:v5+s4+$0x0], $0xffff  }
0x40c: {  	v5 =	vld.idx.msk [tilespmem:v5+s5+$0x0], $0xffff  }
0x40d: {  	v8 =	vadd.s32 $0x1C00, v6;
	_ =	sdelay $0x1  }
0x40e: {  	v4 =	vmul.f32 $4.095000000e+03, v4  }
0x40f: {  	[tilespmem:s16+$0xB000] =	vst v7  }
0x410: {  	v4 =	vtrunc.f32 v4;
	[tilespmem:s16+$0xB400] =	vst v5  }
0x411: {  	v4 =	vcvt.f32.s32 v4;
	v6 =	vld.idx.msk [tilespmem:v8+s4+$0x0], $0xffff  }
0x412: {  	v5 =	vld.idx.msk [tilespmem:v8+s5+$0x0], $0xffff  }
0x413: {  	s18 =	simm.s32 $0x40;
	v4 =	vadd.s32 $0x2400, v4  }
.LBB2_45:
0x414: {  	_ =	sdelay $0x1  }
0x415: {  	p1 =	sne.s32 s18, $0xFC0;
	s0 =	smov.u32 s18;
	s18 =	sadd.s32 $0x40, s18;
	[tilespmem:s16+$0xB800] =	vst v6  }
0x416: {  	[tilespmem:s16+$0xBC00] =	vst v5  }
0x417: {  	v5 =	vld.idx.msk [tilespmem:v4+s4+$0x0], $0xffff  }
0x418: {  	v4 =	vld.idx.msk [tilespmem:v4+s5+$0x0], $0xffff;
	_ =	sdelay $0x4  }
0x419: {  	[tilespmem:s16+$0xC000] =	vst v5  }
0x41a: {  	[tilespmem:s16+$0xC400] =	vst v4;
	s16 =	sshra.s32 s0, $0x2  }
0x41b: {  	v4 =	vld.idx.msk [tilespmem:v3+s16+$0x0 ss:$0x1], $0xffff;
	_ =	sdelay $0x5  }
0x41c: {  	v5 =	vmul.f32 $1.500000000e+01, v4;
	v6 =	vmul.f32 $3.100000000e+01, v4  }
0x41d: {  	v7 =	vmul.f32 $6.300000000e+01, v4;
	v8 =	vmul.f32 $1.270000000e+02, v4  }
0x41e: {  	v5 =	vtrunc.f32 v5;
	v6 =	vtrunc.f32 v6  }
0x41f: {  	v5 =	vcvt.f32.s32 v5;
	v6 =	vcvt.f32.s32 v6  }
0x420: {  	v7 =	vtrunc.f32 v7;
	v8 =	vtrunc.f32 v8  }
0x421: {  	v7 =	vcvt.f32.s32 v7;
	v8 =	vcvt.f32.s32 v8  }
0x422: {  	v9 =	vmul.f32 $2.550000000e+02, v4;
	v10 =	vmul.f32 $5.110000000e+02, v4  }
0x423: {  	v11 =	vmul.f32 $1.023000000e+03, v4;
	v12 =	vmul.f32 $2.047000000e+03, v4  }
0x424: {  	v9 =	vtrunc.f32 v9;
	v10 =	vtrunc.f32 v10  }
0x425: {  	v9 =	vcvt.f32.s32 v9;
	v10 =	vcvt.f32.s32 v10;
	v13 =	vld.idx.msk [tilespmem:v5+s4+$0x0], $0xffff  }
0x426: {  	v11 =	vtrunc.f32 v11;
	v12 =	vtrunc.f32 v12;
	v5 =	vld.idx.msk [tilespmem:v5+s5+$0x0], $0xffff  }
0x427: {  	v11 =	vcvt.f32.s32 v11;
	v12 =	vcvt.f32.s32 v12  }
0x428: {  	v4 =	vmul.f32 $4.095000000e+03, v4;
	v6 =	vadd.s32 $0x400, v6;
	_ =	sdelay $0x1  }
0x429: {  	v4 =	vtrunc.f32 v4  }
0x42a: {  	v4 =	vcvt.f32.s32 v4;
	[tilespmem:s16+$0x8000] =	vst v13  }
0x42b: {  	[tilespmem:s16+$0x8400] =	vst v5  }
0x42c: {  	v5 =	vld.idx.msk [tilespmem:v6+s4+$0x0], $0xffff  }
0x42d: {  	v6 =	vld.idx.msk [tilespmem:v6+s5+$0x0], $0xffff;
	_ =	sdelay $0x1  }
0x42e: {  	v7 =	vadd.s32 $0x800, v7;
	_ =	sdelay $0x2  }
0x42f: {  	[tilespmem:s16+$0x8800] =	vst v5  }
0x430: {  	[tilespmem:s16+$0x8C00] =	vst v6  }
0x431: {  	v5 =	vld.idx.msk [tilespmem:v7+s4+$0x0], $0xffff  }
0x432: {  	v6 =	vld.idx.msk [tilespmem:v7+s5+$0x0], $0xffff;
	_ =	sdelay $0x1  }
0x433: {  	v7 =	vadd.s32 $0xC00, v8;
	_ =	sdelay $0x2  }
0x434: {  	[tilespmem:s16+$0x9000] =	vst v5  }
0x435: {  	[tilespmem:s16+$0x9400] =	vst v6  }
0x436: {  	v5 =	vld.idx.msk [tilespmem:v7+s4+$0x0], $0xffff  }
0x437: {  	v6 =	vld.idx.msk [tilespmem:v7+s5+$0x0], $0xffff;
	_ =	sdelay $0x1  }
0x438: {  	v7 =	vadd.s32 $0x1000, v9;
	_ =	sdelay $0x2  }
0x439: {  	[tilespmem:s16+$0x9800] =	vst v5  }
0x43a: {  	[tilespmem:s16+$0x9C00] =	vst v6  }
0x43b: {  	v5 =	vld.idx.msk [tilespmem:v7+s4+$0x0], $0xffff  }
0x43c: {  	v6 =	vld.idx.msk [tilespmem:v7+s5+$0x0], $0xffff;
	_ =	sdelay $0x1  }
0x43d: {  	v7 =	vadd.s32 $0x1400, v10;
	_ =	sdelay $0x2  }
0x43e: {  	[tilespmem:s16+$0xA000] =	vst v5  }
0x43f: {  	[tilespmem:s16+$0xA400] =	vst v6  }
0x440: {  	v5 =	vld.idx.msk [tilespmem:v7+s4+$0x0], $0xffff  }
0x441: {  	v6 =	vld.idx.msk [tilespmem:v7+s5+$0x0], $0xffff;
	_ =	sdelay $0x1  }
0x442: {  	v7 =	vadd.s32 $0x1800, v11;
	_ =	sdelay $0x2  }
0x443: {  	[tilespmem:s16+$0xA800] =	vst v5  }
0x444: {  	[tilespmem:s16+$0xAC00] =	vst v6  }
0x445: {  	v5 =	vld.idx.msk [tilespmem:v7+s4+$0x0], $0xffff  }
0x446: {  	v6 =	vld.idx.msk [tilespmem:v7+s5+$0x0], $0xffff;
	_ =	sdelay $0x1  }
0x447: {  	v7 =	vadd.s32 $0x1C00, v12;
	_ =	sdelay $0x2  }
0x448: {  	[tilespmem:s16+$0xB000] =	vst v5  }
.Ltmp21:
0x449: {  	[tilespmem:s16+$0xB400] =	vst v6;
	(pc) =	sbr.rel @p1 .LBB2_45-.Ltmp21, $3  }
0x44a: {  	v6 =	vld.idx.msk [tilespmem:v7+s4+$0x0], $0xffff  }
0x44b: {  	v5 =	vld.idx.msk [tilespmem:v7+s5+$0x0], $0xffff;
	_ =	sdelay $0x1  }
0x44c: {  	v4 =	vadd.s32 $0x2400, v4  }
0x44d: {  	_ =	sdelay $0x1  }
0x44e: {  	[tilespmem:s16+$0xB800] =	vst v6  }
0x44f: {  	[tilespmem:s16+$0xBC00] =	vst v5  }
0x450: {  	v3 =	vld.idx.msk [tilespmem:v4+s4+$0x0], $0xffff  }
0x451: {  	v4 =	vld.idx.msk [tilespmem:v4+s5+$0x0], $0xffff;
	_ =	sdelay $0x3  }
0x452: {  	[tilespmem:s16+$0xC000] =	vst v3  }
0x453: {  	[tilespmem:s16+$0xC400] =	vst v4  }
0x454: {  	_ =	swait.ge [sflag:s26], $0x400  }
0x455: {  	[sflag:s26] =	ssyncset.done $0x0  }
0x456: {  	[sflag:s26] =	ssyncadd.s32 $0xFFFFFC00  }
0x457: {  	_ =	swait.ge [sflag:s26], $0x400  }
0x458: {  	[sflag:s26] =	ssyncset.done $0x0  }
0x459: {  	[sflag:s26] =	ssyncadd.s32 $0xFFFFFC00  }
0x45a: {  	_ =	swait.ge [sflag:s26], $0x400  }
0x45b: {  	[sflag:s26] =	ssyncset.done $0x0  }
0x45c: {  	[sflag:s26] =	ssyncadd.s32 $0xFFFFFC00  }
0x45d: {  	_ =	swait.ge [sflag:s26], $0x400  }
0x45e: {  	[sflag:s26] =	ssyncset.done $0x0  }
0x45f: {  	[sflag:s26] =	ssyncadd.s32 $0xFFFFFC00  }
0x460: {  	_ =	swait.ge [sflag:s26], $0x400  }
0x461: {  	[sflag:s26] =	ssyncset.done $0x0  }
0x462: {  	[sflag:s26] =	ssyncadd.s32 $0xFFFFFC00  }
0x463: {  	_ =	swait.ge [sflag:s26], $0x400  }
0x464: {  	[sflag:s26] =	ssyncset.done $0x0  }
0x465: {  	[sflag:s26] =	ssyncadd.s32 $0xFFFFFC00  }
0x466: {  	_ =	swait.ge [sflag:s26], $0x400  }
0x467: {  	[sflag:s26] =	ssyncset.done $0x0  }
0x468: {  	[sflag:s26] =	ssyncadd.s32 $0xFFFFFC00  }
0x469: {  	_ =	swait.ge [sflag:s26], $0x400  }
0x46a: {  	[sflag:s26] =	ssyncset.done $0x0  }
0x46b: {  	s0 =	simm.s32 $0x2400;
	[sflag:s26] =	ssyncadd.s32 $0xFFFFFC00  }
0x46c: {  	v3 =	vld [tilespmem:s0+$0x0]  }
0x46d: {  	s2 =	simm.s32 $0x0  }
0x46e: {  	v4 =	vmov s2  }
0x46f: {  	v4 =	vshll.u32 v4, $0x3  }
0x470: {  	v4 =	vor.u32 v2, v4  }
0x471: {  	v5 =	vand.u32 $0xFFFFFFF8, v3;
	v62 =	vand.u32 $0x7, v3;
	v3 =	vadd.s32 $0x1, v3  }
0x472: {  	v5 =	vadd.s32 v4, v5;
	v63 =	vand.u32 $0xFFFFFFF8, v3  }
0x473: {  	v3 =	vand.u32 $0x7, v3;
	v5 =	vor.u32 v62, v5;
	v4 =	vadd.s32 v4, v63  }
0x474: {  	v3 =	vor.u32 v3, v4;
	_ =	sdelay $0x3  }
0x475: {  	v4 =	vld.idx.msk [tilespmem:v5+s11+$0x0], $0xffff  }
0x476: {  	v3 =	vld.idx.msk [tilespmem:v3+s11+$0x0], $0xffff;
	_ =	sdelay $0x2  }
0x477: {  	s2 =	simm.s32 $0xCC00  }
0x478: {  	s8 =	simm.s32 $0x10;
	s28 =	simm.s32 $0x16800;
	s30 =	simm.s32 $0x16880;
	[tilespmem:s2+$0xFFFFFC00] =	vst v4  }
.LBB2_47:
0x479: {  	p1 =	sne.s32 s8, $0x3F0;
	[tilespmem:s2+$0x0] =	vst v3;
	s2 =	sadd.s32 $0x10, s2;
	s0 =	sadd.s32 $0x10, s0  }
0x47a: {  	s16 =	smov.u32 s8;
	s8 =	sadd.s32 $0x10, s8;
	v3 =	vld [tilespmem:s0+$0x0];
	_ =	sdelay $0x2  }
0x47b: {  	v4 =	vmov s16  }
0x47c: {  	v4 =	vshll.u32 v4, $0x3  }
0x47d: {  	v4 =	vor.u32 v2, v4;
	v5 =	vand.u32 $0xFFFFFFF8, v3;
	v6 =	vadd.s32 $0x1, v3  }
0x47e: {  	v3 =	vand.u32 $0x7, v3;
	v5 =	vadd.s32 v4, v5;
	v7 =	vand.u32 $0xFFFFFFF8, v6  }
0x47f: {  	v3 =	vor.u32 v3, v5;
	v5 =	vand.u32 $0x7, v6;
	v4 =	vadd.s32 v4, v7  }
0x480: {  	v4 =	vor.u32 v5, v4;
	_ =	sdelay $0x3  }
0x481: {  	v5 =	vld.idx.msk [tilespmem:v3+s11+$0x0], $0xffff  }
0x482: {  	v3 =	vld.idx.msk [tilespmem:v4+s11+$0x0], $0xffff  }
.Ltmp22:
0x483: {  	(pc) =	sbr.rel @p1 .LBB2_47-.Ltmp22, $2  }
0x484: {  	_ =	sdelay $0x2  }
0x485: {  	[tilespmem:s2+$0xFFFFFC00] =	vst v5  }
0x486: {  	[tilespmem:s2+$0x0] =	vst v3;
	s0 =	simm.s32 $0x1000  }
0x487: {  	[tilespmem:s11], [sflag:$0x1] =	stream.indirect.gather [hbm4b:s1+s9], $0x8, s0, s9, $0xb8;
	[tilespmem:$0x17000] =	vst v63  }
0x488: {  	s16 =	simm.s32 $0x1080  }
0x489: {  	[tilespmem:s13], [sflag:$0x1] =	stream.indirect.gather [hbm4b:s1+s9], $0x8, s16, s9, $0xb8;
	[tilespmem:$0x17000] =	vst v63  }
0x48a: {  	s18 =	simm.s32 $0x1100  }
0x48b: {  	[tilespmem:s15], [sflag:$0x1] =	stream.indirect.gather [hbm4b:s1+s9], $0x8, s18, s9, $0xb8;
	[tilespmem:$0x17000] =	vst v63  }
0x48c: {  	s31 =	simm.s32 $0x1180  }
0x48d: {  	[tilespmem:s17], [sflag:$0x1] =	stream.indirect.gather [hbm4b:s1+s9], $0x8, s31, s9, $0xb8;
	[tilespmem:$0x17000] =	vst v63  }
0x48e: {  	s2 =	simm.s32 $0x1200  }
0x48f: {  	[tilespmem:s19], [sflag:$0x1] =	stream.indirect.gather [hbm4b:s1+s9], $0x8, s2, s9, $0xb8;
	[tilespmem:$0x17000] =	vst v63  }
0x490: {  	s8 =	simm.s32 $0x1280  }
0x491: {  	[tilespmem:s21], [sflag:$0x1] =	stream.indirect.gather [hbm4b:s1+s9], $0x8, s8, s9, $0xb8;
	[tilespmem:$0x17000] =	vst v63  }
0x492: {  	s16 =	simm.s32 $0x1300  }
0x493: {  	[tilespmem:s23], [sflag:$0x1] =	stream.indirect.gather [hbm4b:s1+s9], $0x8, s16, s9, $0xb8;
	[tilespmem:$0x17000] =	vst v63  }
0x494: {  	s18 =	simm.s32 $0x1380  }
0x495: {  	[tilespmem:s25], [sflag:$0x1] =	stream.indirect.gather [hbm4b:s1+s9], $0x8, s18, s9, $0xb8;
	[tilespmem:$0x17000] =	vst v63  }
0x496: {  	_ =	swait.ge [sflag:s26], $0x400  }
0x497: {  	[sflag:s26] =	ssyncset.done $0x0  }
0x498: {  	[sflag:s26] =	ssyncadd.s32 $0xFFFFFC00  }
0x499: {  	_ =	swait.ge [sflag:s26], $0x400  }
0x49a: {  	[sflag:s26] =	ssyncset.done $0x0  }
0x49b: {  	[sflag:s26] =	ssyncadd.s32 $0xFFFFFC00  }
0x49c: {  	_ =	swait.ge [sflag:s26], $0x400  }
0x49d: {  	[sflag:s26] =	ssyncset.done $0x0  }
0x49e: {  	[sflag:s26] =	ssyncadd.s32 $0xFFFFFC00  }
0x49f: {  	_ =	swait.ge [sflag:s26], $0x400  }
0x4a0: {  	[sflag:s26] =	ssyncset.done $0x0  }
0x4a1: {  	[sflag:s26] =	ssyncadd.s32 $0xFFFFFC00  }
0x4a2: {  	_ =	swait.ge [sflag:s26], $0x400  }
0x4a3: {  	[sflag:s26] =	ssyncset.done $0x0  }
0x4a4: {  	[sflag:s26] =	ssyncadd.s32 $0xFFFFFC00  }
0x4a5: {  	_ =	swait.ge [sflag:s26], $0x400  }
0x4a6: {  	[sflag:s26] =	ssyncset.done $0x0  }
0x4a7: {  	[sflag:s26] =	ssyncadd.s32 $0xFFFFFC00  }
0x4a8: {  	_ =	swait.ge [sflag:s26], $0x400  }
0x4a9: {  	[sflag:s26] =	ssyncset.done $0x0  }
0x4aa: {  	[sflag:s26] =	ssyncadd.s32 $0xFFFFFC00  }
0x4ab: {  	_ =	swait.ge [sflag:s26], $0x400  }
0x4ac: {  	[sflag:s26] =	ssyncset.done $0x0  }
0x4ad: {  	s0 =	simm.s32 $0x2800;
	[sflag:s26] =	ssyncadd.s32 $0xFFFFFC00  }
0x4ae: {  	s31 =	simm.s32 $0x0;
	v3 =	vld [tilespmem:s0+$0x0]  }
0x4af: {  	v4 =	vmov s31  }
0x4b0: {  	v4 =	vshll.u32 v4, $0x3  }
0x4b1: {  	v4 =	vor.u32 v2, v4  }
0x4b2: {  	v4 =	vadd.s32 $0x2000, v4  }
0x4b3: {  	v5 =	vand.u32 $0xFFFFFFF8, v3;
	v6 =	vand.u32 $0x7, v3;
	v3 =	vadd.s32 $0x1, v3  }
0x4b4: {  	v5 =	vadd.s32 v4, v5;
	v63 =	vand.u32 $0xFFFFFFF8, v3  }
0x4b5: {  	v3 =	vand.u32 $0x7, v3;
	v5 =	vor.u32 v6, v5;
	v4 =	vadd.s32 v4, v63  }
0x4b6: {  	v3 =	vor.u32 v3, v4;
	_ =	sdelay $0x3  }
0x4b7: {  	v4 =	vld.idx.msk [tilespmem:v5+s11+$0x0], $0xffff  }
0x4b8: {  	v3 =	vld.idx.msk [tilespmem:v3+s11+$0x0], $0xffff;
	_ =	sdelay $0x2  }
0x4b9: {  	s2 =	simm.s32 $0xD400  }
0x4ba: {  	s8 =	simm.s32 $0x10;
	[tilespmem:s2+$0xFFFFFC00] =	vst v4  }
.LBB2_49:
0x4bb: {  	p1 =	sne.s32 s8, $0x3F0;
	[tilespmem:s2+$0x0] =	vst v3;
	s2 =	sadd.s32 $0x10, s2;
	s0 =	sadd.s32 $0x10, s0  }
0x4bc: {  	s16 =	smov.u32 s8;
	s8 =	sadd.s32 $0x10, s8;
	v3 =	vld [tilespmem:s0+$0x0];
	_ =	sdelay $0x1  }
0x4bd: {  	v4 =	vmov s16  }
0x4be: {  	v4 =	vshll.u32 v4, $0x3  }
0x4bf: {  	v4 =	vor.u32 v2, v4  }
0x4c0: {  	v4 =	vadd.s32 $0x2000, v4;
	v5 =	vand.u32 $0xFFFFFFF8, v3;
	v6 =	vadd.s32 $0x1, v3  }
0x4c1: {  	v3 =	vand.u32 $0x7, v3;
	v5 =	vadd.s32 v4, v5;
	v7 =	vand.u32 $0xFFFFFFF8, v6  }
0x4c2: {  	v3 =	vor.u32 v3, v5;
	v5 =	vand.u32 $0x7, v6;
	v4 =	vadd.s32 v4, v7  }
0x4c3: {  	v4 =	vor.u32 v5, v4;
	_ =	sdelay $0x3  }
0x4c4: {  	v5 =	vld.idx.msk [tilespmem:v3+s11+$0x0], $0xffff  }
0x4c5: {  	v3 =	vld.idx.msk [tilespmem:v4+s11+$0x0], $0xffff  }
.Ltmp23:
0x4c6: {  	(pc) =	sbr.rel @p1 .LBB2_49-.Ltmp23, $2  }
0x4c7: {  	_ =	sdelay $0x2  }
0x4c8: {  	[tilespmem:s2+$0xFFFFFC00] =	vst v5  }
0x4c9: {  	[tilespmem:s2+$0x0] =	vst v3;
	s0 =	simm.s32 $0x1400  }
0x4ca: {  	[tilespmem:s20], [sflag:$0x1] =	stream.indirect.gather [hbm4b:s1+s9], $0x8, s0, s9, $0xb8;
	[tilespmem:$0x17000] =	vst v63  }
0x4cb: {  	s16 =	simm.s32 $0x1480  }
0x4cc: {  	[tilespmem:s22], [sflag:$0x1] =	stream.indirect.gather [hbm4b:s1+s9], $0x8, s16, s9, $0xb8;
	[tilespmem:$0x17000] =	vst v63  }
0x4cd: {  	s18 =	simm.s32 $0x1500  }
0x4ce: {  	[tilespmem:s24], [sflag:$0x1] =	stream.indirect.gather [hbm4b:s1+s9], $0x8, s18, s9, $0xb8;
	[tilespmem:$0x17000] =	vst v63  }
0x4cf: {  	s2 =	simm.s32 $0x6C00;
	s8 =	simm.s32 $0x1580  }
0x4d0: {  	[tilespmem:s2], [sflag:$0x1] =	stream.indirect.gather [hbm4b:s1+s9], $0x8, s8, s9, $0xb8;
	[tilespmem:$0x17000] =	vst v63  }
0x4d1: {  	s16 =	simm.s32 $0x7000;
	s18 =	simm.s32 $0x1600  }
0x4d2: {  	[tilespmem:s16], [sflag:$0x1] =	stream.indirect.gather [hbm4b:s1+s9], $0x8, s18, s9, $0xb8;
	[tilespmem:$0x17000] =	vst v63  }
0x4d3: {  	s2 =	simm.s32 $0x7400;
	s8 =	simm.s32 $0x1680  }
0x4d4: {  	[tilespmem:s2], [sflag:$0x1] =	stream.indirect.gather [hbm4b:s1+s9], $0x8, s8, s9, $0xb8;
	[tilespmem:$0x17000] =	vst v63  }
0x4d5: {  	s16 =	simm.s32 $0x7800;
	s18 =	simm.s32 $0x1700  }
0x4d6: {  	[tilespmem:s16], [sflag:$0x1] =	stream.indirect.gather [hbm4b:s1+s9], $0x8, s18, s9, $0xb8;
	[tilespmem:$0x17000] =	vst v63  }
0x4d7: {  	s8 =	simm.s32 $0x7C00;
	s16 =	simm.s32 $0x1780  }
0x4d8: {  	[tilespmem:s8], [sflag:$0x1] =	stream.indirect.gather [hbm4b:s1+s9], $0x8, s16, s9, $0xb8;
	[tilespmem:$0x17000] =	vst v63  }
0x4d9: {  	_ =	swait.ge [sflag:s26], $0x400  }
0x4da: {  	[sflag:s26] =	ssyncset.done $0x0  }
0x4db: {  	[sflag:s26] =	ssyncadd.s32 $0xFFFFFC00  }
0x4dc: {  	_ =	swait.ge [sflag:s26], $0x400  }
0x4dd: {  	[sflag:s26] =	ssyncset.done $0x0  }
0x4de: {  	[sflag:s26] =	ssyncadd.s32 $0xFFFFFC00  }
0x4df: {  	_ =	swait.ge [sflag:s26], $0x400  }
0x4e0: {  	[sflag:s26] =	ssyncset.done $0x0  }
0x4e1: {  	[sflag:s26] =	ssyncadd.s32 $0xFFFFFC00  }
0x4e2: {  	_ =	swait.ge [sflag:s26], $0x400  }
0x4e3: {  	[sflag:s26] =	ssyncset.done $0x0  }
0x4e4: {  	[sflag:s26] =	ssyncadd.s32 $0xFFFFFC00  }
0x4e5: {  	_ =	swait.ge [sflag:s26], $0x400  }
0x4e6: {  	[sflag:s26] =	ssyncset.done $0x0  }
0x4e7: {  	[sflag:s26] =	ssyncadd.s32 $0xFFFFFC00  }
0x4e8: {  	_ =	swait.ge [sflag:s26], $0x400  }
0x4e9: {  	[sflag:s26] =	ssyncset.done $0x0  }
0x4ea: {  	[sflag:s26] =	ssyncadd.s32 $0xFFFFFC00  }
0x4eb: {  	_ =	swait.ge [sflag:s26], $0x400  }
0x4ec: {  	[sflag:s26] =	ssyncset.done $0x0  }
0x4ed: {  	[sflag:s26] =	ssyncadd.s32 $0xFFFFFC00  }
0x4ee: {  	_ =	swait.ge [sflag:s26], $0x400  }
0x4ef: {  	[sflag:s26] =	ssyncset.done $0x0  }
0x4f0: {  	s0 =	simm.s32 $0x2C00;
	[sflag:s26] =	ssyncadd.s32 $0xFFFFFC00  }
0x4f1: {  	v3 =	vld [tilespmem:s0+$0x0]  }
0x4f2: {  	s18 =	simm.s32 $0x0  }
0x4f3: {  	v4 =	vmov s18  }
0x4f4: {  	v4 =	vshll.u32 v4, $0x3  }
0x4f5: {  	v4 =	vor.u32 v2, v4  }
0x4f6: {  	v5 =	vand.u32 $0xFFFFFFF8, v3;
	v6 =	vand.u32 $0x7, v3;
	v3 =	vadd.s32 $0x1, v3  }
0x4f7: {  	v5 =	vadd.s32 v4, v5;
	v63 =	vand.u32 $0xFFFFFFF8, v3  }
0x4f8: {  	v3 =	vand.u32 $0x7, v3;
	v5 =	vor.u32 v6, v5;
	v4 =	vadd.s32 v4, v63  }
0x4f9: {  	v3 =	vor.u32 v3, v4;
	_ =	sdelay $0x3  }
0x4fa: {  	v4 =	vld.idx.msk [tilespmem:v5+s11+$0x0], $0xffff  }
0x4fb: {  	v3 =	vld.idx.msk [tilespmem:v3+s11+$0x0], $0xffff;
	_ =	sdelay $0x2  }
0x4fc: {  	s2 =	simm.s32 $0xDC00  }
0x4fd: {  	s31 =	simm.s32 $0x16900;
	s8 =	simm.s32 $0x10;
	[tilespmem:s2+$0xFFFFFC00] =	vst v4  }
.LBB2_51:
0x4fe: {  	p1 =	sne.s32 s8, $0x3F0;
	[tilespmem:s2+$0x0] =	vst v3;
	s2 =	sadd.s32 $0x10, s2;
	s0 =	sadd.s32 $0x10, s0  }
0x4ff: {  	s16 =	smov.u32 s8;
	s8 =	sadd.s32 $0x10, s8;
	v3 =	vld [tilespmem:s0+$0x0];
	_ =	sdelay $0x2  }
0x500: {  	v4 =	vmov s16  }
0x501: {  	v4 =	vshll.u32 v4, $0x3  }
0x502: {  	v4 =	vor.u32 v2, v4;
	v5 =	vand.u32 $0xFFFFFFF8, v3;
	v6 =	vadd.s32 $0x1, v3  }
0x503: {  	v3 =	vand.u32 $0x7, v3;
	v5 =	vadd.s32 v4, v5;
	v7 =	vand.u32 $0xFFFFFFF8, v6  }
0x504: {  	v3 =	vor.u32 v3, v5;
	v5 =	vand.u32 $0x7, v6;
	v4 =	vadd.s32 v4, v7  }
0x505: {  	v4 =	vor.u32 v5, v4;
	_ =	sdelay $0x3  }
0x506: {  	v5 =	vld.idx.msk [tilespmem:v3+s11+$0x0], $0xffff  }
0x507: {  	v3 =	vld.idx.msk [tilespmem:v4+s11+$0x0], $0xffff  }
.Ltmp24:
0x508: {  	(pc) =	sbr.rel @p1 .LBB2_51-.Ltmp24, $2  }
0x509: {  	_ =	sdelay $0x2  }
0x50a: {  	[tilespmem:s2+$0xFFFFFC00] =	vst v5  }
0x50b: {  	[tilespmem:s2+$0x0] =	vst v3;
	s0 =	simm.s32 $0x1800  }
0x50c: {  	[tilespmem:s11], [sflag:$0x1] =	stream.indirect.gather [hbm4b:s1+s9], $0x8, s0, s9, $0xb8;
	[tilespmem:$0x17000] =	vst v63  }
0x50d: {  	s2 =	simm.s32 $0x1880  }
0x50e: {  	[tilespmem:s13], [sflag:$0x1] =	stream.indirect.gather [hbm4b:s1+s9], $0x8, s2, s9, $0xb8;
	[tilespmem:$0x17000] =	vst v63  }
0x50f: {  	s8 =	simm.s32 $0x1900  }
0x510: {  	[tilespmem:s15], [sflag:$0x1] =	stream.indirect.gather [hbm4b:s1+s9], $0x8, s8, s9, $0xb8;
	[tilespmem:$0x17000] =	vst v63  }
0x511: {  	s16 =	simm.s32 $0x1980  }
0x512: {  	[tilespmem:s17], [sflag:$0x1] =	stream.indirect.gather [hbm4b:s1+s9], $0x8, s16, s9, $0xb8;
	[tilespmem:$0x17000] =	vst v63  }
0x513: {  	s18 =	simm.s32 $0x1A00  }
0x514: {  	[tilespmem:s19], [sflag:$0x1] =	stream.indirect.gather [hbm4b:s1+s9], $0x8, s18, s9, $0xb8;
	[tilespmem:$0x17000] =	vst v63  }
0x515: {  	s2 =	simm.s32 $0x1A80  }
0x516: {  	[tilespmem:s21], [sflag:$0x1] =	stream.indirect.gather [hbm4b:s1+s9], $0x8, s2, s9, $0xb8;
	[tilespmem:$0x17000] =	vst v63  }
0x517: {  	s8 =	simm.s32 $0x1B00  }
0x518: {  	[tilespmem:s23], [sflag:$0x1] =	stream.indirect.gather [hbm4b:s1+s9], $0x8, s8, s9, $0xb8;
	[tilespmem:$0x17000] =	vst v63  }
0x519: {  	s16 =	simm.s32 $0x1B80  }
0x51a: {  	[tilespmem:s25], [sflag:$0x1] =	stream.indirect.gather [hbm4b:s1+s9], $0x8, s16, s9, $0xb8;
	[tilespmem:$0x17000] =	vst v63  }
0x51b: {  	_ =	swait.ge [sflag:s26], $0x400  }
0x51c: {  	[sflag:s26] =	ssyncset.done $0x0  }
0x51d: {  	[sflag:s26] =	ssyncadd.s32 $0xFFFFFC00  }
0x51e: {  	_ =	swait.ge [sflag:s26], $0x400  }
0x51f: {  	[sflag:s26] =	ssyncset.done $0x0  }
0x520: {  	[sflag:s26] =	ssyncadd.s32 $0xFFFFFC00  }
0x521: {  	_ =	swait.ge [sflag:s26], $0x400  }
0x522: {  	[sflag:s26] =	ssyncset.done $0x0  }
0x523: {  	[sflag:s26] =	ssyncadd.s32 $0xFFFFFC00  }
0x524: {  	_ =	swait.ge [sflag:s26], $0x400  }
0x525: {  	[sflag:s26] =	ssyncset.done $0x0  }
0x526: {  	[sflag:s26] =	ssyncadd.s32 $0xFFFFFC00  }
0x527: {  	_ =	swait.ge [sflag:s26], $0x400  }
0x528: {  	[sflag:s26] =	ssyncset.done $0x0  }
0x529: {  	[sflag:s26] =	ssyncadd.s32 $0xFFFFFC00  }
0x52a: {  	_ =	swait.ge [sflag:s26], $0x400  }
0x52b: {  	[sflag:s26] =	ssyncset.done $0x0  }
0x52c: {  	[sflag:s26] =	ssyncadd.s32 $0xFFFFFC00  }
0x52d: {  	_ =	swait.ge [sflag:s26], $0x400  }
0x52e: {  	[sflag:s26] =	ssyncset.done $0x0  }
0x52f: {  	[sflag:s26] =	ssyncadd.s32 $0xFFFFFC00  }
0x530: {  	_ =	swait.ge [sflag:s26], $0x400  }
0x531: {  	[sflag:s26] =	ssyncset.done $0x0  }
0x532: {  	s0 =	simm.s32 $0x3000;
	[sflag:s26] =	ssyncadd.s32 $0xFFFFFC00  }
0x533: {  	s18 =	simm.s32 $0x0;
	v3 =	vld [tilespmem:s0+$0x0]  }
0x534: {  	v4 =	vmov s18  }
0x535: {  	v4 =	vshll.u32 v4, $0x3  }
0x536: {  	v4 =	vor.u32 v2, v4  }
0x537: {  	v4 =	vadd.s32 $0x2000, v4  }
0x538: {  	v5 =	vand.u32 $0xFFFFFFF8, v3;
	v6 =	vand.u32 $0x7, v3;
	v3 =	vadd.s32 $0x1, v3  }
0x539: {  	v5 =	vadd.s32 v4, v5;
	v63 =	vand.u32 $0xFFFFFFF8, v3  }
0x53a: {  	v3 =	vand.u32 $0x7, v3;
	v5 =	vor.u32 v6, v5;
	v4 =	vadd.s32 v4, v63  }
0x53b: {  	v3 =	vor.u32 v3, v4;
	_ =	sdelay $0x3  }
0x53c: {  	v4 =	vld.idx.msk [tilespmem:v5+s11+$0x0], $0xffff  }
0x53d: {  	v3 =	vld.idx.msk [tilespmem:v3+s11+$0x0], $0xffff;
	_ =	sdelay $0x2  }
0x53e: {  	s2 =	simm.s32 $0xE400  }
0x53f: {  	s8 =	simm.s32 $0x10;
	[tilespmem:s2+$0xFFFFFC00] =	vst v4  }
.LBB2_53:
0x540: {  	p1 =	sne.s32 s8, $0x3F0;
	[tilespmem:s2+$0x0] =	vst v3;
	s2 =	sadd.s32 $0x10, s2;
	s0 =	sadd.s32 $0x10, s0  }
0x541: {  	s16 =	smov.u32 s8;
	s8 =	sadd.s32 $0x10, s8;
	v3 =	vld [tilespmem:s0+$0x0];
	_ =	sdelay $0x1  }
0x542: {  	v4 =	vmov s16  }
0x543: {  	v4 =	vshll.u32 v4, $0x3  }
0x544: {  	v4 =	vor.u32 v2, v4  }
0x545: {  	v4 =	vadd.s32 $0x2000, v4;
	v5 =	vand.u32 $0xFFFFFFF8, v3;
	v6 =	vadd.s32 $0x1, v3  }
0x546: {  	v3 =	vand.u32 $0x7, v3;
	v5 =	vadd.s32 v4, v5;
	v7 =	vand.u32 $0xFFFFFFF8, v6  }
0x547: {  	v3 =	vor.u32 v3, v5;
	v5 =	vand.u32 $0x7, v6;
	v4 =	vadd.s32 v4, v7  }
0x548: {  	v4 =	vor.u32 v5, v4;
	_ =	sdelay $0x3  }
0x549: {  	v5 =	vld.idx.msk [tilespmem:v3+s11+$0x0], $0xffff  }
0x54a: {  	v3 =	vld.idx.msk [tilespmem:v4+s11+$0x0], $0xffff  }
.Ltmp25:
0x54b: {  	(pc) =	sbr.rel @p1 .LBB2_53-.Ltmp25, $2  }
0x54c: {  	_ =	sdelay $0x2  }
0x54d: {  	[tilespmem:s2+$0xFFFFFC00] =	vst v5  }
0x54e: {  	[tilespmem:s2+$0x0] =	vst v3;
	s0 =	simm.s32 $0x1C00  }
0x54f: {  	[tilespmem:s20], [sflag:$0x1] =	stream.indirect.gather [hbm4b:s1+s9], $0x8, s0, s9, $0xb8;
	[tilespmem:$0x17000] =	vst v63  }
0x550: {  	s8 =	simm.s32 $0x1C80  }
0x551: {  	[tilespmem:s22], [sflag:$0x1] =	stream.indirect.gather [hbm4b:s1+s9], $0x8, s8, s9, $0xb8;
	[tilespmem:$0x17000] =	vst v63  }
0x552: {  	s16 =	simm.s32 $0x1D00  }
0x553: {  	[tilespmem:s24], [sflag:$0x1] =	stream.indirect.gather [hbm4b:s1+s9], $0x8, s16, s9, $0xb8;
	[tilespmem:$0x17000] =	vst v63  }
0x554: {  	s18 =	simm.s32 $0x6C00;
	s20 =	simm.s32 $0x1D80  }
0x555: {  	[tilespmem:s18], [sflag:$0x1] =	stream.indirect.gather [hbm4b:s1+s9], $0x8, s20, s9, $0xb8;
	[tilespmem:$0x17000] =	vst v63  }
0x556: {  	s22 =	simm.s32 $0x7000;
	s24 =	simm.s32 $0x1E00  }
0x557: {  	[tilespmem:s22], [sflag:$0x1] =	stream.indirect.gather [hbm4b:s1+s9], $0x8, s24, s9, $0xb8;
	[tilespmem:$0x17000] =	vst v63  }
0x558: {  	s2 =	simm.s32 $0x7400;
	s8 =	simm.s32 $0x1E80  }
0x559: {  	[tilespmem:s2], [sflag:$0x1] =	stream.indirect.gather [hbm4b:s1+s9], $0x8, s8, s9, $0xb8;
	[tilespmem:$0x17000] =	vst v63  }
0x55a: {  	s16 =	simm.s32 $0x7800;
	s18 =	simm.s32 $0x1F00  }
0x55b: {  	[tilespmem:s16], [sflag:$0x1] =	stream.indirect.gather [hbm4b:s1+s9], $0x8, s18, s9, $0xb8;
	[tilespmem:$0x17000] =	vst v63  }
0x55c: {  	s20 =	simm.s32 $0x7C00;
	s22 =	simm.s32 $0x1F80  }
0x55d: {  	[tilespmem:s20], [sflag:$0x1] =	stream.indirect.gather [hbm4b:s1+s9], $0x8, s22, s9, $0xb8;
	[tilespmem:$0x17000] =	vst v63  }
0x55e: {  	_ =	swait.ge [sflag:s26], $0x400  }
0x55f: {  	[sflag:s26] =	ssyncset.done $0x0  }
0x560: {  	[sflag:s26] =	ssyncadd.s32 $0xFFFFFC00  }
0x561: {  	_ =	swait.ge [sflag:s26], $0x400  }
0x562: {  	[sflag:s26] =	ssyncset.done $0x0  }
0x563: {  	[sflag:s26] =	ssyncadd.s32 $0xFFFFFC00  }
0x564: {  	_ =	swait.ge [sflag:s26], $0x400  }
0x565: {  	[sflag:s26] =	ssyncset.done $0x0  }
0x566: {  	[sflag:s26] =	ssyncadd.s32 $0xFFFFFC00  }
0x567: {  	_ =	swait.ge [sflag:s26], $0x400  }
0x568: {  	[sflag:s26] =	ssyncset.done $0x0  }
0x569: {  	[sflag:s26] =	ssyncadd.s32 $0xFFFFFC00  }
0x56a: {  	_ =	swait.ge [sflag:s26], $0x400  }
0x56b: {  	[sflag:s26] =	ssyncset.done $0x0  }
0x56c: {  	[sflag:s26] =	ssyncadd.s32 $0xFFFFFC00  }
0x56d: {  	_ =	swait.ge [sflag:s26], $0x400  }
0x56e: {  	[sflag:s26] =	ssyncset.done $0x0  }
0x56f: {  	[sflag:s26] =	ssyncadd.s32 $0xFFFFFC00  }
0x570: {  	_ =	swait.ge [sflag:s26], $0x400  }
0x571: {  	[sflag:s26] =	ssyncset.done $0x0  }
0x572: {  	[sflag:s26] =	ssyncadd.s32 $0xFFFFFC00  }
0x573: {  	_ =	swait.ge [sflag:s26], $0x400  }
0x574: {  	[sflag:s26] =	ssyncset.done $0x0  }
0x575: {  	s0 =	simm.s32 $0x3400;
	[sflag:s26] =	ssyncadd.s32 $0xFFFFFC00  }
0x576: {  	v3 =	vld [tilespmem:s0+$0x0]  }
0x577: {  	s24 =	simm.s32 $0x0  }
0x578: {  	v4 =	vmov s24  }
0x579: {  	v4 =	vshll.u32 v4, $0x3  }
0x57a: {  	v4 =	vor.u32 v2, v4  }
0x57b: {  	v5 =	vand.u32 $0xFFFFFFF8, v3;
	v6 =	vand.u32 $0x7, v3;
	v3 =	vadd.s32 $0x1, v3  }
0x57c: {  	v5 =	vadd.s32 v4, v5;
	v63 =	vand.u32 $0xFFFFFFF8, v3  }
0x57d: {  	v3 =	vand.u32 $0x7, v3;
	v5 =	vor.u32 v6, v5;
	v4 =	vadd.s32 v4, v63  }
0x57e: {  	v3 =	vor.u32 v3, v4;
	_ =	sdelay $0x3  }
0x57f: {  	v4 =	vld.idx.msk [tilespmem:v5+s11+$0x0], $0xffff  }
0x580: {  	v3 =	vld.idx.msk [tilespmem:v3+s11+$0x0], $0xffff;
	_ =	sdelay $0x2  }
0x581: {  	s2 =	simm.s32 $0xEC00  }
0x582: {  	s8 =	simm.s32 $0x10;
	[tilespmem:s2+$0xFFFFFC00] =	vst v4  }
.LBB2_55:
0x583: {  	p1 =	sne.s32 s8, $0x3F0;
	[tilespmem:s2+$0x0] =	vst v3;
	s2 =	sadd.s32 $0x10, s2;
	s0 =	sadd.s32 $0x10, s0  }
0x584: {  	s16 =	smov.u32 s8;
	s8 =	sadd.s32 $0x10, s8;
	v3 =	vld [tilespmem:s0+$0x0];
	_ =	sdelay $0x2  }
0x585: {  	v4 =	vmov s16  }
0x586: {  	v4 =	vshll.u32 v4, $0x3  }
0x587: {  	v4 =	vor.u32 v2, v4;
	v5 =	vand.u32 $0xFFFFFFF8, v3;
	v6 =	vadd.s32 $0x1, v3  }
0x588: {  	v3 =	vand.u32 $0x7, v3;
	v5 =	vadd.s32 v4, v5;
	v7 =	vand.u32 $0xFFFFFFF8, v6  }
0x589: {  	v3 =	vor.u32 v3, v5;
	v5 =	vand.u32 $0x7, v6;
	v4 =	vadd.s32 v4, v7  }
0x58a: {  	v4 =	vor.u32 v5, v4;
	_ =	sdelay $0x3  }
0x58b: {  	v5 =	vld.idx.msk [tilespmem:v3+s11+$0x0], $0xffff  }
0x58c: {  	v3 =	vld.idx.msk [tilespmem:v4+s11+$0x0], $0xffff  }
.Ltmp26:
0x58d: {  	(pc) =	sbr.rel @p1 .LBB2_55-.Ltmp26, $2  }
0x58e: {  	_ =	sdelay $0x2  }
0x58f: {  	[tilespmem:s2+$0xFFFFFC00] =	vst v5  }
0x590: {  	[tilespmem:s2+$0x0] =	vst v3;
	s0 =	simm.s32 $0x2000  }
0x591: {  	[tilespmem:s11], [sflag:$0x1] =	stream.indirect.gather [hbm4b:s1+s9], $0x8, s0, s9, $0xb8;
	[tilespmem:$0x17000] =	vst v63  }
0x592: {  	s24 =	simm.s32 $0x2080  }
0x593: {  	[tilespmem:s13], [sflag:$0x1] =	stream.indirect.gather [hbm4b:s1+s9], $0x8, s24, s9, $0xb8;
	[tilespmem:$0x17000] =	vst v63  }
0x594: {  	s2 =	simm.s32 $0x2100  }
0x595: {  	[tilespmem:s15], [sflag:$0x1] =	stream.indirect.gather [hbm4b:s1+s9], $0x8, s2, s9, $0xb8;
	[tilespmem:$0x17000] =	vst v63  }
0x596: {  	s8 =	simm.s32 $0x2180  }
0x597: {  	[tilespmem:s17], [sflag:$0x1] =	stream.indirect.gather [hbm4b:s1+s9], $0x8, s8, s9, $0xb8;
	[tilespmem:$0x17000] =	vst v63  }
0x598: {  	s16 =	simm.s32 $0x2200  }
0x599: {  	[tilespmem:s19], [sflag:$0x1] =	stream.indirect.gather [hbm4b:s1+s9], $0x8, s16, s9, $0xb8;
	[tilespmem:$0x17000] =	vst v63  }
0x59a: {  	s18 =	simm.s32 $0x2280  }
0x59b: {  	[tilespmem:s21], [sflag:$0x1] =	stream.indirect.gather [hbm4b:s1+s9], $0x8, s18, s9, $0xb8;
	[tilespmem:$0x17000] =	vst v63  }
0x59c: {  	s20 =	simm.s32 $0x2300  }
0x59d: {  	[tilespmem:s23], [sflag:$0x1] =	stream.indirect.gather [hbm4b:s1+s9], $0x8, s20, s9, $0xb8;
	[tilespmem:$0x17000] =	vst v63  }
0x59e: {  	s22 =	simm.s32 $0x2380  }
0x59f: {  	[tilespmem:s25], [sflag:$0x1] =	stream.indirect.gather [hbm4b:s1+s9], $0x8, s22, s9, $0xb8;
	[tilespmem:$0x17000] =	vst v63  }
0x5a0: {  	_ =	swait.ge [sflag:s26], $0x400  }
0x5a1: {  	[sflag:s26] =	ssyncset.done $0x0  }
0x5a2: {  	[sflag:s26] =	ssyncadd.s32 $0xFFFFFC00  }
0x5a3: {  	_ =	swait.ge [sflag:s26], $0x400  }
0x5a4: {  	[sflag:s26] =	ssyncset.done $0x0  }
0x5a5: {  	[sflag:s26] =	ssyncadd.s32 $0xFFFFFC00  }
0x5a6: {  	_ =	swait.ge [sflag:s26], $0x400  }
0x5a7: {  	[sflag:s26] =	ssyncset.done $0x0  }
0x5a8: {  	[sflag:s26] =	ssyncadd.s32 $0xFFFFFC00  }
0x5a9: {  	_ =	swait.ge [sflag:s26], $0x400  }
0x5aa: {  	[sflag:s26] =	ssyncset.done $0x0  }
0x5ab: {  	[sflag:s26] =	ssyncadd.s32 $0xFFFFFC00  }
0x5ac: {  	_ =	swait.ge [sflag:s26], $0x400  }
0x5ad: {  	[sflag:s26] =	ssyncset.done $0x0  }
0x5ae: {  	[sflag:s26] =	ssyncadd.s32 $0xFFFFFC00  }
0x5af: {  	_ =	swait.ge [sflag:s26], $0x400  }
0x5b0: {  	[sflag:s26] =	ssyncset.done $0x0  }
0x5b1: {  	[sflag:s26] =	ssyncadd.s32 $0xFFFFFC00  }
0x5b2: {  	_ =	swait.ge [sflag:s26], $0x400  }
0x5b3: {  	[sflag:s26] =	ssyncset.done $0x0  }
0x5b4: {  	[sflag:s26] =	ssyncadd.s32 $0xFFFFFC00  }
0x5b5: {  	_ =	swait.ge [sflag:s26], $0x400  }
0x5b6: {  	[sflag:s26] =	ssyncset.done $0x0  }
0x5b7: {  	s0 =	simm.s32 $0x3800;
	[sflag:s26] =	ssyncadd.s32 $0xFFFFFC00  }
0x5b8: {  	s24 =	simm.s32 $0x0;
	v3 =	vld [tilespmem:s0+$0x0]  }
0x5b9: {  	v4 =	vmov s24  }
0x5ba: {  	v4 =	vshll.u32 v4, $0x3  }
0x5bb: {  	v4 =	vor.u32 v2, v4  }
0x5bc: {  	v4 =	vadd.s32 $0x2000, v4  }
0x5bd: {  	v5 =	vand.u32 $0xFFFFFFF8, v3;
	v6 =	vand.u32 $0x7, v3;
	v3 =	vadd.s32 $0x1, v3  }
0x5be: {  	v5 =	vadd.s32 v4, v5;
	v63 =	vand.u32 $0xFFFFFFF8, v3  }
0x5bf: {  	v3 =	vand.u32 $0x7, v3;
	v5 =	vor.u32 v6, v5;
	v4 =	vadd.s32 v4, v63  }
0x5c0: {  	v3 =	vor.u32 v3, v4;
	_ =	sdelay $0x3  }
0x5c1: {  	v4 =	vld.idx.msk [tilespmem:v5+s11+$0x0], $0xffff  }
0x5c2: {  	v3 =	vld.idx.msk [tilespmem:v3+s11+$0x0], $0xffff;
	_ =	sdelay $0x2  }
0x5c3: {  	s2 =	simm.s32 $0xF400  }
0x5c4: {  	s8 =	simm.s32 $0x10;
	[tilespmem:s2+$0xFFFFFC00] =	vst v4  }
.LBB2_57:
0x5c5: {  	p1 =	sne.s32 s8, $0x3F0;
	[tilespmem:s2+$0x0] =	vst v3;
	s2 =	sadd.s32 $0x10, s2;
	s0 =	sadd.s32 $0x10, s0  }
0x5c6: {  	s16 =	smov.u32 s8;
	s8 =	sadd.s32 $0x10, s8;
	v3 =	vld [tilespmem:s0+$0x0];
	_ =	sdelay $0x1  }
0x5c7: {  	v4 =	vmov s16  }
0x5c8: {  	v4 =	vshll.u32 v4, $0x3  }
0x5c9: {  	v4 =	vor.u32 v2, v4  }
0x5ca: {  	v4 =	vadd.s32 $0x2000, v4;
	v5 =	vand.u32 $0xFFFFFFF8, v3;
	v6 =	vadd.s32 $0x1, v3  }
0x5cb: {  	v3 =	vand.u32 $0x7, v3;
	v5 =	vadd.s32 v4, v5;
	v7 =	vand.u32 $0xFFFFFFF8, v6  }
0x5cc: {  	v3 =	vor.u32 v3, v5;
	v5 =	vand.u32 $0x7, v6;
	v4 =	vadd.s32 v4, v7  }
0x5cd: {  	v4 =	vor.u32 v5, v4;
	_ =	sdelay $0x3  }
0x5ce: {  	v5 =	vld.idx.msk [tilespmem:v3+s11+$0x0], $0xffff  }
0x5cf: {  	v3 =	vld.idx.msk [tilespmem:v4+s11+$0x0], $0xffff  }
.Ltmp27:
0x5d0: {  	(pc) =	sbr.rel @p1 .LBB2_57-.Ltmp27, $2  }
0x5d1: {  	_ =	sdelay $0x2  }
0x5d2: {  	[tilespmem:s2+$0xFFFFFC00] =	vst v5  }
0x5d3: {  	[tilespmem:s2+$0x0] =	vst v3  }
0x5d4: {  	_ =	swait.ge [sflag:s26], $0x400  }
0x5d5: {  	[sflag:s26] =	ssyncset.done $0x0  }
0x5d6: {  	[sflag:s26] =	ssyncadd.s32 $0xFFFFFC00  }
0x5d7: {  	_ =	swait.ge [sflag:s26], $0x400  }
0x5d8: {  	[sflag:s26] =	ssyncset.done $0x0  }
0x5d9: {  	[sflag:s26] =	ssyncadd.s32 $0xFFFFFC00  }
0x5da: {  	_ =	swait.ge [sflag:s26], $0x400  }
0x5db: {  	[sflag:s26] =	ssyncset.done $0x0  }
0x5dc: {  	[sflag:s26] =	ssyncadd.s32 $0xFFFFFC00  }
0x5dd: {  	_ =	swait.ge [sflag:s26], $0x400  }
0x5de: {  	[sflag:s26] =	ssyncset.done $0x0  }
0x5df: {  	[sflag:s26] =	ssyncadd.s32 $0xFFFFFC00  }
0x5e0: {  	_ =	swait.ge [sflag:s26], $0x400  }
0x5e1: {  	[sflag:s26] =	ssyncset.done $0x0  }
0x5e2: {  	[sflag:s26] =	ssyncadd.s32 $0xFFFFFC00  }
0x5e3: {  	_ =	swait.ge [sflag:s26], $0x400  }
0x5e4: {  	[sflag:s26] =	ssyncset.done $0x0  }
0x5e5: {  	[sflag:s26] =	ssyncadd.s32 $0xFFFFFC00  }
0x5e6: {  	_ =	swait.ge [sflag:s26], $0x400  }
0x5e7: {  	[sflag:s26] =	ssyncset.done $0x0  }
0x5e8: {  	[sflag:s26] =	ssyncadd.s32 $0xFFFFFC00  }
0x5e9: {  	_ =	swait.ge [sflag:s26], $0x400  }
0x5ea: {  	[sflag:s26] =	ssyncset.done $0x0  }
0x5eb: {  	s0 =	simm.s32 $0x3C00;
	[sflag:s26] =	ssyncadd.s32 $0xFFFFFC00  }
0x5ec: {  	v3 =	vld [tilespmem:s0+$0x0]  }
0x5ed: {  	s24 =	simm.s32 $0x0  }
0x5ee: {  	v4 =	vmov s24  }
0x5ef: {  	v4 =	vshll.u32 v4, $0x3  }
0x5f0: {  	v4 =	vor.u32 v2, v4  }
0x5f1: {  	v5 =	vand.u32 $0xFFFFFFF8, v3;
	v6 =	vand.u32 $0x7, v3;
	v3 =	vadd.s32 $0x1, v3  }
0x5f2: {  	v5 =	vadd.s32 v4, v5;
	v63 =	vand.u32 $0xFFFFFFF8, v3  }
0x5f3: {  	v3 =	vand.u32 $0x7, v3;
	v5 =	vor.u32 v6, v5;
	v4 =	vadd.s32 v4, v63  }
0x5f4: {  	v3 =	vor.u32 v3, v4;
	_ =	sdelay $0x3  }
0x5f5: {  	v4 =	vld.idx.msk [tilespmem:v5+s11+$0x0], $0xffff  }
0x5f6: {  	v3 =	vld.idx.msk [tilespmem:v3+s11+$0x0], $0xffff;
	_ =	sdelay $0x2  }
0x5f7: {  	s2 =	simm.s32 $0xFC00  }
0x5f8: {  	s8 =	simm.s32 $0x10;
	[tilespmem:s2+$0xFFFFFC00] =	vst v4  }
.LBB2_59:
0x5f9: {  	p1 =	sne.s32 s8, $0x3F0;
	[tilespmem:s2+$0x0] =	vst v3;
	s2 =	sadd.s32 $0x10, s2;
	s0 =	sadd.s32 $0x10, s0  }
0x5fa: {  	s16 =	smov.u32 s8;
	s8 =	sadd.s32 $0x10, s8;
	v3 =	vld [tilespmem:s0+$0x0];
	_ =	sdelay $0x2  }
0x5fb: {  	v4 =	vmov s16  }
0x5fc: {  	v4 =	vshll.u32 v4, $0x3  }
0x5fd: {  	v4 =	vor.u32 v2, v4;
	v5 =	vand.u32 $0xFFFFFFF8, v3;
	v6 =	vadd.s32 $0x1, v3  }
0x5fe: {  	v3 =	vand.u32 $0x7, v3;
	v5 =	vadd.s32 v4, v5;
	v7 =	vand.u32 $0xFFFFFFF8, v6  }
0x5ff: {  	v3 =	vor.u32 v3, v5;
	v5 =	vand.u32 $0x7, v6;
	v4 =	vadd.s32 v4, v7  }
0x600: {  	v4 =	vor.u32 v5, v4;
	_ =	sdelay $0x3  }
0x601: {  	v5 =	vld.idx.msk [tilespmem:v3+s11+$0x0], $0xffff  }
0x602: {  	v3 =	vld.idx.msk [tilespmem:v4+s11+$0x0], $0xffff  }
.Ltmp28:
0x603: {  	(pc) =	sbr.rel @p1 .LBB2_59-.Ltmp28, $2  }
0x604: {  	_ =	sdelay $0x2  }
0x605: {  	[tilespmem:s2+$0xFFFFFC00] =	vst v5  }
0x606: {  	s0 =	sshrl.u32 s14, $0x3  }
0x607: {  	s18 =	rddreg [dreg:$0x4];
	s20 =	simm.s32 $0x400;
	s12 =	sadd.s32 $0x1, s12  }
0x608: {  	s8 =	simm.s32 $0x40000;
	s22 =	simm.s32 $0x8000;
	p1 =	sne.s32 s12, $0x8  }
.Ltmp29:
0x609: {  	[tilespmem:s2+$0x0] =	vst v3;
	s24 =	simm.s32 $0x3;
	s0 =	sadd.s32 s18, s0;
	(pc) =	sbr.rel @p1 .LBB2_42-.Ltmp29, $4  }
0x60a: {  	[hbm4b:s0+s20] =	stream.strided.scatter [tilespmem:s22], [sflag:$0x3], $0x8000, s8, s20, $0x38;
	[tilespmem:$0x17000] =	vst v63  }
0x60b: {  	_ =	swait.ge [sflag:s24], $0x8000  }
0x60c: {  	[sflag:s24] =	ssyncset.done $0x0  }
0x60d: {  	p0 =	por !p0, !p0;
	[sflag:s24] =	ssyncadd.s32 $0xFFFF8000  }
0x60e: {  	s2 =	rddreg [dreg:$0x8]  }
0x60f: {  	s0 =	rddreg [dreg:$0x6];
	s2 =	sadd.s32 $0x1, s2  }
0x610: {  	p0 =	sne.s32 s2, s0  }
.Ltmp30:
0x611: {  	_ = 	snop;
	(pc) =	sbr.rel @p0 .LBB2_1-.Ltmp30, $2  }
0x612: {  	_ =	sdelay $0x2  }
0x613: {  	s22 =	simm.s32 $0x16980;
	s24 =	simm.s32 $0x16B00  }
0x614: {  	_ =	sfence.sel $0x180000  }
0x615: {  	[bflag:$0x0] =	sbarrier.arrive $0xFFFF  }
0x616: {  	_ =	strace $0x90000047  }
0x617: {  	s0 =	stileid.u32;
	[bflag:$0x2] =	sbarrier.arrive $0xFFFF  }
0x618: {  	p0 =	sne.s32 s0, $0x0;
	s0 =	rddreg [dreg:$0x2]  }
0x619: {  	s0 =	sadd.s32 @!p0 $0x100000, s0  }
0x61a: {  	[sflag:s0] =	ssyncadd.tile.s32 @!p0 $0x1;
	_ =	shalt  }
.Lfunc_end2:
_tile_overlayer_lowered:
.L_overlay_start_2:
0x61b: {  	(tag) =	ssettag $0x2  }
0x61c: {  	s0 =	rddreg [dreg:$0x0];
	s2 =	stileid.u32  }
0x61d: {  	s1 =	rddreg [dreg:$0x1];
	p0 =	sne.s32 s2, $0x0  }
0x61e: {  	s3 =	rddreg [dreg:$0x2];
	[bflag:$0x3] =	sbarrier.arrive $0xFFFF;
	s2 =	simm.s32 @!p0 $0x1C03  }
0x61f: {  	[timem:s3], [sflag:s2] =	dma.local @!p0 [hbm:s0], s1  }
0x620: {  	s0 =	simm.s32 @!p0 $0x3  }
0x621: {  	_ =	swait.ge @!p0 [sflag:s0], s1  }
0x622: {  	s1 =	ssub.s32 @!p0 $0x0, s1;
	[sflag:s0] =	ssyncset.done @!p0 $0x0  }
0x623: {  	[sflag:s0] =	ssyncadd.s32 @!p0 s1  }
0x624: {  	[bflag:$0x3] =	sbarrier.arrive $0xFFFF  }
0x625: {  	_ =	shalt  }

// kernel: sparse-core-data-format-call.cloned.1.call-start
scs
called_computation_lowered:
.L_overlay_start_0:
0x0: {  	s2 =	sld [smem:$0x3FD9]  }
0x1: {  	s3 =	sld [smem:$0x3FFE];
	_ =	sdelay $0x1  }
0x2: {  	s1 =	srdreg.scid  }
0x3: {  	s0 =	sand.u32 $0x1, s1  }
0x4: {  	s18 =	sshll.u32 s0, $0xA;
	s2 =	sadd.s32 s3, s2  }
0x5: {  	s2 =	sadd.s32 s2, s18  }
0x6: {  	[smem:$0x3FC6] =	sst s2  }
0x7: {  	_ = 	snop  }
0x8: {  	s2 =	sld [smem:$0x3FD0];
	(tm) =	ssettm $0x1  }
0x9: {  	s19 =	sld [smem:$0x3FFB];
	_ =	sdelay $0x3  }
0xa: {  	_ =	strace s19  }
0xb: {  	s3 =	sld [smem:$0x3FFC];
	_ =	sdelay $0x3  }
0xc: {  	_ =	strace s3  }
0xd: {  	s3 =	sld [smem:$0x3FFD];
	_ =	sdelay $0x3  }
0xe: {  	_ =	strace s3  }
0xf: {  	_ =	strace $0x8FFFFFFF  }
0x10: {  	s20 =	sld [smem:$0x3FDB];
	_ =	sdelay $0x1  }
0x11: {  	s4 =	simm.s32 $_scs_section_size  }
0x12: {  	s5 =	simm.s32 $_size__tile_overlayer_lowered;
	s6 =	simm.s32 $_tile_overlayer_lowered  }
0x13: {  	s23 =	simm.s32 $0x1BFF;
	s22 =	sshll.u32 s6, $0x1;
	s3 =	sadd.s32 s4, s20  }
0x14: {  	s7 =	simm.s32 $0x0;
	s21 =	sshll.u32 s5, $0x1;
	s5 =	sadd.s32 s22, s3  }
0x15: {  	[timem:s7], [sflag:s23] =	dma.local [hbm:s5], s21  }
0x16: {  	_ =	swait.ge [sflag:s23], s21  }
0x17: {  	s4 =	ssub.s32 $0x0, s21;
	[sflag:s23] =	ssyncset.done $0x0  }
0x18: {  	[sflag:s23] =	ssyncadd.s32 s4;
	_ =	sdelay $0x1  }
0x19: {  	s24 =	simm.s32 $0x1B8B  }
0x1a: {  	_ =	swait.ge [sflag:s24], $0x1  }
0x1b: {  	[sflag:s24] =	ssyncset.done $0x0  }
0x1c: {  	s26 =	simm.s32 $0x1B8E;
	s25 =	sld [smem:$0x3FFE];
	[sflag:s24] =	ssyncadd.s32 $0xFFFFFFFF  }
0x1d: {  	s27 =	simm.s32 $execute0_lowered;
	[smem:$0x3FD2] =	sst s26  }
0x1e: {  	s5 =	sshll.u32 s27, $0x1;
	_ =	strace $0x80000049;
	[dreg:$0x1] =	wrdreg $0xFFFFFFFF  }
0x1f: {  	s28 =	simm.s32 $_size_execute0_lowered;
	s3 =	sadd.s32 s3, s5;
	[dreg:$0x0] =	wrdreg $0x0  }
0x20: {  	s5 =	sshll.u32 s28, $0x1;
	[dreg:$0x2] =	wrdreg s3  }
0x21: {  	[dreg:$0x3] =	wrdreg s5  }
0x22: {  	[dreg:$0x4] =	wrdreg $0xC0  }
0x23: {  	_ =	task [dreg:s7], $0x5FFFF  }
0x24: {  	[dreg:$0x1] =	wrdreg $0xFFFFFFFF  }
0x25: {  	[dreg:$0x0] =	wrdreg $0x60  }
0x26: {  	[dreg:$0x2] =	wrdreg s25  }
0x27: {  	[dreg:$0x3] =	wrdreg s2  }
0x28: {  	[dreg:$0x4] =	wrdreg $0x9  }
0x29: {  	_ =	task.clear_ibuf [dreg:s7], $0x5FFFF;
	_ =	strace $0x90000049  }
0x2a: {  	s29 =	simm.s32 $0x9;
	_ =	strace $0x8000004B  }
0x2b: {  	_ =	swait.ge [sflag:s29], $0x1  }
0x2c: {  	[sflag:s29] =	ssyncadd.s32 $0xFFFFFFFF  }
0x2d: {  	_ =	strace $0x9000004B  }
0x2e: {  	_ =	sfence  }
0x2f: {  	s30 =	sld [smem:$0x0];
	_ =	sdelay $0x2  }
0x30: {  	s31 =	sshll.u32 s1, $0xD;
	s1 =	sshrl.u32 s1, $0x2  }
0x31: {  	s3 =	sand.u32 $0x4000, s31;
	s1 =	sadd.s32 s1, s30  }
0x32: {  	s0 =	sor.u32 s3, s0;
	s1 =	sshll.u32 s1, $0x11  }
0x33: {  	s0 =	sor.u32 s1, s0  }
0x34: {  	s0 =	sadd.s32 $0x8F2B, s0  }
0x35: {  	[sflag:s0] =	ssyncadd.remote.s32 $0x1  }
0x36: {  	_ =	sfence.sel $0xFFFF  }
0x37: {  	[dreg:$0x0] =	wrdreg $0xFFFFFFFF;
	(pc) =	sbr.abs _section_cstart, $3  }
0x38: {  	[dreg:$0x1] =	wrdreg $0xFFFFFFFF  }
0x39: {  	_ =	task.clear_ibuf [dreg:s7], $0x2FFFF;
	_ =	strace $0x9FFFFFFF  }
0x3a: {  	(tm) =	ssettm $0x7FFFFFFF  }
0x3b: {  	_ =	shalt  }
tec
execute0_lowered:
.L_overlay_start_1:
0x0: {  	(tag) =	ssettag $0x1  }
0x1: {  	s0 =	stileid.u32  }
0x2: {  	s1 =	srdreg.scid;
	s7 =	rddreg [dreg:$0x0];
	s31 =	simm.s32 $0x2  }
0x3: {  	s15 =	simm.s32 $0x0;
	s10 =	simm.s32 $0x0;
	s16 =	simm.s32 $0x0  }
0x4: {  	s17 =	simm.s32 $0x0;
	s12 =	simm.s32 $0x0;
	s14 =	simm.s32 $0x0  }
0x5: {  	s2 =	sshll.u32 s0, $0x3;
	s3 =	sshll.u32 s0, $0x7;
	s4 =	sshll.u32 s1, $0xB  }
0x6: {  	s7 =	sadd.s32 $0x800, s7;
	s1 =	sand.u32 $0x18, s2;
	s29 =	sor.u32 s3, s4  }
0x7: {  	s3 =	rddreg [dreg:$0x1];
	s2 =	sand.u32 $0xE00, s29;
	s30 =	ssub.s32 $0x20, s1  }
0x8: {  	s5 =	sand.u32 $0x18, s30;
	s6 =	ssub.s32 $0x10000, s2;
	s9 =	sshrl.u32 s30, $0x5  }
0x9: {  	p0 =	sne.s32 s5, $0x0;
	s5 =	simm.s32 $0x1;
	s8 =	sand.u32 $0xE00, s6  }
0xa: {  	s5 =	simm.s32 @!p0 $0x0;
	p0 =	sne.s32 s8, $0x0;
	s8 =	simm.s32 $0x1  }
.Ltmp0:
0xb: {  	s6 =	sshrl.u32 s6, $0xC;
	s8 =	simm.s32 @!p0 $0x0;
	(pc) =	sbr.rel .LBB1_1-.Ltmp0, $4  }
0xc: {  	s4 =	rddreg [dreg:$0x2];
	s9 =	sadd.s32 s5, s9;
	s6 =	sadd.s32 s8, s6  }
0xd: {  	_ =	strace $0x8000004A;
	s5 =	simm.s32 $0x1;
	s6 =	smul.u32 s9, s6  }
0xe: {  	s13 =	smov.u32 s1;
	s11 =	smov.u32 s2;
	[sflag:s5] =	ssyncpa.u1 $0x0  }
0xf: {  	[sflag:s31] =	ssyncpa.u1 $0x0;
	s9 =	simm.s32 $0x200000;
	s8 =	sadd.s32 $0x1, s6  }
.LBB1_7:
0x10: {  	s18 =	sadd.s32 $0x1000, s11  }
0x11: {  	s15 =	sadd.s32 $0x4, s12;
	s19 =	smov.u32 s12;
	p1 =	sgt.s32 s18, $0xFFFF  }
0x12: {  	s19 =	smov.u32 @p1 s15  }
0x13: {  	s21 =	smov.u32 s13;
	s15 =	sadd.s32 $0x20, s13;
	p2 =	sgt.s32 s19, $0x3  }
0x14: {  	s21 =	smov.u32 @p2 s15  }
0x15: {  	s18 =	smov.u32 @p1 s2;
	p1 =	sgt.s32 s21, $0x1F  }
0x16: {  	p0 =	slt.u32 s14, $0x2;
	s21 =	smov.u32 @p1 s1;
	p1 =	sne.s32 s14, s8  }
.Ltmp1:
0x17: {  	s20 =	simm.s32 @!p0 $0x2;
	(pc) =	sbr.rel @!p1 .LBB1_8-.Ltmp1, $4  }
0x18: {  	s16 =	smov.u32 s12;
	s17 =	smov.u32 s13;
	_ =	swait.ge @!p0 [sflag:s20], $0x4000  }
0x19: {  	s10 =	sadd.s32 $0x4000, s10;
	[sflag:s20] =	ssyncset.done @!p0 $0x0;
	s19 =	simm.s32 @p2 $0x0  }
0x1a: {  	s15 =	smov.u32 s11;
	[sflag:s20] =	ssyncadd.s32 @!p0 $0xFFFFC000;
	s11 =	smov.u32 s18  }
0x1b: {  	s12 =	smov.u32 s19;
	s14 =	sadd.s32 $0x1, s14;
	s13 =	smov.u32 s21  }
.LBB1_1:
0x1c: {  	p0 =	sge.u32 s14, s6  }
0x1d: {  	s18 =	sshll.u32 @!p0 s12, $0x7  }
0x1e: {  	s19 =	sand.u32 @!p0 $0x78, s11;
	s20 =	sshll.u32 @!p0 s11, $0x2;
	s18 =	sand.u32 @!p0 $0x180, s18  }
0x1f: {  	s31 =	sadd.s32 $0xFFFFFFFF, s14;
	s20 =	sand.u32 @!p0 $0xFE00, s20;
	s18 =	sor.u32 @!p0 s18, s19  }
0x20: {  	s19 =	sshll.u32 @!p0 s13, $0xF;
	s18 =	sor.u32 @!p0 s20, s18;
	s20 =	sshrl.u32 @!p0 s11, $0x1  }
0x21: {  	s21 =	sxor.u32 @!p0 $0xFFFFFFFF, s14;
	s19 =	sadd.s32 @!p0 s7, s19;
	s20 =	sand.u32 @!p0 $0x6000, s20  }
0x22: {  	s21 =	sshll.u32 @!p0 s21, $0xE;
	s19 =	sadd.s32 @!p0 s20, s19;
	s20 =	sand.u32 @!p0 $0x7, s11  }
0x23: {  	s21 =	sand.u32 @!p0 $0x4000, s21;
	s18 =	sshrl.u32 @!p0 s18, $0x3;
	s20 =	sshll.u32 @!p0 s20, $0x12  }
0x24: {  	s18 =	sadd.s32 @!p0 s18, s19;
	s19 =	sor.u32 @!p0 $0x800, s20;
	s20 =	simm.s32 @!p0 $0x40000  }
0x25: {  	[tilespmem:s21], [sflag:$0x1] =	stream.strided.gather @!p0 [hbm4b:s18+s19], $0x4000, s20, s19, $0x38;
	[tilespmem:$0x10000] =	vst v63  }
0x26: {  	p0 =	sge.u32 s31, s6  }
.Ltmp2:
0x27: {  	_ = 	snop;
	(pc) =	sbr.rel @p0 .LBB1_7-.Ltmp2, $1  }
0x28: {  	_ =	sdelay $0x3  }
0x29: {  	s18 =	sshll.u32 s10, $0x2;
	_ =	swait.ge [sflag:s5], $0x4000;
	s31 =	sshll.u32 s14, $0xE  }
0x2a: {  	s22 =	simm.s32 $0x0;
	s23 =	simm.s32 $0x0;
	s18 =	sand.u32 $0x10000, s18  }
0x2b: {  	s24 =	simm.s32 $0x0;
	[sflag:s5] =	ssyncset.done $0x0;
	s21 =	sshrl.u32 s18, $0x2  }
0x2c: {  	s18 =	sand.u32 $0x4000, s31;
	[sflag:s5] =	ssyncadd.s32 $0xFFFFC000;
	s19 =	sor.u32 $0x400, s21  }
0x2d: {  	s20 =	sor.u32 $0x8000, s21;
	s18 =	sor.u32 $0x8000, s18;
	s21 =	sadd.s32 $0x8C00, s21  }
.LBB1_3:
0x2e: {  	v0 =	vmov s20;
	v1 =	vld [tilespmem:s19+$0x270]  }
0x2f: {  	v2 =	vld [tilespmem:s19+$0xFFFFFC10]  }
0x30: {  	v3 =	vld [tilespmem:s19+$0xFFFFFC20]  }
0x31: {  	s25 =	sshll.u32 s23, $0x2;
	s26 =	sand.u32 $0x3, s22;
	v4 =	vld [tilespmem:s19+$0xFFFFFC30]  }
0x32: {  	v5 =	vld [tilespmem:s19+$0xFFFFFC40];
	s27 =	sand.u32 $0xFFFFF800, s25;
	s26 =	sshll.u32 s26, $0x9;
	s25 =	simm.s32 $0x0  }
0x33: {  	v6 =	vld [tilespmem:s19+$0xFFFFFC50];
	s26 =	sor.u32 s26, s27;
	[tilespmem:v0+s25+$0xC70 ss:$0x1] =	vst.idx.msk $0xffff, v1  }
0x34: {  	v7 =	vld [tilespmem:s19+$0x220];
	s26 =	sshrl.u32 s26, $0x2;
	[tilespmem:v0+s25+$0x10 ss:$0x1] =	vst.idx.msk $0xffff, v2  }
0x35: {  	v8 =	vld [tilespmem:s19+$0x230];
	s26 =	sadd.s32 s26, s21;
	[tilespmem:v0+s25+$0x20 ss:$0x1] =	vst.idx.msk $0xffff, v3  }
0x36: {  	v1 =	vmov s26;
	[tilespmem:v0+s25+$0x30 ss:$0x1] =	vst.idx.msk $0xffff, v4;
	v4 =	vld [tilespmem:s19+$0xFFFFFE00]  }
0x37: {  	[tilespmem:v0+s25+$0x40 ss:$0x1] =	vst.idx.msk $0xffff, v5;
	v5 =	vld [tilespmem:s19+$0xFFFFFE10]  }
0x38: {  	[tilespmem:v0+s25+$0x50 ss:$0x1] =	vst.idx.msk $0xffff, v6;
	v6 =	vld [tilespmem:s19+$0xFFFFFE20]  }
0x39: {  	v2 =	vld [tilespmem:s19+$0xFFFFFC60];
	[tilespmem:v0+s25+$0xC20 ss:$0x1] =	vst.idx.msk $0xffff, v7  }
0x3a: {  	v3 =	vld [tilespmem:s19+$0xFFFFFC70];
	[tilespmem:v0+s25+$0xC30 ss:$0x1] =	vst.idx.msk $0xffff, v8  }
0x3b: {  	[tilespmem:v1+s25+$0xFFFFF800 ss:$0x1] =	vst.idx.msk $0xffff, v4;
	v4 =	vld [tilespmem:s19+$0xFFFFFE50]  }
0x3c: {  	[tilespmem:v0+s25+$0x410 ss:$0x1] =	vst.idx.msk $0xffff, v5;
	v5 =	vld [tilespmem:s19+$0xFFFFFE60]  }
0x3d: {  	[tilespmem:v0+s25+$0x420 ss:$0x1] =	vst.idx.msk $0xffff, v6;
	v6 =	vld [tilespmem:s19+$0xFFFFFE70]  }
0x3e: {  	[tilespmem:v0+s25+$0x60 ss:$0x1] =	vst.idx.msk $0xffff, v2;
	v2 =	vld [tilespmem:s19+$0xFFFFFE30]  }
0x3f: {  	[tilespmem:v0+s25+$0x70 ss:$0x1] =	vst.idx.msk $0xffff, v3;
	v3 =	vld [tilespmem:s19+$0xFFFFFE40]  }
0x40: {  	[tilespmem:v0+s25+$0x450 ss:$0x1] =	vst.idx.msk $0xffff, v4;
	v4 =	vld [tilespmem:s19+$0x20]  }
0x41: {  	[tilespmem:v0+s25+$0x460 ss:$0x1] =	vst.idx.msk $0xffff, v5;
	v5 =	vld [tilespmem:s19+$0x30]  }
0x42: {  	[tilespmem:v0+s25+$0x470 ss:$0x1] =	vst.idx.msk $0xffff, v6;
	v6 =	vld [tilespmem:s19+$0x40]  }
0x43: {  	[tilespmem:v0+s25+$0x430 ss:$0x1] =	vst.idx.msk $0xffff, v2;
	v2 =	vld [tilespmem:s19+$0x0]  }
0x44: {  	[tilespmem:v0+s25+$0x440 ss:$0x1] =	vst.idx.msk $0xffff, v3;
	v3 =	vld [tilespmem:s19+$0x10]  }
0x45: {  	[tilespmem:v0+s25+$0x820 ss:$0x1] =	vst.idx.msk $0xffff, v4;
	v4 =	vld [tilespmem:s19+$0x70]  }
0x46: {  	[tilespmem:v0+s25+$0x830 ss:$0x1] =	vst.idx.msk $0xffff, v5;
	v5 =	vld [tilespmem:s19+$0x200]  }
0x47: {  	[tilespmem:v0+s25+$0x840 ss:$0x1] =	vst.idx.msk $0xffff, v6;
	v6 =	vld [tilespmem:s19+$0x210]  }
0x48: {  	[tilespmem:v1+s25+$0xFFFFFC00 ss:$0x1] =	vst.idx.msk $0xffff, v2;
	v2 =	vld [tilespmem:s19+$0x50]  }
0x49: {  	[tilespmem:v0+s25+$0x810 ss:$0x1] =	vst.idx.msk $0xffff, v3;
	v3 =	vld [tilespmem:s19+$0x60]  }
0x4a: {  	[tilespmem:v0+s25+$0x870 ss:$0x1] =	vst.idx.msk $0xffff, v4;
	v4 =	vld [tilespmem:s19+$0x240]  }
0x4b: {  	[tilespmem:v1+s25+$0x0 ss:$0x1] =	vst.idx.msk $0xffff, v5;
	v5 =	vld [tilespmem:s19+$0x250]  }
0x4c: {  	[tilespmem:v0+s25+$0xC10 ss:$0x1] =	vst.idx.msk $0xffff, v6;
	v6 =	vld [tilespmem:s19+$0x260]  }
0x4d: {  	s26 =	sadd.s32 $0x80, s19;
	[tilespmem:v0+s25+$0x850 ss:$0x1] =	vst.idx.msk $0xffff, v2;
	v2 =	vld [tilespmem:s19+$0xFFFFFC00]  }
0x4e: {  	s28 =	simm.s32 $0x8000;
	s27 =	simm.s32 $0x4000;
	[tilespmem:v0+s25+$0x860 ss:$0x1] =	vst.idx.msk $0xffff, v3;
	v3 =	vld [tilespmem:s26+$0x270]  }
.LBB1_4:
0x4f: {  	p0 =	sne.s32 s28, $0xC000;
	v7 =	vld [tilespmem:s26+$0xFFFFFC10];
	[tilespmem:v0+s25+$0xC40 ss:$0x1] =	vst.idx.msk $0xffff, v4  }
0x50: {  	v4 =	vld [tilespmem:s26+$0xFFFFFC20];
	[tilespmem:v0+s25+$0xC50 ss:$0x1] =	vst.idx.msk $0xffff, v5  }
0x51: {  	v5 =	vld [tilespmem:s26+$0xFFFFFC30];
	[tilespmem:v0+s25+$0xC60 ss:$0x1] =	vst.idx.msk $0xffff, v6  }
0x52: {  	v6 =	vld [tilespmem:s26+$0xFFFFFC40];
	[tilespmem:v0+s25+$0x0 ss:$0x1] =	vst.idx.msk $0xffff, v2;
	s25 =	sshra.s32 s27, $0x2;
	s27 =	smov.u32 s28  }
0x53: {  	v2 =	vld [tilespmem:s26+$0xFFFFFC50];
	[tilespmem:v0+s25+$0xC70 ss:$0x1] =	vst.idx.msk $0xffff, v3  }
0x54: {  	[tilespmem:v0+s25+$0x10 ss:$0x1] =	vst.idx.msk $0xffff, v7;
	v3 =	vld [tilespmem:s26+$0xFFFFFC60]  }
0x55: {  	[tilespmem:v0+s25+$0x20 ss:$0x1] =	vst.idx.msk $0xffff, v4;
	v4 =	vld [tilespmem:s26+$0xFFFFFC70]  }
0x56: {  	[tilespmem:v0+s25+$0x30 ss:$0x1] =	vst.idx.msk $0xffff, v5;
	v5 =	vld [tilespmem:s26+$0xFFFFFE00]  }
0x57: {  	[tilespmem:v0+s25+$0x40 ss:$0x1] =	vst.idx.msk $0xffff, v6;
	v6 =	vld [tilespmem:s26+$0xFFFFFE10]  }
0x58: {  	[tilespmem:v0+s25+$0x50 ss:$0x1] =	vst.idx.msk $0xffff, v2;
	v2 =	vld [tilespmem:s26+$0xFFFFFE20]  }
0x59: {  	[tilespmem:v0+s25+$0x60 ss:$0x1] =	vst.idx.msk $0xffff, v3;
	v3 =	vld [tilespmem:s26+$0xFFFFFE30]  }
0x5a: {  	[tilespmem:v0+s25+$0x70 ss:$0x1] =	vst.idx.msk $0xffff, v4;
	v4 =	vld [tilespmem:s26+$0xFFFFFE40]  }
0x5b: {  	[tilespmem:v1+s25+$0xFFFFF800 ss:$0x1] =	vst.idx.msk $0xffff, v5;
	v5 =	vld [tilespmem:s26+$0xFFFFFE50]  }
0x5c: {  	[tilespmem:v0+s25+$0x410 ss:$0x1] =	vst.idx.msk $0xffff, v6;
	v6 =	vld [tilespmem:s26+$0xFFFFFE60]  }
0x5d: {  	[tilespmem:v0+s25+$0x420 ss:$0x1] =	vst.idx.msk $0xffff, v2;
	v2 =	vld [tilespmem:s26+$0xFFFFFE70]  }
0x5e: {  	[tilespmem:v0+s25+$0x430 ss:$0x1] =	vst.idx.msk $0xffff, v3;
	v3 =	vld [tilespmem:s26+$0x0]  }
0x5f: {  	[tilespmem:v0+s25+$0x440 ss:$0x1] =	vst.idx.msk $0xffff, v4;
	v4 =	vld [tilespmem:s26+$0x10]  }
0x60: {  	[tilespmem:v0+s25+$0x450 ss:$0x1] =	vst.idx.msk $0xffff, v5;
	v5 =	vld [tilespmem:s26+$0x20]  }
0x61: {  	[tilespmem:v0+s25+$0x460 ss:$0x1] =	vst.idx.msk $0xffff, v6;
	v6 =	vld [tilespmem:s26+$0x30]  }
0x62: {  	[tilespmem:v0+s25+$0x470 ss:$0x1] =	vst.idx.msk $0xffff, v2;
	v2 =	vld [tilespmem:s26+$0x40]  }
0x63: {  	[tilespmem:v1+s25+$0xFFFFFC00 ss:$0x1] =	vst.idx.msk $0xffff, v3;
	v3 =	vld [tilespmem:s26+$0x50]  }
0x64: {  	[tilespmem:v0+s25+$0x810 ss:$0x1] =	vst.idx.msk $0xffff, v4;
	v4 =	vld [tilespmem:s26+$0x60]  }
0x65: {  	[tilespmem:v0+s25+$0x820 ss:$0x1] =	vst.idx.msk $0xffff, v5;
	v5 =	vld [tilespmem:s26+$0x70]  }
0x66: {  	[tilespmem:v0+s25+$0x830 ss:$0x1] =	vst.idx.msk $0xffff, v6;
	v6 =	vld [tilespmem:s26+$0x200]  }
0x67: {  	[tilespmem:v0+s25+$0x840 ss:$0x1] =	vst.idx.msk $0xffff, v2;
	v2 =	vld [tilespmem:s26+$0x210]  }
0x68: {  	[tilespmem:v0+s25+$0x850 ss:$0x1] =	vst.idx.msk $0xffff, v3;
	v3 =	vld [tilespmem:s26+$0x220]  }
0x69: {  	[tilespmem:v0+s25+$0x860 ss:$0x1] =	vst.idx.msk $0xffff, v4;
	v7 =	vld [tilespmem:s26+$0x230]  }
.Ltmp3:
0x6a: {  	[tilespmem:v0+s25+$0x870 ss:$0x1] =	vst.idx.msk $0xffff, v5;
	v4 =	vld [tilespmem:s26+$0x240];
	(pc) =	sbr.rel @p0 .LBB1_4-.Ltmp3, $4  }
0x6b: {  	[tilespmem:v1+s25+$0x0 ss:$0x1] =	vst.idx.msk $0xffff, v6;
	v5 =	vld [tilespmem:s26+$0x250]  }
0x6c: {  	[tilespmem:v0+s25+$0xC10 ss:$0x1] =	vst.idx.msk $0xffff, v2;
	v6 =	vld [tilespmem:s26+$0x260]  }
0x6d: {  	v2 =	vld [tilespmem:s26+$0xFFFFFC00];
	[tilespmem:v0+s25+$0xC20 ss:$0x1] =	vst.idx.msk $0xffff, v3;
	s26 =	sadd.s32 $0x80, s26  }
0x6e: {  	s28 =	sadd.s32 $0x4000, s28;
	v3 =	vld [tilespmem:s26+$0x270];
	[tilespmem:v0+s25+$0xC30 ss:$0x1] =	vst.idx.msk $0xffff, v7  }
0x6f: {  	_ =	sdelay $0x3  }
0x70: {  	v7 =	vld [tilespmem:s26+$0xFFFFFC10];
	[tilespmem:v0+s25+$0xC40 ss:$0x1] =	vst.idx.msk $0xffff, v4  }
0x71: {  	v34 =	vld [tilespmem:s26+$0xFFFFFC20];
	[tilespmem:v0+s25+$0xC50 ss:$0x1] =	vst.idx.msk $0xffff, v5  }
0x72: {  	v35 =	vld [tilespmem:s26+$0xFFFFFC30];
	[tilespmem:v0+s25+$0xC60 ss:$0x1] =	vst.idx.msk $0xffff, v6  }
0x73: {  	s27 =	sshra.s32 s27, $0x2;
	v36 =	vld [tilespmem:s26+$0xFFFFFC40];
	[tilespmem:v0+s25+$0x0 ss:$0x1] =	vst.idx.msk $0xffff, v2  }
0x74: {  	v37 =	vld [tilespmem:s26+$0xFFFFFC50];
	[tilespmem:v0+s27+$0xC70 ss:$0x1] =	vst.idx.msk $0xffff, v3  }
0x75: {  	v38 =	vld [tilespmem:s26+$0xFFFFFC60];
	[tilespmem:v0+s27+$0x10 ss:$0x1] =	vst.idx.msk $0xffff, v7  }
0x76: {  	v39 =	vld [tilespmem:s26+$0xFFFFFC70];
	[tilespmem:v0+s27+$0x20 ss:$0x1] =	vst.idx.msk $0xffff, v34  }
0x77: {  	v40 =	vld [tilespmem:s26+$0xFFFFFE00];
	[tilespmem:v0+s27+$0x30 ss:$0x1] =	vst.idx.msk $0xffff, v35  }
0x78: {  	v41 =	vld [tilespmem:s26+$0xFFFFFE10];
	[tilespmem:v0+s27+$0x40 ss:$0x1] =	vst.idx.msk $0xffff, v36  }
0x79: {  	v42 =	vld [tilespmem:s26+$0xFFFFFE20];
	[tilespmem:v0+s27+$0x50 ss:$0x1] =	vst.idx.msk $0xffff, v37  }
0x7a: {  	v43 =	vld [tilespmem:s26+$0xFFFFFE30];
	[tilespmem:v0+s27+$0x60 ss:$0x1] =	vst.idx.msk $0xffff, v38  }
0x7b: {  	v44 =	vld [tilespmem:s26+$0xFFFFFE40];
	[tilespmem:v0+s27+$0x70 ss:$0x1] =	vst.idx.msk $0xffff, v39  }
0x7c: {  	v45 =	vld [tilespmem:s26+$0xFFFFFE50];
	[tilespmem:v1+s27+$0xFFFFF800 ss:$0x1] =	vst.idx.msk $0xffff, v40  }
0x7d: {  	v46 =	vld [tilespmem:s26+$0xFFFFFE60];
	[tilespmem:v0+s27+$0x410 ss:$0x1] =	vst.idx.msk $0xffff, v41  }
0x7e: {  	v47 =	vld [tilespmem:s26+$0xFFFFFE70];
	[tilespmem:v0+s27+$0x420 ss:$0x1] =	vst.idx.msk $0xffff, v42  }
0x7f: {  	v48 =	vld [tilespmem:s26+$0x0];
	[tilespmem:v0+s27+$0x430 ss:$0x1] =	vst.idx.msk $0xffff, v43  }
0x80: {  	v49 =	vld [tilespmem:s26+$0x10];
	[tilespmem:v0+s27+$0x440 ss:$0x1] =	vst.idx.msk $0xffff, v44  }
0x81: {  	v50 =	vld [tilespmem:s26+$0x20];
	[tilespmem:v0+s27+$0x450 ss:$0x1] =	vst.idx.msk $0xffff, v45  }
0x82: {  	v51 =	vld [tilespmem:s26+$0x30];
	[tilespmem:v0+s27+$0x460 ss:$0x1] =	vst.idx.msk $0xffff, v46  }
0x83: {  	v52 =	vld [tilespmem:s26+$0x40];
	[tilespmem:v0+s27+$0x470 ss:$0x1] =	vst.idx.msk $0xffff, v47  }
0x84: {  	v53 =	vld [tilespmem:s26+$0x50];
	[tilespmem:v1+s27+$0xFFFFFC00 ss:$0x1] =	vst.idx.msk $0xffff, v48  }
0x85: {  	v54 =	vld [tilespmem:s26+$0x60];
	[tilespmem:v0+s27+$0x810 ss:$0x1] =	vst.idx.msk $0xffff, v49  }
0x86: {  	v55 =	vld [tilespmem:s26+$0x70];
	[tilespmem:v0+s27+$0x820 ss:$0x1] =	vst.idx.msk $0xffff, v50  }
0x87: {  	v56 =	vld [tilespmem:s26+$0x200];
	[tilespmem:v0+s27+$0x830 ss:$0x1] =	vst.idx.msk $0xffff, v51  }
0x88: {  	v57 =	vld [tilespmem:s26+$0x210];
	[tilespmem:v0+s27+$0x840 ss:$0x1] =	vst.idx.msk $0xffff, v52  }
0x89: {  	v58 =	vld [tilespmem:s26+$0x220];
	[tilespmem:v0+s27+$0x850 ss:$0x1] =	vst.idx.msk $0xffff, v53  }
0x8a: {  	v59 =	vld [tilespmem:s26+$0x230];
	[tilespmem:v0+s27+$0x860 ss:$0x1] =	vst.idx.msk $0xffff, v54  }
0x8b: {  	v60 =	vld [tilespmem:s26+$0x240];
	[tilespmem:v0+s27+$0x870 ss:$0x1] =	vst.idx.msk $0xffff, v55  }
0x8c: {  	v61 =	vld [tilespmem:s26+$0x250];
	[tilespmem:v1+s27+$0x0 ss:$0x1] =	vst.idx.msk $0xffff, v56  }
0x8d: {  	v62 =	vld [tilespmem:s26+$0x260];
	s24 =	sadd.s32 $0x1, s24;
	[tilespmem:v0+s27+$0xC10 ss:$0x1] =	vst.idx.msk $0xffff, v57  }
0x8e: {  	v63 =	vld [tilespmem:s26+$0xFFFFFC00];
	p0 =	sne.s32 s24, $0x8;
	[tilespmem:v0+s27+$0xC20 ss:$0x1] =	vst.idx.msk $0xffff, v58  }
.Ltmp4:
0x8f: {  	[tilespmem:v0+s27+$0xC30 ss:$0x1] =	vst.idx.msk $0xffff, v59;
	(pc) =	sbr.rel @p0 .LBB1_3-.Ltmp4, $4  }
0x90: {  	[tilespmem:v0+s27+$0xC40 ss:$0x1] =	vst.idx.msk $0xffff, v60  }
0x91: {  	[tilespmem:v0+s27+$0xC50 ss:$0x1] =	vst.idx.msk $0xffff, v61  }
0x92: {  	s19 =	sadd.s32 $0x800, s19;
	[tilespmem:v0+s27+$0xC60 ss:$0x1] =	vst.idx.msk $0xffff, v62  }
0x93: {  	s23 =	sadd.s32 $0x80, s23;
	s22 =	sadd.s32 $0x1, s22;
	s20 =	sadd.s32 $0x80, s20;
	[tilespmem:v0+s27+$0x0 ss:$0x1] =	vst.idx.msk $0xffff, v63  }
0x94: {  	s19 =	sand.u32 $0x78, s15  }
0x95: {  	s20 =	sshll.u32 s17, $0x10;
	s29 =	sshll.u32 s17, $0x7;
	s21 =	sshll.u32 s15, $0x3  }
0x96: {  	s16 =	sshll.u32 s16, $0x12;
	s31 =	sand.u32 $0x7, s15;
	s20 =	sand.u32 $0x180000, s20  }
0x97: {  	s17 =	sand.u32 $0x380, s29;
	s20 =	sadd.s32 s20, s21;
	s21 =	sand.u32 $0xFC00, s21  }
.Ltmp5:
0x98: {  	s17 =	sor.u32 s17, s19;
	s30 =	sshrl.u32 s20, $0x3;
	(pc) =	sbr.rel .LBB1_7-.Ltmp5, $4  }
0x99: {  	s16 =	sadd.s32 s3, s16;
	s17 =	sor.u32 s21, s17;
	s19 =	sand.u32 $0x3E000, s30  }
0x9a: {  	s15 =	sshll.u32 s31, $0x12;
	s17 =	sshrl.u32 s17, $0x3;
	s16 =	sadd.s32 s19, s16  }
0x9b: {  	s15 =	sor.u32 $0x1000, s15;
	s16 =	sadd.s32 s17, s16  }
0x9c: {  	[hbm4b:s16+s15] =	stream.strided.scatter [tilespmem:s18], [sflag:$0x2], $0x4000, s9, s15, $0x38;
	[tilespmem:$0x10000] =	vst v63  }
.LBB1_8:
0x9d: {  	_ =	sfence.sel $0x180000  }
0x9e: {  	s1 =	simm.s32 $0x1;
	[bflag:$0x0] =	sbarrier.arrive $0xFFFF  }
0x9f: {  	s31 =	simm.s32 $0x2;
	[sflag:s1] =	ssyncpa.u1 $0x1  }
0xa0: {  	[sflag:s31] =	ssyncpa.u1 $0x1  }
0xa1: {  	p0 =	sne.s32 s0, $0x0;
	_ =	strace $0x9000004A  }
0xa2: {  	s0 =	sadd.s32 @!p0 $0x100000, s4;
	[bflag:$0x2] =	sbarrier.arrive $0xFFFF  }
0xa3: {  	[sflag:s0] =	ssyncadd.tile.s32 @!p0 $0x1;
	_ =	shalt  }
.Lfunc_end1:
_tile_overlayer_lowered:
.L_overlay_start_2:
0xa4: {  	(tag) =	ssettag $0x2  }
0xa5: {  	s0 =	rddreg [dreg:$0x0];
	s2 =	stileid.u32  }
0xa6: {  	s1 =	rddreg [dreg:$0x1];
	p0 =	sne.s32 s2, $0x0  }
0xa7: {  	s3 =	rddreg [dreg:$0x2];
	[bflag:$0x3] =	sbarrier.arrive $0xFFFF;
	s2 =	simm.s32 @!p0 $0x1C01  }
0xa8: {  	[timem:s3], [sflag:s2] =	dma.local @!p0 [hbm:s0], s1  }
0xa9: {  	s0 =	simm.s32 @!p0 $0x1  }
0xaa: {  	_ =	swait.ge @!p0 [sflag:s0], s1  }
0xab: {  	s1 =	ssub.s32 @!p0 $0x0, s1;
	[sflag:s0] =	ssyncset.done @!p0 $0x0  }
0xac: {  	[sflag:s0] =	ssyncadd.s32 @!p0 s1  }
0xad: {  	[bflag:$0x3] =	sbarrier.arrive $0xFFFF  }
0xae: {  	_ =	shalt  }

</sc_bundles>
